<compile_context>
chip_gen: v7x
topology: tpu7x:2x2x1
jax: 0.10.2.dev20260603
libtpu: 0.0.44.dev20260713+nightly
codegen_flags: <defaults>
</compile_context>

<pallas_src>
import functools

import jax
import jax.numpy as jnp
from jax import lax
from jax.experimental import pallas as pl
from jax.experimental.pallas import tpu as pltpu
from jax.experimental.pallas import tpu_sc as plsc

N_ITEMS = 1_000_000
DIM = 64
N_GROUPS = 2000
BATCH = 16384
TAU = 0.1
DECAY = 1e-4

NC = 2
NS = 16
NW = NC * NS
CH = 16
NCH = N_ITEMS // CH
CH_ROUNDS = -(-NCH // NW)
GH = 2016
CC = 800
NCC = N_ITEMS // CC
CC_ROUNDS = -(-NCC // NW)
GB = BATCH // NW
GQ = 128

_SC_PARAMS = pltpu.CompilerParams(
    use_tc_tiling_on_sc=False, needs_layout_passes=False)


def _rsqrt16(s):
    y = plsc.bitcast(
        jnp.int32(0x5F3759DF) - (plsc.bitcast(s, jnp.int32) >> 1), jnp.float32)
    half = s * 0.5
    for _ in range(4):
        y = y * (1.5 - half * y * y)
    return jnp.minimum(y, 1e12)


def _make_mesh():
    return plsc.VectorSubcoreMesh(core_axis_name="c", subcore_axis_name="s")


def _segment_kernel_body(iemb_flat, gidx, out, in0, in1, ix0, ix1, acc,
                    sem0, sem1):
    c = lax.axis_index("c")
    s = lax.axis_index("s")
    w = s * NC + c
    zeros16 = jnp.zeros((16,), jnp.float32)
    ins = (in0, in1)
    ixs = (ix0, ix1)
    sems = (sem0, sem1)
    rows0 = lax.iota(jnp.int32, 16)

    def _zrow(i, carry):
        for q in range(DIM // 16):
            acc[i, pl.ds(q * 16, 16)] = zeros16
        return carry
    lax.fori_loop(0, N_GROUPS, _zrow, 0)

    def _issue(slot, k):
        pltpu.async_copy(iemb_flat.at[pl.ds(k * (CH * DIM), CH * DIM)],
                         ins[slot], sems[slot])
        pltpu.async_copy(gidx.at[pl.ds(k * CH, CH)], ixs[slot], sems[slot])

    def _wait_in(slot, k):
        pltpu.make_async_copy(iemb_flat.at[pl.ds(k * (CH * DIM), CH * DIM)],
                              ins[slot], sems[slot]).wait()
        pltpu.make_async_copy(gidx.at[pl.ds(k * CH, CH)], ixs[slot],
                              sems[slot]).wait()

    _issue(0, w)
    _issue(1, w + NW)

    def _round(slot, j):
        k = w + NW * j

        @pl.when(k < NCH)
        def _():
            _wait_in(slot, k)
            in_buf = ins[slot]
            g_v = ixs[slot][pl.ds(0, 16)]
            def _ssq_blk(tb, ssq):
                for tt in range(16):
                    col = (rows0 + (tb * 16 + tt)) & (DIM - 1)
                    v = plsc.load_gather(in_buf, [rows0 * DIM + col])
                    ssq = ssq + v * v
                return ssq
            r = _rsqrt16(lax.fori_loop(0, DIM // 16, _ssq_blk, zeros16))

            def _add_blk(tb, carry):
                for tt in range(16):
                    col = (rows0 + (tb * 16 + tt)) & (DIM - 1)
                    v = plsc.load_gather(in_buf, [rows0 * DIM + col])
                    plsc.addupdate_scatter(acc, [g_v, col], v * r)
                return carry
            lax.fori_loop(0, DIM // 16, _add_blk, 0)

            @pl.when(k + 2 * NW < NCH)
            def _():
                _issue(slot, k + 2 * NW)

    def _pair(p, carry):
        _round(0, 2 * p)
        _round(1, 2 * p + 1)
        return carry

    lax.fori_loop(0, CH_ROUNDS // 2, _pair, 0)
    pltpu.sync_copy(acc, out.at[w])


def _count_kernel_body(gidx, out, hist, merged, gix):
    c = lax.axis_index("c")
    s = lax.axis_index("s")
    w = s * NC + c
    zeros16 = jnp.zeros((16,), jnp.float32)
    ones16 = jnp.ones((16,), jnp.float32)
    rows0 = lax.iota(jnp.int32, 16)

    def _zrow(i, carry):
        for l in range(NS):
            hist[l, pl.ds(i * 16, 16)] = zeros16
        return carry
    lax.fori_loop(0, GH // 16, _zrow, 0)

    def _chunk(j, carry):
        k = w + NW * j

        @pl.when(k < NCC)
        def _():
            pltpu.sync_copy(gidx.at[pl.ds(k * CC, CC)], gix)
            for q in range(CC // 16):
                g = gix[pl.ds(q * 16, 16)]
                plsc.addupdate_scatter(hist, [rows0, g], ones16)
        return carry

    lax.fori_loop(0, CC_ROUNDS, _chunk, 0)

    def _merge(i, carry):
        tot = hist[0, pl.ds(i * 16, 16)]
        for l in range(1, NS):
            tot = tot + hist[l, pl.ds(i * 16, 16)]
        merged[pl.ds(i * 16, 16)] = tot
        return carry
    lax.fori_loop(0, GH // 16, _merge, 0)

    pltpu.sync_copy(merged, out.at[w])


def _gather_kernel_body(users, pos, uemb, iemb, out_u, out_p,
                   uidx, pidx, ubuf, pbuf, sem_u, sem_p):
    c = lax.axis_index("c")
    s = lax.axis_index("s")
    w = s * NC + c
    base = w * GB

    def _q(q, carry):
        off = base + q * GQ
        pltpu.sync_copy(users.at[pl.ds(off, GQ)], uidx)
        pltpu.sync_copy(pos.at[pl.ds(off, GQ)], pidx)
        cp_u = pltpu.async_copy(uemb.at[uidx], ubuf, sem_u)
        cp_p = pltpu.async_copy(iemb.at[pidx], pbuf, sem_p)
        cp_u.wait()
        cp_p.wait()
        pltpu.sync_copy(ubuf, out_u.at[pl.ds(off, GQ)])
        pltpu.sync_copy(pbuf, out_p.at[pl.ds(off, GQ)])
        return carry

    lax.fori_loop(0, GB // GQ, _q, 0)


@functools.lru_cache(maxsize=None)
def _segment_kernel():
    return pl.kernel(
        _segment_kernel_body,
    out_type=jax.ShapeDtypeStruct((NW, N_GROUPS, DIM), jnp.float32),
    mesh=_make_mesh(),
    compiler_params=_SC_PARAMS,
    scratch_types=[
        pltpu.VMEM((CH * DIM,), jnp.float32),
        pltpu.VMEM((CH * DIM,), jnp.float32),
        pltpu.VMEM((CH,), jnp.int32),
        pltpu.VMEM((CH,), jnp.int32),
        pltpu.VMEM((N_GROUPS, DIM), jnp.float32),
        pltpu.SemaphoreType.DMA,
        pltpu.SemaphoreType.DMA,
    ],
    )


@functools.lru_cache(maxsize=None)
def _count_kernel():
    return pl.kernel(
        _count_kernel_body,
    out_type=jax.ShapeDtypeStruct((NW, GH), jnp.float32),
    mesh=_make_mesh(),
    compiler_params=_SC_PARAMS,
    scratch_types=[
        pltpu.VMEM((NS, GH), jnp.float32),
        pltpu.VMEM((GH,), jnp.float32),
        pltpu.VMEM((CC,), jnp.int32),
    ],
    )


@functools.lru_cache(maxsize=None)
def _gather_kernel():
    return pl.kernel(
        _gather_kernel_body,
    out_type=[
        jax.ShapeDtypeStruct((BATCH, DIM), jnp.float32),
        jax.ShapeDtypeStruct((BATCH, DIM), jnp.float32),
    ],
    mesh=_make_mesh(),
    compiler_params=_SC_PARAMS,
    scratch_types=[
        pltpu.VMEM((GQ,), jnp.int32),
        pltpu.VMEM((GQ,), jnp.int32),
        pltpu.VMEM((GQ, DIM), jnp.float32),
        pltpu.VMEM((GQ, DIM), jnp.float32),
        pltpu.SemaphoreType.DMA,
        pltpu.SemaphoreType.DMA,
    ],
    )


def _reduce_body(sums_ref, cnt_ref, out_nege, out_reg, sum_s, cnt_s):
    i = pl.program_id(0)

    @pl.when(i == 0)
    def _():
        sum_s[...] = sums_ref[0]
        cnt_s[...] = cnt_ref[0]

    @pl.when(i > 0)
    def _():
        sum_s[...] = sum_s[...] + sums_ref[0]
        cnt_s[...] = cnt_s[...] + cnt_ref[0]

    @pl.when(i == NW - 1)
    def _():
        cnt = cnt_s[0, :N_GROUPS][:, None]
        neg = sum_s[...] / jnp.maximum(cnt, 1.0)
        out_reg[...] = jnp.broadcast_to(jnp.sum(neg * neg), (1, 1))
        nrm = jnp.sqrt(jnp.sum(neg * neg, axis=-1, keepdims=True))
        out_nege[...] = neg / jnp.maximum(nrm, 1e-12)


def _reduce_call(sums_parts, cnt_parts):
    return pl.pallas_call(
        _reduce_body,
        grid=(NW,),
        in_specs=[
            pl.BlockSpec((1, N_GROUPS, DIM), lambda i: (i, 0, 0)),
            pl.BlockSpec((1, 1, GH), lambda i: (i, 0, 0)),
        ],
        out_specs=[
            pl.BlockSpec((N_GROUPS, DIM), lambda i: (0, 0)),
            pl.BlockSpec((1, 1), lambda i: (0, 0)),
        ],
        out_shape=[
            jax.ShapeDtypeStruct((N_GROUPS, DIM), jnp.float32),
            jax.ShapeDtypeStruct((1, 1), jnp.float32),
        ],
        scratch_shapes=[
            pltpu.VMEM((N_GROUPS, DIM), jnp.float32),
            pltpu.VMEM((1, GH), jnp.float32),
        ],
    )(sums_parts, cnt_parts)


BB = 512
NB = BATCH // BB


def _loss_body(nege_ref, reg_ref, u_ref, p_ref, out_loss, out_emb, smem):
    i = pl.program_id(0)

    @pl.when(i == 0)
    def _():
        smem[0] = reg_ref[0, 0]
        smem[1] = 0.0
        smem[2] = 0.0
        smem[3] = 0.0

    u = u_ref[...]
    p = p_ref[...]
    un = jnp.sqrt(jnp.sum(u * u, axis=-1, keepdims=True))
    ue = u / jnp.maximum(un, 1e-12)
    pn = jnp.sqrt(jnp.sum(p * p, axis=-1, keepdims=True))
    pe = p / jnp.maximum(pn, 1e-12)
    ypos = jnp.sum(ue * pe, axis=-1)
    y = lax.dot_general(ue, nege_ref[...], (((1,), (1,)), ((), ())),
                        preferred_element_type=jnp.float32)
    z = (y - ypos[:, None]) * (1.0 / TAU)
    sp = jnp.maximum(z, 0.0) + jnp.log(1.0 + jnp.exp(-jnp.abs(z)))
    smem[1] = smem[1] + jnp.sum(sp)
    smem[2] = smem[2] + jnp.sum(u * u)
    smem[3] = smem[3] + jnp.sum(p * p)

    @pl.when(i == NB - 1)
    def _():
        reg = (smem[2] + smem[3] + smem[0]) * 0.5
        emb = DECAY * reg / BATCH
        out_emb[...] = jnp.broadcast_to(emb, (1, 1))
        out_loss[...] = jnp.broadcast_to(
            smem[1] / (BATCH * N_GROUPS) + emb, (1, 1))


def _loss_call(nege, regneg, u_raw, p_raw):
    return pl.pallas_call(
        _loss_body,
        grid=(NB,),
        in_specs=[
            pl.BlockSpec((N_GROUPS, DIM), lambda i: (0, 0)),
            pl.BlockSpec((1, 1), lambda i: (0, 0)),
            pl.BlockSpec((BB, DIM), lambda i: (i, 0)),
            pl.BlockSpec((BB, DIM), lambda i: (i, 0)),
        ],
        out_specs=[
            pl.BlockSpec((1, 1), lambda i: (0, 0)),
            pl.BlockSpec((1, 1), lambda i: (0, 0)),
        ],
        out_shape=[
            jax.ShapeDtypeStruct((1, 1), jnp.float32),
            jax.ShapeDtypeStruct((1, 1), jnp.float32),
        ],
        scratch_shapes=[
            pltpu.SMEM((4,), jnp.float32),
        ],
    )(nege, regneg, u_raw, p_raw)


def kernel(users, pos_items, item_group_idx, user_embed, item_embed):
    sums_parts = _segment_kernel()(item_embed.reshape(-1), item_group_idx)
    cnt_parts = _count_kernel()(item_group_idx)
    u_raw, p_raw = _gather_kernel()(users, pos_items, user_embed, item_embed)
    nege, regneg = _reduce_call(sums_parts, cnt_parts.reshape(NW, 1, GH))
    loss, emb = _loss_call(nege, regneg, u_raw, p_raw)
    return loss[0, 0], emb[0, 0]

# --- scband reference (transcript-rebuilt; emitter-appended) ---
"""Pipeline reference for scband-mf-group-84731114816065 (READ-ONLY COPY).

The authoritative reference and input builder live on the scoring server;
editing this copy changes nothing except your own understanding.
"""

import jax, jax.numpy as jnp
import numpy as np

N_USERS = 1000000
N_ITEMS = 1000000
DIM = 64
N_GROUPS = 2000
BATCH = 16384
TAU = 0.1
DECAY = 1e-4


def _normalize(x, axis=-1, eps=1e-12):
    n = jnp.linalg.norm(x, axis=axis, keepdims=True)
    return x / jnp.maximum(n, eps)


def setup_inputs(seed: int = 0) -> dict:
    key = jax.random.key(seed)
    k1, k2, k3, k4, k5 = jax.random.split(key, 5)
    bu = float(np.sqrt(6.0 / (N_USERS + DIM)))
    bi = float(np.sqrt(6.0 / (N_ITEMS + DIM)))
    user_embed = jax.random.uniform(k1, (N_USERS, DIM), minval=-bu, maxval=bu, dtype=jnp.float32)
    item_embed = jax.random.uniform(k2, (N_ITEMS, DIM), minval=-bi, maxval=bi, dtype=jnp.float32)
    users = jax.random.randint(k3, (BATCH,), 0, N_USERS, dtype=jnp.int32)
    pos_items = jax.random.randint(k4, (BATCH,), 0, N_ITEMS, dtype=jnp.int32)
    item_group_idx = jax.random.randint(k5, (N_ITEMS,), 0, N_GROUPS, dtype=jnp.int32)
    return {"users": users, "pos_items": pos_items, "item_group_idx": item_group_idx,
            "user_embed": user_embed, "item_embed": item_embed}


def reference(users, pos_items, item_group_idx, user_embed, item_embed):
    # forward(): item_emb = F.normalize(item_embed); neg = scatter_mean(item_emb, group_idx)
    item_emb = _normalize(item_embed, axis=-1)
    sums = jax.ops.segment_sum(item_emb, item_group_idx, num_segments=N_GROUPS)
    counts = jax.ops.segment_sum(jnp.ones((N_ITEMS,), dtype=jnp.float32), item_group_idx, num_segments=N_GROUPS)
    neg_item_emb = sums / jnp.maximum(counts, 1.0)[:, None]
    # embedding lookups
    u_raw = jnp.take(user_embed, users, axis=0)
    p_raw = jnp.take(item_embed, pos_items, axis=0)
    # Uniform_loss with u_norm=i_norm=True, mess_dropout=False
    u_e = _normalize(u_raw, axis=-1)
    pos_e = _normalize(p_raw, axis=-1)
    neg_e = _normalize(neg_item_emb, axis=-1)
    y_pred_pos = jnp.sum(u_e * pos_e, axis=-1)              # [B]
    y_pred_neg = jnp.matmul(u_e, neg_e.T)                   # [B, N_GROUPS]
    # PairwiseLogisticTWOLoss: softplus((neg - pos)/tau)
    loss = jax.nn.softplus((y_pred_neg - y_pred_pos[:, None]) / TAU)
    regularize = (jnp.sum(u_raw ** 2) + jnp.sum(p_raw ** 2) + jnp.sum(neg_item_emb ** 2)) / 2.0
    emb_loss = DECAY * regularize / BATCH
    return (loss.mean() + emb_loss, emb_loss)

if __name__ == "__main__":
    import jax
    _d = setup_inputs()
    print(jax.jit(kernel)(*tuple(_d.values())))

</pallas_src>

<mosaic_0001>
#map = affine_map<(d0, d1) -> (0)>
#map1 = affine_map<(d0, d1) -> (0, 0)>
module attributes {stable_mosaic.version = 14 : i64} {
  func.func @_count_kernel_body(%arg0: i32, %arg1: i32, %arg2: memref<1000000xi32, #tpu.memory_space<hbm>>, %arg3: memref<32x2016xf32, #tpu.memory_space<hbm>>, %arg4: memref<16x2016xf32, #tpu.memory_space<vmem>>, %arg5: memref<2016xf32, #tpu.memory_space<vmem>>, %arg6: memref<800xi32, #tpu.memory_space<vmem>>) attributes {dimension_semantics = [#tpu.dimension_semantics<core_parallel>, #tpu.dimension_semantics<subcore_parallel>], iteration_bounds = array<i64: 2, 16>, scalar_prefetch = 0 : i64, scratch_operands = 3 : i64, tpu.core_type = #tpu.core_type<sc_vector_subcore>, window_params = [{transform_indices = #map}, {transform_indices = #map1}]} {
    %mul3A = arith.constant 2 : i32
    %mul3A_0 = arith.muli %arg1, %mul3A : i32
    %add3A = arith.addi %mul3A_0, %arg0 : i32
    %broadcast_in_dim3A = arith.constant 0.000000e+00 : f32
    %broadcast_in_dim3A_1 = vector.broadcast %broadcast_in_dim3A : f32 to vector<16xf32>
    %broadcast_in_dim3A_2 = arith.constant 1.000000e+00 : f32
    %broadcast_in_dim3A_3 = vector.broadcast %broadcast_in_dim3A_2 : f32 to vector<16xf32>
    %iota3A = tpu.iota {dimensions = array<i32: 0>} : vector<16xi32>
    %scan3A = arith.constant 0 : i32
    %scan3A_4 = arith.constant 0 : i32
    %scan3A_5 = arith.constant 126 : i32
    %scan3A_6 = arith.addi %scan3A_4, %scan3A_5 : i32
    %scan3A_7 = arith.constant 1 : i32
    scf.for %scan3A_21 = %scan3A_4 to %scan3A_6 step %scan3A_7  : i32 {
      %mul3A_22 = arith.constant 16 : i32
      %mul3A_23 = arith.muli %scan3A_21, %mul3A_22 : i32
      %swap3A = arith.constant 0 : i32
      %swap3A_24 = arith.index_cast %swap3A : i32 to index
      %swap3A_25 = arith.index_cast %mul3A_23 : i32 to index
      %swap3A_26 = tpu.vector_load %arg4[%swap3A_24, %swap3A_25] {strides = array<i32>} : memref<16x2016xf32, #tpu.memory_space<vmem>>, vector<16xf32>,
      tpu.vector_store %arg4[%swap3A_24, %swap3A_25], %broadcast_in_dim3A_1 {strides = array<i32>} : memref<16x2016xf32, #tpu.memory_space<vmem>>, vector<16xf32>,
      %mul3A_27 = arith.constant 16 : i32
      %mul3A_28 = arith.muli %scan3A_21, %mul3A_27 : i32
      %swap3A_29 = arith.constant 1 : i32
      %swap3A_30 = arith.index_cast %swap3A_29 : i32 to index
      %swap3A_31 = arith.index_cast %mul3A_28 : i32 to index
      %swap3A_32 = tpu.vector_load %arg4[%swap3A_30, %swap3A_31] {strides = array<i32>} : memref<16x2016xf32, #tpu.memory_space<vmem>>, vector<16xf32>,
      tpu.vector_store %arg4[%swap3A_30, %swap3A_31], %broadcast_in_dim3A_1 {strides = array<i32>} : memref<16x2016xf32, #tpu.memory_space<vmem>>, vector<16xf32>,
      %mul3A_33 = arith.constant 16 : i32
      %mul3A_34 = arith.muli %scan3A_21, %mul3A_33 : i32
      %swap3A_35 = arith.constant 2 : i32
      %swap3A_36 = arith.index_cast %swap3A_35 : i32 to index
      %swap3A_37 = arith.index_cast %mul3A_34 : i32 to index
      %swap3A_38 = tpu.vector_load %arg4[%swap3A_36, %swap3A_37] {strides = array<i32>} : memref<16x2016xf32, #tpu.memory_space<vmem>>, vector<16xf32>,
      tpu.vector_store %arg4[%swap3A_36, %swap3A_37], %broadcast_in_dim3A_1 {strides = array<i32>} : memref<16x2016xf32, #tpu.memory_space<vmem>>, vector<16xf32>,
      %mul3A_39 = arith.constant 16 : i32
      %mul3A_40 = arith.muli %scan3A_21, %mul3A_39 : i32
      %swap3A_41 = arith.constant 3 : i32
      %swap3A_42 = arith.index_cast %swap3A_41 : i32 to index
      %swap3A_43 = arith.index_cast %mul3A_40 : i32 to index
      %swap3A_44 = tpu.vector_load %arg4[%swap3A_42, %swap3A_43] {strides = array<i32>} : memref<16x2016xf32, #tpu.memory_space<vmem>>, vector<16xf32>,
      tpu.vector_store %arg4[%swap3A_42, %swap3A_43], %broadcast_in_dim3A_1 {strides = array<i32>} : memref<16x2016xf32, #tpu.memory_space<vmem>>, vector<16xf32>,
      %mul3A_45 = arith.constant 16 : i32
      %mul3A_46 = arith.muli %scan3A_21, %mul3A_45 : i32
      %swap3A_47 = arith.constant 4 : i32
      %swap3A_48 = arith.index_cast %swap3A_47 : i32 to index
      %swap3A_49 = arith.index_cast %mul3A_46 : i32 to index
      %swap3A_50 = tpu.vector_load %arg4[%swap3A_48, %swap3A_49] {strides = array<i32>} : memref<16x2016xf32, #tpu.memory_space<vmem>>, vector<16xf32>,
      tpu.vector_store %arg4[%swap3A_48, %swap3A_49], %broadcast_in_dim3A_1 {strides = array<i32>} : memref<16x2016xf32, #tpu.memory_space<vmem>>, vector<16xf32>,
      %mul3A_51 = arith.constant 16 : i32
      %mul3A_52 = arith.muli %scan3A_21, %mul3A_51 : i32
      %swap3A_53 = arith.constant 5 : i32
      %swap3A_54 = arith.index_cast %swap3A_53 : i32 to index
      %swap3A_55 = arith.index_cast %mul3A_52 : i32 to index
      %swap3A_56 = tpu.vector_load %arg4[%swap3A_54, %swap3A_55] {strides = array<i32>} : memref<16x2016xf32, #tpu.memory_space<vmem>>, vector<16xf32>,
      tpu.vector_store %arg4[%swap3A_54, %swap3A_55], %broadcast_in_dim3A_1 {strides = array<i32>} : memref<16x2016xf32, #tpu.memory_space<vmem>>, vector<16xf32>,
      %mul3A_57 = arith.constant 16 : i32
      %mul3A_58 = arith.muli %scan3A_21, %mul3A_57 : i32
      %swap3A_59 = arith.constant 6 : i32
      %swap3A_60 = arith.index_cast %swap3A_59 : i32 to index
      %swap3A_61 = arith.index_cast %mul3A_58 : i32 to index
      %swap3A_62 = tpu.vector_load %arg4[%swap3A_60, %swap3A_61] {strides = array<i32>} : memref<16x2016xf32, #tpu.memory_space<vmem>>, vector<16xf32>,
      tpu.vector_store %arg4[%swap3A_60, %swap3A_61], %broadcast_in_dim3A_1 {strides = array<i32>} : memref<16x2016xf32, #tpu.memory_space<vmem>>, vector<16xf32>,
      %mul3A_63 = arith.constant 16 : i32
      %mul3A_64 = arith.muli %scan3A_21, %mul3A_63 : i32
      %swap3A_65 = arith.constant 7 : i32
      %swap3A_66 = arith.index_cast %swap3A_65 : i32 to index
      %swap3A_67 = arith.index_cast %mul3A_64 : i32 to index
      %swap3A_68 = tpu.vector_load %arg4[%swap3A_66, %swap3A_67] {strides = array<i32>} : memref<16x2016xf32, #tpu.memory_space<vmem>>, vector<16xf32>,
      tpu.vector_store %arg4[%swap3A_66, %swap3A_67], %broadcast_in_dim3A_1 {strides = array<i32>} : memref<16x2016xf32, #tpu.memory_space<vmem>>, vector<16xf32>,
      %mul3A_69 = arith.constant 16 : i32
      %mul3A_70 = arith.muli %scan3A_21, %mul3A_69 : i32
      %swap3A_71 = arith.constant 8 : i32
      %swap3A_72 = arith.index_cast %swap3A_71 : i32 to index
      %swap3A_73 = arith.index_cast %mul3A_70 : i32 to index
      %swap3A_74 = tpu.vector_load %arg4[%swap3A_72, %swap3A_73] {strides = array<i32>} : memref<16x2016xf32, #tpu.memory_space<vmem>>, vector<16xf32>,
      tpu.vector_store %arg4[%swap3A_72, %swap3A_73], %broadcast_in_dim3A_1 {strides = array<i32>} : memref<16x2016xf32, #tpu.memory_space<vmem>>, vector<16xf32>,
      %mul3A_75 = arith.constant 16 : i32
      %mul3A_76 = arith.muli %scan3A_21, %mul3A_75 : i32
      %swap3A_77 = arith.constant 9 : i32
      %swap3A_78 = arith.index_cast %swap3A_77 : i32 to index
      %swap3A_79 = arith.index_cast %mul3A_76 : i32 to index
      %swap3A_80 = tpu.vector_load %arg4[%swap3A_78, %swap3A_79] {strides = array<i32>} : memref<16x2016xf32, #tpu.memory_space<vmem>>, vector<16xf32>,
      tpu.vector_store %arg4[%swap3A_78, %swap3A_79], %broadcast_in_dim3A_1 {strides = array<i32>} : memref<16x2016xf32, #tpu.memory_space<vmem>>, vector<16xf32>,
      %mul3A_81 = arith.constant 16 : i32
      %mul3A_82 = arith.muli %scan3A_21, %mul3A_81 : i32
      %swap3A_83 = arith.constant 10 : i32
      %swap3A_84 = arith.index_cast %swap3A_83 : i32 to index
      %swap3A_85 = arith.index_cast %mul3A_82 : i32 to index
      %swap3A_86 = tpu.vector_load %arg4[%swap3A_84, %swap3A_85] {strides = array<i32>} : memref<16x2016xf32, #tpu.memory_space<vmem>>, vector<16xf32>,
      tpu.vector_store %arg4[%swap3A_84, %swap3A_85], %broadcast_in_dim3A_1 {strides = array<i32>} : memref<16x2016xf32, #tpu.memory_space<vmem>>, vector<16xf32>,
      %mul3A_87 = arith.constant 16 : i32
      %mul3A_88 = arith.muli %scan3A_21, %mul3A_87 : i32
      %swap3A_89 = arith.constant 11 : i32
      %swap3A_90 = arith.index_cast %swap3A_89 : i32 to index
      %swap3A_91 = arith.index_cast %mul3A_88 : i32 to index
      %swap3A_92 = tpu.vector_load %arg4[%swap3A_90, %swap3A_91] {strides = array<i32>} : memref<16x2016xf32, #tpu.memory_space<vmem>>, vector<16xf32>,
      tpu.vector_store %arg4[%swap3A_90, %swap3A_91], %broadcast_in_dim3A_1 {strides = array<i32>} : memref<16x2016xf32, #tpu.memory_space<vmem>>, vector<16xf32>,
      %mul3A_93 = arith.constant 16 : i32
      %mul3A_94 = arith.muli %scan3A_21, %mul3A_93 : i32
      %swap3A_95 = arith.constant 12 : i32
      %swap3A_96 = arith.index_cast %swap3A_95 : i32 to index
      %swap3A_97 = arith.index_cast %mul3A_94 : i32 to index
      %swap3A_98 = tpu.vector_load %arg4[%swap3A_96, %swap3A_97] {strides = array<i32>} : memref<16x2016xf32, #tpu.memory_space<vmem>>, vector<16xf32>,
      tpu.vector_store %arg4[%swap3A_96, %swap3A_97], %broadcast_in_dim3A_1 {strides = array<i32>} : memref<16x2016xf32, #tpu.memory_space<vmem>>, vector<16xf32>,
      %mul3A_99 = arith.constant 16 : i32
      %mul3A_100 = arith.muli %scan3A_21, %mul3A_99 : i32
      %swap3A_101 = arith.constant 13 : i32
      %swap3A_102 = arith.index_cast %swap3A_101 : i32 to index
      %swap3A_103 = arith.index_cast %mul3A_100 : i32 to index
      %swap3A_104 = tpu.vector_load %arg4[%swap3A_102, %swap3A_103] {strides = array<i32>} : memref<16x2016xf32, #tpu.memory_space<vmem>>, vector<16xf32>,
      tpu.vector_store %arg4[%swap3A_102, %swap3A_103], %broadcast_in_dim3A_1 {strides = array<i32>} : memref<16x2016xf32, #tpu.memory_space<vmem>>, vector<16xf32>,
      %mul3A_105 = arith.constant 16 : i32
      %mul3A_106 = arith.muli %scan3A_21, %mul3A_105 : i32
      %swap3A_107 = arith.constant 14 : i32
      %swap3A_108 = arith.index_cast %swap3A_107 : i32 to index
      %swap3A_109 = arith.index_cast %mul3A_106 : i32 to index
      %swap3A_110 = tpu.vector_load %arg4[%swap3A_108, %swap3A_109] {strides = array<i32>} : memref<16x2016xf32, #tpu.memory_space<vmem>>, vector<16xf32>,
      tpu.vector_store %arg4[%swap3A_108, %swap3A_109], %broadcast_in_dim3A_1 {strides = array<i32>} : memref<16x2016xf32, #tpu.memory_space<vmem>>, vector<16xf32>,
      %mul3A_111 = arith.constant 16 : i32
      %mul3A_112 = arith.muli %scan3A_21, %mul3A_111 : i32
      %swap3A_113 = arith.constant 15 : i32
      %swap3A_114 = arith.index_cast %swap3A_113 : i32 to index
      %swap3A_115 = arith.index_cast %mul3A_112 : i32 to index
      %swap3A_116 = tpu.vector_load %arg4[%swap3A_114, %swap3A_115] {strides = array<i32>} : memref<16x2016xf32, #tpu.memory_space<vmem>>, vector<16xf32>,
      tpu.vector_store %arg4[%swap3A_114, %swap3A_115], %broadcast_in_dim3A_1 {strides = array<i32>} : memref<16x2016xf32, #tpu.memory_space<vmem>>, vector<16xf32>,
    }
    %scan3A_8 = arith.constant 126 : i32
    %scan3A_9 = arith.constant 0 : i32
    %scan3A_10 = arith.constant 0 : i32
    %scan3A_11 = arith.constant 40 : i32
    %scan3A_12 = arith.addi %scan3A_10, %scan3A_11 : i32
    %scan3A_13 = arith.constant 1 : i32
    scf.for %scan3A_21 = %scan3A_10 to %scan3A_12 step %scan3A_13  : i32 {
      %mul3A_22 = arith.constant 32 : i32
      %mul3A_23 = arith.muli %mul3A_22, %scan3A_21 : i32
      %add3A_24 = arith.addi %add3A, %mul3A_23 : i32
      %lt3A = arith.constant 1250 : i32
      %lt3A_25 = arith.cmpi slt, %add3A_24, %lt3A : i32
      %convert_element_type3A = arith.extui %lt3A_25 : i1 to i32
      %cond3A = arith.constant 0 : i32
      %cond3A_26 = arith.cmpi ne, %convert_element_type3A, %cond3A : i32
      scf.if %cond3A_26 {
        %mul3A_27 = arith.constant 800 : i32
        %mul3A_28 = arith.muli %add3A_24, %mul3A_27 : i32
        "tpu.region"() ({
          %run_scoped3A = tpu.sem_alloc : memref<!tpu.dma_semaphore, #tpu.memory_space<semaphore_mem>>
          %dma_start3A = tpu.memref_slice %arg2[%mul3A_28] : memref<1000000xi32, #tpu.memory_space<hbm>> -> memref<800xi32, #tpu.memory_space<hbm>>
          %dma_start3A_128 = tpu.memref_slice %arg2[%mul3A_28] : memref<1000000xi32, #tpu.memory_space<hbm>> -> memref<800xi32, #tpu.memory_space<hbm>>
          tpu.enqueue_dma source(%dma_start3A_128 : memref<800xi32, #tpu.memory_space<hbm>>) target(%arg6 : memref<800xi32, #tpu.memory_space<vmem>>) target_semaphore(%run_scoped3A : memref<!tpu.dma_semaphore, #tpu.memory_space<semaphore_mem>>)
          %dma_wait3A = tpu.memref_slice %arg2[%mul3A_28] : memref<1000000xi32, #tpu.memory_space<hbm>> -> memref<800xi32, #tpu.memory_space<hbm>>
          %dma_wait3A_129 = tpu.memref_slice %arg2[%mul3A_28] : memref<1000000xi32, #tpu.memory_space<hbm>> -> memref<800xi32, #tpu.memory_space<hbm>>
          tpu.wait_dma2 semaphore(%run_scoped3A : memref<!tpu.dma_semaphore, #tpu.memory_space<semaphore_mem>>) src(%dma_wait3A_129 : memref<800xi32, #tpu.memory_space<hbm>>) dst(%arg6 : memref<800xi32, #tpu.memory_space<vmem>>)
          tpu.yield
        }) : () -> ()
        %get3A = arith.constant 0 : index
        %get3A_29 = tpu.vector_load %arg6[%get3A] {strides = array<i32>} : memref<800xi32, #tpu.memory_space<vmem>>, vector<16xi32>,
        tpu.vector_store_idx %arg4[%iota3A, %get3A_29], %broadcast_in_dim3A_3 {add = true} : memref<16x2016xf32, #tpu.memory_space<vmem>>[vector<16xi32>, vector<16xi32>], vector<16xf32>,
        %get3A_30 = arith.constant 16 : index
        %get3A_31 = tpu.vector_load %arg6[%get3A_30] {strides = array<i32>} : memref<800xi32, #tpu.memory_space<vmem>>, vector<16xi32>,
        tpu.vector_store_idx %arg4[%iota3A, %get3A_31], %broadcast_in_dim3A_3 {add = true} : memref<16x2016xf32, #tpu.memory_space<vmem>>[vector<16xi32>, vector<16xi32>], vector<16xf32>,
        %get3A_32 = arith.constant 32 : index
        %get3A_33 = tpu.vector_load %arg6[%get3A_32] {strides = array<i32>} : memref<800xi32, #tpu.memory_space<vmem>>, vector<16xi32>,
        tpu.vector_store_idx %arg4[%iota3A, %get3A_33], %broadcast_in_dim3A_3 {add = true} : memref<16x2016xf32, #tpu.memory_space<vmem>>[vector<16xi32>, vector<16xi32>], vector<16xf32>,
        %get3A_34 = arith.constant 48 : index
        %get3A_35 = tpu.vector_load %arg6[%get3A_34] {strides = array<i32>} : memref<800xi32, #tpu.memory_space<vmem>>, vector<16xi32>,
        tpu.vector_store_idx %arg4[%iota3A, %get3A_35], %broadcast_in_dim3A_3 {add = true} : memref<16x2016xf32, #tpu.memory_space<vmem>>[vector<16xi32>, vector<16xi32>], vector<16xf32>,
        %get3A_36 = arith.constant 64 : index
        %get3A_37 = tpu.vector_load %arg6[%get3A_36] {strides = array<i32>} : memref<800xi32, #tpu.memory_space<vmem>>, vector<16xi32>,
        tpu.vector_store_idx %arg4[%iota3A, %get3A_37], %broadcast_in_dim3A_3 {add = true} : memref<16x2016xf32, #tpu.memory_space<vmem>>[vector<16xi32>, vector<16xi32>], vector<16xf32>,
        %get3A_38 = arith.constant 80 : index
        %get3A_39 = tpu.vector_load %arg6[%get3A_38] {strides = array<i32>} : memref<800xi32, #tpu.memory_space<vmem>>, vector<16xi32>,
        tpu.vector_store_idx %arg4[%iota3A, %get3A_39], %broadcast_in_dim3A_3 {add = true} : memref<16x2016xf32, #tpu.memory_space<vmem>>[vector<16xi32>, vector<16xi32>], vector<16xf32>,
        %get3A_40 = arith.constant 96 : index
        %get3A_41 = tpu.vector_load %arg6[%get3A_40] {strides = array<i32>} : memref<800xi32, #tpu.memory_space<vmem>>, vector<16xi32>,
        tpu.vector_store_idx %arg4[%iota3A, %get3A_41], %broadcast_in_dim3A_3 {add = true} : memref<16x2016xf32, #tpu.memory_space<vmem>>[vector<16xi32>, vector<16xi32>], vector<16xf32>,
        %get3A_42 = arith.constant 112 : index
        %get3A_43 = tpu.vector_load %arg6[%get3A_42] {strides = array<i32>} : memref<800xi32, #tpu.memory_space<vmem>>, vector<16xi32>,
        tpu.vector_store_idx %arg4[%iota3A, %get3A_43], %broadcast_in_dim3A_3 {add = true} : memref<16x2016xf32, #tpu.memory_space<vmem>>[vector<16xi32>, vector<16xi32>], vector<16xf32>,
        %get3A_44 = arith.constant 128 : index
        %get3A_45 = tpu.vector_load %arg6[%get3A_44] {strides = array<i32>} : memref<800xi32, #tpu.memory_space<vmem>>, vector<16xi32>,
        tpu.vector_store_idx %arg4[%iota3A, %get3A_45], %broadcast_in_dim3A_3 {add = true} : memref<16x2016xf32, #tpu.memory_space<vmem>>[vector<16xi32>, vector<16xi32>], vector<16xf32>,
        %get3A_46 = arith.constant 144 : index
        %get3A_47 = tpu.vector_load %arg6[%get3A_46] {strides = array<i32>} : memref<800xi32, #tpu.memory_space<vmem>>, vector<16xi32>,
        tpu.vector_store_idx %arg4[%iota3A, %get3A_47], %broadcast_in_dim3A_3 {add = true} : memref<16x2016xf32, #tpu.memory_space<vmem>>[vector<16xi32>, vector<16xi32>], vector<16xf32>,
        %get3A_48 = arith.constant 160 : index
        %get3A_49 = tpu.vector_load %arg6[%get3A_48] {strides = array<i32>} : memref<800xi32, #tpu.memory_space<vmem>>, vector<16xi32>,
        tpu.vector_store_idx %arg4[%iota3A, %get3A_49], %broadcast_in_dim3A_3 {add = true} : memref<16x2016xf32, #tpu.memory_space<vmem>>[vector<16xi32>, vector<16xi32>], vector<16xf32>,
        %get3A_50 = arith.constant 176 : index
        %get3A_51 = tpu.vector_load %arg6[%get3A_50] {strides = array<i32>} : memref<800xi32, #tpu.memory_space<vmem>>, vector<16xi32>,
        tpu.vector_store_idx %arg4[%iota3A, %get3A_51], %broadcast_in_dim3A_3 {add = true} : memref<16x2016xf32, #tpu.memory_space<vmem>>[vector<16xi32>, vector<16xi32>], vector<16xf32>,
        %get3A_52 = arith.constant 192 : index
        %get3A_53 = tpu.vector_load %arg6[%get3A_52] {strides = array<i32>} : memref<800xi32, #tpu.memory_space<vmem>>, vector<16xi32>,
        tpu.vector_store_idx %arg4[%iota3A, %get3A_53], %broadcast_in_dim3A_3 {add = true} : memref<16x2016xf32, #tpu.memory_space<vmem>>[vector<16xi32>, vector<16xi32>], vector<16xf32>,
        %get3A_54 = arith.constant 208 : index
        %get3A_55 = tpu.vector_load %arg6[%get3A_54] {strides = array<i32>} : memref<800xi32, #tpu.memory_space<vmem>>, vector<16xi32>,
        tpu.vector_store_idx %arg4[%iota3A, %get3A_55], %broadcast_in_dim3A_3 {add = true} : memref<16x2016xf32, #tpu.memory_space<vmem>>[vector<16xi32>, vector<16xi32>], vector<16xf32>,
        %get3A_56 = arith.constant 224 : index
        %get3A_57 = tpu.vector_load %arg6[%get3A_56] {strides = array<i32>} : memref<800xi32, #tpu.memory_space<vmem>>, vector<16xi32>,
        tpu.vector_store_idx %arg4[%iota3A, %get3A_57], %broadcast_in_dim3A_3 {add = true} : memref<16x2016xf32, #tpu.memory_space<vmem>>[vector<16xi32>, vector<16xi32>], vector<16xf32>,
        %get3A_58 = arith.constant 240 : index
        %get3A_59 = tpu.vector_load %arg6[%get3A_58] {strides = array<i32>} : memref<800xi32, #tpu.memory_space<vmem>>, vector<16xi32>,
        tpu.vector_store_idx %arg4[%iota3A, %get3A_59], %broadcast_in_dim3A_3 {add = true} : memref<16x2016xf32, #tpu.memory_space<vmem>>[vector<16xi32>, vector<16xi32>], vector<16xf32>,
        %get3A_60 = arith.constant 256 : index
        %get3A_61 = tpu.vector_load %arg6[%get3A_60] {strides = array<i32>} : memref<800xi32, #tpu.memory_space<vmem>>, vector<16xi32>,
        tpu.vector_store_idx %arg4[%iota3A, %get3A_61], %broadcast_in_dim3A_3 {add = true} : memref<16x2016xf32, #tpu.memory_space<vmem>>[vector<16xi32>, vector<16xi32>], vector<16xf32>,
        %get3A_62 = arith.constant 272 : index
        %get3A_63 = tpu.vector_load %arg6[%get3A_62] {strides = array<i32>} : memref<800xi32, #tpu.memory_space<vmem>>, vector<16xi32>,
        tpu.vector_store_idx %arg4[%iota3A, %get3A_63], %broadcast_in_dim3A_3 {add = true} : memref<16x2016xf32, #tpu.memory_space<vmem>>[vector<16xi32>, vector<16xi32>], vector<16xf32>,
        %get3A_64 = arith.constant 288 : index
        %get3A_65 = tpu.vector_load %arg6[%get3A_64] {strides = array<i32>} : memref<800xi32, #tpu.memory_space<vmem>>, vector<16xi32>,
        tpu.vector_store_idx %arg4[%iota3A, %get3A_65], %broadcast_in_dim3A_3 {add = true} : memref<16x2016xf32, #tpu.memory_space<vmem>>[vector<16xi32>, vector<16xi32>], vector<16xf32>,
        %get3A_66 = arith.constant 304 : index
        %get3A_67 = tpu.vector_load %arg6[%get3A_66] {strides = array<i32>} : memref<800xi32, #tpu.memory_space<vmem>>, vector<16xi32>,
        tpu.vector_store_idx %arg4[%iota3A, %get3A_67], %broadcast_in_dim3A_3 {add = true} : memref<16x2016xf32, #tpu.memory_space<vmem>>[vector<16xi32>, vector<16xi32>], vector<16xf32>,
        %get3A_68 = arith.constant 320 : index
        %get3A_69 = tpu.vector_load %arg6[%get3A_68] {strides = array<i32>} : memref<800xi32, #tpu.memory_space<vmem>>, vector<16xi32>,
        tpu.vector_store_idx %arg4[%iota3A, %get3A_69], %broadcast_in_dim3A_3 {add = true} : memref<16x2016xf32, #tpu.memory_space<vmem>>[vector<16xi32>, vector<16xi32>], vector<16xf32>,
        %get3A_70 = arith.constant 336 : index
        %get3A_71 = tpu.vector_load %arg6[%get3A_70] {strides = array<i32>} : memref<800xi32, #tpu.memory_space<vmem>>, vector<16xi32>,
        tpu.vector_store_idx %arg4[%iota3A, %get3A_71], %broadcast_in_dim3A_3 {add = true} : memref<16x2016xf32, #tpu.memory_space<vmem>>[vector<16xi32>, vector<16xi32>], vector<16xf32>,
        %get3A_72 = arith.constant 352 : index
        %get3A_73 = tpu.vector_load %arg6[%get3A_72] {strides = array<i32>} : memref<800xi32, #tpu.memory_space<vmem>>, vector<16xi32>,
        tpu.vector_store_idx %arg4[%iota3A, %get3A_73], %broadcast_in_dim3A_3 {add = true} : memref<16x2016xf32, #tpu.memory_space<vmem>>[vector<16xi32>, vector<16xi32>], vector<16xf32>,
        %get3A_74 = arith.constant 368 : index
        %get3A_75 = tpu.vector_load %arg6[%get3A_74] {strides = array<i32>} : memref<800xi32, #tpu.memory_space<vmem>>, vector<16xi32>,
        tpu.vector_store_idx %arg4[%iota3A, %get3A_75], %broadcast_in_dim3A_3 {add = true} : memref<16x2016xf32, #tpu.memory_space<vmem>>[vector<16xi32>, vector<16xi32>], vector<16xf32>,
        %get3A_76 = arith.constant 384 : index
        %get3A_77 = tpu.vector_load %arg6[%get3A_76] {strides = array<i32>} : memref<800xi32, #tpu.memory_space<vmem>>, vector<16xi32>,
        tpu.vector_store_idx %arg4[%iota3A, %get3A_77], %broadcast_in_dim3A_3 {add = true} : memref<16x2016xf32, #tpu.memory_space<vmem>>[vector<16xi32>, vector<16xi32>], vector<16xf32>,
        %get3A_78 = arith.constant 400 : index
        %get3A_79 = tpu.vector_load %arg6[%get3A_78] {strides = array<i32>} : memref<800xi32, #tpu.memory_space<vmem>>, vector<16xi32>,
        tpu.vector_store_idx %arg4[%iota3A, %get3A_79], %broadcast_in_dim3A_3 {add = true} : memref<16x2016xf32, #tpu.memory_space<vmem>>[vector<16xi32>, vector<16xi32>], vector<16xf32>,
        %get3A_80 = arith.constant 416 : index
        %get3A_81 = tpu.vector_load %arg6[%get3A_80] {strides = array<i32>} : memref<800xi32, #tpu.memory_space<vmem>>, vector<16xi32>,
        tpu.vector_store_idx %arg4[%iota3A, %get3A_81], %broadcast_in_dim3A_3 {add = true} : memref<16x2016xf32, #tpu.memory_space<vmem>>[vector<16xi32>, vector<16xi32>], vector<16xf32>,
        %get3A_82 = arith.constant 432 : index
        %get3A_83 = tpu.vector_load %arg6[%get3A_82] {strides = array<i32>} : memref<800xi32, #tpu.memory_space<vmem>>, vector<16xi32>,
        tpu.vector_store_idx %arg4[%iota3A, %get3A_83], %broadcast_in_dim3A_3 {add = true} : memref<16x2016xf32, #tpu.memory_space<vmem>>[vector<16xi32>, vector<16xi32>], vector<16xf32>,
        %get3A_84 = arith.constant 448 : index
        %get3A_85 = tpu.vector_load %arg6[%get3A_84] {strides = array<i32>} : memref<800xi32, #tpu.memory_space<vmem>>, vector<16xi32>,
        tpu.vector_store_idx %arg4[%iota3A, %get3A_85], %broadcast_in_dim3A_3 {add = true} : memref<16x2016xf32, #tpu.memory_space<vmem>>[vector<16xi32>, vector<16xi32>], vector<16xf32>,
        %get3A_86 = arith.constant 464 : index
        %get3A_87 = tpu.vector_load %arg6[%get3A_86] {strides = array<i32>} : memref<800xi32, #tpu.memory_space<vmem>>, vector<16xi32>,
        tpu.vector_store_idx %arg4[%iota3A, %get3A_87], %broadcast_in_dim3A_3 {add = true} : memref<16x2016xf32, #tpu.memory_space<vmem>>[vector<16xi32>, vector<16xi32>], vector<16xf32>,
        %get3A_88 = arith.constant 480 : index
        %get3A_89 = tpu.vector_load %arg6[%get3A_88] {strides = array<i32>} : memref<800xi32, #tpu.memory_space<vmem>>, vector<16xi32>,
        tpu.vector_store_idx %arg4[%iota3A, %get3A_89], %broadcast_in_dim3A_3 {add = true} : memref<16x2016xf32, #tpu.memory_space<vmem>>[vector<16xi32>, vector<16xi32>], vector<16xf32>,
        %get3A_90 = arith.constant 496 : index
        %get3A_91 = tpu.vector_load %arg6[%get3A_90] {strides = array<i32>} : memref<800xi32, #tpu.memory_space<vmem>>, vector<16xi32>,
        tpu.vector_store_idx %arg4[%iota3A, %get3A_91], %broadcast_in_dim3A_3 {add = true} : memref<16x2016xf32, #tpu.memory_space<vmem>>[vector<16xi32>, vector<16xi32>], vector<16xf32>,
        %get3A_92 = arith.constant 512 : index
        %get3A_93 = tpu.vector_load %arg6[%get3A_92] {strides = array<i32>} : memref<800xi32, #tpu.memory_space<vmem>>, vector<16xi32>,
        tpu.vector_store_idx %arg4[%iota3A, %get3A_93], %broadcast_in_dim3A_3 {add = true} : memref<16x2016xf32, #tpu.memory_space<vmem>>[vector<16xi32>, vector<16xi32>], vector<16xf32>,
        %get3A_94 = arith.constant 528 : index
        %get3A_95 = tpu.vector_load %arg6[%get3A_94] {strides = array<i32>} : memref<800xi32, #tpu.memory_space<vmem>>, vector<16xi32>,
        tpu.vector_store_idx %arg4[%iota3A, %get3A_95], %broadcast_in_dim3A_3 {add = true} : memref<16x2016xf32, #tpu.memory_space<vmem>>[vector<16xi32>, vector<16xi32>], vector<16xf32>,
        %get3A_96 = arith.constant 544 : index
        %get3A_97 = tpu.vector_load %arg6[%get3A_96] {strides = array<i32>} : memref<800xi32, #tpu.memory_space<vmem>>, vector<16xi32>,
        tpu.vector_store_idx %arg4[%iota3A, %get3A_97], %broadcast_in_dim3A_3 {add = true} : memref<16x2016xf32, #tpu.memory_space<vmem>>[vector<16xi32>, vector<16xi32>], vector<16xf32>,
        %get3A_98 = arith.constant 560 : index
        %get3A_99 = tpu.vector_load %arg6[%get3A_98] {strides = array<i32>} : memref<800xi32, #tpu.memory_space<vmem>>, vector<16xi32>,
        tpu.vector_store_idx %arg4[%iota3A, %get3A_99], %broadcast_in_dim3A_3 {add = true} : memref<16x2016xf32, #tpu.memory_space<vmem>>[vector<16xi32>, vector<16xi32>], vector<16xf32>,
        %get3A_100 = arith.constant 576 : index
        %get3A_101 = tpu.vector_load %arg6[%get3A_100] {strides = array<i32>} : memref<800xi32, #tpu.memory_space<vmem>>, vector<16xi32>,
        tpu.vector_store_idx %arg4[%iota3A, %get3A_101], %broadcast_in_dim3A_3 {add = true} : memref<16x2016xf32, #tpu.memory_space<vmem>>[vector<16xi32>, vector<16xi32>], vector<16xf32>,
        %get3A_102 = arith.constant 592 : index
        %get3A_103 = tpu.vector_load %arg6[%get3A_102] {strides = array<i32>} : memref<800xi32, #tpu.memory_space<vmem>>, vector<16xi32>,
        tpu.vector_store_idx %arg4[%iota3A, %get3A_103], %broadcast_in_dim3A_3 {add = true} : memref<16x2016xf32, #tpu.memory_space<vmem>>[vector<16xi32>, vector<16xi32>], vector<16xf32>,
        %get3A_104 = arith.constant 608 : index
        %get3A_105 = tpu.vector_load %arg6[%get3A_104] {strides = array<i32>} : memref<800xi32, #tpu.memory_space<vmem>>, vector<16xi32>,
        tpu.vector_store_idx %arg4[%iota3A, %get3A_105], %broadcast_in_dim3A_3 {add = true} : memref<16x2016xf32, #tpu.memory_space<vmem>>[vector<16xi32>, vector<16xi32>], vector<16xf32>,
        %get3A_106 = arith.constant 624 : index
        %get3A_107 = tpu.vector_load %arg6[%get3A_106] {strides = array<i32>} : memref<800xi32, #tpu.memory_space<vmem>>, vector<16xi32>,
        tpu.vector_store_idx %arg4[%iota3A, %get3A_107], %broadcast_in_dim3A_3 {add = true} : memref<16x2016xf32, #tpu.memory_space<vmem>>[vector<16xi32>, vector<16xi32>], vector<16xf32>,
        %get3A_108 = arith.constant 640 : index
        %get3A_109 = tpu.vector_load %arg6[%get3A_108] {strides = array<i32>} : memref<800xi32, #tpu.memory_space<vmem>>, vector<16xi32>,
        tpu.vector_store_idx %arg4[%iota3A, %get3A_109], %broadcast_in_dim3A_3 {add = true} : memref<16x2016xf32, #tpu.memory_space<vmem>>[vector<16xi32>, vector<16xi32>], vector<16xf32>,
        %get3A_110 = arith.constant 656 : index
        %get3A_111 = tpu.vector_load %arg6[%get3A_110] {strides = array<i32>} : memref<800xi32, #tpu.memory_space<vmem>>, vector<16xi32>,
        tpu.vector_store_idx %arg4[%iota3A, %get3A_111], %broadcast_in_dim3A_3 {add = true} : memref<16x2016xf32, #tpu.memory_space<vmem>>[vector<16xi32>, vector<16xi32>], vector<16xf32>,
        %get3A_112 = arith.constant 672 : index
        %get3A_113 = tpu.vector_load %arg6[%get3A_112] {strides = array<i32>} : memref<800xi32, #tpu.memory_space<vmem>>, vector<16xi32>,
        tpu.vector_store_idx %arg4[%iota3A, %get3A_113], %broadcast_in_dim3A_3 {add = true} : memref<16x2016xf32, #tpu.memory_space<vmem>>[vector<16xi32>, vector<16xi32>], vector<16xf32>,
        %get3A_114 = arith.constant 688 : index
        %get3A_115 = tpu.vector_load %arg6[%get3A_114] {strides = array<i32>} : memref<800xi32, #tpu.memory_space<vmem>>, vector<16xi32>,
        tpu.vector_store_idx %arg4[%iota3A, %get3A_115], %broadcast_in_dim3A_3 {add = true} : memref<16x2016xf32, #tpu.memory_space<vmem>>[vector<16xi32>, vector<16xi32>], vector<16xf32>,
        %get3A_116 = arith.constant 704 : index
        %get3A_117 = tpu.vector_load %arg6[%get3A_116] {strides = array<i32>} : memref<800xi32, #tpu.memory_space<vmem>>, vector<16xi32>,
        tpu.vector_store_idx %arg4[%iota3A, %get3A_117], %broadcast_in_dim3A_3 {add = true} : memref<16x2016xf32, #tpu.memory_space<vmem>>[vector<16xi32>, vector<16xi32>], vector<16xf32>,
        %get3A_118 = arith.constant 720 : index
        %get3A_119 = tpu.vector_load %arg6[%get3A_118] {strides = array<i32>} : memref<800xi32, #tpu.memory_space<vmem>>, vector<16xi32>,
        tpu.vector_store_idx %arg4[%iota3A, %get3A_119], %broadcast_in_dim3A_3 {add = true} : memref<16x2016xf32, #tpu.memory_space<vmem>>[vector<16xi32>, vector<16xi32>], vector<16xf32>,
        %get3A_120 = arith.constant 736 : index
        %get3A_121 = tpu.vector_load %arg6[%get3A_120] {strides = array<i32>} : memref<800xi32, #tpu.memory_space<vmem>>, vector<16xi32>,
        tpu.vector_store_idx %arg4[%iota3A, %get3A_121], %broadcast_in_dim3A_3 {add = true} : memref<16x2016xf32, #tpu.memory_space<vmem>>[vector<16xi32>, vector<16xi32>], vector<16xf32>,
        %get3A_122 = arith.constant 752 : index
        %get3A_123 = tpu.vector_load %arg6[%get3A_122] {strides = array<i32>} : memref<800xi32, #tpu.memory_space<vmem>>, vector<16xi32>,
        tpu.vector_store_idx %arg4[%iota3A, %get3A_123], %broadcast_in_dim3A_3 {add = true} : memref<16x2016xf32, #tpu.memory_space<vmem>>[vector<16xi32>, vector<16xi32>], vector<16xf32>,
        %get3A_124 = arith.constant 768 : index
        %get3A_125 = tpu.vector_load %arg6[%get3A_124] {strides = array<i32>} : memref<800xi32, #tpu.memory_space<vmem>>, vector<16xi32>,
        tpu.vector_store_idx %arg4[%iota3A, %get3A_125], %broadcast_in_dim3A_3 {add = true} : memref<16x2016xf32, #tpu.memory_space<vmem>>[vector<16xi32>, vector<16xi32>], vector<16xf32>,
        %get3A_126 = arith.constant 784 : index
        %get3A_127 = tpu.vector_load %arg6[%get3A_126] {strides = array<i32>} : memref<800xi32, #tpu.memory_space<vmem>>, vector<16xi32>,
        tpu.vector_store_idx %arg4[%iota3A, %get3A_127], %broadcast_in_dim3A_3 {add = true} : memref<16x2016xf32, #tpu.memory_space<vmem>>[vector<16xi32>, vector<16xi32>], vector<16xf32>,
      } else {
      }
    }
    %scan3A_14 = arith.constant 40 : i32
    %scan3A_15 = arith.constant 0 : i32
    %scan3A_16 = arith.constant 0 : i32
    %scan3A_17 = arith.constant 126 : i32
    %scan3A_18 = arith.addi %scan3A_16, %scan3A_17 : i32
    %scan3A_19 = arith.constant 1 : i32
    scf.for %scan3A_21 = %scan3A_16 to %scan3A_18 step %scan3A_19  : i32 {
      %mul3A_22 = arith.constant 16 : i32
      %mul3A_23 = arith.muli %scan3A_21, %mul3A_22 : i32
      %get3A = arith.constant 0 : i32
      %get3A_24 = arith.index_cast %get3A : i32 to index
      %get3A_25 = arith.index_cast %mul3A_23 : i32 to index
      %get3A_26 = tpu.vector_load %arg4[%get3A_24, %get3A_25] {strides = array<i32>} : memref<16x2016xf32, #tpu.memory_space<vmem>>, vector<16xf32>,
      %mul3A_27 = arith.constant 16 : i32
      %mul3A_28 = arith.muli %scan3A_21, %mul3A_27 : i32
      %get3A_29 = arith.constant 1 : i32
      %get3A_30 = arith.index_cast %get3A_29 : i32 to index
      %get3A_31 = arith.index_cast %mul3A_28 : i32 to index
      %get3A_32 = tpu.vector_load %arg4[%get3A_30, %get3A_31] {strides = array<i32>} : memref<16x2016xf32, #tpu.memory_space<vmem>>, vector<16xf32>,
      %add3A_33 = arith.addf %get3A_26, %get3A_32 : vector<16xf32>
      %mul3A_34 = arith.constant 16 : i32
      %mul3A_35 = arith.muli %scan3A_21, %mul3A_34 : i32
      %get3A_36 = arith.constant 2 : i32
      %get3A_37 = arith.index_cast %get3A_36 : i32 to index
      %get3A_38 = arith.index_cast %mul3A_35 : i32 to index
      %get3A_39 = tpu.vector_load %arg4[%get3A_37, %get3A_38] {strides = array<i32>} : memref<16x2016xf32, #tpu.memory_space<vmem>>, vector<16xf32>,
      %add3A_40 = arith.addf %add3A_33, %get3A_39 : vector<16xf32>
      %mul3A_41 = arith.constant 16 : i32
      %mul3A_42 = arith.muli %scan3A_21, %mul3A_41 : i32
      %get3A_43 = arith.constant 3 : i32
      %get3A_44 = arith.index_cast %get3A_43 : i32 to index
      %get3A_45 = arith.index_cast %mul3A_42 : i32 to index
      %get3A_46 = tpu.vector_load %arg4[%get3A_44, %get3A_45] {strides = array<i32>} : memref<16x2016xf32, #tpu.memory_space<vmem>>, vector<16xf32>,
      %add3A_47 = arith.addf %add3A_40, %get3A_46 : vector<16xf32>
      %mul3A_48 = arith.constant 16 : i32
      %mul3A_49 = arith.muli %scan3A_21, %mul3A_48 : i32
      %get3A_50 = arith.constant 4 : i32
      %get3A_51 = arith.index_cast %get3A_50 : i32 to index
      %get3A_52 = arith.index_cast %mul3A_49 : i32 to index
      %get3A_53 = tpu.vector_load %arg4[%get3A_51, %get3A_52] {strides = array<i32>} : memref<16x2016xf32, #tpu.memory_space<vmem>>, vector<16xf32>,
      %add3A_54 = arith.addf %add3A_47, %get3A_53 : vector<16xf32>
      %mul3A_55 = arith.constant 16 : i32
      %mul3A_56 = arith.muli %scan3A_21, %mul3A_55 : i32
      %get3A_57 = arith.constant 5 : i32
      %get3A_58 = arith.index_cast %get3A_57 : i32 to index
      %get3A_59 = arith.index_cast %mul3A_56 : i32 to index
      %get3A_60 = tpu.vector_load %arg4[%get3A_58, %get3A_59] {strides = array<i32>} : memref<16x2016xf32, #tpu.memory_space<vmem>>, vector<16xf32>,
      %add3A_61 = arith.addf %add3A_54, %get3A_60 : vector<16xf32>
      %mul3A_62 = arith.constant 16 : i32
      %mul3A_63 = arith.muli %scan3A_21, %mul3A_62 : i32
      %get3A_64 = arith.constant 6 : i32
      %get3A_65 = arith.index_cast %get3A_64 : i32 to index
      %get3A_66 = arith.index_cast %mul3A_63 : i32 to index
      %get3A_67 = tpu.vector_load %arg4[%get3A_65, %get3A_66] {strides = array<i32>} : memref<16x2016xf32, #tpu.memory_space<vmem>>, vector<16xf32>,
      %add3A_68 = arith.addf %add3A_61, %get3A_67 : vector<16xf32>
      %mul3A_69 = arith.constant 16 : i32
      %mul3A_70 = arith.muli %scan3A_21, %mul3A_69 : i32
      %get3A_71 = arith.constant 7 : i32
      %get3A_72 = arith.index_cast %get3A_71 : i32 to index
      %get3A_73 = arith.index_cast %mul3A_70 : i32 to index
      %get3A_74 = tpu.vector_load %arg4[%get3A_72, %get3A_73] {strides = array<i32>} : memref<16x2016xf32, #tpu.memory_space<vmem>>, vector<16xf32>,
      %add3A_75 = arith.addf %add3A_68, %get3A_74 : vector<16xf32>
      %mul3A_76 = arith.constant 16 : i32
      %mul3A_77 = arith.muli %scan3A_21, %mul3A_76 : i32
      %get3A_78 = arith.constant 8 : i32
      %get3A_79 = arith.index_cast %get3A_78 : i32 to index
      %get3A_80 = arith.index_cast %mul3A_77 : i32 to index
      %get3A_81 = tpu.vector_load %arg4[%get3A_79, %get3A_80] {strides = array<i32>} : memref<16x2016xf32, #tpu.memory_space<vmem>>, vector<16xf32>,
      %add3A_82 = arith.addf %add3A_75, %get3A_81 : vector<16xf32>
      %mul3A_83 = arith.constant 16 : i32
      %mul3A_84 = arith.muli %scan3A_21, %mul3A_83 : i32
      %get3A_85 = arith.constant 9 : i32
      %get3A_86 = arith.index_cast %get3A_85 : i32 to index
      %get3A_87 = arith.index_cast %mul3A_84 : i32 to index
      %get3A_88 = tpu.vector_load %arg4[%get3A_86, %get3A_87] {strides = array<i32>} : memref<16x2016xf32, #tpu.memory_space<vmem>>, vector<16xf32>,
      %add3A_89 = arith.addf %add3A_82, %get3A_88 : vector<16xf32>
      %mul3A_90 = arith.constant 16 : i32
      %mul3A_91 = arith.muli %scan3A_21, %mul3A_90 : i32
      %get3A_92 = arith.constant 10 : i32
      %get3A_93 = arith.index_cast %get3A_92 : i32 to index
      %get3A_94 = arith.index_cast %mul3A_91 : i32 to index
      %get3A_95 = tpu.vector_load %arg4[%get3A_93, %get3A_94] {strides = array<i32>} : memref<16x2016xf32, #tpu.memory_space<vmem>>, vector<16xf32>,
      %add3A_96 = arith.addf %add3A_89, %get3A_95 : vector<16xf32>
      %mul3A_97 = arith.constant 16 : i32
      %mul3A_98 = arith.muli %scan3A_21, %mul3A_97 : i32
      %get3A_99 = arith.constant 11 : i32
      %get3A_100 = arith.index_cast %get3A_99 : i32 to index
      %get3A_101 = arith.index_cast %mul3A_98 : i32 to index
      %get3A_102 = tpu.vector_load %arg4[%get3A_100, %get3A_101] {strides = array<i32>} : memref<16x2016xf32, #tpu.memory_space<vmem>>, vector<16xf32>,
      %add3A_103 = arith.addf %add3A_96, %get3A_102 : vector<16xf32>
      %mul3A_104 = arith.constant 16 : i32
      %mul3A_105 = arith.muli %scan3A_21, %mul3A_104 : i32
      %get3A_106 = arith.constant 12 : i32
      %get3A_107 = arith.index_cast %get3A_106 : i32 to index
      %get3A_108 = arith.index_cast %mul3A_105 : i32 to index
      %get3A_109 = tpu.vector_load %arg4[%get3A_107, %get3A_108] {strides = array<i32>} : memref<16x2016xf32, #tpu.memory_space<vmem>>, vector<16xf32>,
      %add3A_110 = arith.addf %add3A_103, %get3A_109 : vector<16xf32>
      %mul3A_111 = arith.constant 16 : i32
      %mul3A_112 = arith.muli %scan3A_21, %mul3A_111 : i32
      %get3A_113 = arith.constant 13 : i32
      %get3A_114 = arith.index_cast %get3A_113 : i32 to index
      %get3A_115 = arith.index_cast %mul3A_112 : i32 to index
      %get3A_116 = tpu.vector_load %arg4[%get3A_114, %get3A_115] {strides = array<i32>} : memref<16x2016xf32, #tpu.memory_space<vmem>>, vector<16xf32>,
      %add3A_117 = arith.addf %add3A_110, %get3A_116 : vector<16xf32>
      %mul3A_118 = arith.constant 16 : i32
      %mul3A_119 = arith.muli %scan3A_21, %mul3A_118 : i32
      %get3A_120 = arith.constant 14 : i32
      %get3A_121 = arith.index_cast %get3A_120 : i32 to index
      %get3A_122 = arith.index_cast %mul3A_119 : i32 to index
      %get3A_123 = tpu.vector_load %arg4[%get3A_121, %get3A_122] {strides = array<i32>} : memref<16x2016xf32, #tpu.memory_space<vmem>>, vector<16xf32>,
      %add3A_124 = arith.addf %add3A_117, %get3A_123 : vector<16xf32>
      %mul3A_125 = arith.constant 16 : i32
      %mul3A_126 = arith.muli %scan3A_21, %mul3A_125 : i32
      %get3A_127 = arith.constant 15 : i32
      %get3A_128 = arith.index_cast %get3A_127 : i32 to index
      %get3A_129 = arith.index_cast %mul3A_126 : i32 to index
      %get3A_130 = tpu.vector_load %arg4[%get3A_128, %get3A_129] {strides = array<i32>} : memref<16x2016xf32, #tpu.memory_space<vmem>>, vector<16xf32>,
      %add3A_131 = arith.addf %add3A_124, %get3A_130 : vector<16xf32>
      %mul3A_132 = arith.constant 16 : i32
      %mul3A_133 = arith.muli %scan3A_21, %mul3A_132 : i32
      %swap3A = arith.index_cast %mul3A_133 : i32 to index
      %swap3A_134 = tpu.vector_load %arg5[%swap3A] {strides = array<i32>} : memref<2016xf32, #tpu.memory_space<vmem>>, vector<16xf32>,
      tpu.vector_store %arg5[%swap3A], %add3A_131 {strides = array<i32>} : memref<2016xf32, #tpu.memory_space<vmem>>, vector<16xf32>,
    }
    %scan3A_20 = arith.constant 126 : i32
    "tpu.region"() ({
      %run_scoped3A = tpu.sem_alloc : memref<!tpu.dma_semaphore, #tpu.memory_space<semaphore_mem>>
      %dma_start3A = arith.constant 0 : i32
      %dma_start3A_21 = tpu.memref_slice %arg3[%add3A, %dma_start3A] : memref<32x2016xf32, #tpu.memory_space<hbm>> -> memref<1x2016xf32, #tpu.memory_space<hbm>>
      %dma_start3A_22 = tpu.memref_squeeze %dma_start3A_21 : memref<1x2016xf32, #tpu.memory_space<hbm>> -> memref<2016xf32, #tpu.memory_space<hbm>>
      %dma_start3A_23 = arith.constant 0 : i32
      %dma_start3A_24 = tpu.memref_slice %arg3[%add3A, %dma_start3A_23] : memref<32x2016xf32, #tpu.memory_space<hbm>> -> memref<1x2016xf32, #tpu.memory_space<hbm>>
      %dma_start3A_25 = tpu.memref_squeeze %dma_start3A_24 : memref<1x2016xf32, #tpu.memory_space<hbm>> -> memref<2016xf32, #tpu.memory_space<hbm>>
      tpu.enqueue_dma source(%arg5 : memref<2016xf32, #tpu.memory_space<vmem>>) target(%dma_start3A_25 : memref<2016xf32, #tpu.memory_space<hbm>>) target_semaphore(%run_scoped3A : memref<!tpu.dma_semaphore, #tpu.memory_space<semaphore_mem>>)
      %dma_wait3A = arith.constant 0 : i32
      %dma_wait3A_26 = tpu.memref_slice %arg3[%add3A, %dma_wait3A] : memref<32x2016xf32, #tpu.memory_space<hbm>> -> memref<1x2016xf32, #tpu.memory_space<hbm>>
      %dma_wait3A_27 = tpu.memref_squeeze %dma_wait3A_26 : memref<1x2016xf32, #tpu.memory_space<hbm>> -> memref<2016xf32, #tpu.memory_space<hbm>>
      %dma_wait3A_28 = arith.constant 0 : i32
      %dma_wait3A_29 = tpu.memref_slice %arg3[%add3A, %dma_wait3A_28] : memref<32x2016xf32, #tpu.memory_space<hbm>> -> memref<1x2016xf32, #tpu.memory_space<hbm>>
      %dma_wait3A_30 = tpu.memref_squeeze %dma_wait3A_29 : memref<1x2016xf32, #tpu.memory_space<hbm>> -> memref<2016xf32, #tpu.memory_space<hbm>>
      tpu.wait_dma2 semaphore(%run_scoped3A : memref<!tpu.dma_semaphore, #tpu.memory_space<semaphore_mem>>) src(%arg5 : memref<2016xf32, #tpu.memory_space<vmem>>) dst(%dma_wait3A_30 : memref<2016xf32, #tpu.memory_space<hbm>>)
      tpu.yield
    }) : () -> ()
    return
  }
}

#map = affine_map<(d0, d1) -> (0)>
#map1 = affine_map<(d0, d1) -> (0, 0)>
module attributes {stable_mosaic.version = 14 : i64} {
  func.func @_gather_kernel_body(%arg0: i32, %arg1: i32, %arg2: memref<16384xi32, #tpu.memory_space<hbm>>, %arg3: memref<16384xi32, #tpu.memory_space<hbm>>, %arg4: memref<1000000x64xf32, #tpu.memory_space<hbm>>, %arg5: memref<1000000x64xf32, #tpu.memory_space<hbm>>, %arg6: memref<16384x64xf32, #tpu.memory_space<hbm>>, %arg7: memref<16384x64xf32, #tpu.memory_space<hbm>>, %arg8: memref<128xi32, #tpu.memory_space<vmem>>, %arg9: memref<128xi32, #tpu.memory_space<vmem>>, %arg10: memref<128x64xf32, #tpu.memory_space<vmem>>, %arg11: memref<128x64xf32, #tpu.memory_space<vmem>>, %arg12: memref<!tpu.dma_semaphore, #tpu.memory_space<semaphore_mem>>, %arg13: memref<!tpu.dma_semaphore, #tpu.memory_space<semaphore_mem>>) attributes {dimension_semantics = [#tpu.dimension_semantics<core_parallel>, #tpu.dimension_semantics<subcore_parallel>], iteration_bounds = array<i64: 2, 16>, scalar_prefetch = 0 : i64, scratch_operands = 6 : i64, tpu.core_type = #tpu.core_type<sc_vector_subcore>, window_params = [{transform_indices = #map}, {transform_indices = #map}, {transform_indices = #map1}, {transform_indices = #map1}, {transform_indices = #map1}, {transform_indices = #map1}]} {
    %mul3A = arith.constant 2 : i32
    %mul3A_0 = arith.muli %arg1, %mul3A : i32
    %add3A = arith.addi %mul3A_0, %arg0 : i32
    %mul3A_1 = arith.constant 512 : i32
    %mul3A_2 = arith.muli %add3A, %mul3A_1 : i32
    %scan3A = arith.constant 0 : i32
    %scan3A_3 = arith.constant 0 : i32
    %scan3A_4 = arith.constant 4 : i32
    %scan3A_5 = arith.addi %scan3A_3, %scan3A_4 : i32
    %scan3A_6 = arith.constant 1 : i32
    scf.for %scan3A_8 = %scan3A_3 to %scan3A_5 step %scan3A_6  : i32 {
      %mul3A_9 = arith.constant 128 : i32
      %mul3A_10 = arith.muli %scan3A_8, %mul3A_9 : i32
      %add3A_11 = arith.addi %mul3A_2, %mul3A_10 : i32
      "tpu.region"() ({
        %run_scoped3A = tpu.sem_alloc : memref<!tpu.dma_semaphore, #tpu.memory_space<semaphore_mem>>
        %dma_start3A_22 = tpu.memref_slice %arg2[%add3A_11] : memref<16384xi32, #tpu.memory_space<hbm>> -> memref<128xi32, #tpu.memory_space<hbm>>
        %dma_start3A_23 = tpu.memref_slice %arg2[%add3A_11] : memref<16384xi32, #tpu.memory_space<hbm>> -> memref<128xi32, #tpu.memory_space<hbm>>
        tpu.enqueue_dma source(%dma_start3A_23 : memref<128xi32, #tpu.memory_space<hbm>>) target(%arg8 : memref<128xi32, #tpu.memory_space<vmem>>) target_semaphore(%run_scoped3A : memref<!tpu.dma_semaphore, #tpu.memory_space<semaphore_mem>>)
        %dma_wait3A_24 = tpu.memref_slice %arg2[%add3A_11] : memref<16384xi32, #tpu.memory_space<hbm>> -> memref<128xi32, #tpu.memory_space<hbm>>
        %dma_wait3A_25 = tpu.memref_slice %arg2[%add3A_11] : memref<16384xi32, #tpu.memory_space<hbm>> -> memref<128xi32, #tpu.memory_space<hbm>>
        tpu.wait_dma2 semaphore(%run_scoped3A : memref<!tpu.dma_semaphore, #tpu.memory_space<semaphore_mem>>) src(%dma_wait3A_25 : memref<128xi32, #tpu.memory_space<hbm>>) dst(%arg8 : memref<128xi32, #tpu.memory_space<vmem>>)
        tpu.yield
      }) : () -> ()
      "tpu.region"() ({
        %run_scoped3A = tpu.sem_alloc : memref<!tpu.dma_semaphore, #tpu.memory_space<semaphore_mem>>
        %dma_start3A_22 = tpu.memref_slice %arg3[%add3A_11] : memref<16384xi32, #tpu.memory_space<hbm>> -> memref<128xi32, #tpu.memory_space<hbm>>
        %dma_start3A_23 = tpu.memref_slice %arg3[%add3A_11] : memref<16384xi32, #tpu.memory_space<hbm>> -> memref<128xi32, #tpu.memory_space<hbm>>
        tpu.enqueue_dma source(%dma_start3A_23 : memref<128xi32, #tpu.memory_space<hbm>>) target(%arg9 : memref<128xi32, #tpu.memory_space<vmem>>) target_semaphore(%run_scoped3A : memref<!tpu.dma_semaphore, #tpu.memory_space<semaphore_mem>>)
        %dma_wait3A_24 = tpu.memref_slice %arg3[%add3A_11] : memref<16384xi32, #tpu.memory_space<hbm>> -> memref<128xi32, #tpu.memory_space<hbm>>
        %dma_wait3A_25 = tpu.memref_slice %arg3[%add3A_11] : memref<16384xi32, #tpu.memory_space<hbm>> -> memref<128xi32, #tpu.memory_space<hbm>>
        tpu.wait_dma2 semaphore(%run_scoped3A : memref<!tpu.dma_semaphore, #tpu.memory_space<semaphore_mem>>) src(%dma_wait3A_25 : memref<128xi32, #tpu.memory_space<hbm>>) dst(%arg9 : memref<128xi32, #tpu.memory_space<vmem>>)
        tpu.yield
      }) : () -> ()
      %dma_start3A = arith.constant 0 : i32
      %dma_start3A_12 = arith.constant 0 : i32
      %dma_start3A_13 = tpu.memref_slice %arg4[%dma_start3A, %dma_start3A_12] : memref<1000000x64xf32, #tpu.memory_space<hbm>> -> memref<1000000x64xf32, #tpu.memory_space<hbm>>
      tpu.enqueue_indirect_dma source(%dma_start3A_13 : memref<1000000x64xf32, #tpu.memory_space<hbm>>) target(%arg10 : memref<128x64xf32, #tpu.memory_space<vmem>>) offsets(%arg8 : memref<128xi32, #tpu.memory_space<vmem>>) semaphore(%arg12 : memref<!tpu.dma_semaphore, #tpu.memory_space<semaphore_mem>>)
      %dma_start3A_14 = arith.constant 0 : i32
      %dma_start3A_15 = arith.constant 0 : i32
      %dma_start3A_16 = tpu.memref_slice %arg5[%dma_start3A_14, %dma_start3A_15] : memref<1000000x64xf32, #tpu.memory_space<hbm>> -> memref<1000000x64xf32, #tpu.memory_space<hbm>>
      tpu.enqueue_indirect_dma source(%dma_start3A_16 : memref<1000000x64xf32, #tpu.memory_space<hbm>>) target(%arg11 : memref<128x64xf32, #tpu.memory_space<vmem>>) offsets(%arg9 : memref<128xi32, #tpu.memory_space<vmem>>) semaphore(%arg13 : memref<!tpu.dma_semaphore, #tpu.memory_space<semaphore_mem>>)
      %dma_wait3A = arith.constant 0 : i32
      %dma_wait3A_17 = arith.constant 0 : i32
      %dma_wait3A_18 = tpu.memref_slice %arg4[%dma_wait3A, %dma_wait3A_17] : memref<1000000x64xf32, #tpu.memory_space<hbm>> -> memref<1000000x64xf32, #tpu.memory_space<hbm>>
      tpu.wait_indirect_dma semaphore(%arg12 : memref<!tpu.dma_semaphore, #tpu.memory_space<semaphore_mem>>) src(%dma_wait3A_18 : memref<1000000x64xf32, #tpu.memory_space<hbm>>) dst(%arg10 : memref<128x64xf32, #tpu.memory_space<vmem>>)
      %dma_wait3A_19 = arith.constant 0 : i32
      %dma_wait3A_20 = arith.constant 0 : i32
      %dma_wait3A_21 = tpu.memref_slice %arg5[%dma_wait3A_19, %dma_wait3A_20] : memref<1000000x64xf32, #tpu.memory_space<hbm>> -> memref<1000000x64xf32, #tpu.memory_space<hbm>>
      tpu.wait_indirect_dma semaphore(%arg13 : memref<!tpu.dma_semaphore, #tpu.memory_space<semaphore_mem>>) src(%dma_wait3A_21 : memref<1000000x64xf32, #tpu.memory_space<hbm>>) dst(%arg11 : memref<128x64xf32, #tpu.memory_space<vmem>>)
      "tpu.region"() ({
        %run_scoped3A = tpu.sem_alloc : memref<!tpu.dma_semaphore, #tpu.memory_space<semaphore_mem>>
        %dma_start3A_22 = arith.constant 0 : i32
        %dma_start3A_23 = tpu.memref_slice %arg6[%add3A_11, %dma_start3A_22] : memref<16384x64xf32, #tpu.memory_space<hbm>> -> memref<128x64xf32, #tpu.memory_space<hbm>>
        %dma_start3A_24 = arith.constant 0 : i32
        %dma_start3A_25 = tpu.memref_slice %arg6[%add3A_11, %dma_start3A_24] : memref<16384x64xf32, #tpu.memory_space<hbm>> -> memref<128x64xf32, #tpu.memory_space<hbm>>
        tpu.enqueue_dma source(%arg10 : memref<128x64xf32, #tpu.memory_space<vmem>>) target(%dma_start3A_25 : memref<128x64xf32, #tpu.memory_space<hbm>>) target_semaphore(%run_scoped3A : memref<!tpu.dma_semaphore, #tpu.memory_space<semaphore_mem>>)
        %dma_wait3A_26 = arith.constant 0 : i32
        %dma_wait3A_27 = tpu.memref_slice %arg6[%add3A_11, %dma_wait3A_26] : memref<16384x64xf32, #tpu.memory_space<hbm>> -> memref<128x64xf32, #tpu.memory_space<hbm>>
        %dma_wait3A_28 = arith.constant 0 : i32
        %dma_wait3A_29 = tpu.memref_slice %arg6[%add3A_11, %dma_wait3A_28] : memref<16384x64xf32, #tpu.memory_space<hbm>> -> memref<128x64xf32, #tpu.memory_space<hbm>>
        tpu.wait_dma2 semaphore(%run_scoped3A : memref<!tpu.dma_semaphore, #tpu.memory_space<semaphore_mem>>) src(%arg10 : memref<128x64xf32, #tpu.memory_space<vmem>>) dst(%dma_wait3A_29 : memref<128x64xf32, #tpu.memory_space<hbm>>)
        tpu.yield
      }) : () -> ()
      "tpu.region"() ({
        %run_scoped3A = tpu.sem_alloc : memref<!tpu.dma_semaphore, #tpu.memory_space<semaphore_mem>>
        %dma_start3A_22 = arith.constant 0 : i32
        %dma_start3A_23 = tpu.memref_slice %arg7[%add3A_11, %dma_start3A_22] : memref<16384x64xf32, #tpu.memory_space<hbm>> -> memref<128x64xf32, #tpu.memory_space<hbm>>
        %dma_start3A_24 = arith.constant 0 : i32
        %dma_start3A_25 = tpu.memref_slice %arg7[%add3A_11, %dma_start3A_24] : memref<16384x64xf32, #tpu.memory_space<hbm>> -> memref<128x64xf32, #tpu.memory_space<hbm>>
        tpu.enqueue_dma source(%arg11 : memref<128x64xf32, #tpu.memory_space<vmem>>) target(%dma_start3A_25 : memref<128x64xf32, #tpu.memory_space<hbm>>) target_semaphore(%run_scoped3A : memref<!tpu.dma_semaphore, #tpu.memory_space<semaphore_mem>>)
        %dma_wait3A_26 = arith.constant 0 : i32
        %dma_wait3A_27 = tpu.memref_slice %arg7[%add3A_11, %dma_wait3A_26] : memref<16384x64xf32, #tpu.memory_space<hbm>> -> memref<128x64xf32, #tpu.memory_space<hbm>>
        %dma_wait3A_28 = arith.constant 0 : i32
        %dma_wait3A_29 = tpu.memref_slice %arg7[%add3A_11, %dma_wait3A_28] : memref<16384x64xf32, #tpu.memory_space<hbm>> -> memref<128x64xf32, #tpu.memory_space<hbm>>
        tpu.wait_dma2 semaphore(%run_scoped3A : memref<!tpu.dma_semaphore, #tpu.memory_space<semaphore_mem>>) src(%arg11 : memref<128x64xf32, #tpu.memory_space<vmem>>) dst(%dma_wait3A_29 : memref<128x64xf32, #tpu.memory_space<hbm>>)
        tpu.yield
      }) : () -> ()
    }
    %scan3A_7 = arith.constant 4 : i32
    return
  }
}

#map = affine_map<(d0, d1) -> (0)>
#map1 = affine_map<(d0, d1) -> (0, 0, 0)>
module attributes {stable_mosaic.version = 14 : i64} {
  func.func @_segment_kernel_body(%arg0: i32, %arg1: i32, %arg2: memref<64000000xf32, #tpu.memory_space<hbm>>, %arg3: memref<1000000xi32, #tpu.memory_space<hbm>>, %arg4: memref<32x2000x64xf32, #tpu.memory_space<hbm>>, %arg5: memref<1024xf32, #tpu.memory_space<vmem>>, %arg6: memref<1024xf32, #tpu.memory_space<vmem>>, %arg7: memref<16xi32, #tpu.memory_space<vmem>>, %arg8: memref<16xi32, #tpu.memory_space<vmem>>, %arg9: memref<2000x64xf32, #tpu.memory_space<vmem>>, %arg10: memref<!tpu.dma_semaphore, #tpu.memory_space<semaphore_mem>>, %arg11: memref<!tpu.dma_semaphore, #tpu.memory_space<semaphore_mem>>) attributes {dimension_semantics = [#tpu.dimension_semantics<core_parallel>, #tpu.dimension_semantics<subcore_parallel>], iteration_bounds = array<i64: 2, 16>, scalar_prefetch = 0 : i64, scratch_operands = 7 : i64, tpu.core_type = #tpu.core_type<sc_vector_subcore>, window_params = [{transform_indices = #map}, {transform_indices = #map}, {transform_indices = #map1}]} {
    %mul3A = arith.constant 2 : i32
    %mul3A_0 = arith.muli %arg1, %mul3A : i32
    %add3A = arith.addi %mul3A_0, %arg0 : i32
    %broadcast_in_dim3A = arith.constant 0.000000e+00 : f32
    %broadcast_in_dim3A_1 = vector.broadcast %broadcast_in_dim3A : f32 to vector<16xf32>
    %iota3A = tpu.iota {dimensions = array<i32: 0>} : vector<16xi32>
    %scan3A = arith.constant 0 : i32
    %scan3A_2 = arith.constant 0 : i32
    %scan3A_3 = arith.constant 2000 : i32
    %scan3A_4 = arith.addi %scan3A_2, %scan3A_3 : i32
    %scan3A_5 = arith.constant 1 : i32
    scf.for %scan3A_30 = %scan3A_2 to %scan3A_4 step %scan3A_5  : i32 {
      %swap3A = arith.index_cast %scan3A_30 : i32 to index
      %swap3A_31 = arith.constant 0 : index
      %swap3A_32 = tpu.vector_load %arg9[%swap3A, %swap3A_31] {strides = array<i32>} : memref<2000x64xf32, #tpu.memory_space<vmem>>, vector<16xf32>,
      tpu.vector_store %arg9[%swap3A, %swap3A_31], %broadcast_in_dim3A_1 {strides = array<i32>} : memref<2000x64xf32, #tpu.memory_space<vmem>>, vector<16xf32>,
      %swap3A_33 = arith.index_cast %scan3A_30 : i32 to index
      %swap3A_34 = arith.constant 16 : index
      %swap3A_35 = tpu.vector_load %arg9[%swap3A_33, %swap3A_34] {strides = array<i32>} : memref<2000x64xf32, #tpu.memory_space<vmem>>, vector<16xf32>,
      tpu.vector_store %arg9[%swap3A_33, %swap3A_34], %broadcast_in_dim3A_1 {strides = array<i32>} : memref<2000x64xf32, #tpu.memory_space<vmem>>, vector<16xf32>,
      %swap3A_36 = arith.index_cast %scan3A_30 : i32 to index
      %swap3A_37 = arith.constant 32 : index
      %swap3A_38 = tpu.vector_load %arg9[%swap3A_36, %swap3A_37] {strides = array<i32>} : memref<2000x64xf32, #tpu.memory_space<vmem>>, vector<16xf32>,
      tpu.vector_store %arg9[%swap3A_36, %swap3A_37], %broadcast_in_dim3A_1 {strides = array<i32>} : memref<2000x64xf32, #tpu.memory_space<vmem>>, vector<16xf32>,
      %swap3A_39 = arith.index_cast %scan3A_30 : i32 to index
      %swap3A_40 = arith.constant 48 : index
      %swap3A_41 = tpu.vector_load %arg9[%swap3A_39, %swap3A_40] {strides = array<i32>} : memref<2000x64xf32, #tpu.memory_space<vmem>>, vector<16xf32>,
      tpu.vector_store %arg9[%swap3A_39, %swap3A_40], %broadcast_in_dim3A_1 {strides = array<i32>} : memref<2000x64xf32, #tpu.memory_space<vmem>>, vector<16xf32>,
    }
    %scan3A_6 = arith.constant 2000 : i32
    %mul3A_7 = arith.constant 1024 : i32
    %mul3A_8 = arith.muli %add3A, %mul3A_7 : i32
    %dma_start3A = tpu.memref_slice %arg2[%mul3A_8] : memref<64000000xf32, #tpu.memory_space<hbm>> -> memref<1024xf32, #tpu.memory_space<hbm>>
    %dma_start3A_9 = tpu.memref_slice %arg2[%mul3A_8] : memref<64000000xf32, #tpu.memory_space<hbm>> -> memref<1024xf32, #tpu.memory_space<hbm>>
    tpu.enqueue_dma source(%dma_start3A_9 : memref<1024xf32, #tpu.memory_space<hbm>>) target(%arg5 : memref<1024xf32, #tpu.memory_space<vmem>>) target_semaphore(%arg10 : memref<!tpu.dma_semaphore, #tpu.memory_space<semaphore_mem>>)
    %mul3A_10 = arith.constant 16 : i32
    %mul3A_11 = arith.muli %add3A, %mul3A_10 : i32
    %dma_start3A_12 = tpu.memref_slice %arg3[%mul3A_11] : memref<1000000xi32, #tpu.memory_space<hbm>> -> memref<16xi32, #tpu.memory_space<hbm>>
    %dma_start3A_13 = tpu.memref_slice %arg3[%mul3A_11] : memref<1000000xi32, #tpu.memory_space<hbm>> -> memref<16xi32, #tpu.memory_space<hbm>>
    tpu.enqueue_dma source(%dma_start3A_13 : memref<16xi32, #tpu.memory_space<hbm>>) target(%arg7 : memref<16xi32, #tpu.memory_space<vmem>>) target_semaphore(%arg10 : memref<!tpu.dma_semaphore, #tpu.memory_space<semaphore_mem>>)
    %add3A_14 = arith.constant 32 : i32
    %add3A_15 = arith.addi %add3A, %add3A_14 : i32
    %mul3A_16 = arith.constant 1024 : i32
    %mul3A_17 = arith.muli %add3A_15, %mul3A_16 : i32
    %dma_start3A_18 = tpu.memref_slice %arg2[%mul3A_17] : memref<64000000xf32, #tpu.memory_space<hbm>> -> memref<1024xf32, #tpu.memory_space<hbm>>
    %dma_start3A_19 = tpu.memref_slice %arg2[%mul3A_17] : memref<64000000xf32, #tpu.memory_space<hbm>> -> memref<1024xf32, #tpu.memory_space<hbm>>
    tpu.enqueue_dma source(%dma_start3A_19 : memref<1024xf32, #tpu.memory_space<hbm>>) target(%arg6 : memref<1024xf32, #tpu.memory_space<vmem>>) target_semaphore(%arg11 : memref<!tpu.dma_semaphore, #tpu.memory_space<semaphore_mem>>)
    %mul3A_20 = arith.constant 16 : i32
    %mul3A_21 = arith.muli %add3A_15, %mul3A_20 : i32
    %dma_start3A_22 = tpu.memref_slice %arg3[%mul3A_21] : memref<1000000xi32, #tpu.memory_space<hbm>> -> memref<16xi32, #tpu.memory_space<hbm>>
    %dma_start3A_23 = tpu.memref_slice %arg3[%mul3A_21] : memref<1000000xi32, #tpu.memory_space<hbm>> -> memref<16xi32, #tpu.memory_space<hbm>>
    tpu.enqueue_dma source(%dma_start3A_23 : memref<16xi32, #tpu.memory_space<hbm>>) target(%arg8 : memref<16xi32, #tpu.memory_space<vmem>>) target_semaphore(%arg11 : memref<!tpu.dma_semaphore, #tpu.memory_space<semaphore_mem>>)
    %scan3A_24 = arith.constant 0 : i32
    %scan3A_25 = arith.constant 0 : i32
    %scan3A_26 = arith.constant 977 : i32
    %scan3A_27 = arith.addi %scan3A_25, %scan3A_26 : i32
    %scan3A_28 = arith.constant 1 : i32
    scf.for %scan3A_30 = %scan3A_25 to %scan3A_27 step %scan3A_28  : i32 {
      %mul3A_31 = arith.constant 2 : i32
      %mul3A_32 = arith.muli %mul3A_31, %scan3A_30 : i32
      %mul3A_33 = arith.constant 32 : i32
      %mul3A_34 = arith.muli %mul3A_33, %mul3A_32 : i32
      %add3A_35 = arith.addi %add3A, %mul3A_34 : i32
      %lt3A = arith.constant 62500 : i32
      %lt3A_36 = arith.cmpi slt, %add3A_35, %lt3A : i32
      %convert_element_type3A = arith.extui %lt3A_36 : i1 to i32
      %cond3A = arith.constant 0 : i32
      %cond3A_37 = arith.cmpi ne, %convert_element_type3A, %cond3A : i32
      scf.if %cond3A_37 {
        %mul3A_50 = arith.constant 1024 : i32
        %mul3A_51 = arith.muli %add3A_35, %mul3A_50 : i32
        %dma_wait3A = tpu.memref_slice %arg2[%mul3A_51] : memref<64000000xf32, #tpu.memory_space<hbm>> -> memref<1024xf32, #tpu.memory_space<hbm>>
        %dma_wait3A_52 = tpu.memref_slice %arg2[%mul3A_51] : memref<64000000xf32, #tpu.memory_space<hbm>> -> memref<1024xf32, #tpu.memory_space<hbm>>
        tpu.wait_dma2 semaphore(%arg10 : memref<!tpu.dma_semaphore, #tpu.memory_space<semaphore_mem>>) src(%dma_wait3A_52 : memref<1024xf32, #tpu.memory_space<hbm>>) dst(%arg5 : memref<1024xf32, #tpu.memory_space<vmem>>)
        %mul3A_53 = arith.constant 16 : i32
        %mul3A_54 = arith.muli %add3A_35, %mul3A_53 : i32
        %dma_wait3A_55 = tpu.memref_slice %arg3[%mul3A_54] : memref<1000000xi32, #tpu.memory_space<hbm>> -> memref<16xi32, #tpu.memory_space<hbm>>
        %dma_wait3A_56 = tpu.memref_slice %arg3[%mul3A_54] : memref<1000000xi32, #tpu.memory_space<hbm>> -> memref<16xi32, #tpu.memory_space<hbm>>
        tpu.wait_dma2 semaphore(%arg10 : memref<!tpu.dma_semaphore, #tpu.memory_space<semaphore_mem>>) src(%dma_wait3A_56 : memref<16xi32, #tpu.memory_space<hbm>>) dst(%arg7 : memref<16xi32, #tpu.memory_space<vmem>>)
        %get3A = arith.constant 0 : index
        %get3A_57 = tpu.vector_load %arg7[%get3A] {strides = array<i32>} : memref<16xi32, #tpu.memory_space<vmem>>, vector<16xi32>,
        %scan3A_58 = arith.constant 0 : i32
        %scan3A_59 = arith.constant 4 : i32
        %scan3A_60 = arith.addi %scan3A_58, %scan3A_59 : i32
        %scan3A_61 = arith.constant 1 : i32
        %scan3A_62 = scf.for %scan3A_111 = %scan3A_58 to %scan3A_60 step %scan3A_61 iter_args(%scan3A_112 = %broadcast_in_dim3A_1) -> (vector<16xf32>)  : i32 {
          %mul3A_113 = arith.constant 16 : i32
          %mul3A_114 = arith.muli %scan3A_111, %mul3A_113 : i32
          %add3A_115 = arith.constant 0 : i32
          %add3A_116 = arith.addi %mul3A_114, %add3A_115 : i32
          %add3A_117 = vector.broadcast %add3A_116 : i32 to vector<16xi32>
          %add3A_118 = arith.addi %iota3A, %add3A_117 : vector<16xi32>
          %and3A = arith.constant 63 : i32
          %and3A_119 = vector.broadcast %and3A : i32 to vector<16xi32>
          %and3A_120 = arith.andi %add3A_118, %and3A_119 : vector<16xi32>
          %mul3A_121 = arith.constant 64 : i32
          %mul3A_122 = vector.broadcast %mul3A_121 : i32 to vector<16xi32>
          %mul3A_123 = arith.muli %iota3A, %mul3A_122 : vector<16xi32>
          %add3A_124 = arith.addi %mul3A_123, %and3A_120 : vector<16xi32>
          %gather3A = tpu.vector_load_idx %arg5[%add3A_124] : memref<1024xf32, #tpu.memory_space<vmem>>[vector<16xi32>], vector<16xf32>,
          %mul3A_125 = arith.mulf %gather3A, %gather3A : vector<16xf32>
          %add3A_126 = arith.addf %scan3A_112, %mul3A_125 : vector<16xf32>
          %mul3A_127 = arith.constant 16 : i32
          %mul3A_128 = arith.muli %scan3A_111, %mul3A_127 : i32
          %add3A_129 = arith.constant 1 : i32
          %add3A_130 = arith.addi %mul3A_128, %add3A_129 : i32
          %add3A_131 = vector.broadcast %add3A_130 : i32 to vector<16xi32>
          %add3A_132 = arith.addi %iota3A, %add3A_131 : vector<16xi32>
          %and3A_133 = arith.constant 63 : i32
          %and3A_134 = vector.broadcast %and3A_133 : i32 to vector<16xi32>
          %and3A_135 = arith.andi %add3A_132, %and3A_134 : vector<16xi32>
          %mul3A_136 = arith.constant 64 : i32
          %mul3A_137 = vector.broadcast %mul3A_136 : i32 to vector<16xi32>
          %mul3A_138 = arith.muli %iota3A, %mul3A_137 : vector<16xi32>
          %add3A_139 = arith.addi %mul3A_138, %and3A_135 : vector<16xi32>
          %gather3A_140 = tpu.vector_load_idx %arg5[%add3A_139] : memref<1024xf32, #tpu.memory_space<vmem>>[vector<16xi32>], vector<16xf32>,
          %mul3A_141 = arith.mulf %gather3A_140, %gather3A_140 : vector<16xf32>
          %add3A_142 = arith.addf %add3A_126, %mul3A_141 : vector<16xf32>
          %mul3A_143 = arith.constant 16 : i32
          %mul3A_144 = arith.muli %scan3A_111, %mul3A_143 : i32
          %add3A_145 = arith.constant 2 : i32
          %add3A_146 = arith.addi %mul3A_144, %add3A_145 : i32
          %add3A_147 = vector.broadcast %add3A_146 : i32 to vector<16xi32>
          %add3A_148 = arith.addi %iota3A, %add3A_147 : vector<16xi32>
          %and3A_149 = arith.constant 63 : i32
          %and3A_150 = vector.broadcast %and3A_149 : i32 to vector<16xi32>
          %and3A_151 = arith.andi %add3A_148, %and3A_150 : vector<16xi32>
          %mul3A_152 = arith.constant 64 : i32
          %mul3A_153 = vector.broadcast %mul3A_152 : i32 to vector<16xi32>
          %mul3A_154 = arith.muli %iota3A, %mul3A_153 : vector<16xi32>
          %add3A_155 = arith.addi %mul3A_154, %and3A_151 : vector<16xi32>
          %gather3A_156 = tpu.vector_load_idx %arg5[%add3A_155] : memref<1024xf32, #tpu.memory_space<vmem>>[vector<16xi32>], vector<16xf32>,
          %mul3A_157 = arith.mulf %gather3A_156, %gather3A_156 : vector<16xf32>
          %add3A_158 = arith.addf %add3A_142, %mul3A_157 : vector<16xf32>
          %mul3A_159 = arith.constant 16 : i32
          %mul3A_160 = arith.muli %scan3A_111, %mul3A_159 : i32
          %add3A_161 = arith.constant 3 : i32
          %add3A_162 = arith.addi %mul3A_160, %add3A_161 : i32
          %add3A_163 = vector.broadcast %add3A_162 : i32 to vector<16xi32>
          %add3A_164 = arith.addi %iota3A, %add3A_163 : vector<16xi32>
          %and3A_165 = arith.constant 63 : i32
          %and3A_166 = vector.broadcast %and3A_165 : i32 to vector<16xi32>
          %and3A_167 = arith.andi %add3A_164, %and3A_166 : vector<16xi32>
          %mul3A_168 = arith.constant 64 : i32
          %mul3A_169 = vector.broadcast %mul3A_168 : i32 to vector<16xi32>
          %mul3A_170 = arith.muli %iota3A, %mul3A_169 : vector<16xi32>
          %add3A_171 = arith.addi %mul3A_170, %and3A_167 : vector<16xi32>
          %gather3A_172 = tpu.vector_load_idx %arg5[%add3A_171] : memref<1024xf32, #tpu.memory_space<vmem>>[vector<16xi32>], vector<16xf32>,
          %mul3A_173 = arith.mulf %gather3A_172, %gather3A_172 : vector<16xf32>
          %add3A_174 = arith.addf %add3A_158, %mul3A_173 : vector<16xf32>
          %mul3A_175 = arith.constant 16 : i32
          %mul3A_176 = arith.muli %scan3A_111, %mul3A_175 : i32
          %add3A_177 = arith.constant 4 : i32
          %add3A_178 = arith.addi %mul3A_176, %add3A_177 : i32
          %add3A_179 = vector.broadcast %add3A_178 : i32 to vector<16xi32>
          %add3A_180 = arith.addi %iota3A, %add3A_179 : vector<16xi32>
          %and3A_181 = arith.constant 63 : i32
          %and3A_182 = vector.broadcast %and3A_181 : i32 to vector<16xi32>
          %and3A_183 = arith.andi %add3A_180, %and3A_182 : vector<16xi32>
          %mul3A_184 = arith.constant 64 : i32
          %mul3A_185 = vector.broadcast %mul3A_184 : i32 to vector<16xi32>
          %mul3A_186 = arith.muli %iota3A, %mul3A_185 : vector<16xi32>
          %add3A_187 = arith.addi %mul3A_186, %and3A_183 : vector<16xi32>
          %gather3A_188 = tpu.vector_load_idx %arg5[%add3A_187] : memref<1024xf32, #tpu.memory_space<vmem>>[vector<16xi32>], vector<16xf32>,
          %mul3A_189 = arith.mulf %gather3A_188, %gather3A_188 : vector<16xf32>
          %add3A_190 = arith.addf %add3A_174, %mul3A_189 : vector<16xf32>
          %mul3A_191 = arith.constant 16 : i32
          %mul3A_192 = arith.muli %scan3A_111, %mul3A_191 : i32
          %add3A_193 = arith.constant 5 : i32
          %add3A_194 = arith.addi %mul3A_192, %add3A_193 : i32
          %add3A_195 = vector.broadcast %add3A_194 : i32 to vector<16xi32>
          %add3A_196 = arith.addi %iota3A, %add3A_195 : vector<16xi32>
          %and3A_197 = arith.constant 63 : i32
          %and3A_198 = vector.broadcast %and3A_197 : i32 to vector<16xi32>
          %and3A_199 = arith.andi %add3A_196, %and3A_198 : vector<16xi32>
          %mul3A_200 = arith.constant 64 : i32
          %mul3A_201 = vector.broadcast %mul3A_200 : i32 to vector<16xi32>
          %mul3A_202 = arith.muli %iota3A, %mul3A_201 : vector<16xi32>
          %add3A_203 = arith.addi %mul3A_202, %and3A_199 : vector<16xi32>
          %gather3A_204 = tpu.vector_load_idx %arg5[%add3A_203] : memref<1024xf32, #tpu.memory_space<vmem>>[vector<16xi32>], vector<16xf32>,
          %mul3A_205 = arith.mulf %gather3A_204, %gather3A_204 : vector<16xf32>
          %add3A_206 = arith.addf %add3A_190, %mul3A_205 : vector<16xf32>
          %mul3A_207 = arith.constant 16 : i32
          %mul3A_208 = arith.muli %scan3A_111, %mul3A_207 : i32
          %add3A_209 = arith.constant 6 : i32
          %add3A_210 = arith.addi %mul3A_208, %add3A_209 : i32
          %add3A_211 = vector.broadcast %add3A_210 : i32 to vector<16xi32>
          %add3A_212 = arith.addi %iota3A, %add3A_211 : vector<16xi32>
          %and3A_213 = arith.constant 63 : i32
          %and3A_214 = vector.broadcast %and3A_213 : i32 to vector<16xi32>
          %and3A_215 = arith.andi %add3A_212, %and3A_214 : vector<16xi32>
          %mul3A_216 = arith.constant 64 : i32
          %mul3A_217 = vector.broadcast %mul3A_216 : i32 to vector<16xi32>
          %mul3A_218 = arith.muli %iota3A, %mul3A_217 : vector<16xi32>
          %add3A_219 = arith.addi %mul3A_218, %and3A_215 : vector<16xi32>
          %gather3A_220 = tpu.vector_load_idx %arg5[%add3A_219] : memref<1024xf32, #tpu.memory_space<vmem>>[vector<16xi32>], vector<16xf32>,
          %mul3A_221 = arith.mulf %gather3A_220, %gather3A_220 : vector<16xf32>
          %add3A_222 = arith.addf %add3A_206, %mul3A_221 : vector<16xf32>
          %mul3A_223 = arith.constant 16 : i32
          %mul3A_224 = arith.muli %scan3A_111, %mul3A_223 : i32
          %add3A_225 = arith.constant 7 : i32
          %add3A_226 = arith.addi %mul3A_224, %add3A_225 : i32
          %add3A_227 = vector.broadcast %add3A_226 : i32 to vector<16xi32>
          %add3A_228 = arith.addi %iota3A, %add3A_227 : vector<16xi32>
          %and3A_229 = arith.constant 63 : i32
          %and3A_230 = vector.broadcast %and3A_229 : i32 to vector<16xi32>
          %and3A_231 = arith.andi %add3A_228, %and3A_230 : vector<16xi32>
          %mul3A_232 = arith.constant 64 : i32
          %mul3A_233 = vector.broadcast %mul3A_232 : i32 to vector<16xi32>
          %mul3A_234 = arith.muli %iota3A, %mul3A_233 : vector<16xi32>
          %add3A_235 = arith.addi %mul3A_234, %and3A_231 : vector<16xi32>
          %gather3A_236 = tpu.vector_load_idx %arg5[%add3A_235] : memref<1024xf32, #tpu.memory_space<vmem>>[vector<16xi32>], vector<16xf32>,
          %mul3A_237 = arith.mulf %gather3A_236, %gather3A_236 : vector<16xf32>
          %add3A_238 = arith.addf %add3A_222, %mul3A_237 : vector<16xf32>
          %mul3A_239 = arith.constant 16 : i32
          %mul3A_240 = arith.muli %scan3A_111, %mul3A_239 : i32
          %add3A_241 = arith.constant 8 : i32
          %add3A_242 = arith.addi %mul3A_240, %add3A_241 : i32
          %add3A_243 = vector.broadcast %add3A_242 : i32 to vector<16xi32>
          %add3A_244 = arith.addi %iota3A, %add3A_243 : vector<16xi32>
          %and3A_245 = arith.constant 63 : i32
          %and3A_246 = vector.broadcast %and3A_245 : i32 to vector<16xi32>
          %and3A_247 = arith.andi %add3A_244, %and3A_246 : vector<16xi32>
          %mul3A_248 = arith.constant 64 : i32
          %mul3A_249 = vector.broadcast %mul3A_248 : i32 to vector<16xi32>
          %mul3A_250 = arith.muli %iota3A, %mul3A_249 : vector<16xi32>
          %add3A_251 = arith.addi %mul3A_250, %and3A_247 : vector<16xi32>
          %gather3A_252 = tpu.vector_load_idx %arg5[%add3A_251] : memref<1024xf32, #tpu.memory_space<vmem>>[vector<16xi32>], vector<16xf32>,
          %mul3A_253 = arith.mulf %gather3A_252, %gather3A_252 : vector<16xf32>
          %add3A_254 = arith.addf %add3A_238, %mul3A_253 : vector<16xf32>
          %mul3A_255 = arith.constant 16 : i32
          %mul3A_256 = arith.muli %scan3A_111, %mul3A_255 : i32
          %add3A_257 = arith.constant 9 : i32
          %add3A_258 = arith.addi %mul3A_256, %add3A_257 : i32
          %add3A_259 = vector.broadcast %add3A_258 : i32 to vector<16xi32>
          %add3A_260 = arith.addi %iota3A, %add3A_259 : vector<16xi32>
          %and3A_261 = arith.constant 63 : i32
          %and3A_262 = vector.broadcast %and3A_261 : i32 to vector<16xi32>
          %and3A_263 = arith.andi %add3A_260, %and3A_262 : vector<16xi32>
          %mul3A_264 = arith.constant 64 : i32
          %mul3A_265 = vector.broadcast %mul3A_264 : i32 to vector<16xi32>
          %mul3A_266 = arith.muli %iota3A, %mul3A_265 : vector<16xi32>
          %add3A_267 = arith.addi %mul3A_266, %and3A_263 : vector<16xi32>
          %gather3A_268 = tpu.vector_load_idx %arg5[%add3A_267] : memref<1024xf32, #tpu.memory_space<vmem>>[vector<16xi32>], vector<16xf32>,
          %mul3A_269 = arith.mulf %gather3A_268, %gather3A_268 : vector<16xf32>
          %add3A_270 = arith.addf %add3A_254, %mul3A_269 : vector<16xf32>
          %mul3A_271 = arith.constant 16 : i32
          %mul3A_272 = arith.muli %scan3A_111, %mul3A_271 : i32
          %add3A_273 = arith.constant 10 : i32
          %add3A_274 = arith.addi %mul3A_272, %add3A_273 : i32
          %add3A_275 = vector.broadcast %add3A_274 : i32 to vector<16xi32>
          %add3A_276 = arith.addi %iota3A, %add3A_275 : vector<16xi32>
          %and3A_277 = arith.constant 63 : i32
          %and3A_278 = vector.broadcast %and3A_277 : i32 to vector<16xi32>
          %and3A_279 = arith.andi %add3A_276, %and3A_278 : vector<16xi32>
          %mul3A_280 = arith.constant 64 : i32
          %mul3A_281 = vector.broadcast %mul3A_280 : i32 to vector<16xi32>
          %mul3A_282 = arith.muli %iota3A, %mul3A_281 : vector<16xi32>
          %add3A_283 = arith.addi %mul3A_282, %and3A_279 : vector<16xi32>
          %gather3A_284 = tpu.vector_load_idx %arg5[%add3A_283] : memref<1024xf32, #tpu.memory_space<vmem>>[vector<16xi32>], vector<16xf32>,
          %mul3A_285 = arith.mulf %gather3A_284, %gather3A_284 : vector<16xf32>
          %add3A_286 = arith.addf %add3A_270, %mul3A_285 : vector<16xf32>
          %mul3A_287 = arith.constant 16 : i32
          %mul3A_288 = arith.muli %scan3A_111, %mul3A_287 : i32
          %add3A_289 = arith.constant 11 : i32
          %add3A_290 = arith.addi %mul3A_288, %add3A_289 : i32
          %add3A_291 = vector.broadcast %add3A_290 : i32 to vector<16xi32>
          %add3A_292 = arith.addi %iota3A, %add3A_291 : vector<16xi32>
          %and3A_293 = arith.constant 63 : i32
          %and3A_294 = vector.broadcast %and3A_293 : i32 to vector<16xi32>
          %and3A_295 = arith.andi %add3A_292, %and3A_294 : vector<16xi32>
          %mul3A_296 = arith.constant 64 : i32
          %mul3A_297 = vector.broadcast %mul3A_296 : i32 to vector<16xi32>
          %mul3A_298 = arith.muli %iota3A, %mul3A_297 : vector<16xi32>
          %add3A_299 = arith.addi %mul3A_298, %and3A_295 : vector<16xi32>
          %gather3A_300 = tpu.vector_load_idx %arg5[%add3A_299] : memref<1024xf32, #tpu.memory_space<vmem>>[vector<16xi32>], vector<16xf32>,
          %mul3A_301 = arith.mulf %gather3A_300, %gather3A_300 : vector<16xf32>
          %add3A_302 = arith.addf %add3A_286, %mul3A_301 : vector<16xf32>
          %mul3A_303 = arith.constant 16 : i32
          %mul3A_304 = arith.muli %scan3A_111, %mul3A_303 : i32
          %add3A_305 = arith.constant 12 : i32
          %add3A_306 = arith.addi %mul3A_304, %add3A_305 : i32
          %add3A_307 = vector.broadcast %add3A_306 : i32 to vector<16xi32>
          %add3A_308 = arith.addi %iota3A, %add3A_307 : vector<16xi32>
          %and3A_309 = arith.constant 63 : i32
          %and3A_310 = vector.broadcast %and3A_309 : i32 to vector<16xi32>
          %and3A_311 = arith.andi %add3A_308, %and3A_310 : vector<16xi32>
          %mul3A_312 = arith.constant 64 : i32
          %mul3A_313 = vector.broadcast %mul3A_312 : i32 to vector<16xi32>
          %mul3A_314 = arith.muli %iota3A, %mul3A_313 : vector<16xi32>
          %add3A_315 = arith.addi %mul3A_314, %and3A_311 : vector<16xi32>
          %gather3A_316 = tpu.vector_load_idx %arg5[%add3A_315] : memref<1024xf32, #tpu.memory_space<vmem>>[vector<16xi32>], vector<16xf32>,
          %mul3A_317 = arith.mulf %gather3A_316, %gather3A_316 : vector<16xf32>
          %add3A_318 = arith.addf %add3A_302, %mul3A_317 : vector<16xf32>
          %mul3A_319 = arith.constant 16 : i32
          %mul3A_320 = arith.muli %scan3A_111, %mul3A_319 : i32
          %add3A_321 = arith.constant 13 : i32
          %add3A_322 = arith.addi %mul3A_320, %add3A_321 : i32
          %add3A_323 = vector.broadcast %add3A_322 : i32 to vector<16xi32>
          %add3A_324 = arith.addi %iota3A, %add3A_323 : vector<16xi32>
          %and3A_325 = arith.constant 63 : i32
          %and3A_326 = vector.broadcast %and3A_325 : i32 to vector<16xi32>
          %and3A_327 = arith.andi %add3A_324, %and3A_326 : vector<16xi32>
          %mul3A_328 = arith.constant 64 : i32
          %mul3A_329 = vector.broadcast %mul3A_328 : i32 to vector<16xi32>
          %mul3A_330 = arith.muli %iota3A, %mul3A_329 : vector<16xi32>
          %add3A_331 = arith.addi %mul3A_330, %and3A_327 : vector<16xi32>
          %gather3A_332 = tpu.vector_load_idx %arg5[%add3A_331] : memref<1024xf32, #tpu.memory_space<vmem>>[vector<16xi32>], vector<16xf32>,
          %mul3A_333 = arith.mulf %gather3A_332, %gather3A_332 : vector<16xf32>
          %add3A_334 = arith.addf %add3A_318, %mul3A_333 : vector<16xf32>
          %mul3A_335 = arith.constant 16 : i32
          %mul3A_336 = arith.muli %scan3A_111, %mul3A_335 : i32
          %add3A_337 = arith.constant 14 : i32
          %add3A_338 = arith.addi %mul3A_336, %add3A_337 : i32
          %add3A_339 = vector.broadcast %add3A_338 : i32 to vector<16xi32>
          %add3A_340 = arith.addi %iota3A, %add3A_339 : vector<16xi32>
          %and3A_341 = arith.constant 63 : i32
          %and3A_342 = vector.broadcast %and3A_341 : i32 to vector<16xi32>
          %and3A_343 = arith.andi %add3A_340, %and3A_342 : vector<16xi32>
          %mul3A_344 = arith.constant 64 : i32
          %mul3A_345 = vector.broadcast %mul3A_344 : i32 to vector<16xi32>
          %mul3A_346 = arith.muli %iota3A, %mul3A_345 : vector<16xi32>
          %add3A_347 = arith.addi %mul3A_346, %and3A_343 : vector<16xi32>
          %gather3A_348 = tpu.vector_load_idx %arg5[%add3A_347] : memref<1024xf32, #tpu.memory_space<vmem>>[vector<16xi32>], vector<16xf32>,
          %mul3A_349 = arith.mulf %gather3A_348, %gather3A_348 : vector<16xf32>
          %add3A_350 = arith.addf %add3A_334, %mul3A_349 : vector<16xf32>
          %mul3A_351 = arith.constant 16 : i32
          %mul3A_352 = arith.muli %scan3A_111, %mul3A_351 : i32
          %add3A_353 = arith.constant 15 : i32
          %add3A_354 = arith.addi %mul3A_352, %add3A_353 : i32
          %add3A_355 = vector.broadcast %add3A_354 : i32 to vector<16xi32>
          %add3A_356 = arith.addi %iota3A, %add3A_355 : vector<16xi32>
          %and3A_357 = arith.constant 63 : i32
          %and3A_358 = vector.broadcast %and3A_357 : i32 to vector<16xi32>
          %and3A_359 = arith.andi %add3A_356, %and3A_358 : vector<16xi32>
          %mul3A_360 = arith.constant 64 : i32
          %mul3A_361 = vector.broadcast %mul3A_360 : i32 to vector<16xi32>
          %mul3A_362 = arith.muli %iota3A, %mul3A_361 : vector<16xi32>
          %add3A_363 = arith.addi %mul3A_362, %and3A_359 : vector<16xi32>
          %gather3A_364 = tpu.vector_load_idx %arg5[%add3A_363] : memref<1024xf32, #tpu.memory_space<vmem>>[vector<16xi32>], vector<16xf32>,
          %mul3A_365 = arith.mulf %gather3A_364, %gather3A_364 : vector<16xf32>
          %add3A_366 = arith.addf %add3A_350, %mul3A_365 : vector<16xf32>
          scf.yield %add3A_366 : vector<16xf32>
        }
        %scan3A_63 = arith.constant 4 : i32
        %bitcast3A = vector.bitcast %scan3A_62 : vector<16xf32> to vector<16xi32>
        %shift_right_arithmetic3A = arith.constant 1 : i32
        %shift_right_arithmetic3A_64 = vector.broadcast %shift_right_arithmetic3A : i32 to vector<16xi32>
        %shift_right_arithmetic3A_65 = arith.shrsi %bitcast3A, %shift_right_arithmetic3A_64 : vector<16xi32>
        %sub3A = arith.constant 1597463007 : i32
        %sub3A_66 = vector.broadcast %sub3A : i32 to vector<16xi32>
        %sub3A_67 = arith.subi %sub3A_66, %shift_right_arithmetic3A_65 : vector<16xi32>
        %bitcast3A_68 = vector.bitcast %sub3A_67 : vector<16xi32> to vector<16xf32>
        %mul3A_69 = arith.constant 5.000000e-01 : f32
        %mul3A_70 = vector.broadcast %mul3A_69 : f32 to vector<16xf32>
        %mul3A_71 = arith.mulf %scan3A_62, %mul3A_70 : vector<16xf32>
        %mul3A_72 = arith.mulf %mul3A_71, %bitcast3A_68 : vector<16xf32>
        %mul3A_73 = arith.mulf %mul3A_72, %bitcast3A_68 : vector<16xf32>
        %sub3A_74 = arith.constant 1.500000e+00 : f32
        %sub3A_75 = vector.broadcast %sub3A_74 : f32 to vector<16xf32>
        %sub3A_76 = arith.subf %sub3A_75, %mul3A_73 : vector<16xf32>
        %mul3A_77 = arith.mulf %bitcast3A_68, %sub3A_76 : vector<16xf32>
        %mul3A_78 = arith.mulf %mul3A_71, %mul3A_77 : vector<16xf32>
        %mul3A_79 = arith.mulf %mul3A_78, %mul3A_77 : vector<16xf32>
        %sub3A_80 = arith.constant 1.500000e+00 : f32
        %sub3A_81 = vector.broadcast %sub3A_80 : f32 to vector<16xf32>
        %sub3A_82 = arith.subf %sub3A_81, %mul3A_79 : vector<16xf32>
        %mul3A_83 = arith.mulf %mul3A_77, %sub3A_82 : vector<16xf32>
        %mul3A_84 = arith.mulf %mul3A_71, %mul3A_83 : vector<16xf32>
        %mul3A_85 = arith.mulf %mul3A_84, %mul3A_83 : vector<16xf32>
        %sub3A_86 = arith.constant 1.500000e+00 : f32
        %sub3A_87 = vector.broadcast %sub3A_86 : f32 to vector<16xf32>
        %sub3A_88 = arith.subf %sub3A_87, %mul3A_85 : vector<16xf32>
        %mul3A_89 = arith.mulf %mul3A_83, %sub3A_88 : vector<16xf32>
        %mul3A_90 = arith.mulf %mul3A_71, %mul3A_89 : vector<16xf32>
        %mul3A_91 = arith.mulf %mul3A_90, %mul3A_89 : vector<16xf32>
        %sub3A_92 = arith.constant 1.500000e+00 : f32
        %sub3A_93 = vector.broadcast %sub3A_92 : f32 to vector<16xf32>
        %sub3A_94 = arith.subf %sub3A_93, %mul3A_91 : vector<16xf32>
        %mul3A_95 = arith.mulf %mul3A_89, %sub3A_94 : vector<16xf32>
        %min3A = arith.constant 9.99999995E+11 : f32
        %min3A_96 = vector.broadcast %min3A : f32 to vector<16xf32>
        %min3A_97 = arith.minimumf %mul3A_95, %min3A_96 : vector<16xf32>
        %scan3A_98 = arith.constant 0 : i32
        %scan3A_99 = arith.constant 0 : i32
        %scan3A_100 = arith.constant 4 : i32
        %scan3A_101 = arith.addi %scan3A_99, %scan3A_100 : i32
        %scan3A_102 = arith.constant 1 : i32
        scf.for %scan3A_111 = %scan3A_99 to %scan3A_101 step %scan3A_102  : i32 {
          %mul3A_112 = arith.constant 16 : i32
          %mul3A_113 = arith.muli %scan3A_111, %mul3A_112 : i32
          %add3A_114 = arith.constant 0 : i32
          %add3A_115 = arith.addi %mul3A_113, %add3A_114 : i32
          %add3A_116 = vector.broadcast %add3A_115 : i32 to vector<16xi32>
          %add3A_117 = arith.addi %iota3A, %add3A_116 : vector<16xi32>
          %and3A = arith.constant 63 : i32
          %and3A_118 = vector.broadcast %and3A : i32 to vector<16xi32>
          %and3A_119 = arith.andi %add3A_117, %and3A_118 : vector<16xi32>
          %mul3A_120 = arith.constant 64 : i32
          %mul3A_121 = vector.broadcast %mul3A_120 : i32 to vector<16xi32>
          %mul3A_122 = arith.muli %iota3A, %mul3A_121 : vector<16xi32>
          %add3A_123 = arith.addi %mul3A_122, %and3A_119 : vector<16xi32>
          %gather3A = tpu.vector_load_idx %arg5[%add3A_123] : memref<1024xf32, #tpu.memory_space<vmem>>[vector<16xi32>], vector<16xf32>,
          %mul3A_124 = arith.mulf %gather3A, %min3A_97 : vector<16xf32>
          tpu.vector_store_idx %arg9[%get3A_57, %and3A_119], %mul3A_124 {add = true} : memref<2000x64xf32, #tpu.memory_space<vmem>>[vector<16xi32>, vector<16xi32>], vector<16xf32>,
          %mul3A_125 = arith.constant 16 : i32
          %mul3A_126 = arith.muli %scan3A_111, %mul3A_125 : i32
          %add3A_127 = arith.constant 1 : i32
          %add3A_128 = arith.addi %mul3A_126, %add3A_127 : i32
          %add3A_129 = vector.broadcast %add3A_128 : i32 to vector<16xi32>
          %add3A_130 = arith.addi %iota3A, %add3A_129 : vector<16xi32>
          %and3A_131 = arith.constant 63 : i32
          %and3A_132 = vector.broadcast %and3A_131 : i32 to vector<16xi32>
          %and3A_133 = arith.andi %add3A_130, %and3A_132 : vector<16xi32>
          %mul3A_134 = arith.constant 64 : i32
          %mul3A_135 = vector.broadcast %mul3A_134 : i32 to vector<16xi32>
          %mul3A_136 = arith.muli %iota3A, %mul3A_135 : vector<16xi32>
          %add3A_137 = arith.addi %mul3A_136, %and3A_133 : vector<16xi32>
          %gather3A_138 = tpu.vector_load_idx %arg5[%add3A_137] : memref<1024xf32, #tpu.memory_space<vmem>>[vector<16xi32>], vector<16xf32>,
          %mul3A_139 = arith.mulf %gather3A_138, %min3A_97 : vector<16xf32>
          tpu.vector_store_idx %arg9[%get3A_57, %and3A_133], %mul3A_139 {add = true} : memref<2000x64xf32, #tpu.memory_space<vmem>>[vector<16xi32>, vector<16xi32>], vector<16xf32>,
          %mul3A_140 = arith.constant 16 : i32
          %mul3A_141 = arith.muli %scan3A_111, %mul3A_140 : i32
          %add3A_142 = arith.constant 2 : i32
          %add3A_143 = arith.addi %mul3A_141, %add3A_142 : i32
          %add3A_144 = vector.broadcast %add3A_143 : i32 to vector<16xi32>
          %add3A_145 = arith.addi %iota3A, %add3A_144 : vector<16xi32>
          %and3A_146 = arith.constant 63 : i32
          %and3A_147 = vector.broadcast %and3A_146 : i32 to vector<16xi32>
          %and3A_148 = arith.andi %add3A_145, %and3A_147 : vector<16xi32>
          %mul3A_149 = arith.constant 64 : i32
          %mul3A_150 = vector.broadcast %mul3A_149 : i32 to vector<16xi32>
          %mul3A_151 = arith.muli %iota3A, %mul3A_150 : vector<16xi32>
          %add3A_152 = arith.addi %mul3A_151, %and3A_148 : vector<16xi32>
          %gather3A_153 = tpu.vector_load_idx %arg5[%add3A_152] : memref<1024xf32, #tpu.memory_space<vmem>>[vector<16xi32>], vector<16xf32>,
          %mul3A_154 = arith.mulf %gather3A_153, %min3A_97 : vector<16xf32>
          tpu.vector_store_idx %arg9[%get3A_57, %and3A_148], %mul3A_154 {add = true} : memref<2000x64xf32, #tpu.memory_space<vmem>>[vector<16xi32>, vector<16xi32>], vector<16xf32>,
          %mul3A_155 = arith.constant 16 : i32
          %mul3A_156 = arith.muli %scan3A_111, %mul3A_155 : i32
          %add3A_157 = arith.constant 3 : i32
          %add3A_158 = arith.addi %mul3A_156, %add3A_157 : i32
          %add3A_159 = vector.broadcast %add3A_158 : i32 to vector<16xi32>
          %add3A_160 = arith.addi %iota3A, %add3A_159 : vector<16xi32>
          %and3A_161 = arith.constant 63 : i32
          %and3A_162 = vector.broadcast %and3A_161 : i32 to vector<16xi32>
          %and3A_163 = arith.andi %add3A_160, %and3A_162 : vector<16xi32>
          %mul3A_164 = arith.constant 64 : i32
          %mul3A_165 = vector.broadcast %mul3A_164 : i32 to vector<16xi32>
          %mul3A_166 = arith.muli %iota3A, %mul3A_165 : vector<16xi32>
          %add3A_167 = arith.addi %mul3A_166, %and3A_163 : vector<16xi32>
          %gather3A_168 = tpu.vector_load_idx %arg5[%add3A_167] : memref<1024xf32, #tpu.memory_space<vmem>>[vector<16xi32>], vector<16xf32>,
          %mul3A_169 = arith.mulf %gather3A_168, %min3A_97 : vector<16xf32>
          tpu.vector_store_idx %arg9[%get3A_57, %and3A_163], %mul3A_169 {add = true} : memref<2000x64xf32, #tpu.memory_space<vmem>>[vector<16xi32>, vector<16xi32>], vector<16xf32>,
          %mul3A_170 = arith.constant 16 : i32
          %mul3A_171 = arith.muli %scan3A_111, %mul3A_170 : i32
          %add3A_172 = arith.constant 4 : i32
          %add3A_173 = arith.addi %mul3A_171, %add3A_172 : i32
          %add3A_174 = vector.broadcast %add3A_173 : i32 to vector<16xi32>
          %add3A_175 = arith.addi %iota3A, %add3A_174 : vector<16xi32>
          %and3A_176 = arith.constant 63 : i32
          %and3A_177 = vector.broadcast %and3A_176 : i32 to vector<16xi32>
          %and3A_178 = arith.andi %add3A_175, %and3A_177 : vector<16xi32>
          %mul3A_179 = arith.constant 64 : i32
          %mul3A_180 = vector.broadcast %mul3A_179 : i32 to vector<16xi32>
          %mul3A_181 = arith.muli %iota3A, %mul3A_180 : vector<16xi32>
          %add3A_182 = arith.addi %mul3A_181, %and3A_178 : vector<16xi32>
          %gather3A_183 = tpu.vector_load_idx %arg5[%add3A_182] : memref<1024xf32, #tpu.memory_space<vmem>>[vector<16xi32>], vector<16xf32>,
          %mul3A_184 = arith.mulf %gather3A_183, %min3A_97 : vector<16xf32>
          tpu.vector_store_idx %arg9[%get3A_57, %and3A_178], %mul3A_184 {add = true} : memref<2000x64xf32, #tpu.memory_space<vmem>>[vector<16xi32>, vector<16xi32>], vector<16xf32>,
          %mul3A_185 = arith.constant 16 : i32
          %mul3A_186 = arith.muli %scan3A_111, %mul3A_185 : i32
          %add3A_187 = arith.constant 5 : i32
          %add3A_188 = arith.addi %mul3A_186, %add3A_187 : i32
          %add3A_189 = vector.broadcast %add3A_188 : i32 to vector<16xi32>
          %add3A_190 = arith.addi %iota3A, %add3A_189 : vector<16xi32>
          %and3A_191 = arith.constant 63 : i32
          %and3A_192 = vector.broadcast %and3A_191 : i32 to vector<16xi32>
          %and3A_193 = arith.andi %add3A_190, %and3A_192 : vector<16xi32>
          %mul3A_194 = arith.constant 64 : i32
          %mul3A_195 = vector.broadcast %mul3A_194 : i32 to vector<16xi32>
          %mul3A_196 = arith.muli %iota3A, %mul3A_195 : vector<16xi32>
          %add3A_197 = arith.addi %mul3A_196, %and3A_193 : vector<16xi32>
          %gather3A_198 = tpu.vector_load_idx %arg5[%add3A_197] : memref<1024xf32, #tpu.memory_space<vmem>>[vector<16xi32>], vector<16xf32>,
          %mul3A_199 = arith.mulf %gather3A_198, %min3A_97 : vector<16xf32>
          tpu.vector_store_idx %arg9[%get3A_57, %and3A_193], %mul3A_199 {add = true} : memref<2000x64xf32, #tpu.memory_space<vmem>>[vector<16xi32>, vector<16xi32>], vector<16xf32>,
          %mul3A_200 = arith.constant 16 : i32
          %mul3A_201 = arith.muli %scan3A_111, %mul3A_200 : i32
          %add3A_202 = arith.constant 6 : i32
          %add3A_203 = arith.addi %mul3A_201, %add3A_202 : i32
          %add3A_204 = vector.broadcast %add3A_203 : i32 to vector<16xi32>
          %add3A_205 = arith.addi %iota3A, %add3A_204 : vector<16xi32>
          %and3A_206 = arith.constant 63 : i32
          %and3A_207 = vector.broadcast %and3A_206 : i32 to vector<16xi32>
          %and3A_208 = arith.andi %add3A_205, %and3A_207 : vector<16xi32>
          %mul3A_209 = arith.constant 64 : i32
          %mul3A_210 = vector.broadcast %mul3A_209 : i32 to vector<16xi32>
          %mul3A_211 = arith.muli %iota3A, %mul3A_210 : vector<16xi32>
          %add3A_212 = arith.addi %mul3A_211, %and3A_208 : vector<16xi32>
          %gather3A_213 = tpu.vector_load_idx %arg5[%add3A_212] : memref<1024xf32, #tpu.memory_space<vmem>>[vector<16xi32>], vector<16xf32>,
          %mul3A_214 = arith.mulf %gather3A_213, %min3A_97 : vector<16xf32>
          tpu.vector_store_idx %arg9[%get3A_57, %and3A_208], %mul3A_214 {add = true} : memref<2000x64xf32, #tpu.memory_space<vmem>>[vector<16xi32>, vector<16xi32>], vector<16xf32>,
          %mul3A_215 = arith.constant 16 : i32
          %mul3A_216 = arith.muli %scan3A_111, %mul3A_215 : i32
          %add3A_217 = arith.constant 7 : i32
          %add3A_218 = arith.addi %mul3A_216, %add3A_217 : i32
          %add3A_219 = vector.broadcast %add3A_218 : i32 to vector<16xi32>
          %add3A_220 = arith.addi %iota3A, %add3A_219 : vector<16xi32>
          %and3A_221 = arith.constant 63 : i32
          %and3A_222 = vector.broadcast %and3A_221 : i32 to vector<16xi32>
          %and3A_223 = arith.andi %add3A_220, %and3A_222 : vector<16xi32>
          %mul3A_224 = arith.constant 64 : i32
          %mul3A_225 = vector.broadcast %mul3A_224 : i32 to vector<16xi32>
          %mul3A_226 = arith.muli %iota3A, %mul3A_225 : vector<16xi32>
          %add3A_227 = arith.addi %mul3A_226, %and3A_223 : vector<16xi32>
          %gather3A_228 = tpu.vector_load_idx %arg5[%add3A_227] : memref<1024xf32, #tpu.memory_space<vmem>>[vector<16xi32>], vector<16xf32>,
          %mul3A_229 = arith.mulf %gather3A_228, %min3A_97 : vector<16xf32>
          tpu.vector_store_idx %arg9[%get3A_57, %and3A_223], %mul3A_229 {add = true} : memref<2000x64xf32, #tpu.memory_space<vmem>>[vector<16xi32>, vector<16xi32>], vector<16xf32>,
          %mul3A_230 = arith.constant 16 : i32
          %mul3A_231 = arith.muli %scan3A_111, %mul3A_230 : i32
          %add3A_232 = arith.constant 8 : i32
          %add3A_233 = arith.addi %mul3A_231, %add3A_232 : i32
          %add3A_234 = vector.broadcast %add3A_233 : i32 to vector<16xi32>
          %add3A_235 = arith.addi %iota3A, %add3A_234 : vector<16xi32>
          %and3A_236 = arith.constant 63 : i32
          %and3A_237 = vector.broadcast %and3A_236 : i32 to vector<16xi32>
          %and3A_238 = arith.andi %add3A_235, %and3A_237 : vector<16xi32>
          %mul3A_239 = arith.constant 64 : i32
          %mul3A_240 = vector.broadcast %mul3A_239 : i32 to vector<16xi32>
          %mul3A_241 = arith.muli %iota3A, %mul3A_240 : vector<16xi32>
          %add3A_242 = arith.addi %mul3A_241, %and3A_238 : vector<16xi32>
          %gather3A_243 = tpu.vector_load_idx %arg5[%add3A_242] : memref<1024xf32, #tpu.memory_space<vmem>>[vector<16xi32>], vector<16xf32>,
          %mul3A_244 = arith.mulf %gather3A_243, %min3A_97 : vector<16xf32>
          tpu.vector_store_idx %arg9[%get3A_57, %and3A_238], %mul3A_244 {add = true} : memref<2000x64xf32, #tpu.memory_space<vmem>>[vector<16xi32>, vector<16xi32>], vector<16xf32>,
          %mul3A_245 = arith.constant 16 : i32
          %mul3A_246 = arith.muli %scan3A_111, %mul3A_245 : i32
          %add3A_247 = arith.constant 9 : i32
          %add3A_248 = arith.addi %mul3A_246, %add3A_247 : i32
          %add3A_249 = vector.broadcast %add3A_248 : i32 to vector<16xi32>
          %add3A_250 = arith.addi %iota3A, %add3A_249 : vector<16xi32>
          %and3A_251 = arith.constant 63 : i32
          %and3A_252 = vector.broadcast %and3A_251 : i32 to vector<16xi32>
          %and3A_253 = arith.andi %add3A_250, %and3A_252 : vector<16xi32>
          %mul3A_254 = arith.constant 64 : i32
          %mul3A_255 = vector.broadcast %mul3A_254 : i32 to vector<16xi32>
          %mul3A_256 = arith.muli %iota3A, %mul3A_255 : vector<16xi32>
          %add3A_257 = arith.addi %mul3A_256, %and3A_253 : vector<16xi32>
          %gather3A_258 = tpu.vector_load_idx %arg5[%add3A_257] : memref<1024xf32, #tpu.memory_space<vmem>>[vector<16xi32>], vector<16xf32>,
          %mul3A_259 = arith.mulf %gather3A_258, %min3A_97 : vector<16xf32>
          tpu.vector_store_idx %arg9[%get3A_57, %and3A_253], %mul3A_259 {add = true} : memref<2000x64xf32, #tpu.memory_space<vmem>>[vector<16xi32>, vector<16xi32>], vector<16xf32>,
          %mul3A_260 = arith.constant 16 : i32
          %mul3A_261 = arith.muli %scan3A_111, %mul3A_260 : i32
          %add3A_262 = arith.constant 10 : i32
          %add3A_263 = arith.addi %mul3A_261, %add3A_262 : i32
          %add3A_264 = vector.broadcast %add3A_263 : i32 to vector<16xi32>
          %add3A_265 = arith.addi %iota3A, %add3A_264 : vector<16xi32>
          %and3A_266 = arith.constant 63 : i32
          %and3A_267 = vector.broadcast %and3A_266 : i32 to vector<16xi32>
          %and3A_268 = arith.andi %add3A_265, %and3A_267 : vector<16xi32>
          %mul3A_269 = arith.constant 64 : i32
          %mul3A_270 = vector.broadcast %mul3A_269 : i32 to vector<16xi32>
          %mul3A_271 = arith.muli %iota3A, %mul3A_270 : vector<16xi32>
          %add3A_272 = arith.addi %mul3A_271, %and3A_268 : vector<16xi32>
          %gather3A_273 = tpu.vector_load_idx %arg5[%add3A_272] : memref<1024xf32, #tpu.memory_space<vmem>>[vector<16xi32>], vector<16xf32>,
          %mul3A_274 = arith.mulf %gather3A_273, %min3A_97 : vector<16xf32>
          tpu.vector_store_idx %arg9[%get3A_57, %and3A_268], %mul3A_274 {add = true} : memref<2000x64xf32, #tpu.memory_space<vmem>>[vector<16xi32>, vector<16xi32>], vector<16xf32>,
          %mul3A_275 = arith.constant 16 : i32
          %mul3A_276 = arith.muli %scan3A_111, %mul3A_275 : i32
          %add3A_277 = arith.constant 11 : i32
          %add3A_278 = arith.addi %mul3A_276, %add3A_277 : i32
          %add3A_279 = vector.broadcast %add3A_278 : i32 to vector<16xi32>
          %add3A_280 = arith.addi %iota3A, %add3A_279 : vector<16xi32>
          %and3A_281 = arith.constant 63 : i32
          %and3A_282 = vector.broadcast %and3A_281 : i32 to vector<16xi32>
          %and3A_283 = arith.andi %add3A_280, %and3A_282 : vector<16xi32>
          %mul3A_284 = arith.constant 64 : i32
          %mul3A_285 = vector.broadcast %mul3A_284 : i32 to vector<16xi32>
          %mul3A_286 = arith.muli %iota3A, %mul3A_285 : vector<16xi32>
          %add3A_287 = arith.addi %mul3A_286, %and3A_283 : vector<16xi32>
          %gather3A_288 = tpu.vector_load_idx %arg5[%add3A_287] : memref<1024xf32, #tpu.memory_space<vmem>>[vector<16xi32>], vector<16xf32>,
          %mul3A_289 = arith.mulf %gather3A_288, %min3A_97 : vector<16xf32>
          tpu.vector_store_idx %arg9[%get3A_57, %and3A_283], %mul3A_289 {add = true} : memref<2000x64xf32, #tpu.memory_space<vmem>>[vector<16xi32>, vector<16xi32>], vector<16xf32>,
          %mul3A_290 = arith.constant 16 : i32
          %mul3A_291 = arith.muli %scan3A_111, %mul3A_290 : i32
          %add3A_292 = arith.constant 12 : i32
          %add3A_293 = arith.addi %mul3A_291, %add3A_292 : i32
          %add3A_294 = vector.broadcast %add3A_293 : i32 to vector<16xi32>
          %add3A_295 = arith.addi %iota3A, %add3A_294 : vector<16xi32>
          %and3A_296 = arith.constant 63 : i32
          %and3A_297 = vector.broadcast %and3A_296 : i32 to vector<16xi32>
          %and3A_298 = arith.andi %add3A_295, %and3A_297 : vector<16xi32>
          %mul3A_299 = arith.constant 64 : i32
          %mul3A_300 = vector.broadcast %mul3A_299 : i32 to vector<16xi32>
          %mul3A_301 = arith.muli %iota3A, %mul3A_300 : vector<16xi32>
          %add3A_302 = arith.addi %mul3A_301, %and3A_298 : vector<16xi32>
          %gather3A_303 = tpu.vector_load_idx %arg5[%add3A_302] : memref<1024xf32, #tpu.memory_space<vmem>>[vector<16xi32>], vector<16xf32>,
          %mul3A_304 = arith.mulf %gather3A_303, %min3A_97 : vector<16xf32>
          tpu.vector_store_idx %arg9[%get3A_57, %and3A_298], %mul3A_304 {add = true} : memref<2000x64xf32, #tpu.memory_space<vmem>>[vector<16xi32>, vector<16xi32>], vector<16xf32>,
          %mul3A_305 = arith.constant 16 : i32
          %mul3A_306 = arith.muli %scan3A_111, %mul3A_305 : i32
          %add3A_307 = arith.constant 13 : i32
          %add3A_308 = arith.addi %mul3A_306, %add3A_307 : i32
          %add3A_309 = vector.broadcast %add3A_308 : i32 to vector<16xi32>
          %add3A_310 = arith.addi %iota3A, %add3A_309 : vector<16xi32>
          %and3A_311 = arith.constant 63 : i32
          %and3A_312 = vector.broadcast %and3A_311 : i32 to vector<16xi32>
          %and3A_313 = arith.andi %add3A_310, %and3A_312 : vector<16xi32>
          %mul3A_314 = arith.constant 64 : i32
          %mul3A_315 = vector.broadcast %mul3A_314 : i32 to vector<16xi32>
          %mul3A_316 = arith.muli %iota3A, %mul3A_315 : vector<16xi32>
          %add3A_317 = arith.addi %mul3A_316, %and3A_313 : vector<16xi32>
          %gather3A_318 = tpu.vector_load_idx %arg5[%add3A_317] : memref<1024xf32, #tpu.memory_space<vmem>>[vector<16xi32>], vector<16xf32>,
          %mul3A_319 = arith.mulf %gather3A_318, %min3A_97 : vector<16xf32>
          tpu.vector_store_idx %arg9[%get3A_57, %and3A_313], %mul3A_319 {add = true} : memref<2000x64xf32, #tpu.memory_space<vmem>>[vector<16xi32>, vector<16xi32>], vector<16xf32>,
          %mul3A_320 = arith.constant 16 : i32
          %mul3A_321 = arith.muli %scan3A_111, %mul3A_320 : i32
          %add3A_322 = arith.constant 14 : i32
          %add3A_323 = arith.addi %mul3A_321, %add3A_322 : i32
          %add3A_324 = vector.broadcast %add3A_323 : i32 to vector<16xi32>
          %add3A_325 = arith.addi %iota3A, %add3A_324 : vector<16xi32>
          %and3A_326 = arith.constant 63 : i32
          %and3A_327 = vector.broadcast %and3A_326 : i32 to vector<16xi32>
          %and3A_328 = arith.andi %add3A_325, %and3A_327 : vector<16xi32>
          %mul3A_329 = arith.constant 64 : i32
          %mul3A_330 = vector.broadcast %mul3A_329 : i32 to vector<16xi32>
          %mul3A_331 = arith.muli %iota3A, %mul3A_330 : vector<16xi32>
          %add3A_332 = arith.addi %mul3A_331, %and3A_328 : vector<16xi32>
          %gather3A_333 = tpu.vector_load_idx %arg5[%add3A_332] : memref<1024xf32, #tpu.memory_space<vmem>>[vector<16xi32>], vector<16xf32>,
          %mul3A_334 = arith.mulf %gather3A_333, %min3A_97 : vector<16xf32>
          tpu.vector_store_idx %arg9[%get3A_57, %and3A_328], %mul3A_334 {add = true} : memref<2000x64xf32, #tpu.memory_space<vmem>>[vector<16xi32>, vector<16xi32>], vector<16xf32>,
          %mul3A_335 = arith.constant 16 : i32
          %mul3A_336 = arith.muli %scan3A_111, %mul3A_335 : i32
          %add3A_337 = arith.constant 15 : i32
          %add3A_338 = arith.addi %mul3A_336, %add3A_337 : i32
          %add3A_339 = vector.broadcast %add3A_338 : i32 to vector<16xi32>
          %add3A_340 = arith.addi %iota3A, %add3A_339 : vector<16xi32>
          %and3A_341 = arith.constant 63 : i32
          %and3A_342 = vector.broadcast %and3A_341 : i32 to vector<16xi32>
          %and3A_343 = arith.andi %add3A_340, %and3A_342 : vector<16xi32>
          %mul3A_344 = arith.constant 64 : i32
          %mul3A_345 = vector.broadcast %mul3A_344 : i32 to vector<16xi32>
          %mul3A_346 = arith.muli %iota3A, %mul3A_345 : vector<16xi32>
          %add3A_347 = arith.addi %mul3A_346, %and3A_343 : vector<16xi32>
          %gather3A_348 = tpu.vector_load_idx %arg5[%add3A_347] : memref<1024xf32, #tpu.memory_space<vmem>>[vector<16xi32>], vector<16xf32>,
          %mul3A_349 = arith.mulf %gather3A_348, %min3A_97 : vector<16xf32>
          tpu.vector_store_idx %arg9[%get3A_57, %and3A_343], %mul3A_349 {add = true} : memref<2000x64xf32, #tpu.memory_space<vmem>>[vector<16xi32>, vector<16xi32>], vector<16xf32>,
        }
        %scan3A_103 = arith.constant 4 : i32
        %add3A_104 = arith.constant 64 : i32
        %add3A_105 = arith.addi %add3A_35, %add3A_104 : i32
        %lt3A_106 = arith.constant 62500 : i32
        %lt3A_107 = arith.cmpi slt, %add3A_105, %lt3A_106 : i32
        %convert_element_type3A_108 = arith.extui %lt3A_107 : i1 to i32
        %cond3A_109 = arith.constant 0 : i32
        %cond3A_110 = arith.cmpi ne, %convert_element_type3A_108, %cond3A_109 : i32
        scf.if %cond3A_110 {
          %add3A_111 = arith.constant 64 : i32
          %add3A_112 = arith.addi %add3A_35, %add3A_111 : i32
          %mul3A_113 = arith.constant 1024 : i32
          %mul3A_114 = arith.muli %add3A_112, %mul3A_113 : i32
          %dma_start3A_115 = tpu.memref_slice %arg2[%mul3A_114] : memref<64000000xf32, #tpu.memory_space<hbm>> -> memref<1024xf32, #tpu.memory_space<hbm>>
          %dma_start3A_116 = tpu.memref_slice %arg2[%mul3A_114] : memref<64000000xf32, #tpu.memory_space<hbm>> -> memref<1024xf32, #tpu.memory_space<hbm>>
          tpu.enqueue_dma source(%dma_start3A_116 : memref<1024xf32, #tpu.memory_space<hbm>>) target(%arg5 : memref<1024xf32, #tpu.memory_space<vmem>>) target_semaphore(%arg10 : memref<!tpu.dma_semaphore, #tpu.memory_space<semaphore_mem>>)
          %mul3A_117 = arith.constant 16 : i32
          %mul3A_118 = arith.muli %add3A_112, %mul3A_117 : i32
          %dma_start3A_119 = tpu.memref_slice %arg3[%mul3A_118] : memref<1000000xi32, #tpu.memory_space<hbm>> -> memref<16xi32, #tpu.memory_space<hbm>>
          %dma_start3A_120 = tpu.memref_slice %arg3[%mul3A_118] : memref<1000000xi32, #tpu.memory_space<hbm>> -> memref<16xi32, #tpu.memory_space<hbm>>
          tpu.enqueue_dma source(%dma_start3A_120 : memref<16xi32, #tpu.memory_space<hbm>>) target(%arg7 : memref<16xi32, #tpu.memory_space<vmem>>) target_semaphore(%arg10 : memref<!tpu.dma_semaphore, #tpu.memory_space<semaphore_mem>>)
        } else {
        }
      } else {
      }
      %mul3A_38 = arith.constant 2 : i32
      %mul3A_39 = arith.muli %mul3A_38, %scan3A_30 : i32
      %add3A_40 = arith.constant 1 : i32
      %add3A_41 = arith.addi %mul3A_39, %add3A_40 : i32
      %mul3A_42 = arith.constant 32 : i32
      %mul3A_43 = arith.muli %mul3A_42, %add3A_41 : i32
      %add3A_44 = arith.addi %add3A, %mul3A_43 : i32
      %lt3A_45 = arith.constant 62500 : i32
      %lt3A_46 = arith.cmpi slt, %add3A_44, %lt3A_45 : i32
      %convert_element_type3A_47 = arith.extui %lt3A_46 : i1 to i32
      %cond3A_48 = arith.constant 0 : i32
      %cond3A_49 = arith.cmpi ne, %convert_element_type3A_47, %cond3A_48 : i32
      scf.if %cond3A_49 {
        %mul3A_50 = arith.constant 1024 : i32
        %mul3A_51 = arith.muli %add3A_44, %mul3A_50 : i32
        %dma_wait3A = tpu.memref_slice %arg2[%mul3A_51] : memref<64000000xf32, #tpu.memory_space<hbm>> -> memref<1024xf32, #tpu.memory_space<hbm>>
        %dma_wait3A_52 = tpu.memref_slice %arg2[%mul3A_51] : memref<64000000xf32, #tpu.memory_space<hbm>> -> memref<1024xf32, #tpu.memory_space<hbm>>
        tpu.wait_dma2 semaphore(%arg11 : memref<!tpu.dma_semaphore, #tpu.memory_space<semaphore_mem>>) src(%dma_wait3A_52 : memref<1024xf32, #tpu.memory_space<hbm>>) dst(%arg6 : memref<1024xf32, #tpu.memory_space<vmem>>)
        %mul3A_53 = arith.constant 16 : i32
        %mul3A_54 = arith.muli %add3A_44, %mul3A_53 : i32
        %dma_wait3A_55 = tpu.memref_slice %arg3[%mul3A_54] : memref<1000000xi32, #tpu.memory_space<hbm>> -> memref<16xi32, #tpu.memory_space<hbm>>
        %dma_wait3A_56 = tpu.memref_slice %arg3[%mul3A_54] : memref<1000000xi32, #tpu.memory_space<hbm>> -> memref<16xi32, #tpu.memory_space<hbm>>
        tpu.wait_dma2 semaphore(%arg11 : memref<!tpu.dma_semaphore, #tpu.memory_space<semaphore_mem>>) src(%dma_wait3A_56 : memref<16xi32, #tpu.memory_space<hbm>>) dst(%arg8 : memref<16xi32, #tpu.memory_space<vmem>>)
        %get3A = arith.constant 0 : index
        %get3A_57 = tpu.vector_load %arg8[%get3A] {strides = array<i32>} : memref<16xi32, #tpu.memory_space<vmem>>, vector<16xi32>,
        %scan3A_58 = arith.constant 0 : i32
        %scan3A_59 = arith.constant 4 : i32
        %scan3A_60 = arith.addi %scan3A_58, %scan3A_59 : i32
        %scan3A_61 = arith.constant 1 : i32
        %scan3A_62 = scf.for %scan3A_111 = %scan3A_58 to %scan3A_60 step %scan3A_61 iter_args(%scan3A_112 = %broadcast_in_dim3A_1) -> (vector<16xf32>)  : i32 {
          %mul3A_113 = arith.constant 16 : i32
          %mul3A_114 = arith.muli %scan3A_111, %mul3A_113 : i32
          %add3A_115 = arith.constant 0 : i32
          %add3A_116 = arith.addi %mul3A_114, %add3A_115 : i32
          %add3A_117 = vector.broadcast %add3A_116 : i32 to vector<16xi32>
          %add3A_118 = arith.addi %iota3A, %add3A_117 : vector<16xi32>
          %and3A = arith.constant 63 : i32
          %and3A_119 = vector.broadcast %and3A : i32 to vector<16xi32>
          %and3A_120 = arith.andi %add3A_118, %and3A_119 : vector<16xi32>
          %mul3A_121 = arith.constant 64 : i32
          %mul3A_122 = vector.broadcast %mul3A_121 : i32 to vector<16xi32>
          %mul3A_123 = arith.muli %iota3A, %mul3A_122 : vector<16xi32>
          %add3A_124 = arith.addi %mul3A_123, %and3A_120 : vector<16xi32>
          %gather3A = tpu.vector_load_idx %arg6[%add3A_124] : memref<1024xf32, #tpu.memory_space<vmem>>[vector<16xi32>], vector<16xf32>,
          %mul3A_125 = arith.mulf %gather3A, %gather3A : vector<16xf32>
          %add3A_126 = arith.addf %scan3A_112, %mul3A_125 : vector<16xf32>
          %mul3A_127 = arith.constant 16 : i32
          %mul3A_128 = arith.muli %scan3A_111, %mul3A_127 : i32
          %add3A_129 = arith.constant 1 : i32
          %add3A_130 = arith.addi %mul3A_128, %add3A_129 : i32
          %add3A_131 = vector.broadcast %add3A_130 : i32 to vector<16xi32>
          %add3A_132 = arith.addi %iota3A, %add3A_131 : vector<16xi32>
          %and3A_133 = arith.constant 63 : i32
          %and3A_134 = vector.broadcast %and3A_133 : i32 to vector<16xi32>
          %and3A_135 = arith.andi %add3A_132, %and3A_134 : vector<16xi32>
          %mul3A_136 = arith.constant 64 : i32
          %mul3A_137 = vector.broadcast %mul3A_136 : i32 to vector<16xi32>
          %mul3A_138 = arith.muli %iota3A, %mul3A_137 : vector<16xi32>
          %add3A_139 = arith.addi %mul3A_138, %and3A_135 : vector<16xi32>
          %gather3A_140 = tpu.vector_load_idx %arg6[%add3A_139] : memref<1024xf32, #tpu.memory_space<vmem>>[vector<16xi32>], vector<16xf32>,
          %mul3A_141 = arith.mulf %gather3A_140, %gather3A_140 : vector<16xf32>
          %add3A_142 = arith.addf %add3A_126, %mul3A_141 : vector<16xf32>
          %mul3A_143 = arith.constant 16 : i32
          %mul3A_144 = arith.muli %scan3A_111, %mul3A_143 : i32
          %add3A_145 = arith.constant 2 : i32
          %add3A_146 = arith.addi %mul3A_144, %add3A_145 : i32
          %add3A_147 = vector.broadcast %add3A_146 : i32 to vector<16xi32>
          %add3A_148 = arith.addi %iota3A, %add3A_147 : vector<16xi32>
          %and3A_149 = arith.constant 63 : i32
          %and3A_150 = vector.broadcast %and3A_149 : i32 to vector<16xi32>
          %and3A_151 = arith.andi %add3A_148, %and3A_150 : vector<16xi32>
          %mul3A_152 = arith.constant 64 : i32
          %mul3A_153 = vector.broadcast %mul3A_152 : i32 to vector<16xi32>
          %mul3A_154 = arith.muli %iota3A, %mul3A_153 : vector<16xi32>
          %add3A_155 = arith.addi %mul3A_154, %and3A_151 : vector<16xi32>
          %gather3A_156 = tpu.vector_load_idx %arg6[%add3A_155] : memref<1024xf32, #tpu.memory_space<vmem>>[vector<16xi32>], vector<16xf32>,
          %mul3A_157 = arith.mulf %gather3A_156, %gather3A_156 : vector<16xf32>
          %add3A_158 = arith.addf %add3A_142, %mul3A_157 : vector<16xf32>
          %mul3A_159 = arith.constant 16 : i32
          %mul3A_160 = arith.muli %scan3A_111, %mul3A_159 : i32
          %add3A_161 = arith.constant 3 : i32
          %add3A_162 = arith.addi %mul3A_160, %add3A_161 : i32
          %add3A_163 = vector.broadcast %add3A_162 : i32 to vector<16xi32>
          %add3A_164 = arith.addi %iota3A, %add3A_163 : vector<16xi32>
          %and3A_165 = arith.constant 63 : i32
          %and3A_166 = vector.broadcast %and3A_165 : i32 to vector<16xi32>
          %and3A_167 = arith.andi %add3A_164, %and3A_166 : vector<16xi32>
          %mul3A_168 = arith.constant 64 : i32
          %mul3A_169 = vector.broadcast %mul3A_168 : i32 to vector<16xi32>
          %mul3A_170 = arith.muli %iota3A, %mul3A_169 : vector<16xi32>
          %add3A_171 = arith.addi %mul3A_170, %and3A_167 : vector<16xi32>
          %gather3A_172 = tpu.vector_load_idx %arg6[%add3A_171] : memref<1024xf32, #tpu.memory_space<vmem>>[vector<16xi32>], vector<16xf32>,
          %mul3A_173 = arith.mulf %gather3A_172, %gather3A_172 : vector<16xf32>
          %add3A_174 = arith.addf %add3A_158, %mul3A_173 : vector<16xf32>
          %mul3A_175 = arith.constant 16 : i32
          %mul3A_176 = arith.muli %scan3A_111, %mul3A_175 : i32
          %add3A_177 = arith.constant 4 : i32
          %add3A_178 = arith.addi %mul3A_176, %add3A_177 : i32
          %add3A_179 = vector.broadcast %add3A_178 : i32 to vector<16xi32>
          %add3A_180 = arith.addi %iota3A, %add3A_179 : vector<16xi32>
          %and3A_181 = arith.constant 63 : i32
          %and3A_182 = vector.broadcast %and3A_181 : i32 to vector<16xi32>
          %and3A_183 = arith.andi %add3A_180, %and3A_182 : vector<16xi32>
          %mul3A_184 = arith.constant 64 : i32
          %mul3A_185 = vector.broadcast %mul3A_184 : i32 to vector<16xi32>
          %mul3A_186 = arith.muli %iota3A, %mul3A_185 : vector<16xi32>
          %add3A_187 = arith.addi %mul3A_186, %and3A_183 : vector<16xi32>
          %gather3A_188 = tpu.vector_load_idx %arg6[%add3A_187] : memref<1024xf32, #tpu.memory_space<vmem>>[vector<16xi32>], vector<16xf32>,
          %mul3A_189 = arith.mulf %gather3A_188, %gather3A_188 : vector<16xf32>
          %add3A_190 = arith.addf %add3A_174, %mul3A_189 : vector<16xf32>
          %mul3A_191 = arith.constant 16 : i32
          %mul3A_192 = arith.muli %scan3A_111, %mul3A_191 : i32
          %add3A_193 = arith.constant 5 : i32
          %add3A_194 = arith.addi %mul3A_192, %add3A_193 : i32
          %add3A_195 = vector.broadcast %add3A_194 : i32 to vector<16xi32>
          %add3A_196 = arith.addi %iota3A, %add3A_195 : vector<16xi32>
          %and3A_197 = arith.constant 63 : i32
          %and3A_198 = vector.broadcast %and3A_197 : i32 to vector<16xi32>
          %and3A_199 = arith.andi %add3A_196, %and3A_198 : vector<16xi32>
          %mul3A_200 = arith.constant 64 : i32
          %mul3A_201 = vector.broadcast %mul3A_200 : i32 to vector<16xi32>
          %mul3A_202 = arith.muli %iota3A, %mul3A_201 : vector<16xi32>
          %add3A_203 = arith.addi %mul3A_202, %and3A_199 : vector<16xi32>
          %gather3A_204 = tpu.vector_load_idx %arg6[%add3A_203] : memref<1024xf32, #tpu.memory_space<vmem>>[vector<16xi32>], vector<16xf32>,
          %mul3A_205 = arith.mulf %gather3A_204, %gather3A_204 : vector<16xf32>
          %add3A_206 = arith.addf %add3A_190, %mul3A_205 : vector<16xf32>
          %mul3A_207 = arith.constant 16 : i32
          %mul3A_208 = arith.muli %scan3A_111, %mul3A_207 : i32
          %add3A_209 = arith.constant 6 : i32
          %add3A_210 = arith.addi %mul3A_208, %add3A_209 : i32
          %add3A_211 = vector.broadcast %add3A_210 : i32 to vector<16xi32>
          %add3A_212 = arith.addi %iota3A, %add3A_211 : vector<16xi32>
          %and3A_213 = arith.constant 63 : i32
          %and3A_214 = vector.broadcast %and3A_213 : i32 to vector<16xi32>
          %and3A_215 = arith.andi %add3A_212, %and3A_214 : vector<16xi32>
          %mul3A_216 = arith.constant 64 : i32
          %mul3A_217 = vector.broadcast %mul3A_216 : i32 to vector<16xi32>
          %mul3A_218 = arith.muli %iota3A, %mul3A_217 : vector<16xi32>
          %add3A_219 = arith.addi %mul3A_218, %and3A_215 : vector<16xi32>
          %gather3A_220 = tpu.vector_load_idx %arg6[%add3A_219] : memref<1024xf32, #tpu.memory_space<vmem>>[vector<16xi32>], vector<16xf32>,
          %mul3A_221 = arith.mulf %gather3A_220, %gather3A_220 : vector<16xf32>
          %add3A_222 = arith.addf %add3A_206, %mul3A_221 : vector<16xf32>
          %mul3A_223 = arith.constant 16 : i32
          %mul3A_224 = arith.muli %scan3A_111, %mul3A_223 : i32
          %add3A_225 = arith.constant 7 : i32
          %add3A_226 = arith.addi %mul3A_224, %add3A_225 : i32
          %add3A_227 = vector.broadcast %add3A_226 : i32 to vector<16xi32>
          %add3A_228 = arith.addi %iota3A, %add3A_227 : vector<16xi32>
          %and3A_229 = arith.constant 63 : i32
          %and3A_230 = vector.broadcast %and3A_229 : i32 to vector<16xi32>
          %and3A_231 = arith.andi %add3A_228, %and3A_230 : vector<16xi32>
          %mul3A_232 = arith.constant 64 : i32
          %mul3A_233 = vector.broadcast %mul3A_232 : i32 to vector<16xi32>
          %mul3A_234 = arith.muli %iota3A, %mul3A_233 : vector<16xi32>
          %add3A_235 = arith.addi %mul3A_234, %and3A_231 : vector<16xi32>
          %gather3A_236 = tpu.vector_load_idx %arg6[%add3A_235] : memref<1024xf32, #tpu.memory_space<vmem>>[vector<16xi32>], vector<16xf32>,
          %mul3A_237 = arith.mulf %gather3A_236, %gather3A_236 : vector<16xf32>
          %add3A_238 = arith.addf %add3A_222, %mul3A_237 : vector<16xf32>
          %mul3A_239 = arith.constant 16 : i32
          %mul3A_240 = arith.muli %scan3A_111, %mul3A_239 : i32
          %add3A_241 = arith.constant 8 : i32
          %add3A_242 = arith.addi %mul3A_240, %add3A_241 : i32
          %add3A_243 = vector.broadcast %add3A_242 : i32 to vector<16xi32>
          %add3A_244 = arith.addi %iota3A, %add3A_243 : vector<16xi32>
          %and3A_245 = arith.constant 63 : i32
          %and3A_246 = vector.broadcast %and3A_245 : i32 to vector<16xi32>
          %and3A_247 = arith.andi %add3A_244, %and3A_246 : vector<16xi32>
          %mul3A_248 = arith.constant 64 : i32
          %mul3A_249 = vector.broadcast %mul3A_248 : i32 to vector<16xi32>
          %mul3A_250 = arith.muli %iota3A, %mul3A_249 : vector<16xi32>
          %add3A_251 = arith.addi %mul3A_250, %and3A_247 : vector<16xi32>
          %gather3A_252 = tpu.vector_load_idx %arg6[%add3A_251] : memref<1024xf32, #tpu.memory_space<vmem>>[vector<16xi32>], vector<16xf32>,
          %mul3A_253 = arith.mulf %gather3A_252, %gather3A_252 : vector<16xf32>
          %add3A_254 = arith.addf %add3A_238, %mul3A_253 : vector<16xf32>
          %mul3A_255 = arith.constant 16 : i32
          %mul3A_256 = arith.muli %scan3A_111, %mul3A_255 : i32
          %add3A_257 = arith.constant 9 : i32
          %add3A_258 = arith.addi %mul3A_256, %add3A_257 : i32
          %add3A_259 = vector.broadcast %add3A_258 : i32 to vector<16xi32>
          %add3A_260 = arith.addi %iota3A, %add3A_259 : vector<16xi32>
          %and3A_261 = arith.constant 63 : i32
          %and3A_262 = vector.broadcast %and3A_261 : i32 to vector<16xi32>
          %and3A_263 = arith.andi %add3A_260, %and3A_262 : vector<16xi32>
          %mul3A_264 = arith.constant 64 : i32
          %mul3A_265 = vector.broadcast %mul3A_264 : i32 to vector<16xi32>
          %mul3A_266 = arith.muli %iota3A, %mul3A_265 : vector<16xi32>
          %add3A_267 = arith.addi %mul3A_266, %and3A_263 : vector<16xi32>
          %gather3A_268 = tpu.vector_load_idx %arg6[%add3A_267] : memref<1024xf32, #tpu.memory_space<vmem>>[vector<16xi32>], vector<16xf32>,
          %mul3A_269 = arith.mulf %gather3A_268, %gather3A_268 : vector<16xf32>
          %add3A_270 = arith.addf %add3A_254, %mul3A_269 : vector<16xf32>
          %mul3A_271 = arith.constant 16 : i32
          %mul3A_272 = arith.muli %scan3A_111, %mul3A_271 : i32
          %add3A_273 = arith.constant 10 : i32
          %add3A_274 = arith.addi %mul3A_272, %add3A_273 : i32
          %add3A_275 = vector.broadcast %add3A_274 : i32 to vector<16xi32>
          %add3A_276 = arith.addi %iota3A, %add3A_275 : vector<16xi32>
          %and3A_277 = arith.constant 63 : i32
          %and3A_278 = vector.broadcast %and3A_277 : i32 to vector<16xi32>
          %and3A_279 = arith.andi %add3A_276, %and3A_278 : vector<16xi32>
          %mul3A_280 = arith.constant 64 : i32
          %mul3A_281 = vector.broadcast %mul3A_280 : i32 to vector<16xi32>
          %mul3A_282 = arith.muli %iota3A, %mul3A_281 : vector<16xi32>
          %add3A_283 = arith.addi %mul3A_282, %and3A_279 : vector<16xi32>
          %gather3A_284 = tpu.vector_load_idx %arg6[%add3A_283] : memref<1024xf32, #tpu.memory_space<vmem>>[vector<16xi32>], vector<16xf32>,
          %mul3A_285 = arith.mulf %gather3A_284, %gather3A_284 : vector<16xf32>
          %add3A_286 = arith.addf %add3A_270, %mul3A_285 : vector<16xf32>
          %mul3A_287 = arith.constant 16 : i32
          %mul3A_288 = arith.muli %scan3A_111, %mul3A_287 : i32
          %add3A_289 = arith.constant 11 : i32
          %add3A_290 = arith.addi %mul3A_288, %add3A_289 : i32
          %add3A_291 = vector.broadcast %add3A_290 : i32 to vector<16xi32>
          %add3A_292 = arith.addi %iota3A, %add3A_291 : vector<16xi32>
          %and3A_293 = arith.constant 63 : i32
          %and3A_294 = vector.broadcast %and3A_293 : i32 to vector<16xi32>
          %and3A_295 = arith.andi %add3A_292, %and3A_294 : vector<16xi32>
          %mul3A_296 = arith.constant 64 : i32
          %mul3A_297 = vector.broadcast %mul3A_296 : i32 to vector<16xi32>
          %mul3A_298 = arith.muli %iota3A, %mul3A_297 : vector<16xi32>
          %add3A_299 = arith.addi %mul3A_298, %and3A_295 : vector<16xi32>
          %gather3A_300 = tpu.vector_load_idx %arg6[%add3A_299] : memref<1024xf32, #tpu.memory_space<vmem>>[vector<16xi32>], vector<16xf32>,
          %mul3A_301 = arith.mulf %gather3A_300, %gather3A_300 : vector<16xf32>
          %add3A_302 = arith.addf %add3A_286, %mul3A_301 : vector<16xf32>
          %mul3A_303 = arith.constant 16 : i32
          %mul3A_304 = arith.muli %scan3A_111, %mul3A_303 : i32
          %add3A_305 = arith.constant 12 : i32
          %add3A_306 = arith.addi %mul3A_304, %add3A_305 : i32
          %add3A_307 = vector.broadcast %add3A_306 : i32 to vector<16xi32>
          %add3A_308 = arith.addi %iota3A, %add3A_307 : vector<16xi32>
          %and3A_309 = arith.constant 63 : i32
          %and3A_310 = vector.broadcast %and3A_309 : i32 to vector<16xi32>
          %and3A_311 = arith.andi %add3A_308, %and3A_310 : vector<16xi32>
          %mul3A_312 = arith.constant 64 : i32
          %mul3A_313 = vector.broadcast %mul3A_312 : i32 to vector<16xi32>
          %mul3A_314 = arith.muli %iota3A, %mul3A_313 : vector<16xi32>
          %add3A_315 = arith.addi %mul3A_314, %and3A_311 : vector<16xi32>
          %gather3A_316 = tpu.vector_load_idx %arg6[%add3A_315] : memref<1024xf32, #tpu.memory_space<vmem>>[vector<16xi32>], vector<16xf32>,
          %mul3A_317 = arith.mulf %gather3A_316, %gather3A_316 : vector<16xf32>
          %add3A_318 = arith.addf %add3A_302, %mul3A_317 : vector<16xf32>
          %mul3A_319 = arith.constant 16 : i32
          %mul3A_320 = arith.muli %scan3A_111, %mul3A_319 : i32
          %add3A_321 = arith.constant 13 : i32
          %add3A_322 = arith.addi %mul3A_320, %add3A_321 : i32
          %add3A_323 = vector.broadcast %add3A_322 : i32 to vector<16xi32>
          %add3A_324 = arith.addi %iota3A, %add3A_323 : vector<16xi32>
          %and3A_325 = arith.constant 63 : i32
          %and3A_326 = vector.broadcast %and3A_325 : i32 to vector<16xi32>
          %and3A_327 = arith.andi %add3A_324, %and3A_326 : vector<16xi32>
          %mul3A_328 = arith.constant 64 : i32
          %mul3A_329 = vector.broadcast %mul3A_328 : i32 to vector<16xi32>
          %mul3A_330 = arith.muli %iota3A, %mul3A_329 : vector<16xi32>
          %add3A_331 = arith.addi %mul3A_330, %and3A_327 : vector<16xi32>
          %gather3A_332 = tpu.vector_load_idx %arg6[%add3A_331] : memref<1024xf32, #tpu.memory_space<vmem>>[vector<16xi32>], vector<16xf32>,
          %mul3A_333 = arith.mulf %gather3A_332, %gather3A_332 : vector<16xf32>
          %add3A_334 = arith.addf %add3A_318, %mul3A_333 : vector<16xf32>
          %mul3A_335 = arith.constant 16 : i32
          %mul3A_336 = arith.muli %scan3A_111, %mul3A_335 : i32
          %add3A_337 = arith.constant 14 : i32
          %add3A_338 = arith.addi %mul3A_336, %add3A_337 : i32
          %add3A_339 = vector.broadcast %add3A_338 : i32 to vector<16xi32>
          %add3A_340 = arith.addi %iota3A, %add3A_339 : vector<16xi32>
          %and3A_341 = arith.constant 63 : i32
          %and3A_342 = vector.broadcast %and3A_341 : i32 to vector<16xi32>
          %and3A_343 = arith.andi %add3A_340, %and3A_342 : vector<16xi32>
          %mul3A_344 = arith.constant 64 : i32
          %mul3A_345 = vector.broadcast %mul3A_344 : i32 to vector<16xi32>
          %mul3A_346 = arith.muli %iota3A, %mul3A_345 : vector<16xi32>
          %add3A_347 = arith.addi %mul3A_346, %and3A_343 : vector<16xi32>
          %gather3A_348 = tpu.vector_load_idx %arg6[%add3A_347] : memref<1024xf32, #tpu.memory_space<vmem>>[vector<16xi32>], vector<16xf32>,
          %mul3A_349 = arith.mulf %gather3A_348, %gather3A_348 : vector<16xf32>
          %add3A_350 = arith.addf %add3A_334, %mul3A_349 : vector<16xf32>
          %mul3A_351 = arith.constant 16 : i32
          %mul3A_352 = arith.muli %scan3A_111, %mul3A_351 : i32
          %add3A_353 = arith.constant 15 : i32
          %add3A_354 = arith.addi %mul3A_352, %add3A_353 : i32
          %add3A_355 = vector.broadcast %add3A_354 : i32 to vector<16xi32>
          %add3A_356 = arith.addi %iota3A, %add3A_355 : vector<16xi32>
          %and3A_357 = arith.constant 63 : i32
          %and3A_358 = vector.broadcast %and3A_357 : i32 to vector<16xi32>
          %and3A_359 = arith.andi %add3A_356, %and3A_358 : vector<16xi32>
          %mul3A_360 = arith.constant 64 : i32
          %mul3A_361 = vector.broadcast %mul3A_360 : i32 to vector<16xi32>
          %mul3A_362 = arith.muli %iota3A, %mul3A_361 : vector<16xi32>
          %add3A_363 = arith.addi %mul3A_362, %and3A_359 : vector<16xi32>
          %gather3A_364 = tpu.vector_load_idx %arg6[%add3A_363] : memref<1024xf32, #tpu.memory_space<vmem>>[vector<16xi32>], vector<16xf32>,
          %mul3A_365 = arith.mulf %gather3A_364, %gather3A_364 : vector<16xf32>
          %add3A_366 = arith.addf %add3A_350, %mul3A_365 : vector<16xf32>
          scf.yield %add3A_366 : vector<16xf32>
        }
        %scan3A_63 = arith.constant 4 : i32
        %bitcast3A = vector.bitcast %scan3A_62 : vector<16xf32> to vector<16xi32>
        %shift_right_arithmetic3A = arith.constant 1 : i32
        %shift_right_arithmetic3A_64 = vector.broadcast %shift_right_arithmetic3A : i32 to vector<16xi32>
        %shift_right_arithmetic3A_65 = arith.shrsi %bitcast3A, %shift_right_arithmetic3A_64 : vector<16xi32>
        %sub3A = arith.constant 1597463007 : i32
        %sub3A_66 = vector.broadcast %sub3A : i32 to vector<16xi32>
        %sub3A_67 = arith.subi %sub3A_66, %shift_right_arithmetic3A_65 : vector<16xi32>
        %bitcast3A_68 = vector.bitcast %sub3A_67 : vector<16xi32> to vector<16xf32>
        %mul3A_69 = arith.constant 5.000000e-01 : f32
        %mul3A_70 = vector.broadcast %mul3A_69 : f32 to vector<16xf32>
        %mul3A_71 = arith.mulf %scan3A_62, %mul3A_70 : vector<16xf32>
        %mul3A_72 = arith.mulf %mul3A_71, %bitcast3A_68 : vector<16xf32>
        %mul3A_73 = arith.mulf %mul3A_72, %bitcast3A_68 : vector<16xf32>
        %sub3A_74 = arith.constant 1.500000e+00 : f32
        %sub3A_75 = vector.broadcast %sub3A_74 : f32 to vector<16xf32>
        %sub3A_76 = arith.subf %sub3A_75, %mul3A_73 : vector<16xf32>
        %mul3A_77 = arith.mulf %bitcast3A_68, %sub3A_76 : vector<16xf32>
        %mul3A_78 = arith.mulf %mul3A_71, %mul3A_77 : vector<16xf32>
        %mul3A_79 = arith.mulf %mul3A_78, %mul3A_77 : vector<16xf32>
        %sub3A_80 = arith.constant 1.500000e+00 : f32
        %sub3A_81 = vector.broadcast %sub3A_80 : f32 to vector<16xf32>
        %sub3A_82 = arith.subf %sub3A_81, %mul3A_79 : vector<16xf32>
        %mul3A_83 = arith.mulf %mul3A_77, %sub3A_82 : vector<16xf32>
        %mul3A_84 = arith.mulf %mul3A_71, %mul3A_83 : vector<16xf32>
        %mul3A_85 = arith.mulf %mul3A_84, %mul3A_83 : vector<16xf32>
        %sub3A_86 = arith.constant 1.500000e+00 : f32
        %sub3A_87 = vector.broadcast %sub3A_86 : f32 to vector<16xf32>
        %sub3A_88 = arith.subf %sub3A_87, %mul3A_85 : vector<16xf32>
        %mul3A_89 = arith.mulf %mul3A_83, %sub3A_88 : vector<16xf32>
        %mul3A_90 = arith.mulf %mul3A_71, %mul3A_89 : vector<16xf32>
        %mul3A_91 = arith.mulf %mul3A_90, %mul3A_89 : vector<16xf32>
        %sub3A_92 = arith.constant 1.500000e+00 : f32
        %sub3A_93 = vector.broadcast %sub3A_92 : f32 to vector<16xf32>
        %sub3A_94 = arith.subf %sub3A_93, %mul3A_91 : vector<16xf32>
        %mul3A_95 = arith.mulf %mul3A_89, %sub3A_94 : vector<16xf32>
        %min3A = arith.constant 9.99999995E+11 : f32
        %min3A_96 = vector.broadcast %min3A : f32 to vector<16xf32>
        %min3A_97 = arith.minimumf %mul3A_95, %min3A_96 : vector<16xf32>
        %scan3A_98 = arith.constant 0 : i32
        %scan3A_99 = arith.constant 0 : i32
        %scan3A_100 = arith.constant 4 : i32
        %scan3A_101 = arith.addi %scan3A_99, %scan3A_100 : i32
        %scan3A_102 = arith.constant 1 : i32
        scf.for %scan3A_111 = %scan3A_99 to %scan3A_101 step %scan3A_102  : i32 {
          %mul3A_112 = arith.constant 16 : i32
          %mul3A_113 = arith.muli %scan3A_111, %mul3A_112 : i32
          %add3A_114 = arith.constant 0 : i32
          %add3A_115 = arith.addi %mul3A_113, %add3A_114 : i32
          %add3A_116 = vector.broadcast %add3A_115 : i32 to vector<16xi32>
          %add3A_117 = arith.addi %iota3A, %add3A_116 : vector<16xi32>
          %and3A = arith.constant 63 : i32
          %and3A_118 = vector.broadcast %and3A : i32 to vector<16xi32>
          %and3A_119 = arith.andi %add3A_117, %and3A_118 : vector<16xi32>
          %mul3A_120 = arith.constant 64 : i32
          %mul3A_121 = vector.broadcast %mul3A_120 : i32 to vector<16xi32>
          %mul3A_122 = arith.muli %iota3A, %mul3A_121 : vector<16xi32>
          %add3A_123 = arith.addi %mul3A_122, %and3A_119 : vector<16xi32>
          %gather3A = tpu.vector_load_idx %arg6[%add3A_123] : memref<1024xf32, #tpu.memory_space<vmem>>[vector<16xi32>], vector<16xf32>,
          %mul3A_124 = arith.mulf %gather3A, %min3A_97 : vector<16xf32>
          tpu.vector_store_idx %arg9[%get3A_57, %and3A_119], %mul3A_124 {add = true} : memref<2000x64xf32, #tpu.memory_space<vmem>>[vector<16xi32>, vector<16xi32>], vector<16xf32>,
          %mul3A_125 = arith.constant 16 : i32
          %mul3A_126 = arith.muli %scan3A_111, %mul3A_125 : i32
          %add3A_127 = arith.constant 1 : i32
          %add3A_128 = arith.addi %mul3A_126, %add3A_127 : i32
          %add3A_129 = vector.broadcast %add3A_128 : i32 to vector<16xi32>
          %add3A_130 = arith.addi %iota3A, %add3A_129 : vector<16xi32>
          %and3A_131 = arith.constant 63 : i32
          %and3A_132 = vector.broadcast %and3A_131 : i32 to vector<16xi32>
          %and3A_133 = arith.andi %add3A_130, %and3A_132 : vector<16xi32>
          %mul3A_134 = arith.constant 64 : i32
          %mul3A_135 = vector.broadcast %mul3A_134 : i32 to vector<16xi32>
          %mul3A_136 = arith.muli %iota3A, %mul3A_135 : vector<16xi32>
          %add3A_137 = arith.addi %mul3A_136, %and3A_133 : vector<16xi32>
          %gather3A_138 = tpu.vector_load_idx %arg6[%add3A_137] : memref<1024xf32, #tpu.memory_space<vmem>>[vector<16xi32>], vector<16xf32>,
          %mul3A_139 = arith.mulf %gather3A_138, %min3A_97 : vector<16xf32>
          tpu.vector_store_idx %arg9[%get3A_57, %and3A_133], %mul3A_139 {add = true} : memref<2000x64xf32, #tpu.memory_space<vmem>>[vector<16xi32>, vector<16xi32>], vector<16xf32>,
          %mul3A_140 = arith.constant 16 : i32
          %mul3A_141 = arith.muli %scan3A_111, %mul3A_140 : i32
          %add3A_142 = arith.constant 2 : i32
          %add3A_143 = arith.addi %mul3A_141, %add3A_142 : i32
          %add3A_144 = vector.broadcast %add3A_143 : i32 to vector<16xi32>
          %add3A_145 = arith.addi %iota3A, %add3A_144 : vector<16xi32>
          %and3A_146 = arith.constant 63 : i32
          %and3A_147 = vector.broadcast %and3A_146 : i32 to vector<16xi32>
          %and3A_148 = arith.andi %add3A_145, %and3A_147 : vector<16xi32>
          %mul3A_149 = arith.constant 64 : i32
          %mul3A_150 = vector.broadcast %mul3A_149 : i32 to vector<16xi32>
          %mul3A_151 = arith.muli %iota3A, %mul3A_150 : vector<16xi32>
          %add3A_152 = arith.addi %mul3A_151, %and3A_148 : vector<16xi32>
          %gather3A_153 = tpu.vector_load_idx %arg6[%add3A_152] : memref<1024xf32, #tpu.memory_space<vmem>>[vector<16xi32>], vector<16xf32>,
          %mul3A_154 = arith.mulf %gather3A_153, %min3A_97 : vector<16xf32>
          tpu.vector_store_idx %arg9[%get3A_57, %and3A_148], %mul3A_154 {add = true} : memref<2000x64xf32, #tpu.memory_space<vmem>>[vector<16xi32>, vector<16xi32>], vector<16xf32>,
          %mul3A_155 = arith.constant 16 : i32
          %mul3A_156 = arith.muli %scan3A_111, %mul3A_155 : i32
          %add3A_157 = arith.constant 3 : i32
          %add3A_158 = arith.addi %mul3A_156, %add3A_157 : i32
          %add3A_159 = vector.broadcast %add3A_158 : i32 to vector<16xi32>
          %add3A_160 = arith.addi %iota3A, %add3A_159 : vector<16xi32>
          %and3A_161 = arith.constant 63 : i32
          %and3A_162 = vector.broadcast %and3A_161 : i32 to vector<16xi32>
          %and3A_163 = arith.andi %add3A_160, %and3A_162 : vector<16xi32>
          %mul3A_164 = arith.constant 64 : i32
          %mul3A_165 = vector.broadcast %mul3A_164 : i32 to vector<16xi32>
          %mul3A_166 = arith.muli %iota3A, %mul3A_165 : vector<16xi32>
          %add3A_167 = arith.addi %mul3A_166, %and3A_163 : vector<16xi32>
          %gather3A_168 = tpu.vector_load_idx %arg6[%add3A_167] : memref<1024xf32, #tpu.memory_space<vmem>>[vector<16xi32>], vector<16xf32>,
          %mul3A_169 = arith.mulf %gather3A_168, %min3A_97 : vector<16xf32>
          tpu.vector_store_idx %arg9[%get3A_57, %and3A_163], %mul3A_169 {add = true} : memref<2000x64xf32, #tpu.memory_space<vmem>>[vector<16xi32>, vector<16xi32>], vector<16xf32>,
          %mul3A_170 = arith.constant 16 : i32
          %mul3A_171 = arith.muli %scan3A_111, %mul3A_170 : i32
          %add3A_172 = arith.constant 4 : i32
          %add3A_173 = arith.addi %mul3A_171, %add3A_172 : i32
          %add3A_174 = vector.broadcast %add3A_173 : i32 to vector<16xi32>
          %add3A_175 = arith.addi %iota3A, %add3A_174 : vector<16xi32>
          %and3A_176 = arith.constant 63 : i32
          %and3A_177 = vector.broadcast %and3A_176 : i32 to vector<16xi32>
          %and3A_178 = arith.andi %add3A_175, %and3A_177 : vector<16xi32>
          %mul3A_179 = arith.constant 64 : i32
          %mul3A_180 = vector.broadcast %mul3A_179 : i32 to vector<16xi32>
          %mul3A_181 = arith.muli %iota3A, %mul3A_180 : vector<16xi32>
          %add3A_182 = arith.addi %mul3A_181, %and3A_178 : vector<16xi32>
          %gather3A_183 = tpu.vector_load_idx %arg6[%add3A_182] : memref<1024xf32, #tpu.memory_space<vmem>>[vector<16xi32>], vector<16xf32>,
          %mul3A_184 = arith.mulf %gather3A_183, %min3A_97 : vector<16xf32>
          tpu.vector_store_idx %arg9[%get3A_57, %and3A_178], %mul3A_184 {add = true} : memref<2000x64xf32, #tpu.memory_space<vmem>>[vector<16xi32>, vector<16xi32>], vector<16xf32>,
          %mul3A_185 = arith.constant 16 : i32
          %mul3A_186 = arith.muli %scan3A_111, %mul3A_185 : i32
          %add3A_187 = arith.constant 5 : i32
          %add3A_188 = arith.addi %mul3A_186, %add3A_187 : i32
          %add3A_189 = vector.broadcast %add3A_188 : i32 to vector<16xi32>
          %add3A_190 = arith.addi %iota3A, %add3A_189 : vector<16xi32>
          %and3A_191 = arith.constant 63 : i32
          %and3A_192 = vector.broadcast %and3A_191 : i32 to vector<16xi32>
          %and3A_193 = arith.andi %add3A_190, %and3A_192 : vector<16xi32>
          %mul3A_194 = arith.constant 64 : i32
          %mul3A_195 = vector.broadcast %mul3A_194 : i32 to vector<16xi32>
          %mul3A_196 = arith.muli %iota3A, %mul3A_195 : vector<16xi32>
          %add3A_197 = arith.addi %mul3A_196, %and3A_193 : vector<16xi32>
          %gather3A_198 = tpu.vector_load_idx %arg6[%add3A_197] : memref<1024xf32, #tpu.memory_space<vmem>>[vector<16xi32>], vector<16xf32>,
          %mul3A_199 = arith.mulf %gather3A_198, %min3A_97 : vector<16xf32>
          tpu.vector_store_idx %arg9[%get3A_57, %and3A_193], %mul3A_199 {add = true} : memref<2000x64xf32, #tpu.memory_space<vmem>>[vector<16xi32>, vector<16xi32>], vector<16xf32>,
          %mul3A_200 = arith.constant 16 : i32
          %mul3A_201 = arith.muli %scan3A_111, %mul3A_200 : i32
          %add3A_202 = arith.constant 6 : i32
          %add3A_203 = arith.addi %mul3A_201, %add3A_202 : i32
          %add3A_204 = vector.broadcast %add3A_203 : i32 to vector<16xi32>
          %add3A_205 = arith.addi %iota3A, %add3A_204 : vector<16xi32>
          %and3A_206 = arith.constant 63 : i32
          %and3A_207 = vector.broadcast %and3A_206 : i32 to vector<16xi32>
          %and3A_208 = arith.andi %add3A_205, %and3A_207 : vector<16xi32>
          %mul3A_209 = arith.constant 64 : i32
          %mul3A_210 = vector.broadcast %mul3A_209 : i32 to vector<16xi32>
          %mul3A_211 = arith.muli %iota3A, %mul3A_210 : vector<16xi32>
          %add3A_212 = arith.addi %mul3A_211, %and3A_208 : vector<16xi32>
          %gather3A_213 = tpu.vector_load_idx %arg6[%add3A_212] : memref<1024xf32, #tpu.memory_space<vmem>>[vector<16xi32>], vector<16xf32>,
          %mul3A_214 = arith.mulf %gather3A_213, %min3A_97 : vector<16xf32>
          tpu.vector_store_idx %arg9[%get3A_57, %and3A_208], %mul3A_214 {add = true} : memref<2000x64xf32, #tpu.memory_space<vmem>>[vector<16xi32>, vector<16xi32>], vector<16xf32>,
          %mul3A_215 = arith.constant 16 : i32
          %mul3A_216 = arith.muli %scan3A_111, %mul3A_215 : i32
          %add3A_217 = arith.constant 7 : i32
          %add3A_218 = arith.addi %mul3A_216, %add3A_217 : i32
          %add3A_219 = vector.broadcast %add3A_218 : i32 to vector<16xi32>
          %add3A_220 = arith.addi %iota3A, %add3A_219 : vector<16xi32>
          %and3A_221 = arith.constant 63 : i32
          %and3A_222 = vector.broadcast %and3A_221 : i32 to vector<16xi32>
          %and3A_223 = arith.andi %add3A_220, %and3A_222 : vector<16xi32>
          %mul3A_224 = arith.constant 64 : i32
          %mul3A_225 = vector.broadcast %mul3A_224 : i32 to vector<16xi32>
          %mul3A_226 = arith.muli %iota3A, %mul3A_225 : vector<16xi32>
          %add3A_227 = arith.addi %mul3A_226, %and3A_223 : vector<16xi32>
          %gather3A_228 = tpu.vector_load_idx %arg6[%add3A_227] : memref<1024xf32, #tpu.memory_space<vmem>>[vector<16xi32>], vector<16xf32>,
          %mul3A_229 = arith.mulf %gather3A_228, %min3A_97 : vector<16xf32>
          tpu.vector_store_idx %arg9[%get3A_57, %and3A_223], %mul3A_229 {add = true} : memref<2000x64xf32, #tpu.memory_space<vmem>>[vector<16xi32>, vector<16xi32>], vector<16xf32>,
          %mul3A_230 = arith.constant 16 : i32
          %mul3A_231 = arith.muli %scan3A_111, %mul3A_230 : i32
          %add3A_232 = arith.constant 8 : i32
          %add3A_233 = arith.addi %mul3A_231, %add3A_232 : i32
          %add3A_234 = vector.broadcast %add3A_233 : i32 to vector<16xi32>
          %add3A_235 = arith.addi %iota3A, %add3A_234 : vector<16xi32>
          %and3A_236 = arith.constant 63 : i32
          %and3A_237 = vector.broadcast %and3A_236 : i32 to vector<16xi32>
          %and3A_238 = arith.andi %add3A_235, %and3A_237 : vector<16xi32>
          %mul3A_239 = arith.constant 64 : i32
          %mul3A_240 = vector.broadcast %mul3A_239 : i32 to vector<16xi32>
          %mul3A_241 = arith.muli %iota3A, %mul3A_240 : vector<16xi32>
          %add3A_242 = arith.addi %mul3A_241, %and3A_238 : vector<16xi32>
          %gather3A_243 = tpu.vector_load_idx %arg6[%add3A_242] : memref<1024xf32, #tpu.memory_space<vmem>>[vector<16xi32>], vector<16xf32>,
          %mul3A_244 = arith.mulf %gather3A_243, %min3A_97 : vector<16xf32>
          tpu.vector_store_idx %arg9[%get3A_57, %and3A_238], %mul3A_244 {add = true} : memref<2000x64xf32, #tpu.memory_space<vmem>>[vector<16xi32>, vector<16xi32>], vector<16xf32>,
          %mul3A_245 = arith.constant 16 : i32
          %mul3A_246 = arith.muli %scan3A_111, %mul3A_245 : i32
          %add3A_247 = arith.constant 9 : i32
          %add3A_248 = arith.addi %mul3A_246, %add3A_247 : i32
          %add3A_249 = vector.broadcast %add3A_248 : i32 to vector<16xi32>
          %add3A_250 = arith.addi %iota3A, %add3A_249 : vector<16xi32>
          %and3A_251 = arith.constant 63 : i32
          %and3A_252 = vector.broadcast %and3A_251 : i32 to vector<16xi32>
          %and3A_253 = arith.andi %add3A_250, %and3A_252 : vector<16xi32>
          %mul3A_254 = arith.constant 64 : i32
          %mul3A_255 = vector.broadcast %mul3A_254 : i32 to vector<16xi32>
          %mul3A_256 = arith.muli %iota3A, %mul3A_255 : vector<16xi32>
          %add3A_257 = arith.addi %mul3A_256, %and3A_253 : vector<16xi32>
          %gather3A_258 = tpu.vector_load_idx %arg6[%add3A_257] : memref<1024xf32, #tpu.memory_space<vmem>>[vector<16xi32>], vector<16xf32>,
          %mul3A_259 = arith.mulf %gather3A_258, %min3A_97 : vector<16xf32>
          tpu.vector_store_idx %arg9[%get3A_57, %and3A_253], %mul3A_259 {add = true} : memref<2000x64xf32, #tpu.memory_space<vmem>>[vector<16xi32>, vector<16xi32>], vector<16xf32>,
          %mul3A_260 = arith.constant 16 : i32
          %mul3A_261 = arith.muli %scan3A_111, %mul3A_260 : i32
          %add3A_262 = arith.constant 10 : i32
          %add3A_263 = arith.addi %mul3A_261, %add3A_262 : i32
          %add3A_264 = vector.broadcast %add3A_263 : i32 to vector<16xi32>
          %add3A_265 = arith.addi %iota3A, %add3A_264 : vector<16xi32>
          %and3A_266 = arith.constant 63 : i32
          %and3A_267 = vector.broadcast %and3A_266 : i32 to vector<16xi32>
          %and3A_268 = arith.andi %add3A_265, %and3A_267 : vector<16xi32>
          %mul3A_269 = arith.constant 64 : i32
          %mul3A_270 = vector.broadcast %mul3A_269 : i32 to vector<16xi32>
          %mul3A_271 = arith.muli %iota3A, %mul3A_270 : vector<16xi32>
          %add3A_272 = arith.addi %mul3A_271, %and3A_268 : vector<16xi32>
          %gather3A_273 = tpu.vector_load_idx %arg6[%add3A_272] : memref<1024xf32, #tpu.memory_space<vmem>>[vector<16xi32>], vector<16xf32>,
          %mul3A_274 = arith.mulf %gather3A_273, %min3A_97 : vector<16xf32>
          tpu.vector_store_idx %arg9[%get3A_57, %and3A_268], %mul3A_274 {add = true} : memref<2000x64xf32, #tpu.memory_space<vmem>>[vector<16xi32>, vector<16xi32>], vector<16xf32>,
          %mul3A_275 = arith.constant 16 : i32
          %mul3A_276 = arith.muli %scan3A_111, %mul3A_275 : i32
          %add3A_277 = arith.constant 11 : i32
          %add3A_278 = arith.addi %mul3A_276, %add3A_277 : i32
          %add3A_279 = vector.broadcast %add3A_278 : i32 to vector<16xi32>
          %add3A_280 = arith.addi %iota3A, %add3A_279 : vector<16xi32>
          %and3A_281 = arith.constant 63 : i32
          %and3A_282 = vector.broadcast %and3A_281 : i32 to vector<16xi32>
          %and3A_283 = arith.andi %add3A_280, %and3A_282 : vector<16xi32>
          %mul3A_284 = arith.constant 64 : i32
          %mul3A_285 = vector.broadcast %mul3A_284 : i32 to vector<16xi32>
          %mul3A_286 = arith.muli %iota3A, %mul3A_285 : vector<16xi32>
          %add3A_287 = arith.addi %mul3A_286, %and3A_283 : vector<16xi32>
          %gather3A_288 = tpu.vector_load_idx %arg6[%add3A_287] : memref<1024xf32, #tpu.memory_space<vmem>>[vector<16xi32>], vector<16xf32>,
          %mul3A_289 = arith.mulf %gather3A_288, %min3A_97 : vector<16xf32>
          tpu.vector_store_idx %arg9[%get3A_57, %and3A_283], %mul3A_289 {add = true} : memref<2000x64xf32, #tpu.memory_space<vmem>>[vector<16xi32>, vector<16xi32>], vector<16xf32>,
          %mul3A_290 = arith.constant 16 : i32
          %mul3A_291 = arith.muli %scan3A_111, %mul3A_290 : i32
          %add3A_292 = arith.constant 12 : i32
          %add3A_293 = arith.addi %mul3A_291, %add3A_292 : i32
          %add3A_294 = vector.broadcast %add3A_293 : i32 to vector<16xi32>
          %add3A_295 = arith.addi %iota3A, %add3A_294 : vector<16xi32>
          %and3A_296 = arith.constant 63 : i32
          %and3A_297 = vector.broadcast %and3A_296 : i32 to vector<16xi32>
          %and3A_298 = arith.andi %add3A_295, %and3A_297 : vector<16xi32>
          %mul3A_299 = arith.constant 64 : i32
          %mul3A_300 = vector.broadcast %mul3A_299 : i32 to vector<16xi32>
          %mul3A_301 = arith.muli %iota3A, %mul3A_300 : vector<16xi32>
          %add3A_302 = arith.addi %mul3A_301, %and3A_298 : vector<16xi32>
          %gather3A_303 = tpu.vector_load_idx %arg6[%add3A_302] : memref<1024xf32, #tpu.memory_space<vmem>>[vector<16xi32>], vector<16xf32>,
          %mul3A_304 = arith.mulf %gather3A_303, %min3A_97 : vector<16xf32>
          tpu.vector_store_idx %arg9[%get3A_57, %and3A_298], %mul3A_304 {add = true} : memref<2000x64xf32, #tpu.memory_space<vmem>>[vector<16xi32>, vector<16xi32>], vector<16xf32>,
          %mul3A_305 = arith.constant 16 : i32
          %mul3A_306 = arith.muli %scan3A_111, %mul3A_305 : i32
          %add3A_307 = arith.constant 13 : i32
          %add3A_308 = arith.addi %mul3A_306, %add3A_307 : i32
          %add3A_309 = vector.broadcast %add3A_308 : i32 to vector<16xi32>
          %add3A_310 = arith.addi %iota3A, %add3A_309 : vector<16xi32>
          %and3A_311 = arith.constant 63 : i32
          %and3A_312 = vector.broadcast %and3A_311 : i32 to vector<16xi32>
          %and3A_313 = arith.andi %add3A_310, %and3A_312 : vector<16xi32>
          %mul3A_314 = arith.constant 64 : i32
          %mul3A_315 = vector.broadcast %mul3A_314 : i32 to vector<16xi32>
          %mul3A_316 = arith.muli %iota3A, %mul3A_315 : vector<16xi32>
          %add3A_317 = arith.addi %mul3A_316, %and3A_313 : vector<16xi32>
          %gather3A_318 = tpu.vector_load_idx %arg6[%add3A_317] : memref<1024xf32, #tpu.memory_space<vmem>>[vector<16xi32>], vector<16xf32>,
          %mul3A_319 = arith.mulf %gather3A_318, %min3A_97 : vector<16xf32>
          tpu.vector_store_idx %arg9[%get3A_57, %and3A_313], %mul3A_319 {add = true} : memref<2000x64xf32, #tpu.memory_space<vmem>>[vector<16xi32>, vector<16xi32>], vector<16xf32>,
          %mul3A_320 = arith.constant 16 : i32
          %mul3A_321 = arith.muli %scan3A_111, %mul3A_320 : i32
          %add3A_322 = arith.constant 14 : i32
          %add3A_323 = arith.addi %mul3A_321, %add3A_322 : i32
          %add3A_324 = vector.broadcast %add3A_323 : i32 to vector<16xi32>
          %add3A_325 = arith.addi %iota3A, %add3A_324 : vector<16xi32>
          %and3A_326 = arith.constant 63 : i32
          %and3A_327 = vector.broadcast %and3A_326 : i32 to vector<16xi32>
          %and3A_328 = arith.andi %add3A_325, %and3A_327 : vector<16xi32>
          %mul3A_329 = arith.constant 64 : i32
          %mul3A_330 = vector.broadcast %mul3A_329 : i32 to vector<16xi32>
          %mul3A_331 = arith.muli %iota3A, %mul3A_330 : vector<16xi32>
          %add3A_332 = arith.addi %mul3A_331, %and3A_328 : vector<16xi32>
          %gather3A_333 = tpu.vector_load_idx %arg6[%add3A_332] : memref<1024xf32, #tpu.memory_space<vmem>>[vector<16xi32>], vector<16xf32>,
          %mul3A_334 = arith.mulf %gather3A_333, %min3A_97 : vector<16xf32>
          tpu.vector_store_idx %arg9[%get3A_57, %and3A_328], %mul3A_334 {add = true} : memref<2000x64xf32, #tpu.memory_space<vmem>>[vector<16xi32>, vector<16xi32>], vector<16xf32>,
          %mul3A_335 = arith.constant 16 : i32
          %mul3A_336 = arith.muli %scan3A_111, %mul3A_335 : i32
          %add3A_337 = arith.constant 15 : i32
          %add3A_338 = arith.addi %mul3A_336, %add3A_337 : i32
          %add3A_339 = vector.broadcast %add3A_338 : i32 to vector<16xi32>
          %add3A_340 = arith.addi %iota3A, %add3A_339 : vector<16xi32>
          %and3A_341 = arith.constant 63 : i32
          %and3A_342 = vector.broadcast %and3A_341 : i32 to vector<16xi32>
          %and3A_343 = arith.andi %add3A_340, %and3A_342 : vector<16xi32>
          %mul3A_344 = arith.constant 64 : i32
          %mul3A_345 = vector.broadcast %mul3A_344 : i32 to vector<16xi32>
          %mul3A_346 = arith.muli %iota3A, %mul3A_345 : vector<16xi32>
          %add3A_347 = arith.addi %mul3A_346, %and3A_343 : vector<16xi32>
          %gather3A_348 = tpu.vector_load_idx %arg6[%add3A_347] : memref<1024xf32, #tpu.memory_space<vmem>>[vector<16xi32>], vector<16xf32>,
          %mul3A_349 = arith.mulf %gather3A_348, %min3A_97 : vector<16xf32>
          tpu.vector_store_idx %arg9[%get3A_57, %and3A_343], %mul3A_349 {add = true} : memref<2000x64xf32, #tpu.memory_space<vmem>>[vector<16xi32>, vector<16xi32>], vector<16xf32>,
        }
        %scan3A_103 = arith.constant 4 : i32
        %add3A_104 = arith.constant 64 : i32
        %add3A_105 = arith.addi %add3A_44, %add3A_104 : i32
        %lt3A_106 = arith.constant 62500 : i32
        %lt3A_107 = arith.cmpi slt, %add3A_105, %lt3A_106 : i32
        %convert_element_type3A_108 = arith.extui %lt3A_107 : i1 to i32
        %cond3A_109 = arith.constant 0 : i32
        %cond3A_110 = arith.cmpi ne, %convert_element_type3A_108, %cond3A_109 : i32
        scf.if %cond3A_110 {
          %add3A_111 = arith.constant 64 : i32
          %add3A_112 = arith.addi %add3A_44, %add3A_111 : i32
          %mul3A_113 = arith.constant 1024 : i32
          %mul3A_114 = arith.muli %add3A_112, %mul3A_113 : i32
          %dma_start3A_115 = tpu.memref_slice %arg2[%mul3A_114] : memref<64000000xf32, #tpu.memory_space<hbm>> -> memref<1024xf32, #tpu.memory_space<hbm>>
          %dma_start3A_116 = tpu.memref_slice %arg2[%mul3A_114] : memref<64000000xf32, #tpu.memory_space<hbm>> -> memref<1024xf32, #tpu.memory_space<hbm>>
          tpu.enqueue_dma source(%dma_start3A_116 : memref<1024xf32, #tpu.memory_space<hbm>>) target(%arg6 : memref<1024xf32, #tpu.memory_space<vmem>>) target_semaphore(%arg11 : memref<!tpu.dma_semaphore, #tpu.memory_space<semaphore_mem>>)
          %mul3A_117 = arith.constant 16 : i32
          %mul3A_118 = arith.muli %add3A_112, %mul3A_117 : i32
          %dma_start3A_119 = tpu.memref_slice %arg3[%mul3A_118] : memref<1000000xi32, #tpu.memory_space<hbm>> -> memref<16xi32, #tpu.memory_space<hbm>>
          %dma_start3A_120 = tpu.memref_slice %arg3[%mul3A_118] : memref<1000000xi32, #tpu.memory_space<hbm>> -> memref<16xi32, #tpu.memory_space<hbm>>
          tpu.enqueue_dma source(%dma_start3A_120 : memref<16xi32, #tpu.memory_space<hbm>>) target(%arg8 : memref<16xi32, #tpu.memory_space<vmem>>) target_semaphore(%arg11 : memref<!tpu.dma_semaphore, #tpu.memory_space<semaphore_mem>>)
        } else {
        }
      } else {
      }
    }
    %scan3A_29 = arith.constant 977 : i32
    "tpu.region"() ({
      %run_scoped3A = tpu.sem_alloc : memref<!tpu.dma_semaphore, #tpu.memory_space<semaphore_mem>>
      %dma_start3A_30 = arith.constant 0 : i32
      %dma_start3A_31 = arith.constant 0 : i32
      %dma_start3A_32 = tpu.memref_slice %arg4[%add3A, %dma_start3A_30, %dma_start3A_31] : memref<32x2000x64xf32, #tpu.memory_space<hbm>> -> memref<1x2000x64xf32, #tpu.memory_space<hbm>>
      %dma_start3A_33 = tpu.memref_squeeze %dma_start3A_32 : memref<1x2000x64xf32, #tpu.memory_space<hbm>> -> memref<2000x64xf32, #tpu.memory_space<hbm>>
      %dma_start3A_34 = arith.constant 0 : i32
      %dma_start3A_35 = arith.constant 0 : i32
      %dma_start3A_36 = tpu.memref_slice %arg4[%add3A, %dma_start3A_34, %dma_start3A_35] : memref<32x2000x64xf32, #tpu.memory_space<hbm>> -> memref<1x2000x64xf32, #tpu.memory_space<hbm>>
      %dma_start3A_37 = tpu.memref_squeeze %dma_start3A_36 : memref<1x2000x64xf32, #tpu.memory_space<hbm>> -> memref<2000x64xf32, #tpu.memory_space<hbm>>
      tpu.enqueue_dma source(%arg9 : memref<2000x64xf32, #tpu.memory_space<vmem>>) target(%dma_start3A_37 : memref<2000x64xf32, #tpu.memory_space<hbm>>) target_semaphore(%run_scoped3A : memref<!tpu.dma_semaphore, #tpu.memory_space<semaphore_mem>>)
      %dma_wait3A = arith.constant 0 : i32
      %dma_wait3A_38 = arith.constant 0 : i32
      %dma_wait3A_39 = tpu.memref_slice %arg4[%add3A, %dma_wait3A, %dma_wait3A_38] : memref<32x2000x64xf32, #tpu.memory_space<hbm>> -> memref<1x2000x64xf32, #tpu.memory_space<hbm>>
      %dma_wait3A_40 = tpu.memref_squeeze %dma_wait3A_39 : memref<1x2000x64xf32, #tpu.memory_space<hbm>> -> memref<2000x64xf32, #tpu.memory_space<hbm>>
      %dma_wait3A_41 = arith.constant 0 : i32
      %dma_wait3A_42 = arith.constant 0 : i32
      %dma_wait3A_43 = tpu.memref_slice %arg4[%add3A, %dma_wait3A_41, %dma_wait3A_42] : memref<32x2000x64xf32, #tpu.memory_space<hbm>> -> memref<1x2000x64xf32, #tpu.memory_space<hbm>>
      %dma_wait3A_44 = tpu.memref_squeeze %dma_wait3A_43 : memref<1x2000x64xf32, #tpu.memory_space<hbm>> -> memref<2000x64xf32, #tpu.memory_space<hbm>>
      tpu.wait_dma2 semaphore(%run_scoped3A : memref<!tpu.dma_semaphore, #tpu.memory_space<semaphore_mem>>) src(%arg9 : memref<2000x64xf32, #tpu.memory_space<vmem>>) dst(%dma_wait3A_44 : memref<2000x64xf32, #tpu.memory_space<hbm>>)
      tpu.yield
    }) : () -> ()
    return
  }
}

module attributes {stable_mosaic.version = 14 : i64} {
  func.func @_reduce_body(%arg0: i32, %arg1: memref<1x2000x64xf32, #tpu.memory_space<vmem>>, %arg2: memref<1x1x2016xf32, #tpu.memory_space<vmem>>, %arg3: memref<2000x64xf32, #tpu.memory_space<vmem>>, %arg4: memref<1x1xf32, #tpu.memory_space<vmem>>, %arg5: memref<2000x64xf32, #tpu.memory_space<vmem>>, %arg6: memref<1x2016xf32, #tpu.memory_space<vmem>>) attributes {dimension_semantics = [#tpu.dimension_semantics<arbitrary>], iteration_bounds = array<i64: 32>, scalar_prefetch = 0 : i64, scratch_operands = 2 : i64, tpu.core_type = #tpu.core_type<tc>, window_params = [{transform_indices = @transform_0, window_bounds = array<i64: 1, 2000, 64>}, {transform_indices = @transform_1, window_bounds = array<i64: 1, 1, 2016>}, {pipeline_mode = #tpu.pipeline_mode<synchronous>, transform_indices = @transform_2, window_bounds = array<i64: 2000, 64>}, {pipeline_mode = #tpu.pipeline_mode<synchronous>, transform_indices = @transform_3, window_bounds = array<i64: 1, 1>}]} {
    %eq3A = arith.constant 0 : i32
    %eq3A_0 = arith.cmpi eq, %arg0, %eq3A : i32
    %convert_element_type3A = arith.extui %eq3A_0 : i1 to i32
    %cond3A = arith.constant 0 : i32
    %cond3A_1 = arith.cmpi ne, %convert_element_type3A, %cond3A : i32
    scf.if %cond3A_1 {
      %get3A = arith.constant 0 : index
      %get3A_11 = arith.constant 0 : index
      %get3A_12 = arith.constant 0 : index
      %get3A_13 = vector.load %arg1[%get3A, %get3A_11, %get3A_12] : memref<1x2000x64xf32, #tpu.memory_space<vmem>>, vector<1x2000x64xf32>
      %get3A_14 = vector.shape_cast %get3A_13 : vector<1x2000x64xf32> to vector<2000x64xf32>
      %swap3A = arith.constant 0 : index
      %swap3A_15 = arith.constant 0 : index
      %swap3A_16 = vector.load %arg5[%swap3A, %swap3A_15] : memref<2000x64xf32, #tpu.memory_space<vmem>>, vector<2000x64xf32>
      tpu.vector_store %arg5[%swap3A, %swap3A_15], %get3A_14 {strides = array<i32>} : memref<2000x64xf32, #tpu.memory_space<vmem>>, vector<2000x64xf32>,
      %get3A_17 = arith.constant 0 : index
      %get3A_18 = arith.constant 0 : index
      %get3A_19 = arith.constant 0 : index
      %get3A_20 = vector.load %arg2[%get3A_17, %get3A_18, %get3A_19] : memref<1x1x2016xf32, #tpu.memory_space<vmem>>, vector<1x1x2016xf32>
      %get3A_21 = vector.shape_cast %get3A_20 : vector<1x1x2016xf32> to vector<1x2016xf32>
      %swap3A_22 = arith.constant 0 : index
      %swap3A_23 = arith.constant 0 : index
      %swap3A_24 = vector.load %arg6[%swap3A_22, %swap3A_23] : memref<1x2016xf32, #tpu.memory_space<vmem>>, vector<1x2016xf32>
      tpu.vector_store %arg6[%swap3A_22, %swap3A_23], %get3A_21 {strides = array<i32>} : memref<1x2016xf32, #tpu.memory_space<vmem>>, vector<1x2016xf32>,
    } else {
    }
    %gt3A = arith.constant 0 : i32
    %gt3A_2 = arith.cmpi sgt, %arg0, %gt3A : i32
    %convert_element_type3A_3 = arith.extui %gt3A_2 : i1 to i32
    %cond3A_4 = arith.constant 0 : i32
    %cond3A_5 = arith.cmpi ne, %convert_element_type3A_3, %cond3A_4 : i32
    scf.if %cond3A_5 {
      %get3A = arith.constant 0 : index
      %get3A_11 = arith.constant 0 : index
      %get3A_12 = vector.load %arg5[%get3A, %get3A_11] : memref<2000x64xf32, #tpu.memory_space<vmem>>, vector<2000x64xf32>
      %get3A_13 = arith.constant 0 : index
      %get3A_14 = arith.constant 0 : index
      %get3A_15 = arith.constant 0 : index
      %get3A_16 = vector.load %arg1[%get3A_13, %get3A_14, %get3A_15] : memref<1x2000x64xf32, #tpu.memory_space<vmem>>, vector<1x2000x64xf32>
      %get3A_17 = vector.shape_cast %get3A_16 : vector<1x2000x64xf32> to vector<2000x64xf32>
      %add3A = arith.addf %get3A_12, %get3A_17 : vector<2000x64xf32>
      %swap3A = arith.constant 0 : index
      %swap3A_18 = arith.constant 0 : index
      %swap3A_19 = vector.load %arg5[%swap3A, %swap3A_18] : memref<2000x64xf32, #tpu.memory_space<vmem>>, vector<2000x64xf32>
      tpu.vector_store %arg5[%swap3A, %swap3A_18], %add3A {strides = array<i32>} : memref<2000x64xf32, #tpu.memory_space<vmem>>, vector<2000x64xf32>,
      %get3A_20 = arith.constant 0 : index
      %get3A_21 = arith.constant 0 : index
      %get3A_22 = vector.load %arg6[%get3A_20, %get3A_21] : memref<1x2016xf32, #tpu.memory_space<vmem>>, vector<1x2016xf32>
      %get3A_23 = arith.constant 0 : index
      %get3A_24 = arith.constant 0 : index
      %get3A_25 = arith.constant 0 : index
      %get3A_26 = vector.load %arg2[%get3A_23, %get3A_24, %get3A_25] : memref<1x1x2016xf32, #tpu.memory_space<vmem>>, vector<1x1x2016xf32>
      %get3A_27 = vector.shape_cast %get3A_26 : vector<1x1x2016xf32> to vector<1x2016xf32>
      %add3A_28 = arith.addf %get3A_22, %get3A_27 : vector<1x2016xf32>
      %swap3A_29 = arith.constant 0 : index
      %swap3A_30 = arith.constant 0 : index
      %swap3A_31 = vector.load %arg6[%swap3A_29, %swap3A_30] : memref<1x2016xf32, #tpu.memory_space<vmem>>, vector<1x2016xf32>
      tpu.vector_store %arg6[%swap3A_29, %swap3A_30], %add3A_28 {strides = array<i32>} : memref<1x2016xf32, #tpu.memory_space<vmem>>, vector<1x2016xf32>,
    } else {
    }
    %eq3A_6 = arith.constant 31 : i32
    %eq3A_7 = arith.cmpi eq, %arg0, %eq3A_6 : i32
    %convert_element_type3A_8 = arith.extui %eq3A_7 : i1 to i32
    %cond3A_9 = arith.constant 0 : i32
    %cond3A_10 = arith.cmpi ne, %convert_element_type3A_8, %cond3A_9 : i32
    scf.if %cond3A_10 {
      %get3A = arith.constant 0 : index
      %get3A_11 = arith.constant 0 : index
      %get3A_12 = vector.load %arg6[%get3A, %get3A_11] : memref<1x2016xf32, #tpu.memory_space<vmem>>, vector<1x2000xf32>
      %get3A_13 = vector.shape_cast %get3A_12 : vector<1x2000xf32> to vector<2000xf32>
      %broadcast_in_dim3A = vector.shape_cast %get3A_13 : vector<2000xf32> to vector<2000x1xf32>
      %get3A_14 = arith.constant 0 : index
      %get3A_15 = arith.constant 0 : index
      %get3A_16 = vector.load %arg5[%get3A_14, %get3A_15] : memref<2000x64xf32, #tpu.memory_space<vmem>>, vector<2000x64xf32>
      %max3A = arith.constant 1.000000e+00 : f32
      %max3A_17 = vector.broadcast %max3A : f32 to vector<2000x1xf32>
      %max3A_18 = arith.maximumf %broadcast_in_dim3A, %max3A_17 : vector<2000x1xf32>
      %div3A = vector.broadcast %max3A_18 : vector<2000x1xf32> to vector<2000x64xf32>
      %div3A_19 = arith.divf %get3A_16, %div3A : vector<2000x64xf32>
      %mul3A = arith.mulf %div3A_19, %div3A_19 : vector<2000x64xf32>
      %reduce_sum3A = vector.shape_cast %mul3A : vector<2000x64xf32> to vector<1x2000x64xf32>
      %reduce_sum3A_20 = arith.constant dense<0.000000e+00> : vector<1xf32>
      %reduce_sum3A_21 = vector.multi_reduction <add>, %reduce_sum3A, %reduce_sum3A_20 [1, 2] : vector<1x2000x64xf32> to vector<1xf32>
      %reduce_sum3A_22 = vector.shape_cast %reduce_sum3A_21 : vector<1xf32> to vector<1x1x1xf32>
      %reduce_sum3A_23 = vector.extract %reduce_sum3A_22[0, 0, 0] : f32 from vector<1x1x1xf32>
      %broadcast_in_dim3A_24 = vector.broadcast %reduce_sum3A_23 : f32 to vector<1x1xf32>
      %swap3A = arith.constant 0 : index
      %swap3A_25 = arith.constant 0 : index
      %swap3A_26 = vector.load %arg4[%swap3A, %swap3A_25] : memref<1x1xf32, #tpu.memory_space<vmem>>, vector<1x1xf32>
      tpu.vector_store %arg4[%swap3A, %swap3A_25], %broadcast_in_dim3A_24 {strides = array<i32>} : memref<1x1xf32, #tpu.memory_space<vmem>>, vector<1x1xf32>,
      %mul3A_27 = arith.mulf %div3A_19, %div3A_19 : vector<2000x64xf32>
      %reduce_sum3A_28 = arith.constant dense<0.000000e+00> : vector<2000xf32>
      %reduce_sum3A_29 = vector.multi_reduction <add>, %mul3A_27, %reduce_sum3A_28 [1] : vector<2000x64xf32> to vector<2000xf32>
      %broadcast_in_dim3A_30 = vector.shape_cast %reduce_sum3A_29 : vector<2000xf32> to vector<2000x1xf32>
      %sqrt3A = math.sqrt %broadcast_in_dim3A_30 : vector<2000x1xf32>
      %max3A_31 = arith.constant 9.99999996E-13 : f32
      %max3A_32 = vector.broadcast %max3A_31 : f32 to vector<2000x1xf32>
      %max3A_33 = arith.maximumf %sqrt3A, %max3A_32 : vector<2000x1xf32>
      %div3A_34 = vector.broadcast %max3A_33 : vector<2000x1xf32> to vector<2000x64xf32>
      %div3A_35 = arith.divf %div3A_19, %div3A_34 : vector<2000x64xf32>
      %swap3A_36 = arith.constant 0 : index
      %swap3A_37 = arith.constant 0 : index
      %swap3A_38 = vector.load %arg3[%swap3A_36, %swap3A_37] : memref<2000x64xf32, #tpu.memory_space<vmem>>, vector<2000x64xf32>
      tpu.vector_store %arg3[%swap3A_36, %swap3A_37], %div3A_35 {strides = array<i32>} : memref<2000x64xf32, #tpu.memory_space<vmem>>, vector<2000x64xf32>,
    } else {
    }
    return
  }
  func.func @transform_0(%arg0: i32) -> (i32, i32, i32) {
    %c0_i32 = arith.constant 0 : i32
    %c0_i32_0 = arith.constant 0 : i32
    %c0_i32_1 = arith.constant 0 : i32
    return %arg0, %c0_i32, %c0_i32_0 : i32, i32, i32
  }
  func.func @transform_1(%arg0: i32) -> (i32, i32, i32) {
    %c0_i32 = arith.constant 0 : i32
    %c0_i32_0 = arith.constant 0 : i32
    %c0_i32_1 = arith.constant 0 : i32
    return %arg0, %c0_i32, %c0_i32_0 : i32, i32, i32
  }
  func.func @transform_2(%arg0: i32) -> (i32, i32) {
    %c0_i32 = arith.constant 0 : i32
    %c0_i32_0 = arith.constant 0 : i32
    %c0_i32_1 = arith.constant 0 : i32
    return %c0_i32, %c0_i32_0 : i32, i32
  }
  func.func @transform_3(%arg0: i32) -> (i32, i32) {
    %c0_i32 = arith.constant 0 : i32
    %c0_i32_0 = arith.constant 0 : i32
    %c0_i32_1 = arith.constant 0 : i32
    return %c0_i32, %c0_i32_0 : i32, i32
  }
}

module attributes {stable_mosaic.version = 14 : i64} {
  func.func @_loss_body(%arg0: i32, %arg1: memref<2000x64xf32, #tpu.memory_space<vmem>>, %arg2: memref<1x1xf32, #tpu.memory_space<vmem>>, %arg3: memref<512x64xf32, #tpu.memory_space<vmem>>, %arg4: memref<512x64xf32, #tpu.memory_space<vmem>>, %arg5: memref<1x1xf32, #tpu.memory_space<vmem>>, %arg6: memref<1x1xf32, #tpu.memory_space<vmem>>, %arg7: memref<4xf32, #tpu.memory_space<smem>>) attributes {dimension_semantics = [#tpu.dimension_semantics<arbitrary>], iteration_bounds = array<i64: 32>, scalar_prefetch = 0 : i64, scratch_operands = 1 : i64, tpu.core_type = #tpu.core_type<tc>, window_params = [{pipeline_mode = #tpu.pipeline_mode<synchronous>, transform_indices = @transform_0, window_bounds = array<i64: 2000, 64>}, {pipeline_mode = #tpu.pipeline_mode<synchronous>, transform_indices = @transform_1, window_bounds = array<i64: 1, 1>}, {transform_indices = @transform_2, window_bounds = array<i64: 512, 64>}, {transform_indices = @transform_3, window_bounds = array<i64: 512, 64>}, {pipeline_mode = #tpu.pipeline_mode<synchronous>, transform_indices = @transform_4, window_bounds = array<i64: 1, 1>}, {pipeline_mode = #tpu.pipeline_mode<synchronous>, transform_indices = @transform_5, window_bounds = array<i64: 1, 1>}]} {
    %eq3A = arith.constant 0 : i32
    %eq3A_0 = arith.cmpi eq, %arg0, %eq3A : i32
    %convert_element_type3A = arith.extui %eq3A_0 : i1 to i32
    %cond3A = arith.constant 0 : i32
    %cond3A_1 = arith.cmpi ne, %convert_element_type3A, %cond3A : i32
    scf.if %cond3A_1 {
      %get3A_77 = arith.constant 0 : index
      %get3A_78 = arith.constant 0 : index
      %get3A_79 = vector.load %arg2[%get3A_77, %get3A_78] : memref<1x1xf32, #tpu.memory_space<vmem>>, vector<1x1xf32>
      %get3A_80 = vector.extract %get3A_79[0, 0] : f32 from vector<1x1xf32>
      %swap3A_81 = arith.constant 0 : index
      %swap3A_82 = memref.load %arg7[%swap3A_81] : memref<4xf32, #tpu.memory_space<smem>>
      memref.store %get3A_80, %arg7[%swap3A_81] : memref<4xf32, #tpu.memory_space<smem>>
      %swap3A_83 = arith.constant 0.000000e+00 : f32
      %swap3A_84 = arith.constant 1 : index
      %swap3A_85 = memref.load %arg7[%swap3A_84] : memref<4xf32, #tpu.memory_space<smem>>
      memref.store %swap3A_83, %arg7[%swap3A_84] : memref<4xf32, #tpu.memory_space<smem>>
      %swap3A_86 = arith.constant 0.000000e+00 : f32
      %swap3A_87 = arith.constant 2 : index
      %swap3A_88 = memref.load %arg7[%swap3A_87] : memref<4xf32, #tpu.memory_space<smem>>
      memref.store %swap3A_86, %arg7[%swap3A_87] : memref<4xf32, #tpu.memory_space<smem>>
      %swap3A_89 = arith.constant 0.000000e+00 : f32
      %swap3A_90 = arith.constant 3 : index
      %swap3A_91 = memref.load %arg7[%swap3A_90] : memref<4xf32, #tpu.memory_space<smem>>
      memref.store %swap3A_89, %arg7[%swap3A_90] : memref<4xf32, #tpu.memory_space<smem>>
    } else {
    }
    %get3A = arith.constant 0 : index
    %get3A_2 = arith.constant 0 : index
    %get3A_3 = vector.load %arg3[%get3A, %get3A_2] : memref<512x64xf32, #tpu.memory_space<vmem>>, vector<512x64xf32>
    %get3A_4 = arith.constant 0 : index
    %get3A_5 = arith.constant 0 : index
    %get3A_6 = vector.load %arg4[%get3A_4, %get3A_5] : memref<512x64xf32, #tpu.memory_space<vmem>>, vector<512x64xf32>
    %mul3A = arith.mulf %get3A_3, %get3A_3 : vector<512x64xf32>
    %reduce_sum3A = arith.constant dense<0.000000e+00> : vector<512xf32>
    %reduce_sum3A_7 = vector.multi_reduction <add>, %mul3A, %reduce_sum3A [1] : vector<512x64xf32> to vector<512xf32>
    %broadcast_in_dim3A = vector.shape_cast %reduce_sum3A_7 : vector<512xf32> to vector<512x1xf32>
    %sqrt3A = math.sqrt %broadcast_in_dim3A : vector<512x1xf32>
    %max3A = arith.constant 9.99999996E-13 : f32
    %max3A_8 = vector.broadcast %max3A : f32 to vector<512x1xf32>
    %max3A_9 = arith.maximumf %sqrt3A, %max3A_8 : vector<512x1xf32>
    %div3A = vector.broadcast %max3A_9 : vector<512x1xf32> to vector<512x64xf32>
    %div3A_10 = arith.divf %get3A_3, %div3A : vector<512x64xf32>
    %mul3A_11 = arith.mulf %get3A_6, %get3A_6 : vector<512x64xf32>
    %reduce_sum3A_12 = arith.constant dense<0.000000e+00> : vector<512xf32>
    %reduce_sum3A_13 = vector.multi_reduction <add>, %mul3A_11, %reduce_sum3A_12 [1] : vector<512x64xf32> to vector<512xf32>
    %broadcast_in_dim3A_14 = vector.shape_cast %reduce_sum3A_13 : vector<512xf32> to vector<512x1xf32>
    %sqrt3A_15 = math.sqrt %broadcast_in_dim3A_14 : vector<512x1xf32>
    %max3A_16 = arith.constant 9.99999996E-13 : f32
    %max3A_17 = vector.broadcast %max3A_16 : f32 to vector<512x1xf32>
    %max3A_18 = arith.maximumf %sqrt3A_15, %max3A_17 : vector<512x1xf32>
    %div3A_19 = vector.broadcast %max3A_18 : vector<512x1xf32> to vector<512x64xf32>
    %div3A_20 = arith.divf %get3A_6, %div3A_19 : vector<512x64xf32>
    %mul3A_21 = arith.mulf %div3A_10, %div3A_20 : vector<512x64xf32>
    %reduce_sum3A_22 = arith.constant dense<0.000000e+00> : vector<512xf32>
    %reduce_sum3A_23 = vector.multi_reduction <add>, %mul3A_21, %reduce_sum3A_22 [1] : vector<512x64xf32> to vector<512xf32>
    %get3A_24 = arith.constant 0 : index
    %get3A_25 = arith.constant 0 : index
    %get3A_26 = vector.load %arg1[%get3A_24, %get3A_25] : memref<2000x64xf32, #tpu.memory_space<vmem>>, vector<2000x64xf32>
    %dot_general3A = arith.constant dense<0.000000e+00> : vector<512x2000xf32>
    %dot_general3A_27 = tpu.matmul %div3A_10, %get3A_26, %dot_general3A {dimension_numbers = #tpu.dot_dimension_numbers<[1], [1], [0], [0], [0, 0, 1, 0], [], []>, transpose_lhs_hint = false} : vector<512x64xf32>, vector<2000x64xf32>, vector<512x2000xf32> -> vector<512x2000xf32>
    %broadcast_in_dim3A_28 = vector.shape_cast %reduce_sum3A_23 : vector<512xf32> to vector<512x1xf32>
    %sub3A = vector.broadcast %broadcast_in_dim3A_28 : vector<512x1xf32> to vector<512x2000xf32>
    %sub3A_29 = arith.subf %dot_general3A_27, %sub3A : vector<512x2000xf32>
    %mul3A_30 = arith.constant 1.000000e+01 : f32
    %mul3A_31 = vector.broadcast %mul3A_30 : f32 to vector<512x2000xf32>
    %mul3A_32 = arith.mulf %sub3A_29, %mul3A_31 : vector<512x2000xf32>
    %max3A_33 = arith.constant 0.000000e+00 : f32
    %max3A_34 = vector.broadcast %max3A_33 : f32 to vector<512x2000xf32>
    %max3A_35 = arith.maximumf %mul3A_32, %max3A_34 : vector<512x2000xf32>
    %abs3A = math.absf %mul3A_32 : vector<512x2000xf32>
    %neg3A = arith.constant 0.000000e+00 : f32
    %neg3A_36 = vector.broadcast %neg3A : f32 to vector<512x2000xf32>
    %neg3A_37 = arith.subf %neg3A_36, %abs3A : vector<512x2000xf32>
    %exp3A = math.exp %neg3A_37 : vector<512x2000xf32>
    %add3A = arith.constant 1.000000e+00 : f32
    %add3A_38 = vector.broadcast %add3A : f32 to vector<512x2000xf32>
    %add3A_39 = arith.addf %add3A_38, %exp3A : vector<512x2000xf32>
    %log3A = math.log %add3A_39 : vector<512x2000xf32>
    %add3A_40 = arith.addf %max3A_35, %log3A : vector<512x2000xf32>
    %get3A_41 = arith.constant 1 : index
    %get3A_42 = memref.load %arg7[%get3A_41] : memref<4xf32, #tpu.memory_space<smem>>
    %reduce_sum3A_43 = vector.shape_cast %add3A_40 : vector<512x2000xf32> to vector<1x512x2000xf32>
    %reduce_sum3A_44 = arith.constant dense<0.000000e+00> : vector<1xf32>
    %reduce_sum3A_45 = vector.multi_reduction <add>, %reduce_sum3A_43, %reduce_sum3A_44 [1, 2] : vector<1x512x2000xf32> to vector<1xf32>
    %reduce_sum3A_46 = vector.shape_cast %reduce_sum3A_45 : vector<1xf32> to vector<1x1x1xf32>
    %reduce_sum3A_47 = vector.extract %reduce_sum3A_46[0, 0, 0] : f32 from vector<1x1x1xf32>
    %add3A_48 = arith.addf %get3A_42, %reduce_sum3A_47 : f32
    %swap3A = arith.constant 1 : index
    %swap3A_49 = memref.load %arg7[%swap3A] : memref<4xf32, #tpu.memory_space<smem>>
    memref.store %add3A_48, %arg7[%swap3A] : memref<4xf32, #tpu.memory_space<smem>>
    %get3A_50 = arith.constant 2 : index
    %get3A_51 = memref.load %arg7[%get3A_50] : memref<4xf32, #tpu.memory_space<smem>>
    %mul3A_52 = arith.mulf %get3A_3, %get3A_3 : vector<512x64xf32>
    %reduce_sum3A_53 = vector.shape_cast %mul3A_52 : vector<512x64xf32> to vector<1x512x64xf32>
    %reduce_sum3A_54 = arith.constant dense<0.000000e+00> : vector<1xf32>
    %reduce_sum3A_55 = vector.multi_reduction <add>, %reduce_sum3A_53, %reduce_sum3A_54 [1, 2] : vector<1x512x64xf32> to vector<1xf32>
    %reduce_sum3A_56 = vector.shape_cast %reduce_sum3A_55 : vector<1xf32> to vector<1x1x1xf32>
    %reduce_sum3A_57 = vector.extract %reduce_sum3A_56[0, 0, 0] : f32 from vector<1x1x1xf32>
    %add3A_58 = arith.addf %get3A_51, %reduce_sum3A_57 : f32
    %swap3A_59 = arith.constant 2 : index
    %swap3A_60 = memref.load %arg7[%swap3A_59] : memref<4xf32, #tpu.memory_space<smem>>
    memref.store %add3A_58, %arg7[%swap3A_59] : memref<4xf32, #tpu.memory_space<smem>>
    %get3A_61 = arith.constant 3 : index
    %get3A_62 = memref.load %arg7[%get3A_61] : memref<4xf32, #tpu.memory_space<smem>>
    %mul3A_63 = arith.mulf %get3A_6, %get3A_6 : vector<512x64xf32>
    %reduce_sum3A_64 = vector.shape_cast %mul3A_63 : vector<512x64xf32> to vector<1x512x64xf32>
    %reduce_sum3A_65 = arith.constant dense<0.000000e+00> : vector<1xf32>
    %reduce_sum3A_66 = vector.multi_reduction <add>, %reduce_sum3A_64, %reduce_sum3A_65 [1, 2] : vector<1x512x64xf32> to vector<1xf32>
    %reduce_sum3A_67 = vector.shape_cast %reduce_sum3A_66 : vector<1xf32> to vector<1x1x1xf32>
    %reduce_sum3A_68 = vector.extract %reduce_sum3A_67[0, 0, 0] : f32 from vector<1x1x1xf32>
    %add3A_69 = arith.addf %get3A_62, %reduce_sum3A_68 : f32
    %swap3A_70 = arith.constant 3 : index
    %swap3A_71 = memref.load %arg7[%swap3A_70] : memref<4xf32, #tpu.memory_space<smem>>
    memref.store %add3A_69, %arg7[%swap3A_70] : memref<4xf32, #tpu.memory_space<smem>>
    %eq3A_72 = arith.constant 31 : i32
    %eq3A_73 = arith.cmpi eq, %arg0, %eq3A_72 : i32
    %convert_element_type3A_74 = arith.extui %eq3A_73 : i1 to i32
    %cond3A_75 = arith.constant 0 : i32
    %cond3A_76 = arith.cmpi ne, %convert_element_type3A_74, %cond3A_75 : i32
    scf.if %cond3A_76 {
      %get3A_77 = arith.constant 2 : index
      %get3A_78 = memref.load %arg7[%get3A_77] : memref<4xf32, #tpu.memory_space<smem>>
      %get3A_79 = arith.constant 3 : index
      %get3A_80 = memref.load %arg7[%get3A_79] : memref<4xf32, #tpu.memory_space<smem>>
      %add3A_81 = arith.addf %get3A_78, %get3A_80 : f32
      %get3A_82 = arith.constant 0 : index
      %get3A_83 = memref.load %arg7[%get3A_82] : memref<4xf32, #tpu.memory_space<smem>>
      %add3A_84 = arith.addf %add3A_81, %get3A_83 : f32
      %mul3A_85 = arith.constant 5.000000e-01 : f32
      %mul3A_86 = arith.mulf %add3A_84, %mul3A_85 : f32
      %mul3A_87 = arith.constant 9.99999974E-5 : f32
      %mul3A_88 = arith.mulf %mul3A_87, %mul3A_86 : f32
      %div3A_89 = arith.constant 1.638400e+04 : f32
      %div3A_90 = arith.divf %mul3A_88, %div3A_89 : f32
      %broadcast_in_dim3A_91 = vector.broadcast %div3A_90 : f32 to vector<1x1xf32>
      %swap3A_92 = arith.constant 0 : index
      %swap3A_93 = arith.constant 0 : index
      %swap3A_94 = vector.load %arg6[%swap3A_92, %swap3A_93] : memref<1x1xf32, #tpu.memory_space<vmem>>, vector<1x1xf32>
      tpu.vector_store %arg6[%swap3A_92, %swap3A_93], %broadcast_in_dim3A_91 {strides = array<i32>} : memref<1x1xf32, #tpu.memory_space<vmem>>, vector<1x1xf32>,
      %get3A_95 = arith.constant 1 : index
      %get3A_96 = memref.load %arg7[%get3A_95] : memref<4xf32, #tpu.memory_space<smem>>
      %div3A_97 = arith.constant 3.276800e+07 : f32
      %div3A_98 = arith.divf %get3A_96, %div3A_97 : f32
      %add3A_99 = arith.addf %div3A_98, %div3A_90 : f32
      %broadcast_in_dim3A_100 = vector.broadcast %add3A_99 : f32 to vector<1x1xf32>
      %swap3A_101 = arith.constant 0 : index
      %swap3A_102 = arith.constant 0 : index
      %swap3A_103 = vector.load %arg5[%swap3A_101, %swap3A_102] : memref<1x1xf32, #tpu.memory_space<vmem>>, vector<1x1xf32>
      tpu.vector_store %arg5[%swap3A_101, %swap3A_102], %broadcast_in_dim3A_100 {strides = array<i32>} : memref<1x1xf32, #tpu.memory_space<vmem>>, vector<1x1xf32>,
    } else {
    }
    return
  }
  func.func @transform_0(%arg0: i32) -> (i32, i32) {
    %c0_i32 = arith.constant 0 : i32
    %c0_i32_0 = arith.constant 0 : i32
    %c0_i32_1 = arith.constant 0 : i32
    return %c0_i32, %c0_i32_0 : i32, i32
  }
  func.func @transform_1(%arg0: i32) -> (i32, i32) {
    %c0_i32 = arith.constant 0 : i32
    %c0_i32_0 = arith.constant 0 : i32
    %c0_i32_1 = arith.constant 0 : i32
    return %c0_i32, %c0_i32_0 : i32, i32
  }
  func.func @transform_2(%arg0: i32) -> (i32, i32) {
    %c0_i32 = arith.constant 0 : i32
    %c0_i32_0 = arith.constant 0 : i32
    return %arg0, %c0_i32 : i32, i32
  }
  func.func @transform_3(%arg0: i32) -> (i32, i32) {
    %c0_i32 = arith.constant 0 : i32
    %c0_i32_0 = arith.constant 0 : i32
    return %arg0, %c0_i32 : i32, i32
  }
  func.func @transform_4(%arg0: i32) -> (i32, i32) {
    %c0_i32 = arith.constant 0 : i32
    %c0_i32_0 = arith.constant 0 : i32
    %c0_i32_1 = arith.constant 0 : i32
    return %c0_i32, %c0_i32_0 : i32, i32
  }
  func.func @transform_5(%arg0: i32) -> (i32, i32) {
    %c0_i32 = arith.constant 0 : i32
    %c0_i32_0 = arith.constant 0 : i32
    %c0_i32_1 = arith.constant 0 : i32
    return %c0_i32, %c0_i32_0 : i32, i32
  }
}

</mosaic_0001>

<sc_bundles>
// kernel: kernel.10.cloned.1.call-start
scs
__scs_entry_jumppad:
0x0: {  	(pc) =	sbr.rel $0x88, $3  }
0x1: {  	(tag) =	ssettag $0x0;
	lr =	simm.s32 $0x1  }
0x2: {  	[smem:$0x3F9C] =	sst lr;
	_ =	strace $0xD0000000  }
0x3: {  	_ = 	snop  }
0x4: {  	_ = 	snop  }
0x5: {  	_ = 	snop  }
0x6: {  	_ = 	snop  }
0x7: {  	_ = 	snop  }
__scs_overlays_trampoline_lowered:
0x8: {  	[smem:$0x3FAB] =	sst s0  }
0x9: {  	[smem:$0x3FAC] =	sst s1  }
0xa: {  	[smem:$0x3FAD] =	sst s2  }
0xb: {  	[smem:$0x3FAE] =	sst s3  }
0xc: {  	[smem:$0x3FAF] =	sst s4  }
0xd: {  	[smem:$0x3FB0] =	sst s5  }
0xe: {  	[smem:$0x3FB1] =	sst s6  }
0xf: {  	[smem:$0x3FB2] =	sst s7  }
0x10: {  	[smem:$0x3FB3] =	sst s8  }
0x11: {  	[smem:$0x3FB4] =	sst s9;
	s0 =	simm.s32 @!p0 $0x0  }
0x12: {  	s1 =	sld [smem:$0x3F9A];
	s0 =	simm.s32 @p0 $0x1  }
0x13: {  	[smem:$0x3FB5] =	sst s0;
	s0 =	simm.s32 @!p1 $0x0  }
0x14: {  	s2 =	sld [smem:$0x3F99];
	s0 =	simm.s32 @p1 $0x1  }
0x15: {  	[smem:$0x3FB6] =	sst s0;
	s0 =	simm.s32 @!p2 $0x0  }
0x16: {  	s3 =	sld [smem:$0x3FDB];
	s0 =	simm.s32 @p2 $0x1  }
0x17: {  	s4 =	simm.s32 $0x1BF5;
	[smem:$0x3FB8] =	sst s0  }
0x18: {  	s0 =	sld [smem:$0x3F9B];
	_ =	swait.ge [sflag:s4], $0x0  }
0x19: {  	s7 =	sld [smem:$0x3F9C]  }
0x1a: {  	s8 =	sadd.s32 $0xFFFFE003, lr  }
0x1b: {  	s9 =	sadd.s32 $0xFFFFFEF7, lr;
	s5 =	simm.s32 $0xFFFFFFFF;
	p2 =	slt.u32 s8, $0xFFFFF086  }
0x1c: {  	p1 =	slt.u32 s9, $0xF7A;
	s5 =	simm.s32 @!p2 $0x0  }
0x1d: {  	s5 =	simm.s32 @p1 $0x1;
	p0 =	seq.s32 s7, s2  }
0x1e: {  	s7 =	smul.u32 @!p0 $0xF7A, s2;
	p2 =	seq.s32 @!p0 s5, $0x0  }
0x1f: {  	s9 =	smul.u32 $0xF7A, s1;
	s8 =	simm.s32 @!p0 $0x1BF5;
	p2 =	por !p2, p0  }
0x20: {  	[sflag:s8] =	ssyncset.s32 @!p0 $0xFFFFF086;
	s6 =	sadd.s32 @!p0 s3, s7;
	s7 =	simm.s32 @!p0 $0x108  }
0x21: {  	s3 =	sadd.s32 s3, s9;
	s6 =	sadd.s32 @!p0 $0x88, s6;
	s7 =	simm.s32 @p2 $0x1082  }
0x22: {  	[simem:s7], [sflag:s8] =	dma.local @!p0 [hbm:s6], $0xF7A  }
0x23: {  	s9 =	sor.u32 $0xD0000000, s2;
	s6 =	simm.s32 $0x108;
	_ =	swait.ge @!p0 [sflag:s8], $0x0  }
0x24: {  	s3 =	sadd.s32 $0x88, s3;
	s6 =	simm.s32 @!p1 $0x1082;
	[sflag:s4] =	ssyncset.s32 $0xFFFFF086  }
0x25: {  	[simem:s6], [sflag:s4] =	dma.local [hbm:s3], $0xF7A  }
0x26: {  	[smem:$0x3F9C] =	sst s1;
	(tag) =	ssettag s2;
	_ =	strace s9  }
0x27: {  	s1 =	sld [smem:$0x3FAC]  }
0x28: {  	s2 =	sld [smem:$0x3FAD]  }
0x29: {  	s4 =	sld [smem:$0x3FAF]  }
0x2a: {  	p0 =	seq.s32 s5, $0x0;
	s5 =	sld [smem:$0x3FB0]  }
0x2b: {  	s6 =	sld [smem:$0x3FB1]  }
0x2c: {  	s7 =	sld [smem:$0x3FB2]  }
0x2d: {  	s3 =	simm.s32 $0x108;
	s8 =	sld [smem:$0x3FB3]  }
0x2e: {  	s3 =	simm.s32 @!p0 $0x1082;
	s9 =	sld [smem:$0x3FB4]  }
0x2f: {  	lr =	sadd.s32 s0, s3;
	s0 =	sld [smem:$0x3FAB]  }
0x30: {  	s3 =	sld [smem:$0x3FAE]  }
0x31: {  	[smem:$0x3FB7] =	sst s10  }
0x32: {  	s10 =	sld [smem:$0x3FB5];
	_ =	sdelay $0x3  }
0x33: {  	p0 =	seq.s32 s10, $0x1;
	s10 =	sld [smem:$0x3FB7];
	_ =	sdelay $0x3  }
0x34: {  	[smem:$0x3FB7] =	sst s10  }
0x35: {  	s10 =	sld [smem:$0x3FB6];
	_ =	sdelay $0x3  }
0x36: {  	p1 =	seq.s32 s10, $0x1;
	s10 =	sld [smem:$0x3FB7];
	_ =	sdelay $0x3  }
0x37: {  	[smem:$0x3FB7] =	sst s10  }
0x38: {  	s10 =	sld [smem:$0x3FB8]  }
0x39: {  	_ = 	snop;
	(pc) =	sbr.ind lr, $3  }
0x3a: {  	_ = 	snop  }
0x3b: {  	_ = 	snop  }
0x3c: {  	p2 =	seq.s32 s10, $0x1;
	s10 =	sld [smem:$0x3FB7]  }
0x3d: {  	_ =	shalt  }
0x3e: {  	_ =	shalt  }
0x3f: {  	_ =	shalt  }
0x40: {  	_ =	shalt  }
0x41: {  	_ =	shalt  }
0x42: {  	_ =	shalt  }
0x43: {  	_ =	shalt  }
0x44: {  	_ =	shalt  }
0x45: {  	_ =	shalt  }
0x46: {  	_ =	shalt  }
0x47: {  	_ =	shalt  }
0x48: {  	_ =	shalt  }
0x49: {  	_ =	shalt  }
0x4a: {  	_ =	shalt  }
0x4b: {  	_ =	shalt  }
0x4c: {  	_ =	shalt  }
0x4d: {  	_ =	shalt  }
0x4e: {  	_ =	shalt  }
0x4f: {  	_ =	shalt  }
0x50: {  	_ =	shalt  }
0x51: {  	_ =	shalt  }
0x52: {  	_ =	shalt  }
0x53: {  	_ =	shalt  }
0x54: {  	_ =	shalt  }
0x55: {  	_ =	shalt  }
0x56: {  	_ =	shalt  }
0x57: {  	_ =	shalt  }
0x58: {  	_ =	shalt  }
0x59: {  	_ =	shalt  }
0x5a: {  	_ =	shalt  }
0x5b: {  	_ =	shalt  }
0x5c: {  	_ =	shalt  }
0x5d: {  	_ =	shalt  }
0x5e: {  	_ =	shalt  }
0x5f: {  	_ =	shalt  }
0x60: {  	_ =	shalt  }
0x61: {  	_ =	shalt  }
0x62: {  	_ =	shalt  }
0x63: {  	_ =	shalt  }
0x64: {  	_ =	shalt  }
0x65: {  	_ =	shalt  }
0x66: {  	_ =	shalt  }
0x67: {  	_ =	shalt  }
0x68: {  	_ =	shalt  }
0x69: {  	_ =	shalt  }
0x6a: {  	_ =	shalt  }
0x6b: {  	_ =	shalt  }
0x6c: {  	_ =	shalt  }
0x6d: {  	_ =	shalt  }
0x6e: {  	_ =	shalt  }
0x6f: {  	_ =	shalt  }
0x70: {  	_ =	shalt  }
0x71: {  	_ =	shalt  }
0x72: {  	_ =	shalt  }
0x73: {  	_ =	shalt  }
0x74: {  	_ =	shalt  }
0x75: {  	_ =	shalt  }
0x76: {  	_ =	shalt  }
0x77: {  	_ =	shalt  }
0x78: {  	_ =	shalt  }
0x79: {  	_ =	shalt  }
0x7a: {  	_ =	shalt  }
0x7b: {  	_ =	shalt  }
0x7c: {  	_ =	shalt  }
0x7d: {  	_ =	shalt  }
0x7e: {  	_ =	shalt  }
0x7f: {  	_ =	shalt  }
0x80: {  	_ =	shalt  }
0x81: {  	_ =	shalt  }
0x82: {  	_ =	shalt  }
0x83: {  	_ =	shalt  }
0x84: {  	_ =	shalt  }
0x85: {  	_ =	shalt  }
0x86: {  	_ =	shalt  }
0x87: {  	_ =	shalt  }
.Lfunc_end0:
.L_simem_size_0:
called_computation.1_lowered:
.L_overlay_start_0:
0x88: {  	s2 =	sld [smem:$0x3FD9]  }
0x89: {  	s3 =	sld [smem:$0x3FFE];
	_ =	sdelay $0x1  }
0x8a: {  	s1 =	srdreg.scid  }
0x8b: {  	s0 =	sand.u32 $0x1, s1  }
0x8c: {  	s17 =	sshll.u32 s0, $0xA;
	s2 =	sadd.s32 s3, s2  }
0x8d: {  	s2 =	sadd.s32 s2, s17  }
0x8e: {  	[smem:$0x3FC3] =	sst s2  }
0x8f: {  	_ = 	snop  }
0x90: {  	s2 =	sld [smem:$0x3FC7];
	(tm) =	ssettm $0x1  }
0x91: {  	s18 =	sld [smem:$0x3FFB];
	_ =	sdelay $0x3  }
0x92: {  	_ =	strace s18  }
0x93: {  	s3 =	sld [smem:$0x3FFC];
	_ =	sdelay $0x3  }
0x94: {  	_ =	strace s3  }
0x95: {  	s3 =	sld [smem:$0x3FFD];
	_ =	sdelay $0x3  }
0x96: {  	_ =	strace s3  }
0x97: {  	_ =	strace $0x8FFFFFFF  }
0x98: {  	s19 =	sld [smem:$0x3FDB];
	_ =	sdelay $0x1  }
0x99: {  	s4 =	simm.s32 $_scs_section_size  }
0x9a: {  	s5 =	simm.s32 $_size__tile_overlayer_lowered;
	s6 =	simm.s32 $_tile_overlayer_lowered  }
0x9b: {  	s22 =	simm.s32 $0x1BFF;
	s21 =	sshll.u32 s6, $0x1;
	s3 =	sadd.s32 s4, s19  }
0x9c: {  	s7 =	simm.s32 $0x0;
	s20 =	sshll.u32 s5, $0x1;
	s5 =	sadd.s32 s21, s3  }
0x9d: {  	[timem:s7], [sflag:s22] =	dma.local [hbm:s5], s20  }
0x9e: {  	_ =	swait.ge [sflag:s22], s20  }
0x9f: {  	s4 =	ssub.s32 $0x0, s20;
	[sflag:s22] =	ssyncset.done $0x0  }
0xa0: {  	[sflag:s22] =	ssyncadd.s32 s4;
	_ =	sdelay $0x1  }
0xa1: {  	s23 =	simm.s32 $0x1B8B  }
0xa2: {  	_ =	swait.ge [sflag:s23], $0x1  }
0xa3: {  	[sflag:s23] =	ssyncset.done $0x0  }
0xa4: {  	s25 =	simm.s32 $0x1B8E;
	s24 =	sld [smem:$0x3FFE];
	[sflag:s23] =	ssyncadd.s32 $0xFFFFFFFF  }
0xa5: {  	s26 =	simm.s32 $execute0_lowered;
	[smem:$0x3FD2] =	sst s25  }
0xa6: {  	s5 =	sshll.u32 s26, $0x1;
	_ =	strace $0x80000046;
	[dreg:$0x1] =	wrdreg $0xFFFFFFFF  }
0xa7: {  	s28 =	simm.s32 $_size_execute0_lowered;
	s3 =	sadd.s32 s3, s5;
	[dreg:$0x0] =	wrdreg $0x0  }
0xa8: {  	s5 =	sshll.u32 s28, $0x1;
	[dreg:$0x2] =	wrdreg s3  }
0xa9: {  	[dreg:$0x3] =	wrdreg s5  }
0xaa: {  	[dreg:$0x4] =	wrdreg $0xC0  }
0xab: {  	_ =	task [dreg:s7], $0x5FFFF  }
0xac: {  	[dreg:$0x1] =	wrdreg $0xFFFFFFFF  }
0xad: {  	[dreg:$0x0] =	wrdreg $0x60  }
0xae: {  	[dreg:$0x2] =	wrdreg s2  }
0xaf: {  	[dreg:$0x3] =	wrdreg s24  }
0xb0: {  	[dreg:$0x4] =	wrdreg $0xA  }
0xb1: {  	_ =	task.clear_ibuf [dreg:s7], $0x5FFFF;
	_ =	strace $0x90000046  }
0xb2: {  	s29 =	simm.s32 $0xA;
	_ =	strace $0x80000048  }
0xb3: {  	_ =	swait.ge [sflag:s29], $0x1  }
0xb4: {  	[sflag:s29] =	ssyncadd.s32 $0xFFFFFFFF  }
0xb5: {  	_ =	strace $0x90000048  }
0xb6: {  	_ =	sfence  }
0xb7: {  	s30 =	sld [smem:$0x0];
	_ =	sdelay $0x2  }
0xb8: {  	s31 =	sshll.u32 s1, $0xD;
	s1 =	sshrl.u32 s1, $0x2  }
0xb9: {  	s3 =	sand.u32 $0x4000, s31;
	s1 =	sadd.s32 s1, s30  }
0xba: {  	s0 =	sor.u32 s3, s0;
	s1 =	sshll.u32 s1, $0x11  }
0xbb: {  	s0 =	sor.u32 s1, s0  }
0xbc: {  	s0 =	sadd.s32 $0x8F2B, s0  }
0xbd: {  	[sflag:s0] =	ssyncadd.remote.s32 $0x1  }
0xbe: {  	_ =	sfence.sel $0xFFFF  }
0xbf: {  	[dreg:$0x0] =	wrdreg $0xFFFFFFFF;
	(pc) =	sbr.abs _section_cstart, $3  }
0xc0: {  	[dreg:$0x1] =	wrdreg $0xFFFFFFFF  }
0xc1: {  	_ =	task.clear_ibuf [dreg:s7], $0x2FFFF;
	_ =	strace $0x9FFFFFFF  }
0xc2: {  	(tm) =	ssettm $0x7FFFFFFF  }
0xc3: {  	_ =	shalt  }
tec
execute0_lowered:
.L_overlay_start_1:
0x0: {  	(tag) =	ssettag $0x1  }
0x1: {  	s5 =	rddreg [dreg:$0x0];
	s1 =	srdreg.scid  }
0x2: {  	s0 =	stileid.u32;
	s4 =	rddreg [dreg:$0x1];
	s2 =	simm.s32 $0x0  }
0x3: {  	s10 =	simm.s32 $0x0;
	s6 =	sand.u32 $0x1, s1;
	s1 =	rddreg [dreg:$0x2]  }
0x4: {  	s3 =	sshll.u32 s0, $0x1;
	[smem:$0x7FF] =	sst s2;
	s9 =	smul.u32 $0xC8, s0  }
0x5: {  	s3 =	sor.u32 s6, s3;
	s8 =	ssub.s32 $0x2, s6;
	s6 =	smul.u32 $0x64, s6  }
0x6: {  	_ =	strace $0x80000047;
	s7 =	smul.u32 $0xFC, s3;
	s31 =	sadd.s32 s9, s5  }
0x7: {  	s30 =	sshrl.u32 s8, $0x1;
	s9 =	simm.s32 $0x7E00;
	s6 =	sadd.s32 s6, s31  }
0x8: {  	v1 =	vlaneseq.u32;
	s4 =	sadd.s32 s7, s4;
	s7 =	ssub.s32 s8, s30;
	s8 =	simm.s32 $0x1  }
0x9: {  	v0 =	vimm.f32 $0.0e+00;
	v2 =	vimm.f32 $1.000000000e+00;
	v1 =	vmul.u32 $0x7E0, v1;
	s4 =	sadd.s32 $0x1400, s4;
	s5 =	smax.u32 s7, $0x1;
	s7 =	simm.s32 $0x85E0  }
.LBB2_1:
0xa: {  	s11 =	simm.s32 $0x0;
	s12 =	simm.s32 $0x40  }
.LBB2_2:
0xb: {  	p0 =	sne.s32 s12, $0x1F40;
	[tilespmem:s11+$0x7620] =	vst v0  }
0xc: {  	[tilespmem:s11+$0x0] =	vst v0  }
0xd: {  	[tilespmem:s11+$0x7E0] =	vst v0  }
0xe: {  	[tilespmem:s11+$0xFC0] =	vst v0  }
0xf: {  	[tilespmem:s11+$0x17A0] =	vst v0  }
0x10: {  	[tilespmem:s11+$0x1F80] =	vst v0  }
0x11: {  	[tilespmem:s11+$0x2760] =	vst v0  }
0x12: {  	[tilespmem:s11+$0x2F40] =	vst v0  }
0x13: {  	[tilespmem:s11+$0x3720] =	vst v0  }
0x14: {  	[tilespmem:s11+$0x3F00] =	vst v0  }
0x15: {  	[tilespmem:s11+$0x46E0] =	vst v0  }
.Ltmp0:
0x16: {  	[tilespmem:s11+$0x4EC0] =	vst v0;
	(pc) =	sbr.rel @p0 .LBB2_2-.Ltmp0, $4  }
0x17: {  	[tilespmem:s11+$0x56A0] =	vst v0  }
0x18: {  	[tilespmem:s11+$0x5E80] =	vst v0  }
0x19: {  	[tilespmem:s11+$0x6660] =	vst v0  }
0x1a: {  	[tilespmem:s11+$0x6E40] =	vst v0;
	s11 =	sshra.s32 s12, $0x2;
	s12 =	sadd.s32 $0x40, s12  }
0x1b: {  	[tilespmem:s11+$0x7620] =	vst v0  }
0x1c: {  	[tilespmem:s11+$0x0] =	vst v0  }
0x1d: {  	[tilespmem:s11+$0x7E0] =	vst v0  }
0x1e: {  	[tilespmem:s11+$0xFC0] =	vst v0  }
0x1f: {  	[tilespmem:s11+$0x17A0] =	vst v0  }
0x20: {  	[tilespmem:s11+$0x1F80] =	vst v0  }
0x21: {  	[tilespmem:s11+$0x2760] =	vst v0  }
0x22: {  	[tilespmem:s11+$0x2F40] =	vst v0  }
0x23: {  	[tilespmem:s11+$0x3720] =	vst v0  }
0x24: {  	[tilespmem:s11+$0x3F00] =	vst v0  }
0x25: {  	[tilespmem:s11+$0x46E0] =	vst v0  }
.Ltmp1:
0x26: {  	[tilespmem:s11+$0x4EC0] =	vst v0;
	(pc) =	sbr.rel .LBB2_4-.Ltmp1, $4  }
0x27: {  	[tilespmem:s11+$0x56A0] =	vst v0  }
0x28: {  	[tilespmem:s11+$0x5E80] =	vst v0  }
0x29: {  	[tilespmem:s11+$0x6660] =	vst v0  }
0x2a: {  	[tilespmem:s11+$0x6E40] =	vst v0;
	s11 =	simm.s32 $0x0;
	s12 =	smov.u32 s6  }
.LBB2_6:
0x2b: {  	s11 =	sadd.s32 $0x20, s11  }
0x2c: {  	p0 =	sne.s32 s11, $0x500  }
.Ltmp2:
0x2d: {  	_ = 	snop;
	(pc) =	sbr.rel @!p0 .LBB2_7-.Ltmp2, $2  }
0x2e: {  	_ =	sdelay $0x2  }
0x2f: {  	s12 =	sadd.s32 $0xC80, s12  }
.LBB2_4:
0x30: {  	s13 =	sadd.s32 s11, s3  }
0x31: {  	p0 =	sgt.u32 s13, $0x4E1  }
.Ltmp3:
0x32: {  	_ = 	snop;
	(pc) =	sbr.rel @p0 .LBB2_6-.Ltmp3, $1  }
0x33: {  	_ =	sdelay $0x3  }
0x34: {  	[tilespmem:s7], [sflag:$0x1] =	stream.linear.gather [hbm4b:s12+s2], $0x320, $0x38;
	[tilespmem:$0x8900] =	vst v63  }
0x35: {  	_ =	swait.ge [sflag:s8], $0x320  }
0x36: {  	[sflag:s8] =	ssyncset.done $0x0  }
0x37: {  	[sflag:s8] =	ssyncadd.s32 $0xFFFFFCE0  }
0x38: {  	v3 =	vld [tilespmem:$0x85E0];
	_ =	sdelay $0x4  }
0x39: {  	v3 =	vadd.s32 v1, v3;
	_ =	sdelay $0x4  }
0x3a: {  	[tilespmem:v3+s2+$0x0] =	vst.idx.add.f32.msk $0xffff, v2  }
0x3b: {  	v3 =	vld [tilespmem:$0x85F0];
	_ =	sdelay $0x4  }
0x3c: {  	v3 =	vadd.s32 v1, v3;
	_ =	sdelay $0x4  }
0x3d: {  	[tilespmem:v3+s2+$0x0] =	vst.idx.add.f32.msk $0xffff, v2  }
0x3e: {  	v3 =	vld [tilespmem:$0x8600];
	_ =	sdelay $0x4  }
0x3f: {  	v3 =	vadd.s32 v1, v3;
	_ =	sdelay $0x4  }
0x40: {  	[tilespmem:v3+s2+$0x0] =	vst.idx.add.f32.msk $0xffff, v2  }
0x41: {  	v3 =	vld [tilespmem:$0x8610];
	_ =	sdelay $0x4  }
0x42: {  	v3 =	vadd.s32 v1, v3;
	_ =	sdelay $0x4  }
0x43: {  	[tilespmem:v3+s2+$0x0] =	vst.idx.add.f32.msk $0xffff, v2  }
0x44: {  	v3 =	vld [tilespmem:$0x8620];
	_ =	sdelay $0x4  }
0x45: {  	v3 =	vadd.s32 v1, v3;
	_ =	sdelay $0x4  }
0x46: {  	[tilespmem:v3+s2+$0x0] =	vst.idx.add.f32.msk $0xffff, v2  }
0x47: {  	v3 =	vld [tilespmem:$0x8630];
	_ =	sdelay $0x4  }
0x48: {  	v3 =	vadd.s32 v1, v3;
	_ =	sdelay $0x4  }
0x49: {  	[tilespmem:v3+s2+$0x0] =	vst.idx.add.f32.msk $0xffff, v2  }
0x4a: {  	v3 =	vld [tilespmem:$0x8640];
	_ =	sdelay $0x4  }
0x4b: {  	v3 =	vadd.s32 v1, v3;
	_ =	sdelay $0x4  }
0x4c: {  	[tilespmem:v3+s2+$0x0] =	vst.idx.add.f32.msk $0xffff, v2  }
0x4d: {  	v3 =	vld [tilespmem:$0x8650];
	_ =	sdelay $0x4  }
0x4e: {  	v3 =	vadd.s32 v1, v3;
	_ =	sdelay $0x4  }
0x4f: {  	[tilespmem:v3+s2+$0x0] =	vst.idx.add.f32.msk $0xffff, v2  }
0x50: {  	v3 =	vld [tilespmem:$0x8660];
	_ =	sdelay $0x4  }
0x51: {  	v3 =	vadd.s32 v1, v3;
	_ =	sdelay $0x4  }
0x52: {  	[tilespmem:v3+s2+$0x0] =	vst.idx.add.f32.msk $0xffff, v2  }
0x53: {  	v3 =	vld [tilespmem:$0x8670];
	_ =	sdelay $0x4  }
0x54: {  	v3 =	vadd.s32 v1, v3;
	_ =	sdelay $0x4  }
0x55: {  	[tilespmem:v3+s2+$0x0] =	vst.idx.add.f32.msk $0xffff, v2  }
0x56: {  	v3 =	vld [tilespmem:$0x8680];
	_ =	sdelay $0x4  }
0x57: {  	v3 =	vadd.s32 v1, v3;
	_ =	sdelay $0x4  }
0x58: {  	[tilespmem:v3+s2+$0x0] =	vst.idx.add.f32.msk $0xffff, v2  }
0x59: {  	v3 =	vld [tilespmem:$0x8690];
	_ =	sdelay $0x4  }
0x5a: {  	v3 =	vadd.s32 v1, v3;
	_ =	sdelay $0x4  }
0x5b: {  	[tilespmem:v3+s2+$0x0] =	vst.idx.add.f32.msk $0xffff, v2  }
0x5c: {  	v3 =	vld [tilespmem:$0x86A0];
	_ =	sdelay $0x4  }
0x5d: {  	v3 =	vadd.s32 v1, v3;
	_ =	sdelay $0x4  }
0x5e: {  	[tilespmem:v3+s2+$0x0] =	vst.idx.add.f32.msk $0xffff, v2  }
0x5f: {  	v3 =	vld [tilespmem:$0x86B0];
	_ =	sdelay $0x4  }
0x60: {  	v3 =	vadd.s32 v1, v3;
	_ =	sdelay $0x4  }
0x61: {  	[tilespmem:v3+s2+$0x0] =	vst.idx.add.f32.msk $0xffff, v2  }
0x62: {  	v3 =	vld [tilespmem:$0x86C0];
	_ =	sdelay $0x4  }
0x63: {  	v3 =	vadd.s32 v1, v3;
	_ =	sdelay $0x4  }
0x64: {  	[tilespmem:v3+s2+$0x0] =	vst.idx.add.f32.msk $0xffff, v2  }
0x65: {  	v3 =	vld [tilespmem:$0x86D0];
	_ =	sdelay $0x4  }
0x66: {  	v3 =	vadd.s32 v1, v3;
	_ =	sdelay $0x4  }
0x67: {  	[tilespmem:v3+s2+$0x0] =	vst.idx.add.f32.msk $0xffff, v2  }
0x68: {  	v3 =	vld [tilespmem:$0x86E0];
	_ =	sdelay $0x4  }
0x69: {  	v3 =	vadd.s32 v1, v3;
	_ =	sdelay $0x4  }
0x6a: {  	[tilespmem:v3+s2+$0x0] =	vst.idx.add.f32.msk $0xffff, v2  }
0x6b: {  	v3 =	vld [tilespmem:$0x86F0];
	_ =	sdelay $0x4  }
0x6c: {  	v3 =	vadd.s32 v1, v3;
	_ =	sdelay $0x4  }
0x6d: {  	[tilespmem:v3+s2+$0x0] =	vst.idx.add.f32.msk $0xffff, v2  }
0x6e: {  	v3 =	vld [tilespmem:$0x8700];
	_ =	sdelay $0x4  }
0x6f: {  	v3 =	vadd.s32 v1, v3;
	_ =	sdelay $0x4  }
0x70: {  	[tilespmem:v3+s2+$0x0] =	vst.idx.add.f32.msk $0xffff, v2  }
0x71: {  	v3 =	vld [tilespmem:$0x8710];
	_ =	sdelay $0x4  }
0x72: {  	v3 =	vadd.s32 v1, v3;
	_ =	sdelay $0x4  }
0x73: {  	[tilespmem:v3+s2+$0x0] =	vst.idx.add.f32.msk $0xffff, v2  }
0x74: {  	v3 =	vld [tilespmem:$0x8720];
	_ =	sdelay $0x4  }
0x75: {  	v3 =	vadd.s32 v1, v3;
	_ =	sdelay $0x4  }
0x76: {  	[tilespmem:v3+s2+$0x0] =	vst.idx.add.f32.msk $0xffff, v2  }
0x77: {  	v3 =	vld [tilespmem:$0x8730];
	_ =	sdelay $0x4  }
0x78: {  	v3 =	vadd.s32 v1, v3;
	_ =	sdelay $0x4  }
0x79: {  	[tilespmem:v3+s2+$0x0] =	vst.idx.add.f32.msk $0xffff, v2  }
0x7a: {  	v3 =	vld [tilespmem:$0x8740];
	_ =	sdelay $0x4  }
0x7b: {  	v3 =	vadd.s32 v1, v3;
	_ =	sdelay $0x4  }
0x7c: {  	[tilespmem:v3+s2+$0x0] =	vst.idx.add.f32.msk $0xffff, v2  }
0x7d: {  	v3 =	vld [tilespmem:$0x8750];
	_ =	sdelay $0x4  }
0x7e: {  	v3 =	vadd.s32 v1, v3;
	_ =	sdelay $0x4  }
0x7f: {  	[tilespmem:v3+s2+$0x0] =	vst.idx.add.f32.msk $0xffff, v2  }
0x80: {  	v3 =	vld [tilespmem:$0x8760];
	_ =	sdelay $0x4  }
0x81: {  	v3 =	vadd.s32 v1, v3;
	_ =	sdelay $0x4  }
0x82: {  	[tilespmem:v3+s2+$0x0] =	vst.idx.add.f32.msk $0xffff, v2  }
0x83: {  	v3 =	vld [tilespmem:$0x8770];
	_ =	sdelay $0x4  }
0x84: {  	v3 =	vadd.s32 v1, v3;
	_ =	sdelay $0x4  }
0x85: {  	[tilespmem:v3+s2+$0x0] =	vst.idx.add.f32.msk $0xffff, v2  }
0x86: {  	v3 =	vld [tilespmem:$0x8780];
	_ =	sdelay $0x4  }
0x87: {  	v3 =	vadd.s32 v1, v3;
	_ =	sdelay $0x4  }
0x88: {  	[tilespmem:v3+s2+$0x0] =	vst.idx.add.f32.msk $0xffff, v2  }
0x89: {  	v3 =	vld [tilespmem:$0x8790];
	_ =	sdelay $0x4  }
0x8a: {  	v3 =	vadd.s32 v1, v3;
	_ =	sdelay $0x4  }
0x8b: {  	[tilespmem:v3+s2+$0x0] =	vst.idx.add.f32.msk $0xffff, v2  }
0x8c: {  	v3 =	vld [tilespmem:$0x87A0];
	_ =	sdelay $0x4  }
0x8d: {  	v3 =	vadd.s32 v1, v3;
	_ =	sdelay $0x4  }
0x8e: {  	[tilespmem:v3+s2+$0x0] =	vst.idx.add.f32.msk $0xffff, v2  }
0x8f: {  	v3 =	vld [tilespmem:$0x87B0];
	_ =	sdelay $0x4  }
0x90: {  	v3 =	vadd.s32 v1, v3;
	_ =	sdelay $0x4  }
0x91: {  	[tilespmem:v3+s2+$0x0] =	vst.idx.add.f32.msk $0xffff, v2  }
0x92: {  	v3 =	vld [tilespmem:$0x87C0];
	_ =	sdelay $0x4  }
0x93: {  	v3 =	vadd.s32 v1, v3;
	_ =	sdelay $0x4  }
0x94: {  	[tilespmem:v3+s2+$0x0] =	vst.idx.add.f32.msk $0xffff, v2  }
0x95: {  	v3 =	vld [tilespmem:$0x87D0];
	_ =	sdelay $0x4  }
0x96: {  	v3 =	vadd.s32 v1, v3;
	_ =	sdelay $0x4  }
0x97: {  	[tilespmem:v3+s2+$0x0] =	vst.idx.add.f32.msk $0xffff, v2  }
0x98: {  	v3 =	vld [tilespmem:$0x87E0];
	_ =	sdelay $0x4  }
0x99: {  	v3 =	vadd.s32 v1, v3;
	_ =	sdelay $0x4  }
0x9a: {  	[tilespmem:v3+s2+$0x0] =	vst.idx.add.f32.msk $0xffff, v2  }
0x9b: {  	v3 =	vld [tilespmem:$0x87F0];
	_ =	sdelay $0x4  }
0x9c: {  	v3 =	vadd.s32 v1, v3;
	_ =	sdelay $0x4  }
0x9d: {  	[tilespmem:v3+s2+$0x0] =	vst.idx.add.f32.msk $0xffff, v2  }
0x9e: {  	v3 =	vld [tilespmem:$0x8800];
	_ =	sdelay $0x4  }
0x9f: {  	v3 =	vadd.s32 v1, v3;
	_ =	sdelay $0x4  }
0xa0: {  	[tilespmem:v3+s2+$0x0] =	vst.idx.add.f32.msk $0xffff, v2  }
0xa1: {  	v3 =	vld [tilespmem:$0x8810];
	_ =	sdelay $0x4  }
0xa2: {  	v3 =	vadd.s32 v1, v3;
	_ =	sdelay $0x4  }
0xa3: {  	[tilespmem:v3+s2+$0x0] =	vst.idx.add.f32.msk $0xffff, v2  }
0xa4: {  	v3 =	vld [tilespmem:$0x8820];
	_ =	sdelay $0x4  }
0xa5: {  	v3 =	vadd.s32 v1, v3;
	_ =	sdelay $0x4  }
0xa6: {  	[tilespmem:v3+s2+$0x0] =	vst.idx.add.f32.msk $0xffff, v2  }
0xa7: {  	v3 =	vld [tilespmem:$0x8830];
	_ =	sdelay $0x4  }
0xa8: {  	v3 =	vadd.s32 v1, v3;
	_ =	sdelay $0x4  }
0xa9: {  	[tilespmem:v3+s2+$0x0] =	vst.idx.add.f32.msk $0xffff, v2  }
0xaa: {  	v3 =	vld [tilespmem:$0x8840];
	_ =	sdelay $0x4  }
0xab: {  	v3 =	vadd.s32 v1, v3;
	_ =	sdelay $0x4  }
0xac: {  	[tilespmem:v3+s2+$0x0] =	vst.idx.add.f32.msk $0xffff, v2  }
0xad: {  	v3 =	vld [tilespmem:$0x8850];
	_ =	sdelay $0x4  }
0xae: {  	v3 =	vadd.s32 v1, v3;
	_ =	sdelay $0x4  }
0xaf: {  	[tilespmem:v3+s2+$0x0] =	vst.idx.add.f32.msk $0xffff, v2  }
0xb0: {  	v3 =	vld [tilespmem:$0x8860];
	_ =	sdelay $0x4  }
0xb1: {  	v3 =	vadd.s32 v1, v3;
	_ =	sdelay $0x4  }
0xb2: {  	[tilespmem:v3+s2+$0x0] =	vst.idx.add.f32.msk $0xffff, v2  }
0xb3: {  	v3 =	vld [tilespmem:$0x8870];
	_ =	sdelay $0x4  }
0xb4: {  	v3 =	vadd.s32 v1, v3;
	_ =	sdelay $0x4  }
0xb5: {  	[tilespmem:v3+s2+$0x0] =	vst.idx.add.f32.msk $0xffff, v2  }
0xb6: {  	v3 =	vld [tilespmem:$0x8880];
	_ =	sdelay $0x4  }
0xb7: {  	v3 =	vadd.s32 v1, v3;
	_ =	sdelay $0x4  }
0xb8: {  	[tilespmem:v3+s2+$0x0] =	vst.idx.add.f32.msk $0xffff, v2  }
0xb9: {  	v3 =	vld [tilespmem:$0x8890];
	_ =	sdelay $0x4  }
0xba: {  	v3 =	vadd.s32 v1, v3;
	_ =	sdelay $0x4  }
0xbb: {  	[tilespmem:v3+s2+$0x0] =	vst.idx.add.f32.msk $0xffff, v2  }
0xbc: {  	v3 =	vld [tilespmem:$0x88A0];
	_ =	sdelay $0x4  }
0xbd: {  	v3 =	vadd.s32 v1, v3;
	_ =	sdelay $0x4  }
0xbe: {  	[tilespmem:v3+s2+$0x0] =	vst.idx.add.f32.msk $0xffff, v2  }
0xbf: {  	v3 =	vld [tilespmem:$0x88B0];
	_ =	sdelay $0x4  }
0xc0: {  	v3 =	vadd.s32 v1, v3;
	_ =	sdelay $0x4  }
0xc1: {  	[tilespmem:v3+s2+$0x0] =	vst.idx.add.f32.msk $0xffff, v2  }
0xc2: {  	v3 =	vld [tilespmem:$0x88C0];
	_ =	sdelay $0x4  }
0xc3: {  	v3 =	vadd.s32 v1, v3;
	_ =	sdelay $0x4  }
0xc4: {  	[tilespmem:v3+s2+$0x0] =	vst.idx.add.f32.msk $0xffff, v2  }
0xc5: {  	v3 =	vld [tilespmem:$0x88D0];
	_ =	sdelay $0x4  }
0xc6: {  	v3 =	vadd.s32 v1, v3;
	_ =	sdelay $0x4  }
0xc7: {  	[tilespmem:v3+s2+$0x0] =	vst.idx.add.f32.msk $0xffff, v2  }
0xc8: {  	v3 =	vld [tilespmem:$0x88E0];
	_ =	sdelay $0x4  }
0xc9: {  	v3 =	vadd.s32 v1, v3;
	_ =	sdelay $0x4  }
0xca: {  	[tilespmem:v3+s2+$0x0] =	vst.idx.add.f32.msk $0xffff, v2  }
0xcb: {  	v3 =	vld [tilespmem:$0x88F0];
	_ =	sdelay $0x4  }
0xcc: {  	v3 =	vadd.s32 v1, v3  }
.Ltmp4:
0xcd: {  	_ = 	snop;
	(pc) =	sbr.rel .LBB2_6-.Ltmp4, $2  }
0xce: {  	_ =	sdelay $0x2  }
0xcf: {  	[tilespmem:v3+s2+$0x0] =	vst.idx.add.f32.msk $0xffff, v2  }
.LBB2_7:
0xd0: {  	s12 =	simm.s32 $0x0  }
0xd1: {  	v3 =	vld [tilespmem:s12+$0x0]  }
0xd2: {  	v4 =	vld [tilespmem:s12+$0x7E0];
	_ =	sdelay $0x1  }
0xd3: {  	v5 =	vld [tilespmem:s12+$0xFC0];
	_ =	sdelay $0x1  }
0xd4: {  	v6 =	vld [tilespmem:s12+$0x17A0]  }
0xd5: {  	v3 =	vadd.f32 v4, v3  }
0xd6: {  	v4 =	vld [tilespmem:s12+$0x1F80]  }
0xd7: {  	v3 =	vadd.f32 v5, v3  }
0xd8: {  	v5 =	vld [tilespmem:s12+$0x2760]  }
0xd9: {  	v3 =	vadd.f32 v6, v3  }
0xda: {  	v6 =	vld [tilespmem:s12+$0x2F40]  }
0xdb: {  	v3 =	vadd.f32 v4, v3  }
0xdc: {  	v4 =	vld [tilespmem:s12+$0x3720]  }
0xdd: {  	s11 =	simm.s32 $0x10;
	v7 =	vld [tilespmem:s12+$0x3F00];
	v3 =	vadd.f32 v5, v3  }
0xde: {  	v8 =	vld [tilespmem:s11+$0x0]  }
0xdf: {  	v5 =	vld [tilespmem:s12+$0x46E0];
	v3 =	vadd.f32 v6, v3  }
0xe0: {  	v6 =	vld [tilespmem:s11+$0x7E0]  }
0xe1: {  	v9 =	vld [tilespmem:s11+$0xFC0];
	v3 =	vadd.f32 v4, v3  }
0xe2: {  	v4 =	vld [tilespmem:s12+$0x4EC0]  }
0xe3: {  	v10 =	vld [tilespmem:s11+$0x17A0];
	v3 =	vadd.f32 v7, v3  }
0xe4: {  	v7 =	vld [tilespmem:s12+$0x56A0]  }
0xe5: {  	v6 =	vadd.f32 v6, v8;
	v8 =	vld [tilespmem:s11+$0x1F80];
	v3 =	vadd.f32 v5, v3  }
0xe6: {  	v5 =	vld [tilespmem:s12+$0x5E80]  }
0xe7: {  	v6 =	vadd.f32 v9, v6;
	v9 =	vld [tilespmem:s11+$0x2760];
	v3 =	vadd.f32 v4, v3  }
0xe8: {  	v4 =	vld [tilespmem:s12+$0x6660]  }
0xe9: {  	v11 =	vld [tilespmem:s11+$0x2F40];
	v6 =	vadd.f32 v10, v6;
	v3 =	vadd.f32 v7, v3  }
0xea: {  	v10 =	vld [tilespmem:s12+$0x6E40]  }
0xeb: {  	v7 =	vadd.f32 v8, v6;
	v6 =	vld [tilespmem:s11+$0x3720];
	v8 =	vadd.f32 v5, v3  }
0xec: {  	v5 =	vld [tilespmem:s12+$0x7620]  }
0xed: {  	v3 =	vld [tilespmem:s11+$0x46E0];
	v9 =	vadd.f32 v9, v7;
	v12 =	vadd.f32 v4, v8  }
0xee: {  	s13 =	simm.s32 $0x20;
	v7 =	vld [tilespmem:s11+$0x3F00]  }
0xef: {  	s14 =	simm.s32 $0xC0;
	v4 =	vld [tilespmem:s13+$0x0];
	v8 =	vadd.f32 v11, v9;
	v9 =	vadd.f32 v10, v12  }
.LBB2_8:
0xf0: {  	p0 =	sne.s32 s14, $0x1F40;
	v10 =	vld [tilespmem:s13+$0x7E0]  }
0xf1: {  	v6 =	vadd.f32 v6, v8;
	v8 =	vld [tilespmem:s11+$0x4EC0];
	v5 =	vadd.f32 v5, v9  }
0xf2: {  	v9 =	vld [tilespmem:s13+$0xFC0]  }
0xf3: {  	v6 =	vadd.f32 v7, v6;
	v7 =	vld [tilespmem:s11+$0x56A0];
	[tilespmem:s12+$0x7E00] =	vst v5;
	s12 =	smov.u32 s11;
	s11 =	smov.u32 s13  }
0xf4: {  	v5 =	vld [tilespmem:s11+$0x17A0]  }
0xf5: {  	v4 =	vadd.f32 v10, v4;
	v3 =	vadd.f32 v3, v6;
	v6 =	vld [tilespmem:s12+$0x5E80]  }
0xf6: {  	v10 =	vld [tilespmem:s11+$0x1F80]  }
0xf7: {  	v4 =	vadd.f32 v9, v4;
	v3 =	vadd.f32 v8, v3;
	v8 =	vld [tilespmem:s12+$0x6660]  }
0xf8: {  	v9 =	vld [tilespmem:s11+$0x2760]  }
0xf9: {  	v4 =	vadd.f32 v5, v4;
	v3 =	vadd.f32 v7, v3;
	v11 =	vld [tilespmem:s12+$0x6E40]  }
0xfa: {  	v12 =	vld [tilespmem:s11+$0x2F40]  }
.Ltmp5:
0xfb: {  	v4 =	vadd.f32 v10, v4;
	v7 =	vadd.f32 v6, v3;
	v5 =	vld [tilespmem:s12+$0x7620];
	(pc) =	sbr.rel @p0 .LBB2_8-.Ltmp5, $4  }
0xfc: {  	v6 =	vld [tilespmem:s11+$0x3720]  }
0xfd: {  	v9 =	vadd.f32 v9, v4;
	v3 =	vld [tilespmem:s11+$0x46E0];
	v10 =	vadd.f32 v8, v7  }
0xfe: {  	s13 =	sshra.s32 s14, $0x2;
	v7 =	vld [tilespmem:s11+$0x3F00]  }
0xff: {  	s14 =	sadd.s32 $0x40, s14;
	v4 =	vld [tilespmem:s13+$0x0];
	v8 =	vadd.f32 v12, v9;
	v9 =	vadd.f32 v11, v10  }
0x100: {  	v10 =	vld [tilespmem:s13+$0x7E0]  }
0x101: {  	v11 =	vld [tilespmem:s11+$0x4EC0];
	v5 =	vadd.f32 v5, v9  }
0x102: {  	v47 =	vld [tilespmem:s13+$0xFC0]  }
0x103: {  	v12 =	vld [tilespmem:s11+$0x56A0];
	v6 =	vadd.f32 v6, v8;
	[tilespmem:s12+$0x7E00] =	vst v5  }
0x104: {  	v5 =	vld [tilespmem:s13+$0x17A0]  }
0x105: {  	v6 =	vadd.f32 v7, v6;
	v4 =	vadd.f32 v10, v4  }
0x106: {  	v48 =	vld [tilespmem:s13+$0x1F80]  }
0x107: {  	v49 =	vld [tilespmem:s11+$0x5E80];
	v3 =	vadd.f32 v3, v6;
	v4 =	vadd.f32 v47, v4  }
0x108: {  	v50 =	vld [tilespmem:s13+$0x2760]  }
0x109: {  	v51 =	vld [tilespmem:s11+$0x6660];
	v3 =	vadd.f32 v11, v3;
	v4 =	vadd.f32 v5, v4  }
0x10a: {  	v52 =	vld [tilespmem:s13+$0x2F40]  }
0x10b: {  	v53 =	vld [tilespmem:s11+$0x6E40];
	v3 =	vadd.f32 v12, v3;
	v4 =	vadd.f32 v48, v4  }
0x10c: {  	v54 =	vld [tilespmem:s13+$0x3720]  }
0x10d: {  	v55 =	vld [tilespmem:s11+$0x7620];
	v3 =	vadd.f32 v49, v3;
	v4 =	vadd.f32 v50, v4  }
0x10e: {  	v56 =	vld [tilespmem:s13+$0x3F00]  }
0x10f: {  	v3 =	vadd.f32 v51, v3;
	v4 =	vadd.f32 v52, v4  }
0x110: {  	v57 =	vld [tilespmem:s13+$0x46E0]  }
0x111: {  	v3 =	vadd.f32 v53, v3;
	v4 =	vadd.f32 v54, v4  }
0x112: {  	v58 =	vld [tilespmem:s13+$0x4EC0]  }
0x113: {  	v3 =	vadd.f32 v55, v3;
	v4 =	vadd.f32 v56, v4  }
0x114: {  	v59 =	vld [tilespmem:s13+$0x56A0]  }
0x115: {  	[tilespmem:s11+$0x7E00] =	vst v3;
	v3 =	vadd.f32 v57, v4  }
0x116: {  	v60 =	vld [tilespmem:s13+$0x5E80]  }
0x117: {  	v3 =	vadd.f32 v58, v3  }
0x118: {  	v61 =	vld [tilespmem:s13+$0x6660]  }
0x119: {  	v3 =	vadd.f32 v59, v3  }
0x11a: {  	v62 =	vld [tilespmem:s13+$0x6E40]  }
0x11b: {  	v3 =	vadd.f32 v60, v3  }
0x11c: {  	v63 =	vld [tilespmem:s13+$0x7620]  }
0x11d: {  	v3 =	vadd.f32 v61, v3;
	_ =	sdelay $0x1  }
0x11e: {  	v3 =	vadd.f32 v62, v3;
	_ =	sdelay $0x1  }
0x11f: {  	s10 =	sadd.s32 $0x1, s10;
	v3 =	vadd.f32 v63, v3  }
0x120: {  	p0 =	sne.s32 s10, s5  }
.Ltmp6:
0x121: {  	[tilespmem:s13+$0x7E00] =	vst v3;
	(pc) =	sbr.rel @p0 .LBB2_1-.Ltmp6, $4  }
0x122: {  	[hbm4b:s4+s2] =	stream.linear.scatter [tilespmem:s9], [sflag:$0x1], $0x7E0, $0x38;
	[tilespmem:$0x8900] =	vst v63  }
0x123: {  	_ =	swait.ge [sflag:s8], $0x7E0  }
0x124: {  	[sflag:s8] =	ssyncset.done $0x0  }
0x125: {  	[sflag:s8] =	ssyncadd.s32 $0xFFFFF820  }
0x126: {  	_ =	sfence.sel $0x180000  }
0x127: {  	[bflag:$0x0] =	sbarrier.arrive $0xFFFF  }
0x128: {  	p0 =	sne.s32 s0, $0x0;
	_ =	strace $0x90000047  }
0x129: {  	s0 =	sadd.s32 @!p0 $0x100000, s1;
	[bflag:$0x2] =	sbarrier.arrive $0xFFFF  }
0x12a: {  	[sflag:s0] =	ssyncadd.tile.s32 @!p0 $0x1;
	_ =	shalt  }
.Lfunc_end2:
_tile_overlayer_lowered:
.L_overlay_start_2:
0x12b: {  	(tag) =	ssettag $0x2  }
0x12c: {  	s0 =	rddreg [dreg:$0x0];
	s2 =	stileid.u32  }
0x12d: {  	s1 =	rddreg [dreg:$0x1];
	p0 =	sne.s32 s2, $0x0  }
0x12e: {  	s3 =	rddreg [dreg:$0x2];
	[bflag:$0x3] =	sbarrier.arrive $0xFFFF;
	s2 =	simm.s32 @!p0 $0x1C01  }
0x12f: {  	[timem:s3], [sflag:s2] =	dma.local @!p0 [hbm:s0], s1  }
0x130: {  	s0 =	simm.s32 @!p0 $0x1  }
0x131: {  	_ =	swait.ge @!p0 [sflag:s0], s1  }
0x132: {  	s1 =	ssub.s32 @!p0 $0x0, s1;
	[sflag:s0] =	ssyncset.done @!p0 $0x0  }
0x133: {  	[sflag:s0] =	ssyncadd.s32 @!p0 s1  }
0x134: {  	[bflag:$0x3] =	sbarrier.arrive $0xFFFF  }
0x135: {  	_ =	shalt  }

// kernel: kernel.13.cloned.1.call-start
scs
__scs_entry_jumppad:
0x0: {  	(pc) =	sbr.rel $0x88, $3  }
0x1: {  	(tag) =	ssettag $0x0;
	lr =	simm.s32 $0x1  }
0x2: {  	[smem:$0x3F9C] =	sst lr;
	_ =	strace $0xD0000000  }
0x3: {  	_ = 	snop  }
0x4: {  	_ = 	snop  }
0x5: {  	_ = 	snop  }
0x6: {  	_ = 	snop  }
0x7: {  	_ = 	snop  }
__scs_overlays_trampoline_lowered:
0x8: {  	[smem:$0x3FAB] =	sst s0  }
0x9: {  	[smem:$0x3FAC] =	sst s1  }
0xa: {  	[smem:$0x3FAD] =	sst s2  }
0xb: {  	[smem:$0x3FAE] =	sst s3  }
0xc: {  	[smem:$0x3FAF] =	sst s4  }
0xd: {  	[smem:$0x3FB0] =	sst s5  }
0xe: {  	[smem:$0x3FB1] =	sst s6  }
0xf: {  	[smem:$0x3FB2] =	sst s7  }
0x10: {  	[smem:$0x3FB3] =	sst s8  }
0x11: {  	[smem:$0x3FB4] =	sst s9;
	s0 =	simm.s32 @!p0 $0x0  }
0x12: {  	s1 =	sld [smem:$0x3F9A];
	s0 =	simm.s32 @p0 $0x1  }
0x13: {  	[smem:$0x3FB5] =	sst s0;
	s0 =	simm.s32 @!p1 $0x0  }
0x14: {  	s2 =	sld [smem:$0x3F99];
	s0 =	simm.s32 @p1 $0x1  }
0x15: {  	[smem:$0x3FB6] =	sst s0;
	s0 =	simm.s32 @!p2 $0x0  }
0x16: {  	s3 =	sld [smem:$0x3FDB];
	s0 =	simm.s32 @p2 $0x1  }
0x17: {  	s4 =	simm.s32 $0x1BF5;
	[smem:$0x3FB8] =	sst s0  }
0x18: {  	s0 =	sld [smem:$0x3F9B];
	_ =	swait.ge [sflag:s4], $0x0  }
0x19: {  	s7 =	sld [smem:$0x3F9C]  }
0x1a: {  	s8 =	sadd.s32 $0xFFFFE003, lr  }
0x1b: {  	s9 =	sadd.s32 $0xFFFFFEF7, lr;
	s5 =	simm.s32 $0xFFFFFFFF;
	p2 =	slt.u32 s8, $0xFFFFF086  }
0x1c: {  	p1 =	slt.u32 s9, $0xF7A;
	s5 =	simm.s32 @!p2 $0x0  }
0x1d: {  	s5 =	simm.s32 @p1 $0x1;
	p0 =	seq.s32 s7, s2  }
0x1e: {  	s7 =	smul.u32 @!p0 $0xF7A, s2;
	p2 =	seq.s32 @!p0 s5, $0x0  }
0x1f: {  	s9 =	smul.u32 $0xF7A, s1;
	s8 =	simm.s32 @!p0 $0x1BF5;
	p2 =	por !p2, p0  }
0x20: {  	[sflag:s8] =	ssyncset.s32 @!p0 $0xFFFFF086;
	s6 =	sadd.s32 @!p0 s3, s7;
	s7 =	simm.s32 @!p0 $0x108  }
0x21: {  	s3 =	sadd.s32 s3, s9;
	s6 =	sadd.s32 @!p0 $0x88, s6;
	s7 =	simm.s32 @p2 $0x1082  }
0x22: {  	[simem:s7], [sflag:s8] =	dma.local @!p0 [hbm:s6], $0xF7A  }
0x23: {  	s9 =	sor.u32 $0xD0000000, s2;
	s6 =	simm.s32 $0x108;
	_ =	swait.ge @!p0 [sflag:s8], $0x0  }
0x24: {  	s3 =	sadd.s32 $0x88, s3;
	s6 =	simm.s32 @!p1 $0x1082;
	[sflag:s4] =	ssyncset.s32 $0xFFFFF086  }
0x25: {  	[simem:s6], [sflag:s4] =	dma.local [hbm:s3], $0xF7A  }
0x26: {  	[smem:$0x3F9C] =	sst s1;
	(tag) =	ssettag s2;
	_ =	strace s9  }
0x27: {  	s1 =	sld [smem:$0x3FAC]  }
0x28: {  	s2 =	sld [smem:$0x3FAD]  }
0x29: {  	s4 =	sld [smem:$0x3FAF]  }
0x2a: {  	p0 =	seq.s32 s5, $0x0;
	s5 =	sld [smem:$0x3FB0]  }
0x2b: {  	s6 =	sld [smem:$0x3FB1]  }
0x2c: {  	s7 =	sld [smem:$0x3FB2]  }
0x2d: {  	s3 =	simm.s32 $0x108;
	s8 =	sld [smem:$0x3FB3]  }
0x2e: {  	s3 =	simm.s32 @!p0 $0x1082;
	s9 =	sld [smem:$0x3FB4]  }
0x2f: {  	lr =	sadd.s32 s0, s3;
	s0 =	sld [smem:$0x3FAB]  }
0x30: {  	s3 =	sld [smem:$0x3FAE]  }
0x31: {  	[smem:$0x3FB7] =	sst s10  }
0x32: {  	s10 =	sld [smem:$0x3FB5];
	_ =	sdelay $0x3  }
0x33: {  	p0 =	seq.s32 s10, $0x1;
	s10 =	sld [smem:$0x3FB7];
	_ =	sdelay $0x3  }
0x34: {  	[smem:$0x3FB7] =	sst s10  }
0x35: {  	s10 =	sld [smem:$0x3FB6];
	_ =	sdelay $0x3  }
0x36: {  	p1 =	seq.s32 s10, $0x1;
	s10 =	sld [smem:$0x3FB7];
	_ =	sdelay $0x3  }
0x37: {  	[smem:$0x3FB7] =	sst s10  }
0x38: {  	s10 =	sld [smem:$0x3FB8]  }
0x39: {  	_ = 	snop;
	(pc) =	sbr.ind lr, $3  }
0x3a: {  	_ = 	snop  }
0x3b: {  	_ = 	snop  }
0x3c: {  	p2 =	seq.s32 s10, $0x1;
	s10 =	sld [smem:$0x3FB7]  }
0x3d: {  	_ =	shalt  }
0x3e: {  	_ =	shalt  }
0x3f: {  	_ =	shalt  }
0x40: {  	_ =	shalt  }
0x41: {  	_ =	shalt  }
0x42: {  	_ =	shalt  }
0x43: {  	_ =	shalt  }
0x44: {  	_ =	shalt  }
0x45: {  	_ =	shalt  }
0x46: {  	_ =	shalt  }
0x47: {  	_ =	shalt  }
0x48: {  	_ =	shalt  }
0x49: {  	_ =	shalt  }
0x4a: {  	_ =	shalt  }
0x4b: {  	_ =	shalt  }
0x4c: {  	_ =	shalt  }
0x4d: {  	_ =	shalt  }
0x4e: {  	_ =	shalt  }
0x4f: {  	_ =	shalt  }
0x50: {  	_ =	shalt  }
0x51: {  	_ =	shalt  }
0x52: {  	_ =	shalt  }
0x53: {  	_ =	shalt  }
0x54: {  	_ =	shalt  }
0x55: {  	_ =	shalt  }
0x56: {  	_ =	shalt  }
0x57: {  	_ =	shalt  }
0x58: {  	_ =	shalt  }
0x59: {  	_ =	shalt  }
0x5a: {  	_ =	shalt  }
0x5b: {  	_ =	shalt  }
0x5c: {  	_ =	shalt  }
0x5d: {  	_ =	shalt  }
0x5e: {  	_ =	shalt  }
0x5f: {  	_ =	shalt  }
0x60: {  	_ =	shalt  }
0x61: {  	_ =	shalt  }
0x62: {  	_ =	shalt  }
0x63: {  	_ =	shalt  }
0x64: {  	_ =	shalt  }
0x65: {  	_ =	shalt  }
0x66: {  	_ =	shalt  }
0x67: {  	_ =	shalt  }
0x68: {  	_ =	shalt  }
0x69: {  	_ =	shalt  }
0x6a: {  	_ =	shalt  }
0x6b: {  	_ =	shalt  }
0x6c: {  	_ =	shalt  }
0x6d: {  	_ =	shalt  }
0x6e: {  	_ =	shalt  }
0x6f: {  	_ =	shalt  }
0x70: {  	_ =	shalt  }
0x71: {  	_ =	shalt  }
0x72: {  	_ =	shalt  }
0x73: {  	_ =	shalt  }
0x74: {  	_ =	shalt  }
0x75: {  	_ =	shalt  }
0x76: {  	_ =	shalt  }
0x77: {  	_ =	shalt  }
0x78: {  	_ =	shalt  }
0x79: {  	_ =	shalt  }
0x7a: {  	_ =	shalt  }
0x7b: {  	_ =	shalt  }
0x7c: {  	_ =	shalt  }
0x7d: {  	_ =	shalt  }
0x7e: {  	_ =	shalt  }
0x7f: {  	_ =	shalt  }
0x80: {  	_ =	shalt  }
0x81: {  	_ =	shalt  }
0x82: {  	_ =	shalt  }
0x83: {  	_ =	shalt  }
0x84: {  	_ =	shalt  }
0x85: {  	_ =	shalt  }
0x86: {  	_ =	shalt  }
0x87: {  	_ =	shalt  }
.Lfunc_end0:
.L_simem_size_0:
called_computation.2_lowered:
.L_overlay_start_0:
0x88: {  	s2 =	sld [smem:$0x3FD9]  }
0x89: {  	s3 =	sld [smem:$0x3FFE];
	_ =	sdelay $0x1  }
0x8a: {  	s1 =	srdreg.scid  }
0x8b: {  	s0 =	sand.u32 $0x1, s1  }
0x8c: {  	s17 =	sshll.u32 s0, $0xA;
	s2 =	sadd.s32 s3, s2  }
0x8d: {  	s2 =	sadd.s32 s2, s17  }
0x8e: {  	[smem:$0x3FC3] =	sst s2  }
0x8f: {  	_ = 	snop  }
0x90: {  	s18 =	sld [smem:$0x3FC9]  }
0x91: {  	s4 =	sld [smem:$0x3FC8];
	(tm) =	ssettm $0x1  }
0x92: {  	s19 =	sld [smem:$0x3FFB];
	_ =	sdelay $0x3  }
0x93: {  	_ =	strace s19  }
0x94: {  	s2 =	sld [smem:$0x3FFC];
	_ =	sdelay $0x3  }
0x95: {  	_ =	strace s2  }
0x96: {  	s2 =	sld [smem:$0x3FFD];
	_ =	sdelay $0x3  }
0x97: {  	_ =	strace s2  }
0x98: {  	_ =	strace $0x8FFFFFFF  }
0x99: {  	s20 =	sld [smem:$0x3FDB];
	_ =	sdelay $0x1  }
0x9a: {  	s5 =	simm.s32 $_scs_section_size  }
0x9b: {  	s6 =	simm.s32 $_size__tile_overlayer_lowered;
	s7 =	simm.s32 $_tile_overlayer_lowered  }
0x9c: {  	s8 =	simm.s32 $0x1BFF;
	s21 =	sshll.u32 s7, $0x1;
	s5 =	sadd.s32 s5, s20  }
0x9d: {  	s22 =	simm.s32 $0x0;
	s6 =	sshll.u32 s6, $0x1;
	s7 =	sadd.s32 s21, s5  }
0x9e: {  	[timem:s22], [sflag:s8] =	dma.local [hbm:s7], s6  }
0x9f: {  	_ =	swait.ge [sflag:s8], s6  }
0xa0: {  	s6 =	ssub.s32 $0x0, s6;
	[sflag:s8] =	ssyncset.done $0x0  }
0xa1: {  	[sflag:s8] =	ssyncadd.s32 s6;
	_ =	sdelay $0x1  }
0xa2: {  	s23 =	simm.s32 $0x1B8B  }
0xa3: {  	_ =	swait.ge [sflag:s23], $0x1  }
0xa4: {  	[sflag:s23] =	ssyncset.done $0x0  }
0xa5: {  	[sflag:s23] =	ssyncadd.s32 $0xFFFFFFFF  }
0xa6: {  	s6 =	sld [smem:$0x0]  }
0xa7: {  	s7 =	sand.u32 $0xFFFFFFFE, s1  }
0xa8: {  	p0 =	sne.s32 s1, s7  }
0xa9: {  	s7 =	sshll.u32 @p0 s7, $0xE  }
0xaa: {  	s7 =	sadd.s32 @p0 $0x11B8D, s7;
	s8 =	sshll.u32 @p0 s6, $0x11  }
0xab: {  	s7 =	sor.u32 @p0 s8, s7  }
0xac: {  	[sflag:s7] =	ssyncadd.remote.s32 @p0 $0x1;
	_ =	sdelay $0x1  }
0xad: {  	s7 =	simm.s32 @p0 $0x1B8D  }
0xae: {  	_ =	swait.eq @p0 [sflag:s7], $0x1  }
0xaf: {  	[sflag:s7] =	ssyncadd.s32 @p0 $0xFFFFFFFF  }
0xb0: {  	s8 =	sshll.u32 @!p0 s1, $0xE  }
0xb1: {  	s8 =	sor.u32 @!p0 $0x4000, s8;
	s7 =	simm.s32 @!p0 $0x1B8D  }
0xb2: {  	s6 =	sshll.u32 @!p0 s6, $0x11;
	s8 =	sadd.s32 @!p0 $0x11B8D, s8;
	_ =	swait.eq @!p0 [sflag:s7], $0x1  }
0xb3: {  	s6 =	sor.u32 @!p0 s6, s8;
	[sflag:s7] =	ssyncadd.s32 @!p0 $0xFFFFFFFF  }
0xb4: {  	s25 =	simm.s32 $0x1B8E;
	s24 =	sld [smem:$0x3FFE];
	[sflag:s6] =	ssyncadd.remote.s32 @!p0 $0x1  }
0xb5: {  	s26 =	simm.s32 $execute0_lowered;
	[smem:$0x3FD2] =	sst s25  }
0xb6: {  	s7 =	sshll.u32 s26, $0x1;
	_ =	strace $0x80000049;
	[dreg:$0x1] =	wrdreg $0xFFFFFFFF  }
0xb7: {  	s28 =	simm.s32 $_size_execute0_lowered;
	s5 =	sadd.s32 s5, s7;
	[dreg:$0x0] =	wrdreg $0x0  }
0xb8: {  	s7 =	sshll.u32 s28, $0x1;
	[dreg:$0x2] =	wrdreg s5  }
0xb9: {  	[dreg:$0x3] =	wrdreg s7  }
0xba: {  	[dreg:$0x4] =	wrdreg $0xC0  }
0xbb: {  	_ =	task [dreg:s22], $0x5FFFF  }
0xbc: {  	[dreg:$0x1] =	wrdreg $0xFFFFFFFF  }
0xbd: {  	[dreg:$0x0] =	wrdreg $0x60  }
0xbe: {  	[dreg:$0x2] =	wrdreg s18  }
0xbf: {  	[dreg:$0x3] =	wrdreg s4  }
0xc0: {  	[dreg:$0x4] =	wrdreg s24  }
0xc1: {  	[dreg:$0x5] =	wrdreg $0xB  }
0xc2: {  	_ =	task.clear_ibuf [dreg:s22], $0x6FFFF;
	_ =	strace $0x90000049  }
0xc3: {  	s29 =	simm.s32 $0xB;
	_ =	strace $0x8000004B  }
0xc4: {  	_ =	swait.ge [sflag:s29], $0x1  }
0xc5: {  	[sflag:s29] =	ssyncadd.s32 $0xFFFFFFFF  }
0xc6: {  	_ =	strace $0x9000004B  }
0xc7: {  	_ =	sfence  }
0xc8: {  	s30 =	sld [smem:$0x0];
	_ =	sdelay $0x2  }
0xc9: {  	s31 =	sshll.u32 s1, $0xD;
	s1 =	sshrl.u32 s1, $0x2  }
0xca: {  	s4 =	sand.u32 $0x4000, s31;
	s1 =	sadd.s32 s1, s30  }
0xcb: {  	s0 =	sor.u32 s4, s0;
	s1 =	sshll.u32 s1, $0x11  }
0xcc: {  	s0 =	sor.u32 s1, s0  }
0xcd: {  	s0 =	sadd.s32 $0x8F2B, s0  }
0xce: {  	[sflag:s0] =	ssyncadd.remote.s32 $0x1  }
0xcf: {  	_ =	sfence.sel $0xFFFF  }
0xd0: {  	[dreg:$0x0] =	wrdreg $0xFFFFFFFF;
	(pc) =	sbr.abs _section_cstart, $3  }
0xd1: {  	[dreg:$0x1] =	wrdreg $0xFFFFFFFF  }
0xd2: {  	_ =	task.clear_ibuf [dreg:s22], $0x2FFFF;
	_ =	strace $0x9FFFFFFF  }
0xd3: {  	(tm) =	ssettm $0x7FFFFFFF  }
tec
execute0_lowered:
.L_overlay_start_1:
0x0: {  	(tag) =	ssettag $0x1  }
0x1: {  	s9 =	rddreg [dreg:$0x0]  }
0x2: {  	s8 =	rddreg [dreg:$0x1]  }
0x3: {  	s5 =	rddreg [dreg:$0x2]  }
0x4: {  	s0 =	rddreg [dreg:$0x3];
	s1 =	simm.s32 $0x0  }
0x5: {  	s2 =	srdreg.scid;
	s12 =	simm.s32 $0x100;
	s13 =	simm.s32 $0x2100  }
0x6: {  	s14 =	simm.s32 $0x1;
	s15 =	simm.s32 $0x2;
	s16 =	simm.s32 $0x0  }
0x7: {  	[smem:$0x7FF] =	sst s1;
	s6 =	sand.u32 $0x1, s2;
	s3 =	sadd.s32 $0xF45800, s5  }
0x8: {  	s2 =	stileid.u32;
	s4 =	sadd.s32 $0x16E6A00, s5;
	_ =	strace $0x8000004A  }
0x9: {  	s7 =	ssub.s32 $0x2, s6;
	s10 =	sshll.u32 s2, $0xD;
	s30 =	sshll.u32 s6, $0x9  }
0xa: {  	s6 =	sshll.u32 s6, $0xC;
	s11 =	sshrl.u32 s7, $0x1;
	s10 =	sadd.s32 s10, s5  }
0xb: {  	s29 =	sshll.u32 s2, $0xA;
	s28 =	ssub.s32 s7, s11;
	s10 =	sadd.s32 s6, s10  }
0xc: {  	s11 =	sor.u32 s30, s29;
	s5 =	smax.u32 s28, $0x1;
	s6 =	sadd.s32 $0x3400, s10  }
0xd: {  	s7 =	sadd.s32 $0x23400, s10;
	s31 =	sshrl.u32 s11, $0x3;
	s10 =	simm.s32 $0x3  }
0xe: {  	s11 =	simm.s32 $0x80;
	s8 =	sadd.s32 s31, s8;
	s9 =	sadd.s32 s31, s9  }
.LBB2_1:
0xf: {  	s17 =	sadd.s32 $0x0, s9  }
0x10: {  	[tilespmem:s1], [sflag:$0x3] =	stream.linear.gather [hbm4b:s17+s1], $0x80, $0x38;
	[tilespmem:$0x4100] =	vst v63  }
0x11: {  	_ =	swait.ge [sflag:s10], $0x80  }
0x12: {  	[sflag:s10] =	ssyncset.done $0x0  }
0x13: {  	s31 =	sadd.s32 $0x0, s8;
	[sflag:s10] =	ssyncadd.s32 $0xFFFFFF80  }
0x14: {  	[tilespmem:s11], [sflag:$0x3] =	stream.linear.gather [hbm4b:s31+s1], $0x80, $0x38;
	[tilespmem:$0x4100] =	vst v63  }
0x15: {  	_ =	swait.ge [sflag:s10], $0x80  }
0x16: {  	[sflag:s10] =	ssyncset.done $0x0  }
0x17: {  	[sflag:s10] =	ssyncadd.s32 $0xFFFFFF80  }
0x18: {  	[tilespmem:s12], [sflag:$0x1] =	stream.indirect.gather [hbm4b:s3+s11], $0x40, s1, s11, $0xb8;
	[tilespmem:$0x4100] =	vst v63  }
0x19: {  	_ = 	snop  }
0x1a: {  	[tilespmem:s13], [sflag:$0x2] =	stream.indirect.gather [hbm4b:s4+s11], $0x40, s11, s11, $0xb8;
	[tilespmem:$0x4100] =	vst v63  }
0x1b: {  	_ =	swait.ge [sflag:s14], $0x2000  }
0x1c: {  	[sflag:s14] =	ssyncset.done $0x0  }
0x1d: {  	[sflag:s14] =	ssyncadd.s32 $0xFFFFE000  }
0x1e: {  	_ =	swait.ge [sflag:s15], $0x2000  }
0x1f: {  	[sflag:s15] =	ssyncset.done $0x0  }
0x20: {  	[sflag:s15] =	ssyncadd.s32 $0xFFFFE000  }
0x21: {  	[hbm4b:s7+s1] =	stream.linear.scatter [tilespmem:s12], [sflag:$0x3], $0x2000, $0x38;
	[tilespmem:$0x4100] =	vst v63  }
0x22: {  	_ =	swait.ge [sflag:s10], $0x2000  }
0x23: {  	[sflag:s10] =	ssyncset.done $0x0  }
0x24: {  	[sflag:s10] =	ssyncadd.s32 $0xFFFFE000  }
0x25: {  	[hbm4b:s6+s1] =	stream.linear.scatter [tilespmem:s13], [sflag:$0x3], $0x2000, $0x38;
	[tilespmem:$0x4100] =	vst v63  }
0x26: {  	s19 =	simm.s32 $0x10;
	s20 =	simm.s32 $0x20;
	_ =	swait.ge [sflag:s10], $0x2000  }
0x27: {  	s18 =	sadd.s32 $0x400, s7;
	s17 =	sadd.s32 $0x400, s6;
	[sflag:s10] =	ssyncset.done $0x0  }
.LBB2_2:
0x28: {  	s21 =	sadd.s32 s19, s9  }
0x29: {  	[sflag:s10] =	ssyncadd.s32 $0xFFFFE000;
	s22 =	smov.u32 s20;
	s23 =	sadd.s32 $0x10, s20  }
0x2a: {  	[tilespmem:s1], [sflag:$0x3] =	stream.linear.gather [hbm4b:s21+s1], $0x80, $0x38;
	[tilespmem:$0x4100] =	vst v63  }
0x2b: {  	p0 =	sne.s32 s20, $0x30;
	_ =	swait.ge [sflag:s10], $0x80  }
0x2c: {  	[sflag:s10] =	ssyncset.done $0x0  }
0x2d: {  	s20 =	sadd.s32 s19, s8;
	s19 =	smov.u32 s22;
	[sflag:s10] =	ssyncadd.s32 $0xFFFFFF80  }
0x2e: {  	[tilespmem:s11], [sflag:$0x3] =	stream.linear.gather [hbm4b:s20+s1], $0x80, $0x38;
	[tilespmem:$0x4100] =	vst v63  }
0x2f: {  	_ =	swait.ge [sflag:s10], $0x80  }
0x30: {  	[sflag:s10] =	ssyncset.done $0x0  }
0x31: {  	[sflag:s10] =	ssyncadd.s32 $0xFFFFFF80  }
0x32: {  	[tilespmem:s12], [sflag:$0x1] =	stream.indirect.gather [hbm4b:s3+s11], $0x40, s1, s11, $0xb8;
	[tilespmem:$0x4100] =	vst v63  }
0x33: {  	_ = 	snop  }
0x34: {  	[tilespmem:s13], [sflag:$0x2] =	stream.indirect.gather [hbm4b:s4+s11], $0x40, s11, s11, $0xb8;
	[tilespmem:$0x4100] =	vst v63  }
0x35: {  	_ =	swait.ge [sflag:s14], $0x2000  }
0x36: {  	[sflag:s14] =	ssyncset.done $0x0  }
0x37: {  	[sflag:s14] =	ssyncadd.s32 $0xFFFFE000  }
0x38: {  	_ =	swait.ge [sflag:s15], $0x2000  }
0x39: {  	[sflag:s15] =	ssyncset.done $0x0  }
0x3a: {  	[sflag:s15] =	ssyncadd.s32 $0xFFFFE000  }
0x3b: {  	[hbm4b:s18+s1] =	stream.linear.scatter [tilespmem:s12], [sflag:$0x3], $0x2000, $0x38;
	[tilespmem:$0x4100] =	vst v63  }
0x3c: {  	_ =	swait.ge [sflag:s10], $0x2000  }
.Ltmp0:
0x3d: {  	[sflag:s10] =	ssyncset.done $0x0;
	(pc) =	sbr.rel @p0 .LBB2_2-.Ltmp0, $4  }
0x3e: {  	[sflag:s10] =	ssyncadd.s32 $0xFFFFE000  }
0x3f: {  	[hbm4b:s17+s1] =	stream.linear.scatter [tilespmem:s13], [sflag:$0x3], $0x2000, $0x38;
	[tilespmem:$0x4100] =	vst v63  }
0x40: {  	s20 =	smov.u32 s23;
	_ =	swait.ge [sflag:s10], $0x2000  }
0x41: {  	s18 =	sadd.s32 $0x400, s18;
	s17 =	sadd.s32 $0x400, s17;
	[sflag:s10] =	ssyncset.done $0x0  }
0x42: {  	s20 =	sadd.s32 s19, s9;
	[sflag:s10] =	ssyncadd.s32 $0xFFFFE000  }
0x43: {  	[tilespmem:s1], [sflag:$0x3] =	stream.linear.gather [hbm4b:s20+s1], $0x80, $0x38;
	[tilespmem:$0x4100] =	vst v63  }
0x44: {  	_ =	swait.ge [sflag:s10], $0x80  }
0x45: {  	[sflag:s10] =	ssyncset.done $0x0  }
0x46: {  	s31 =	sadd.s32 s19, s8;
	[sflag:s10] =	ssyncadd.s32 $0xFFFFFF80  }
0x47: {  	[tilespmem:s11], [sflag:$0x3] =	stream.linear.gather [hbm4b:s31+s1], $0x80, $0x38;
	[tilespmem:$0x4100] =	vst v63  }
0x48: {  	_ =	swait.ge [sflag:s10], $0x80  }
0x49: {  	[sflag:s10] =	ssyncset.done $0x0  }
0x4a: {  	[sflag:s10] =	ssyncadd.s32 $0xFFFFFF80  }
0x4b: {  	[tilespmem:s12], [sflag:$0x1] =	stream.indirect.gather [hbm4b:s3+s11], $0x40, s1, s11, $0xb8;
	[tilespmem:$0x4100] =	vst v63  }
0x4c: {  	_ = 	snop  }
0x4d: {  	[tilespmem:s13], [sflag:$0x2] =	stream.indirect.gather [hbm4b:s4+s11], $0x40, s11, s11, $0xb8;
	[tilespmem:$0x4100] =	vst v63  }
0x4e: {  	_ =	swait.ge [sflag:s14], $0x2000  }
0x4f: {  	[sflag:s14] =	ssyncset.done $0x0  }
0x50: {  	[sflag:s14] =	ssyncadd.s32 $0xFFFFE000  }
0x51: {  	_ =	swait.ge [sflag:s15], $0x2000  }
0x52: {  	[sflag:s15] =	ssyncset.done $0x0  }
0x53: {  	[sflag:s15] =	ssyncadd.s32 $0xFFFFE000  }
0x54: {  	[hbm4b:s18+s1] =	stream.linear.scatter [tilespmem:s12], [sflag:$0x3], $0x2000, $0x38;
	[tilespmem:$0x4100] =	vst v63  }
0x55: {  	s16 =	sadd.s32 $0x1, s16;
	_ =	swait.ge [sflag:s10], $0x2000  }
0x56: {  	p0 =	sne.s32 s16, s5;
	[sflag:s10] =	ssyncset.done $0x0  }
.Ltmp1:
0x57: {  	[sflag:s10] =	ssyncadd.s32 $0xFFFFE000;
	(pc) =	sbr.rel @p0 .LBB2_1-.Ltmp1, $4  }
0x58: {  	[hbm4b:s17+s1] =	stream.linear.scatter [tilespmem:s13], [sflag:$0x3], $0x2000, $0x38;
	[tilespmem:$0x4100] =	vst v63  }
0x59: {  	_ =	swait.ge [sflag:s10], $0x2000  }
0x5a: {  	[sflag:s10] =	ssyncset.done $0x0  }
0x5b: {  	[sflag:s10] =	ssyncadd.s32 $0xFFFFE000  }
0x5c: {  	_ =	sfence.sel $0x180000  }
0x5d: {  	[bflag:$0x0] =	sbarrier.arrive $0xFFFF  }
0x5e: {  	p0 =	sne.s32 s2, $0x0;
	_ =	strace $0x9000004A  }
0x5f: {  	s0 =	sadd.s32 @!p0 $0x100000, s0;
	[bflag:$0x2] =	sbarrier.arrive $0xFFFF  }
0x60: {  	[sflag:s0] =	ssyncadd.tile.s32 @!p0 $0x1;
	_ =	shalt  }
.Lfunc_end2:
_tile_overlayer_lowered:
.L_overlay_start_2:
0x61: {  	(tag) =	ssettag $0x2  }
0x62: {  	s0 =	rddreg [dreg:$0x0];
	s2 =	stileid.u32  }
0x63: {  	s1 =	rddreg [dreg:$0x1];
	p0 =	sne.s32 s2, $0x0  }
0x64: {  	s3 =	rddreg [dreg:$0x2];
	[bflag:$0x3] =	sbarrier.arrive $0xFFFF;
	s2 =	simm.s32 @!p0 $0x1C03  }
0x65: {  	[timem:s3], [sflag:s2] =	dma.local @!p0 [hbm:s0], s1  }
0x66: {  	s0 =	simm.s32 @!p0 $0x3  }
0x67: {  	_ =	swait.ge @!p0 [sflag:s0], s1  }
0x68: {  	s1 =	ssub.s32 @!p0 $0x0, s1;
	[sflag:s0] =	ssyncset.done @!p0 $0x0  }
0x69: {  	[sflag:s0] =	ssyncadd.s32 @!p0 s1  }
0x6a: {  	[bflag:$0x3] =	sbarrier.arrive $0xFFFF  }
0x6b: {  	_ =	shalt  }

// kernel: kernel.7.cloned.1.call-start
scs
__scs_entry_jumppad:
0x0: {  	(pc) =	sbr.rel $0x88, $3  }
0x1: {  	(tag) =	ssettag $0x0;
	lr =	simm.s32 $0x1  }
0x2: {  	[smem:$0x3F9C] =	sst lr;
	_ =	strace $0xD0000000  }
0x3: {  	_ = 	snop  }
0x4: {  	_ = 	snop  }
0x5: {  	_ = 	snop  }
0x6: {  	_ = 	snop  }
0x7: {  	_ = 	snop  }
__scs_overlays_trampoline_lowered:
0x8: {  	[smem:$0x3FAB] =	sst s0  }
0x9: {  	[smem:$0x3FAC] =	sst s1  }
0xa: {  	[smem:$0x3FAD] =	sst s2  }
0xb: {  	[smem:$0x3FAE] =	sst s3  }
0xc: {  	[smem:$0x3FAF] =	sst s4  }
0xd: {  	[smem:$0x3FB0] =	sst s5  }
0xe: {  	[smem:$0x3FB1] =	sst s6  }
0xf: {  	[smem:$0x3FB2] =	sst s7  }
0x10: {  	[smem:$0x3FB3] =	sst s8  }
0x11: {  	[smem:$0x3FB4] =	sst s9;
	s0 =	simm.s32 @!p0 $0x0  }
0x12: {  	s1 =	sld [smem:$0x3F9A];
	s0 =	simm.s32 @p0 $0x1  }
0x13: {  	[smem:$0x3FB5] =	sst s0;
	s0 =	simm.s32 @!p1 $0x0  }
0x14: {  	s2 =	sld [smem:$0x3F99];
	s0 =	simm.s32 @p1 $0x1  }
0x15: {  	[smem:$0x3FB6] =	sst s0;
	s0 =	simm.s32 @!p2 $0x0  }
0x16: {  	s3 =	sld [smem:$0x3FDB];
	s0 =	simm.s32 @p2 $0x1  }
0x17: {  	s4 =	simm.s32 $0x1BF5;
	[smem:$0x3FB8] =	sst s0  }
0x18: {  	s0 =	sld [smem:$0x3F9B];
	_ =	swait.ge [sflag:s4], $0x0  }
0x19: {  	s7 =	sld [smem:$0x3F9C]  }
0x1a: {  	s8 =	sadd.s32 $0xFFFFE003, lr  }
0x1b: {  	s9 =	sadd.s32 $0xFFFFFEF7, lr;
	s5 =	simm.s32 $0xFFFFFFFF;
	p2 =	slt.u32 s8, $0xFFFFF086  }
0x1c: {  	p1 =	slt.u32 s9, $0xF7A;
	s5 =	simm.s32 @!p2 $0x0  }
0x1d: {  	s5 =	simm.s32 @p1 $0x1;
	p0 =	seq.s32 s7, s2  }
0x1e: {  	s7 =	smul.u32 @!p0 $0xF7A, s2;
	p2 =	seq.s32 @!p0 s5, $0x0  }
0x1f: {  	s9 =	smul.u32 $0xF7A, s1;
	s8 =	simm.s32 @!p0 $0x1BF5;
	p2 =	por !p2, p0  }
0x20: {  	[sflag:s8] =	ssyncset.s32 @!p0 $0xFFFFF086;
	s6 =	sadd.s32 @!p0 s3, s7;
	s7 =	simm.s32 @!p0 $0x108  }
0x21: {  	s3 =	sadd.s32 s3, s9;
	s6 =	sadd.s32 @!p0 $0x88, s6;
	s7 =	simm.s32 @p2 $0x1082  }
0x22: {  	[simem:s7], [sflag:s8] =	dma.local @!p0 [hbm:s6], $0xF7A  }
0x23: {  	s9 =	sor.u32 $0xD0000000, s2;
	s6 =	simm.s32 $0x108;
	_ =	swait.ge @!p0 [sflag:s8], $0x0  }
0x24: {  	s3 =	sadd.s32 $0x88, s3;
	s6 =	simm.s32 @!p1 $0x1082;
	[sflag:s4] =	ssyncset.s32 $0xFFFFF086  }
0x25: {  	[simem:s6], [sflag:s4] =	dma.local [hbm:s3], $0xF7A  }
0x26: {  	[smem:$0x3F9C] =	sst s1;
	(tag) =	ssettag s2;
	_ =	strace s9  }
0x27: {  	s1 =	sld [smem:$0x3FAC]  }
0x28: {  	s2 =	sld [smem:$0x3FAD]  }
0x29: {  	s4 =	sld [smem:$0x3FAF]  }
0x2a: {  	p0 =	seq.s32 s5, $0x0;
	s5 =	sld [smem:$0x3FB0]  }
0x2b: {  	s6 =	sld [smem:$0x3FB1]  }
0x2c: {  	s7 =	sld [smem:$0x3FB2]  }
0x2d: {  	s3 =	simm.s32 $0x108;
	s8 =	sld [smem:$0x3FB3]  }
0x2e: {  	s3 =	simm.s32 @!p0 $0x1082;
	s9 =	sld [smem:$0x3FB4]  }
0x2f: {  	lr =	sadd.s32 s0, s3;
	s0 =	sld [smem:$0x3FAB]  }
0x30: {  	s3 =	sld [smem:$0x3FAE]  }
0x31: {  	[smem:$0x3FB7] =	sst s10  }
0x32: {  	s10 =	sld [smem:$0x3FB5];
	_ =	sdelay $0x3  }
0x33: {  	p0 =	seq.s32 s10, $0x1;
	s10 =	sld [smem:$0x3FB7];
	_ =	sdelay $0x3  }
0x34: {  	[smem:$0x3FB7] =	sst s10  }
0x35: {  	s10 =	sld [smem:$0x3FB6];
	_ =	sdelay $0x3  }
0x36: {  	p1 =	seq.s32 s10, $0x1;
	s10 =	sld [smem:$0x3FB7];
	_ =	sdelay $0x3  }
0x37: {  	[smem:$0x3FB7] =	sst s10  }
0x38: {  	s10 =	sld [smem:$0x3FB8]  }
0x39: {  	_ = 	snop;
	(pc) =	sbr.ind lr, $3  }
0x3a: {  	_ = 	snop  }
0x3b: {  	_ = 	snop  }
0x3c: {  	p2 =	seq.s32 s10, $0x1;
	s10 =	sld [smem:$0x3FB7]  }
0x3d: {  	_ =	shalt  }
0x3e: {  	_ =	shalt  }
0x3f: {  	_ =	shalt  }
0x40: {  	_ =	shalt  }
0x41: {  	_ =	shalt  }
0x42: {  	_ =	shalt  }
0x43: {  	_ =	shalt  }
0x44: {  	_ =	shalt  }
0x45: {  	_ =	shalt  }
0x46: {  	_ =	shalt  }
0x47: {  	_ =	shalt  }
0x48: {  	_ =	shalt  }
0x49: {  	_ =	shalt  }
0x4a: {  	_ =	shalt  }
0x4b: {  	_ =	shalt  }
0x4c: {  	_ =	shalt  }
0x4d: {  	_ =	shalt  }
0x4e: {  	_ =	shalt  }
0x4f: {  	_ =	shalt  }
0x50: {  	_ =	shalt  }
0x51: {  	_ =	shalt  }
0x52: {  	_ =	shalt  }
0x53: {  	_ =	shalt  }
0x54: {  	_ =	shalt  }
0x55: {  	_ =	shalt  }
0x56: {  	_ =	shalt  }
0x57: {  	_ =	shalt  }
0x58: {  	_ =	shalt  }
0x59: {  	_ =	shalt  }
0x5a: {  	_ =	shalt  }
0x5b: {  	_ =	shalt  }
0x5c: {  	_ =	shalt  }
0x5d: {  	_ =	shalt  }
0x5e: {  	_ =	shalt  }
0x5f: {  	_ =	shalt  }
0x60: {  	_ =	shalt  }
0x61: {  	_ =	shalt  }
0x62: {  	_ =	shalt  }
0x63: {  	_ =	shalt  }
0x64: {  	_ =	shalt  }
0x65: {  	_ =	shalt  }
0x66: {  	_ =	shalt  }
0x67: {  	_ =	shalt  }
0x68: {  	_ =	shalt  }
0x69: {  	_ =	shalt  }
0x6a: {  	_ =	shalt  }
0x6b: {  	_ =	shalt  }
0x6c: {  	_ =	shalt  }
0x6d: {  	_ =	shalt  }
0x6e: {  	_ =	shalt  }
0x6f: {  	_ =	shalt  }
0x70: {  	_ =	shalt  }
0x71: {  	_ =	shalt  }
0x72: {  	_ =	shalt  }
0x73: {  	_ =	shalt  }
0x74: {  	_ =	shalt  }
0x75: {  	_ =	shalt  }
0x76: {  	_ =	shalt  }
0x77: {  	_ =	shalt  }
0x78: {  	_ =	shalt  }
0x79: {  	_ =	shalt  }
0x7a: {  	_ =	shalt  }
0x7b: {  	_ =	shalt  }
0x7c: {  	_ =	shalt  }
0x7d: {  	_ =	shalt  }
0x7e: {  	_ =	shalt  }
0x7f: {  	_ =	shalt  }
0x80: {  	_ =	shalt  }
0x81: {  	_ =	shalt  }
0x82: {  	_ =	shalt  }
0x83: {  	_ =	shalt  }
0x84: {  	_ =	shalt  }
0x85: {  	_ =	shalt  }
0x86: {  	_ =	shalt  }
0x87: {  	_ =	shalt  }
.Lfunc_end0:
.L_simem_size_0:
called_computation_lowered:
.L_overlay_start_0:
0x88: {  	s2 =	sld [smem:$0x3FD9]  }
0x89: {  	s3 =	sld [smem:$0x3FFE];
	_ =	sdelay $0x1  }
0x8a: {  	s1 =	srdreg.scid  }
0x8b: {  	s0 =	sand.u32 $0x1, s1  }
0x8c: {  	s17 =	sshll.u32 s0, $0xA;
	s2 =	sadd.s32 s3, s2  }
0x8d: {  	s2 =	sadd.s32 s2, s17  }
0x8e: {  	[smem:$0x3FC3] =	sst s2  }
0x8f: {  	_ = 	snop  }
0x90: {  	s18 =	sld [smem:$0x3FC7];
	(tm) =	ssettm $0x1  }
0x91: {  	s19 =	sld [smem:$0x3FFB];
	_ =	sdelay $0x3  }
0x92: {  	_ =	strace s19  }
0x93: {  	s2 =	sld [smem:$0x3FFC];
	_ =	sdelay $0x3  }
0x94: {  	_ =	strace s2  }
0x95: {  	s2 =	sld [smem:$0x3FFD];
	_ =	sdelay $0x3  }
0x96: {  	_ =	strace s2  }
0x97: {  	_ =	strace $0x8FFFFFFF  }
0x98: {  	s20 =	sld [smem:$0x3FDB];
	_ =	sdelay $0x1  }
0x99: {  	s4 =	simm.s32 $_scs_section_size  }
0x9a: {  	s5 =	simm.s32 $_size__tile_overlayer_lowered;
	s6 =	simm.s32 $_tile_overlayer_lowered  }
0x9b: {  	s7 =	simm.s32 $0x1BFF;
	s21 =	sshll.u32 s6, $0x1;
	s4 =	sadd.s32 s4, s20  }
0x9c: {  	s22 =	simm.s32 $0x0;
	s5 =	sshll.u32 s5, $0x1;
	s6 =	sadd.s32 s21, s4  }
0x9d: {  	[timem:s22], [sflag:s7] =	dma.local [hbm:s6], s5  }
0x9e: {  	_ =	swait.ge [sflag:s7], s5  }
0x9f: {  	s5 =	ssub.s32 $0x0, s5;
	[sflag:s7] =	ssyncset.done $0x0  }
0xa0: {  	[sflag:s7] =	ssyncadd.s32 s5;
	_ =	sdelay $0x1  }
0xa1: {  	s23 =	simm.s32 $0x1B8B  }
0xa2: {  	_ =	swait.ge [sflag:s23], $0x1  }
0xa3: {  	[sflag:s23] =	ssyncset.done $0x0  }
0xa4: {  	[sflag:s23] =	ssyncadd.s32 $0xFFFFFFFF  }
0xa5: {  	s5 =	sld [smem:$0x0]  }
0xa6: {  	s6 =	sand.u32 $0xFFFFFFFE, s1  }
0xa7: {  	p0 =	sne.s32 s1, s6  }
0xa8: {  	s6 =	sshll.u32 @p0 s6, $0xE  }
0xa9: {  	s6 =	sadd.s32 @p0 $0x11B8D, s6;
	s7 =	sshll.u32 @p0 s5, $0x11  }
0xaa: {  	s6 =	sor.u32 @p0 s7, s6  }
0xab: {  	[sflag:s6] =	ssyncadd.remote.s32 @p0 $0x1;
	_ =	sdelay $0x1  }
0xac: {  	s6 =	simm.s32 @p0 $0x1B8D  }
0xad: {  	_ =	swait.eq @p0 [sflag:s6], $0x1  }
0xae: {  	[sflag:s6] =	ssyncadd.s32 @p0 $0xFFFFFFFF  }
0xaf: {  	s7 =	sshll.u32 @!p0 s1, $0xE  }
0xb0: {  	s7 =	sor.u32 @!p0 $0x4000, s7;
	s6 =	simm.s32 @!p0 $0x1B8D  }
0xb1: {  	s5 =	sshll.u32 @!p0 s5, $0x11;
	s7 =	sadd.s32 @!p0 $0x11B8D, s7;
	_ =	swait.eq @!p0 [sflag:s6], $0x1  }
0xb2: {  	s5 =	sor.u32 @!p0 s5, s7;
	[sflag:s6] =	ssyncadd.s32 @!p0 $0xFFFFFFFF  }
0xb3: {  	s25 =	simm.s32 $0x1B8E;
	s24 =	sld [smem:$0x3FFE];
	[sflag:s5] =	ssyncadd.remote.s32 @!p0 $0x1  }
0xb4: {  	s26 =	simm.s32 $execute0_lowered;
	[smem:$0x3FD2] =	sst s25  }
0xb5: {  	s6 =	sshll.u32 s26, $0x1;
	_ =	strace $0x8000004C;
	[dreg:$0x1] =	wrdreg $0xFFFFFFFF  }
0xb6: {  	s28 =	simm.s32 $_size_execute0_lowered;
	s4 =	sadd.s32 s4, s6;
	[dreg:$0x0] =	wrdreg $0x0  }
0xb7: {  	s6 =	sshll.u32 s28, $0x1;
	[dreg:$0x2] =	wrdreg s4  }
0xb8: {  	[dreg:$0x3] =	wrdreg s6  }
0xb9: {  	[dreg:$0x4] =	wrdreg $0xC0  }
0xba: {  	_ =	task [dreg:s22], $0x5FFFF  }
0xbb: {  	[dreg:$0x1] =	wrdreg $0xFFFFFFFF  }
0xbc: {  	[dreg:$0x0] =	wrdreg $0x60  }
0xbd: {  	[dreg:$0x2] =	wrdreg s24  }
0xbe: {  	[dreg:$0x3] =	wrdreg s18  }
0xbf: {  	[dreg:$0x4] =	wrdreg $0x9  }
0xc0: {  	_ =	task.clear_ibuf [dreg:s22], $0x5FFFF;
	_ =	strace $0x9000004C  }
0xc1: {  	s29 =	simm.s32 $0x9;
	_ =	strace $0x8000004E  }
0xc2: {  	_ =	swait.ge [sflag:s29], $0x1  }
0xc3: {  	[sflag:s29] =	ssyncadd.s32 $0xFFFFFFFF  }
0xc4: {  	_ =	strace $0x9000004E  }
0xc5: {  	_ =	sfence  }
0xc6: {  	s30 =	sld [smem:$0x0];
	_ =	sdelay $0x2  }
0xc7: {  	s31 =	sshll.u32 s1, $0xD;
	s1 =	sshrl.u32 s1, $0x2  }
0xc8: {  	s4 =	sand.u32 $0x4000, s31;
	s1 =	sadd.s32 s1, s30  }
0xc9: {  	s0 =	sor.u32 s4, s0;
	s1 =	sshll.u32 s1, $0x11  }
0xca: {  	s0 =	sor.u32 s1, s0  }
0xcb: {  	s0 =	sadd.s32 $0x8F2B, s0  }
0xcc: {  	[sflag:s0] =	ssyncadd.remote.s32 $0x1  }
0xcd: {  	_ =	sfence.sel $0xFFFF  }
0xce: {  	[dreg:$0x0] =	wrdreg $0xFFFFFFFF;
	(pc) =	sbr.abs _section_cstart, $3  }
0xcf: {  	[dreg:$0x1] =	wrdreg $0xFFFFFFFF  }
0xd0: {  	_ =	task.clear_ibuf [dreg:s22], $0x2FFFF;
	_ =	strace $0x9FFFFFFF  }
0xd1: {  	(tm) =	ssettm $0x7FFFFFFF  }
tec
execute0_lowered:
.L_overlay_start_1:
0x0: {  	(tag) =	ssettag $0x1  }
0x1: {  	v0 =	vimm.s32 $0xC3824100  }
0x2: {  	v0 =	vunpack.c.0.s8.s32 v0;
	_ =	sdelay $0x1  }
0x3: {  	s6 =	rddreg [dreg:$0x0];
	vm0 =	vcmask $0xF00;
	s1 =	srdreg.scid;
	v0 =	vand.u32 $0xFF, v0  }
0x4: {  	s0 =	stileid.u32;
	vm5 =	vcmask $0x1310;
	s2 =	rddreg [dreg:$0x1];
	v0 =	vnsel vm0, $0x3C7, v0  }
0x5: {  	vm6 =	vcmask $0x1714;
	s3 =	simm.s32 $0x0;
	s13 =	simm.s32 $0x400;
	s14 =	simm.s32 $0x810;
	v0 =	vsel vm5, $0x104, v0  }
0x6: {  	vm7 =	vcmask $0x1B18;
	s15 =	simm.s32 $0x1;
	s16 =	simm.s32 $0x820;
	s17 =	simm.s32 $0x2;
	v0 =	vsel vm6, $0x145, v0  }
0x7: {  	vm8 =	vcmask $0x1F1C;
	s18 =	simm.s32 $0x3;
	s5 =	sand.u32 $0x1, s1;
	s1 =	rddreg [dreg:$0x2];
	v0 =	vsel vm7, $0x186, v0  }
0x8: {  	vm9 =	vcmask $0x2320;
	s19 =	simm.s32 $0x0;
	s4 =	sshll.u32 s0, $0x1;
	[smem:$0x7FF] =	sst s3;
	v0 =	vsel vm8, $0x1C7, v0  }
0x9: {  	vm10 =	vcmask $0x2724;
	s4 =	sor.u32 s5, s4;
	s8 =	ssub.s32 $0x2, s5;
	_ =	strace $0x8000004D;
	v0 =	vsel vm9, $0x200, v0  }
0xa: {  	vm11 =	vcmask $0x2B28;
	s5 =	sadd.s32 $0x16E6A00, s6;
	s7 =	smul.u32 $0x3E80, s4;
	s9 =	sshrl.u32 s8, $0x1;
	v1 =	vsel vm10, $0x241, v0  }
.Ltmp0:
0xb: {  	vm12 =	vcmask $0x2F2C;
	vm13 =	vcmask $0x3330;
	s28 =	sshll.u32 s4, $0x7;
	s30 =	sor.u32 $0x20, s4;
	v2 =	vsel vm11, $0x282, v1;
	(pc) =	sbr.rel .LBB2_1-.Ltmp0, $4  }
0xc: {  	vm14 =	vcmask $0x3734;
	vm15 =	vcmask $0x3B38;
	s29 =	sshll.u32 s4, $0x1;
	s11 =	ssub.s32 s8, s9;
	s31 =	sshll.u32 s30, $0x7;
	v3 =	vsel vm12, $0x2C3, v2  }
0xd: {  	s12 =	sshll.u32 s30, $0x1;
	s10 =	sadd.s32 s7, s6;
	s6 =	sadd.s32 s5, s28;
	v0 =	vimm.f32 $0.0e+00;
	v1 =	vlaneseq.u32;
	v4 =	vsel vm13, $0x304, v3  }
0xe: {  	s7 =	sadd.s32 s2, s29;
	s8 =	sadd.s32 s5, s31;
	s9 =	sadd.s32 s2, s12;
	v2 =	vmul.u32 $0x41, v1;
	v5 =	vand.u32 $0x7, v1;
	v4 =	vsel vm14, $0x345, v4  }
0xf: {  	s11 =	smax.u32 s11, $0x1;
	s12 =	simm.s32 $0x800;
	s10 =	sadd.s32 $0x43400, s10;
	v6 =	vor.u32 $0x3F8, v1;
	v3 =	vmul.u32 $0x40, v1;
	v4 =	vsel vm15, $0x386, v4  }
.LBB2_15:
0x10: {  	s19 =	sadd.s32 $0x1, s19  }
0x11: {  	p0 =	sne.s32 s19, s11  }
.Ltmp1:
0x12: {  	_ = 	snop;
	(pc) =	sbr.rel @!p0 .LBB2_16-.Ltmp1, $4  }
0x13: {  	[hbm4b:s10+s3] =	stream.linear.scatter [tilespmem:s16], [sflag:$0x3], $0x1F400, $0x38;
	[tilespmem:$0x1FC20] =	vst v63  }
0x14: {  	_ =	swait.ge [sflag:s18], $0x1F400  }
0x15: {  	[sflag:s18] =	ssyncset.done $0x0  }
0x16: {  	[sflag:s18] =	ssyncadd.s32 $0xFFFE0C00  }
.LBB2_1:
0x17: {  	s21 =	simm.s32 $0x100;
	s20 =	simm.s32 $0x0  }
.LBB2_2:
0x18: {  	p0 =	sne.s32 s21, $0x7CF00;
	[tilespmem:s20+$0x850] =	vst v0;
	s22 =	smov.u32 s21;
	s21 =	sadd.s32 $0x100, s21  }
.Ltmp2:
0x19: {  	[tilespmem:s20+$0x840] =	vst v0;
	(pc) =	sbr.rel @p0 .LBB2_2-.Ltmp2, $3  }
0x1a: {  	[tilespmem:s20+$0x820] =	vst v0  }
0x1b: {  	[tilespmem:s20+$0x830] =	vst v0;
	_ =	sdelay $0x1  }
0x1c: {  	s20 =	sshra.s32 s22, $0x2  }
0x1d: {  	[tilespmem:s20+$0x850] =	vst v0  }
0x1e: {  	[tilespmem:s20+$0x840] =	vst v0  }
0x1f: {  	[tilespmem:s20+$0x820] =	vst v0  }
0x20: {  	[tilespmem:s20+$0x830] =	vst v0;
	s20 =	simm.s32 $0x0  }
0x21: {  	[tilespmem:s20], [sflag:$0x1] =	stream.linear.gather [hbm4b:s6+s20], $0x400, $0x38;
	[tilespmem:$0x1FC20] =	vst v63  }
0x22: {  	_ = 	snop  }
0x23: {  	[tilespmem:s12], [sflag:$0x1] =	stream.linear.gather [hbm4b:s7+s20], $0x10, $0x38;
	[tilespmem:$0x1FC20] =	vst v63  }
.Ltmp3:
0x24: {  	_ = 	snop;
	(pc) =	sbr.rel .LBB2_4-.Ltmp3, $4  }
0x25: {  	_ = 	snop  }
0x26: {  	[tilespmem:s13], [sflag:$0x2] =	stream.linear.gather [hbm4b:s8+s20], $0x400, $0x38;
	[tilespmem:$0x1FC20] =	vst v63  }
0x27: {  	_ = 	snop  }
0x28: {  	[tilespmem:s14], [sflag:$0x2] =	stream.linear.gather [hbm4b:s9+s20], $0x10, $0x38;
	[tilespmem:$0x1FC20] =	vst v63  }
.LBB2_14:
0x29: {  	s20 =	sadd.s32 $0x1, s20  }
0x2a: {  	p0 =	sne.s32 s20, $0x3D1  }
.Ltmp4:
0x2b: {  	_ = 	snop;
	(pc) =	sbr.rel @!p0 .LBB2_15-.Ltmp4, $1  }
0x2c: {  	_ =	sdelay $0x3  }
.LBB2_4:
0x2d: {  	_ =	swait.ge [sflag:s15], $0x400;
	s21 =	simm.s32 $0x0;
	s22 =	simm.s32 $0x1  }
0x2e: {  	[sflag:s15] =	ssyncset.done $0x0;
	v7 =	vor.u32 s21, v2;
	v8 =	vadd.s32 s22, v1  }
0x2f: {  	s25 =	simm.s32 $0x2;
	[sflag:s15] =	ssyncadd.s32 $0xFFFFFC00;
	v8 =	vand.u32 $0x3F, v8  }
0x30: {  	v9 =	vadd.s32 s25, v1;
	_ =	swait.ge [sflag:s15], $0x10;
	v8 =	vor.u32 v3, v8  }
0x31: {  	s26 =	simm.s32 $0x3;
	v9 =	vand.u32 $0x3F, v9;
	[sflag:s15] =	ssyncset.done $0x0  }
0x32: {  	v10 =	vadd.s32 s26, v1;
	v9 =	vor.u32 v3, v9;
	[sflag:s15] =	ssyncadd.s32 $0xFFFFFFF0  }
0x33: {  	s28 =	simm.s32 $0x4;
	v10 =	vand.u32 $0x3F, v10;
	v7 =	vld.idx.msk [tilespmem:v7+s3+$0x0], $0xffff  }
0x34: {  	v11 =	vadd.s32 s28, v1;
	v10 =	vor.u32 v3, v10  }
0x35: {  	s29 =	simm.s32 $0x5;
	v11 =	vand.u32 $0x3F, v11;
	v8 =	vld.idx.msk [tilespmem:v8+s3+$0x0], $0xffff  }
0x36: {  	s30 =	simm.s32 $0x6;
	v12 =	vadd.s32 s29, v1;
	v11 =	vor.u32 v3, v11  }
0x37: {  	v13 =	vadd.s32 s30, v1;
	v12 =	vand.u32 $0x3F, v12;
	v9 =	vld.idx.msk [tilespmem:v9+s3+$0x0], $0xffff  }
0x38: {  	s31 =	simm.s32 $0x7;
	v13 =	vand.u32 $0x3F, v13;
	v12 =	vor.u32 v3, v12;
	v7 =	vmul.f32 v7, v7  }
0x39: {  	v14 =	vimm.f32 $0.0e+00;
	v15 =	vadd.s32 s31, v1;
	v13 =	vor.u32 v3, v13;
	v10 =	vld.idx.msk [tilespmem:v10+s3+$0x0], $0xffff  }
0x3a: {  	s22 =	simm.s32 $0x8;
	v7 =	vadd.f32 v7, v14;
	v8 =	vmul.f32 v8, v8;
	v14 =	vand.u32 $0x3F, v15  }
0x3b: {  	v11 =	vld.idx.msk [tilespmem:v11+s3+$0x0], $0xffff;
	v15 =	vadd.s32 s22, v1;
	v14 =	vor.u32 v3, v14  }
0x3c: {  	s23 =	simm.s32 $0x9;
	v7 =	vadd.f32 v8, v7;
	v8 =	vmul.f32 v9, v9;
	v9 =	vand.u32 $0x38, v15  }
0x3d: {  	v12 =	vld.idx.msk [tilespmem:v12+s3+$0x0], $0xffff;
	v15 =	vadd.s32 s23, v1;
	v9 =	vor.u32 v4, v9  }
0x3e: {  	s24 =	simm.s32 $0xA;
	v7 =	vadd.f32 v8, v7;
	v8 =	vmul.f32 v10, v10;
	v10 =	vand.u32 $0x3F, v15  }
0x3f: {  	v13 =	vld.idx.msk [tilespmem:v13+s3+$0x0], $0xffff;
	v15 =	vadd.s32 s24, v1;
	v10 =	vor.u32 v3, v10  }
0x40: {  	s25 =	simm.s32 $0xB;
	v7 =	vadd.f32 v8, v7;
	v8 =	vmul.f32 v11, v11;
	v11 =	vand.u32 $0x3F, v15  }
0x41: {  	v14 =	vld.idx.msk [tilespmem:v14+s3+$0x0], $0xffff;
	v15 =	vadd.s32 s25, v1;
	v11 =	vor.u32 v3, v11  }
0x42: {  	s26 =	simm.s32 $0xC;
	v7 =	vadd.f32 v8, v7;
	v8 =	vmul.f32 v12, v12;
	v12 =	vand.u32 $0x3F, v15  }
0x43: {  	v9 =	vld.idx.msk [tilespmem:v9+s3+$0x0], $0xffff;
	v15 =	vadd.s32 s26, v1;
	v12 =	vor.u32 v3, v12  }
0x44: {  	s28 =	simm.s32 $0xD;
	v7 =	vadd.f32 v8, v7;
	v8 =	vmul.f32 v13, v13;
	v13 =	vand.u32 $0x3F, v15  }
0x45: {  	v10 =	vld.idx.msk [tilespmem:v10+s3+$0x0], $0xffff;
	v15 =	vadd.s32 s28, v1;
	v13 =	vor.u32 v3, v13  }
0x46: {  	s29 =	simm.s32 $0xE;
	v7 =	vadd.f32 v8, v7;
	v8 =	vmul.f32 v14, v14;
	v14 =	vand.u32 $0x3F, v15  }
0x47: {  	v15 =	vld.idx.msk [tilespmem:v11+s3+$0x0], $0xffff;
	v11 =	vadd.s32 s29, v1;
	v16 =	vor.u32 v3, v14  }
0x48: {  	s30 =	simm.s32 $0xF;
	v9 =	vmul.f32 v9, v9;
	v11 =	vand.u32 $0x3F, v11;
	v14 =	vadd.f32 v8, v7  }
0x49: {  	v17 =	vadd.s32 s30, v1;
	v8 =	vld.idx.msk [tilespmem:v12+s3+$0x0], $0xffff;
	v12 =	vor.u32 v3, v11  }
0x4a: {  	s31 =	sshll.u32 s20, $0x6;
	v7 =	vld [tilespmem:$0x800];
	v11 =	vand.u32 $0x3F, v17;
	v10 =	vmul.f32 v10, v10;
	v14 =	vadd.f32 v9, v14  }
0x4b: {  	s21 =	sor.u32 s4, s31;
	s22 =	simm.s32 $0x1F;
	v11 =	vor.u32 v3, v11;
	v9 =	vld.idx.msk [tilespmem:v13+s3+$0x0], $0xffff  }
0x4c: {  	s23 =	simm.s32 $0x2F;
	s24 =	simm.s32 $0x10;
	s25 =	simm.s32 $0x11;
	v13 =	vadd.f32 v10, v14;
	v14 =	vmul.f32 v15, v15;
	v10 =	vld.idx.msk [tilespmem:v16+s3+$0x0], $0xffff  }
.LBB2_5:
0x4d: {  	p0 =	sne.s32 s23, $0x3F;
	v15 =	vor.u32 s24, v2;
	v16 =	vadd.s32 s25, v1  }
0x4e: {  	s24 =	sadd.s32 $0xFFFFFFF3, s22;
	v8 =	vmul.f32 v8, v8;
	v16 =	vand.u32 $0x3F, v16;
	v13 =	vadd.f32 v14, v13;
	v12 =	vld.idx.msk [tilespmem:v12+s3+$0x0], $0xffff  }
0x4f: {  	v14 =	vor.u32 v3, v16;
	v16 =	vadd.s32 s24, v1  }
0x50: {  	s24 =	sadd.s32 $0xFFFFFFF4, s22;
	v9 =	vmul.f32 v9, v9;
	v16 =	vand.u32 $0x3F, v16;
	v8 =	vadd.f32 v8, v13;
	v11 =	vld.idx.msk [tilespmem:v11+s3+$0x0], $0xffff  }
0x51: {  	v13 =	vor.u32 v3, v16;
	v16 =	vadd.s32 s24, v1  }
0x52: {  	s24 =	sadd.s32 $0xFFFFFFF5, s22;
	v15 =	vld.idx.msk [tilespmem:v15+s3+$0x0], $0xffff;
	v16 =	vand.u32 $0x3F, v16;
	v8 =	vadd.f32 v9, v8;
	v9 =	vmul.f32 v10, v10  }
0x53: {  	v10 =	vor.u32 v3, v16;
	v16 =	vadd.s32 s24, v1  }
0x54: {  	s24 =	sadd.s32 $0xFFFFFFF6, s22;
	v14 =	vld.idx.msk [tilespmem:v14+s3+$0x0], $0xffff;
	v16 =	vand.u32 $0x3F, v16;
	v8 =	vadd.f32 v9, v8;
	v9 =	vmul.f32 v12, v12  }
0x55: {  	v12 =	vor.u32 v3, v16;
	v16 =	vadd.s32 s24, v1  }
0x56: {  	s24 =	sadd.s32 $0xFFFFFFF7, s22;
	v13 =	vld.idx.msk [tilespmem:v13+s3+$0x0], $0xffff;
	v16 =	vand.u32 $0x3F, v16;
	v8 =	vadd.f32 v9, v8;
	v9 =	vmul.f32 v11, v11  }
0x57: {  	v11 =	vor.u32 v3, v16;
	v16 =	vadd.s32 s24, v1  }
0x58: {  	v15 =	vmul.f32 v15, v15;
	s24 =	sadd.s32 $0xFFFFFFF8, s22;
	v10 =	vld.idx.msk [tilespmem:v10+s3+$0x0], $0xffff;
	v16 =	vand.u32 $0x3F, v16;
	v8 =	vadd.f32 v9, v8  }
0x59: {  	v9 =	vor.u32 v3, v16;
	v16 =	vadd.s32 s24, v1  }
0x5a: {  	v14 =	vmul.f32 v14, v14;
	s24 =	sadd.s32 $0xFFFFFFF9, s22;
	v8 =	vadd.f32 v15, v8;
	v12 =	vld.idx.msk [tilespmem:v12+s3+$0x0], $0xffff;
	v15 =	vand.u32 $0x3F, v16  }
0x5b: {  	v16 =	vadd.s32 s24, v1;
	v15 =	vor.u32 v3, v15  }
0x5c: {  	s24 =	sadd.s32 $0xFFFFFFFA, s22;
	v13 =	vmul.f32 v13, v13;
	v8 =	vadd.f32 v14, v8;
	v11 =	vld.idx.msk [tilespmem:v11+s3+$0x0], $0xffff;
	v14 =	vand.u32 $0x38, v16  }
0x5d: {  	v16 =	vadd.s32 s24, v1;
	v14 =	vor.u32 v4, v14  }
0x5e: {  	s24 =	sadd.s32 $0xFFFFFFFB, s22;
	v10 =	vmul.f32 v10, v10;
	v8 =	vadd.f32 v13, v8;
	v9 =	vld.idx.msk [tilespmem:v9+s3+$0x0], $0xffff;
	v13 =	vand.u32 $0x3F, v16  }
0x5f: {  	v16 =	vadd.s32 s24, v1;
	v13 =	vor.u32 v3, v13  }
0x60: {  	s24 =	sadd.s32 $0xFFFFFFFC, s22;
	v8 =	vadd.f32 v10, v8;
	v10 =	vmul.f32 v12, v12;
	v12 =	vld.idx.msk [tilespmem:v15+s3+$0x0], $0xffff;
	v15 =	vand.u32 $0x3F, v16  }
0x61: {  	v16 =	vadd.s32 s24, v1;
	v15 =	vor.u32 v3, v15  }
0x62: {  	s24 =	sadd.s32 $0xFFFFFFFD, s22;
	v8 =	vadd.f32 v10, v8;
	v10 =	vmul.f32 v11, v11;
	v11 =	vld.idx.msk [tilespmem:v14+s3+$0x0], $0xffff;
	v14 =	vand.u32 $0x3F, v16  }
0x63: {  	v16 =	vadd.s32 s24, v1;
	v14 =	vor.u32 v3, v14  }
0x64: {  	s24 =	sadd.s32 $0xFFFFFFFE, s22;
	v9 =	vmul.f32 v9, v9;
	v8 =	vadd.f32 v10, v8;
	v10 =	vld.idx.msk [tilespmem:v13+s3+$0x0], $0xffff;
	v13 =	vand.u32 $0x3F, v16  }
0x65: {  	v16 =	vadd.s32 s24, v1;
	v13 =	vor.u32 v3, v13  }
0x66: {  	s24 =	sadd.s32 $0xFFFFFFFF, s22;
	v8 =	vadd.f32 v9, v8;
	v9 =	vmul.f32 v12, v12;
	v15 =	vld.idx.msk [tilespmem:v15+s3+$0x0], $0xffff;
	v12 =	vand.u32 $0x3F, v16  }
0x67: {  	v16 =	vor.u32 v3, v12;
	v12 =	vadd.s32 s24, v1  }
.Ltmp5:
0x68: {  	v11 =	vmul.f32 v11, v11;
	v9 =	vadd.f32 v9, v8;
	v8 =	vld.idx.msk [tilespmem:v14+s3+$0x0], $0xffff;
	v12 =	vand.u32 $0x3F, v12;
	(pc) =	sbr.rel @p0 .LBB2_5-.Ltmp5, $4  }
0x69: {  	v14 =	vadd.s32 s22, v1;
	s22 =	smov.u32 s23;
	v12 =	vor.u32 v3, v12  }
0x6a: {  	v10 =	vmul.f32 v10, v10;
	v17 =	vadd.f32 v11, v9;
	v9 =	vld.idx.msk [tilespmem:v13+s3+$0x0], $0xffff;
	v11 =	vand.u32 $0x3F, v14  }
0x6b: {  	v11 =	vor.u32 v3, v11  }
0x6c: {  	s23 =	sadd.s32 $0x10, s23;
	s24 =	sadd.s32 $0xFFFFFFF1, s22;
	s25 =	sadd.s32 $0xFFFFFFF2, s22;
	v14 =	vmul.f32 v15, v15;
	v13 =	vadd.f32 v10, v17;
	v10 =	vld.idx.msk [tilespmem:v16+s3+$0x0], $0xffff  }
0x6d: {  	_ =	sdelay $0x1  }
0x6e: {  	v15 =	vor.u32 s24, v2  }
0x6f: {  	v16 =	vadd.s32 s25, v1;
	s23 =	sadd.s32 $0xFFFFFFF3, s22;
	v8 =	vmul.f32 v8, v8;
	v13 =	vadd.f32 v14, v13  }
0x70: {  	v12 =	vld.idx.msk [tilespmem:v12+s3+$0x0], $0xffff;
	v16 =	vand.u32 $0x3F, v16;
	v50 =	vadd.s32 s23, v1  }
0x71: {  	s25 =	sadd.s32 $0xFFFFFFF4, s22;
	v14 =	vor.u32 v3, v16;
	v9 =	vmul.f32 v9, v9;
	v8 =	vadd.f32 v8, v13  }
0x72: {  	v11 =	vld.idx.msk [tilespmem:v11+s3+$0x0], $0xffff;
	v51 =	vadd.s32 s25, v1;
	v16 =	vand.u32 $0x3F, v50  }
0x73: {  	s26 =	sadd.s32 $0xFFFFFFF5, s22;
	v13 =	vor.u32 v3, v16;
	v8 =	vadd.f32 v9, v8;
	v9 =	vmul.f32 v10, v10  }
0x74: {  	v52 =	vadd.s32 s26, v1;
	v16 =	vand.u32 $0x3F, v51;
	v10 =	vld.idx.msk [tilespmem:v15+s3+$0x0], $0xffff  }
0x75: {  	s28 =	sadd.s32 $0xFFFFFFF6, s22;
	v15 =	vor.u32 v3, v16;
	v8 =	vadd.f32 v9, v8;
	v9 =	vmul.f32 v12, v12  }
0x76: {  	v53 =	vadd.s32 s28, v1;
	v16 =	vand.u32 $0x3F, v52;
	v12 =	vld.idx.msk [tilespmem:v14+s3+$0x0], $0xffff  }
0x77: {  	s29 =	sadd.s32 $0xFFFFFFF7, s22;
	v14 =	vor.u32 v3, v16;
	v8 =	vadd.f32 v9, v8;
	v9 =	vmul.f32 v11, v11  }
0x78: {  	v54 =	vadd.s32 s29, v1;
	v16 =	vand.u32 $0x3F, v53;
	v11 =	vld.idx.msk [tilespmem:v13+s3+$0x0], $0xffff  }
0x79: {  	s30 =	sadd.s32 $0xFFFFFFF8, s22;
	v13 =	vor.u32 v3, v16;
	v10 =	vmul.f32 v10, v10;
	v8 =	vadd.f32 v9, v8  }
0x7a: {  	v55 =	vadd.s32 s30, v1;
	v16 =	vand.u32 $0x3F, v54;
	v9 =	vld.idx.msk [tilespmem:v15+s3+$0x0], $0xffff  }
0x7b: {  	s31 =	sadd.s32 $0xFFFFFFF9, s22;
	v15 =	vor.u32 v3, v16;
	v8 =	vadd.f32 v10, v8;
	v10 =	vmul.f32 v12, v12  }
0x7c: {  	v56 =	vadd.s32 s31, v1;
	v14 =	vld.idx.msk [tilespmem:v14+s3+$0x0], $0xffff;
	v12 =	vand.u32 $0x3F, v55  }
0x7d: {  	s24 =	sadd.s32 $0xFFFFFFFA, s22;
	v12 =	vor.u32 v3, v12;
	v8 =	vadd.f32 v10, v8;
	v10 =	vmul.f32 v11, v11  }
0x7e: {  	v57 =	vadd.s32 s24, v1;
	v13 =	vld.idx.msk [tilespmem:v13+s3+$0x0], $0xffff;
	v11 =	vand.u32 $0x38, v56  }
0x7f: {  	s25 =	sadd.s32 $0xFFFFFFFB, s22;
	v11 =	vor.u32 v4, v11;
	v9 =	vmul.f32 v9, v9;
	v8 =	vadd.f32 v10, v8  }
0x80: {  	v58 =	vadd.s32 s25, v1;
	v15 =	vld.idx.msk [tilespmem:v15+s3+$0x0], $0xffff;
	v10 =	vand.u32 $0x3F, v57  }
0x81: {  	s26 =	sadd.s32 $0xFFFFFFFC, s22;
	v10 =	vor.u32 v3, v10;
	v8 =	vadd.f32 v9, v8;
	v9 =	vmul.f32 v14, v14  }
0x82: {  	v59 =	vadd.s32 s26, v1;
	v14 =	vand.u32 $0x3F, v58;
	v12 =	vld.idx.msk [tilespmem:v12+s3+$0x0], $0xffff  }
0x83: {  	s28 =	sadd.s32 $0xFFFFFFFD, s22;
	v14 =	vor.u32 v3, v14;
	v8 =	vadd.f32 v9, v8;
	v9 =	vmul.f32 v13, v13  }
0x84: {  	v60 =	vadd.s32 s28, v1;
	v13 =	vand.u32 $0x3F, v59;
	v11 =	vld.idx.msk [tilespmem:v11+s3+$0x0], $0xffff  }
0x85: {  	s29 =	sadd.s32 $0xFFFFFFFE, s22;
	v13 =	vor.u32 v3, v13;
	v8 =	vadd.f32 v9, v8;
	v9 =	vmul.f32 v15, v15  }
0x86: {  	v61 =	vadd.s32 s29, v1;
	v15 =	vand.u32 $0x3F, v60;
	v10 =	vld.idx.msk [tilespmem:v10+s3+$0x0], $0xffff  }
0x87: {  	s30 =	sadd.s32 $0xFFFFFFFF, s22;
	v15 =	vor.u32 v3, v15;
	v8 =	vadd.f32 v9, v8;
	v9 =	vmul.f32 v12, v12  }
0x88: {  	v62 =	vadd.s32 s30, v1;
	v12 =	vand.u32 $0x3F, v61;
	v14 =	vld.idx.msk [tilespmem:v14+s3+$0x0], $0xffff  }
0x89: {  	v12 =	vor.u32 v3, v12;
	v8 =	vadd.f32 v9, v8;
	v9 =	vmul.f32 v11, v11  }
0x8a: {  	v63 =	vadd.s32 s22, v1;
	v11 =	vand.u32 $0x3F, v62;
	v13 =	vld.idx.msk [tilespmem:v13+s3+$0x0], $0xffff  }
0x8b: {  	v11 =	vor.u32 v3, v11;
	v8 =	vadd.f32 v9, v8;
	v9 =	vmul.f32 v10, v10  }
0x8c: {  	v10 =	vld.idx.msk [tilespmem:v15+s3+$0x0], $0xffff;
	v15 =	vand.u32 $0x3F, v63  }
0x8d: {  	v15 =	vor.u32 v3, v15;
	v8 =	vadd.f32 v9, v8;
	v9 =	vmul.f32 v14, v14  }
0x8e: {  	v12 =	vld.idx.msk [tilespmem:v12+s3+$0x0], $0xffff  }
0x8f: {  	v8 =	vadd.f32 v9, v8;
	v9 =	vmul.f32 v13, v13  }
0x90: {  	v11 =	vld.idx.msk [tilespmem:v11+s3+$0x0], $0xffff  }
0x91: {  	v8 =	vadd.f32 v9, v8;
	v9 =	vmul.f32 v10, v10  }
0x92: {  	v10 =	vld.idx.msk [tilespmem:v15+s3+$0x0], $0xffff  }
0x93: {  	v8 =	vadd.f32 v9, v8;
	v9 =	vmul.f32 v12, v12;
	_ =	sdelay $0x1  }
0x94: {  	v8 =	vadd.f32 v9, v8;
	v9 =	vmul.f32 v11, v11;
	_ =	sdelay $0x1  }
0x95: {  	v8 =	vadd.f32 v9, v8;
	v9 =	vmul.f32 v10, v10;
	_ =	sdelay $0x1  }
0x96: {  	v8 =	vadd.f32 v9, v8;
	_ =	sdelay $0x1  }
0x97: {  	v9 =	vshra.s32 v8, $0x1;
	v8 =	vmul.f32 $5.000000000e-01, v8  }
0x98: {  	v9 =	vsub.s32 $0x5F3759DF, v9  }
0x99: {  	v10 =	vmul.f32 v9, v8;
	_ =	sdelay $0x1  }
0x9a: {  	v10 =	vmul.f32 v9, v10;
	_ =	sdelay $0x1  }
0x9b: {  	v10 =	vsub.f32 $1.500000000e+00, v10;
	_ =	sdelay $0x1  }
0x9c: {  	v9 =	vmul.f32 v9, v10;
	_ =	sdelay $0x1  }
0x9d: {  	v10 =	vmul.f32 v9, v8;
	_ =	sdelay $0x1  }
0x9e: {  	v10 =	vmul.f32 v10, v9;
	_ =	sdelay $0x1  }
0x9f: {  	v10 =	vsub.f32 $1.500000000e+00, v10;
	_ =	sdelay $0x1  }
0xa0: {  	v9 =	vmul.f32 v10, v9;
	_ =	sdelay $0x1  }
0xa1: {  	v10 =	vmul.f32 v9, v8;
	_ =	sdelay $0x1  }
0xa2: {  	v10 =	vmul.f32 v10, v9;
	_ =	sdelay $0x1  }
0xa3: {  	v10 =	vsub.f32 $1.500000000e+00, v10  }
0xa4: {  	s31 =	simm.s32 $0x0  }
0xa5: {  	v10 =	vmul.f32 v10, v9;
	v9 =	vor.u32 s31, v2  }
0xa6: {  	v9 =	vand.u32 v6, v9  }
0xa7: {  	v8 =	vmul.f32 v10, v8;
	_ =	sdelay $0x1  }
0xa8: {  	v8 =	vmul.f32 v8, v10;
	_ =	sdelay $0x1  }
0xa9: {  	v7 =	vshll.u32 v7, $0x6;
	s24 =	simm.s32 $0x1;
	v8 =	vsub.f32 $1.500000000e+00, v8;
	v11 =	vld.idx.msk [tilespmem:v9+s3+$0x0], $0xffff  }
0xaa: {  	v12 =	vadd.s32 s24, v1;
	v9 =	vor.u32 v1, v7  }
0xab: {  	v12 =	vand.u32 $0x3F, v12;
	v8 =	vmul.f32 v8, v10;
	v10 =	vor.u32 s31, v9  }
0xac: {  	v13 =	vor.u32 v3, v12  }
0xad: {  	v8 =	vmin.f32 v8, $9.999999950e+11  }
0xae: {  	v11 =	vmul.f32 v11, v8;
	_ =	sdelay $0x1  }
0xaf: {  	[tilespmem:v10+s16+$0x0] =	vst.idx.add.f32.msk $0xffff, v11  }
0xb0: {  	s25 =	simm.s32 $0x2;
	v10 =	vld.idx.msk [tilespmem:v13+s3+$0x0], $0xffff  }
0xb1: {  	v11 =	vadd.s32 s25, v1  }
0xb2: {  	v12 =	vor.u32 v7, v12;
	v11 =	vand.u32 $0x3F, v11  }
0xb3: {  	v13 =	vor.u32 v3, v11;
	_ =	sdelay $0x1  }
0xb4: {  	v10 =	vmul.f32 v10, v8;
	_ =	sdelay $0x1  }
0xb5: {  	[tilespmem:v12+s16+$0x0] =	vst.idx.add.f32.msk $0xffff, v10  }
0xb6: {  	s26 =	simm.s32 $0x3;
	v10 =	vld.idx.msk [tilespmem:v13+s3+$0x0], $0xffff  }
0xb7: {  	v12 =	vadd.s32 s26, v1  }
0xb8: {  	v11 =	vor.u32 v7, v11;
	v12 =	vand.u32 $0x3F, v12  }
0xb9: {  	v13 =	vor.u32 v3, v12;
	_ =	sdelay $0x1  }
0xba: {  	v10 =	vmul.f32 v10, v8;
	_ =	sdelay $0x1  }
0xbb: {  	[tilespmem:v11+s16+$0x0] =	vst.idx.add.f32.msk $0xffff, v10  }
0xbc: {  	s28 =	simm.s32 $0x4;
	v10 =	vld.idx.msk [tilespmem:v13+s3+$0x0], $0xffff  }
0xbd: {  	v11 =	vadd.s32 s28, v1  }
0xbe: {  	v12 =	vor.u32 v7, v12;
	v11 =	vand.u32 $0x3F, v11  }
0xbf: {  	v13 =	vor.u32 v3, v11;
	_ =	sdelay $0x1  }
0xc0: {  	v10 =	vmul.f32 v10, v8;
	_ =	sdelay $0x1  }
0xc1: {  	[tilespmem:v12+s16+$0x0] =	vst.idx.add.f32.msk $0xffff, v10  }
0xc2: {  	s29 =	simm.s32 $0x5;
	v10 =	vld.idx.msk [tilespmem:v13+s3+$0x0], $0xffff  }
0xc3: {  	v12 =	vadd.s32 s29, v1  }
0xc4: {  	v11 =	vor.u32 v7, v11;
	v12 =	vand.u32 $0x3F, v12  }
0xc5: {  	v13 =	vor.u32 v3, v12;
	_ =	sdelay $0x1  }
0xc6: {  	v10 =	vmul.f32 v10, v8;
	_ =	sdelay $0x1  }
0xc7: {  	[tilespmem:v11+s16+$0x0] =	vst.idx.add.f32.msk $0xffff, v10  }
0xc8: {  	s30 =	simm.s32 $0x6;
	v10 =	vld.idx.msk [tilespmem:v13+s3+$0x0], $0xffff  }
0xc9: {  	v11 =	vadd.s32 s30, v1  }
0xca: {  	v12 =	vor.u32 v7, v12;
	v11 =	vand.u32 $0x3F, v11  }
0xcb: {  	v13 =	vor.u32 v3, v11;
	_ =	sdelay $0x1  }
0xcc: {  	v10 =	vmul.f32 v10, v8;
	_ =	sdelay $0x1  }
0xcd: {  	[tilespmem:v12+s16+$0x0] =	vst.idx.add.f32.msk $0xffff, v10  }
0xce: {  	s31 =	simm.s32 $0x7;
	v10 =	vld.idx.msk [tilespmem:v13+s3+$0x0], $0xffff  }
0xcf: {  	v12 =	vadd.s32 s31, v1  }
0xd0: {  	v11 =	vor.u32 v7, v11;
	v12 =	vand.u32 $0x3F, v12  }
0xd1: {  	v13 =	vor.u32 v3, v12;
	_ =	sdelay $0x1  }
0xd2: {  	v10 =	vmul.f32 v10, v8;
	_ =	sdelay $0x1  }
0xd3: {  	[tilespmem:v11+s16+$0x0] =	vst.idx.add.f32.msk $0xffff, v10  }
0xd4: {  	s23 =	simm.s32 $0x8;
	v10 =	vld.idx.msk [tilespmem:v13+s3+$0x0], $0xffff  }
0xd5: {  	v11 =	vadd.s32 s23, v1  }
0xd6: {  	v12 =	vor.u32 v7, v12;
	v11 =	vand.u32 $0x38, v11  }
0xd7: {  	v13 =	vor.u32 v4, v11;
	_ =	sdelay $0x1  }
0xd8: {  	v10 =	vmul.f32 v10, v8;
	_ =	sdelay $0x1  }
0xd9: {  	[tilespmem:v12+s16+$0x0] =	vst.idx.add.f32.msk $0xffff, v10  }
0xda: {  	s24 =	simm.s32 $0x9;
	v12 =	vld.idx.msk [tilespmem:v13+s3+$0x0], $0xffff  }
0xdb: {  	v10 =	vor.u32 v5, v7;
	v13 =	vadd.s32 s24, v1  }
0xdc: {  	v11 =	vor.u32 v11, v10;
	v13 =	vand.u32 $0x3F, v13  }
0xdd: {  	v14 =	vor.u32 v3, v13;
	_ =	sdelay $0x1  }
0xde: {  	v12 =	vmul.f32 v12, v8;
	_ =	sdelay $0x1  }
0xdf: {  	[tilespmem:v11+s16+$0x0] =	vst.idx.add.f32.msk $0xffff, v12  }
0xe0: {  	s25 =	simm.s32 $0xA;
	v11 =	vld.idx.msk [tilespmem:v14+s3+$0x0], $0xffff  }
0xe1: {  	v12 =	vadd.s32 s25, v1  }
0xe2: {  	v13 =	vor.u32 v7, v13;
	v12 =	vand.u32 $0x3F, v12  }
0xe3: {  	v14 =	vor.u32 v3, v12;
	_ =	sdelay $0x1  }
0xe4: {  	v11 =	vmul.f32 v11, v8;
	_ =	sdelay $0x1  }
0xe5: {  	[tilespmem:v13+s16+$0x0] =	vst.idx.add.f32.msk $0xffff, v11  }
0xe6: {  	s26 =	simm.s32 $0xB;
	v11 =	vld.idx.msk [tilespmem:v14+s3+$0x0], $0xffff  }
0xe7: {  	v13 =	vadd.s32 s26, v1  }
0xe8: {  	v12 =	vor.u32 v7, v12;
	v13 =	vand.u32 $0x3F, v13  }
0xe9: {  	v14 =	vor.u32 v3, v13;
	_ =	sdelay $0x1  }
0xea: {  	v11 =	vmul.f32 v11, v8;
	_ =	sdelay $0x1  }
0xeb: {  	[tilespmem:v12+s16+$0x0] =	vst.idx.add.f32.msk $0xffff, v11  }
0xec: {  	s28 =	simm.s32 $0xC;
	v11 =	vld.idx.msk [tilespmem:v14+s3+$0x0], $0xffff  }
0xed: {  	v12 =	vadd.s32 s28, v1  }
0xee: {  	v13 =	vor.u32 v7, v13;
	v12 =	vand.u32 $0x3F, v12  }
0xef: {  	v14 =	vor.u32 v3, v12;
	_ =	sdelay $0x1  }
0xf0: {  	v11 =	vmul.f32 v11, v8;
	_ =	sdelay $0x1  }
0xf1: {  	[tilespmem:v13+s16+$0x0] =	vst.idx.add.f32.msk $0xffff, v11  }
0xf2: {  	s29 =	simm.s32 $0xD;
	v11 =	vld.idx.msk [tilespmem:v14+s3+$0x0], $0xffff  }
0xf3: {  	v13 =	vadd.s32 s29, v1  }
0xf4: {  	v12 =	vor.u32 v7, v12;
	v13 =	vand.u32 $0x3F, v13  }
0xf5: {  	v14 =	vor.u32 v3, v13;
	_ =	sdelay $0x1  }
0xf6: {  	v11 =	vmul.f32 v11, v8;
	_ =	sdelay $0x1  }
0xf7: {  	[tilespmem:v12+s16+$0x0] =	vst.idx.add.f32.msk $0xffff, v11  }
0xf8: {  	s30 =	simm.s32 $0xE;
	v11 =	vld.idx.msk [tilespmem:v14+s3+$0x0], $0xffff  }
0xf9: {  	v12 =	vadd.s32 s30, v1  }
0xfa: {  	v13 =	vor.u32 v7, v13;
	v12 =	vand.u32 $0x3F, v12  }
0xfb: {  	v14 =	vor.u32 v3, v12;
	_ =	sdelay $0x1  }
0xfc: {  	v11 =	vmul.f32 v11, v8;
	_ =	sdelay $0x1  }
0xfd: {  	[tilespmem:v13+s16+$0x0] =	vst.idx.add.f32.msk $0xffff, v11  }
0xfe: {  	s31 =	simm.s32 $0xF;
	v11 =	vld.idx.msk [tilespmem:v14+s3+$0x0], $0xffff  }
0xff: {  	v13 =	vadd.s32 s31, v1  }
0x100: {  	v12 =	vor.u32 v7, v12;
	v13 =	vand.u32 $0x3F, v13  }
0x101: {  	v14 =	vor.u32 v3, v13;
	_ =	sdelay $0x1  }
0x102: {  	v11 =	vmul.f32 v11, v8;
	_ =	sdelay $0x1  }
0x103: {  	[tilespmem:v12+s16+$0x0] =	vst.idx.add.f32.msk $0xffff, v11  }
0x104: {  	v14 =	vld.idx.msk [tilespmem:v14+s3+$0x0], $0xffff  }
0x105: {  	s25 =	simm.s32 $0x10  }
0x106: {  	v11 =	vor.u32 s25, v2;
	v12 =	vor.u32 v7, v13  }
0x107: {  	v11 =	vand.u32 v6, v11;
	_ =	sdelay $0x1  }
0x108: {  	s22 =	simm.s32 $0x1F;
	s23 =	simm.s32 $0x2F;
	v13 =	vmul.f32 v14, v8  }
.LBB2_7:
0x109: {  	_ = 	snop  }
0x10a: {  	p0 =	sne.s32 s23, $0x3F;
	s24 =	smov.u32 s23;
	s23 =	sadd.s32 $0x10, s23;
	[tilespmem:v12+s16+$0x0] =	vst.idx.add.f32.msk $0xffff, v13  }
0x10b: {  	v11 =	vld.idx.msk [tilespmem:v11+s3+$0x0], $0xffff  }
0x10c: {  	s26 =	sadd.s32 $0xFFFFFFF2, s22  }
0x10d: {  	v12 =	vadd.s32 s26, v1  }
0x10e: {  	v13 =	vor.u32 s25, v9;
	v12 =	vand.u32 $0x3F, v12  }
0x10f: {  	v14 =	vor.u32 v3, v12;
	_ =	sdelay $0x1  }
0x110: {  	v11 =	vmul.f32 v11, v8;
	_ =	sdelay $0x1  }
0x111: {  	[tilespmem:v13+s16+$0x0] =	vst.idx.add.f32.msk $0xffff, v11  }
0x112: {  	v11 =	vld.idx.msk [tilespmem:v14+s3+$0x0], $0xffff  }
0x113: {  	s25 =	sadd.s32 $0xFFFFFFF3, s22  }
0x114: {  	v13 =	vadd.s32 s25, v1  }
0x115: {  	v12 =	vor.u32 v7, v12;
	v13 =	vand.u32 $0x3F, v13  }
0x116: {  	v14 =	vor.u32 v3, v13;
	_ =	sdelay $0x1  }
0x117: {  	v11 =	vmul.f32 v11, v8;
	_ =	sdelay $0x1  }
0x118: {  	[tilespmem:v12+s16+$0x0] =	vst.idx.add.f32.msk $0xffff, v11  }
0x119: {  	v11 =	vld.idx.msk [tilespmem:v14+s3+$0x0], $0xffff  }
0x11a: {  	s25 =	sadd.s32 $0xFFFFFFF4, s22  }
0x11b: {  	v12 =	vadd.s32 s25, v1  }
0x11c: {  	v13 =	vor.u32 v7, v13;
	v12 =	vand.u32 $0x3F, v12  }
0x11d: {  	v14 =	vor.u32 v3, v12;
	_ =	sdelay $0x1  }
0x11e: {  	v11 =	vmul.f32 v11, v8;
	_ =	sdelay $0x1  }
0x11f: {  	[tilespmem:v13+s16+$0x0] =	vst.idx.add.f32.msk $0xffff, v11  }
0x120: {  	v11 =	vld.idx.msk [tilespmem:v14+s3+$0x0], $0xffff  }
0x121: {  	s25 =	sadd.s32 $0xFFFFFFF5, s22  }
0x122: {  	v13 =	vadd.s32 s25, v1  }
0x123: {  	v12 =	vor.u32 v7, v12;
	v13 =	vand.u32 $0x3F, v13  }
0x124: {  	v14 =	vor.u32 v3, v13;
	_ =	sdelay $0x1  }
0x125: {  	v11 =	vmul.f32 v11, v8;
	_ =	sdelay $0x1  }
0x126: {  	[tilespmem:v12+s16+$0x0] =	vst.idx.add.f32.msk $0xffff, v11  }
0x127: {  	v11 =	vld.idx.msk [tilespmem:v14+s3+$0x0], $0xffff  }
0x128: {  	s25 =	sadd.s32 $0xFFFFFFF6, s22  }
0x129: {  	v12 =	vadd.s32 s25, v1  }
0x12a: {  	v13 =	vor.u32 v7, v13;
	v12 =	vand.u32 $0x3F, v12  }
0x12b: {  	v14 =	vor.u32 v3, v12;
	_ =	sdelay $0x1  }
0x12c: {  	v11 =	vmul.f32 v11, v8;
	_ =	sdelay $0x1  }
0x12d: {  	[tilespmem:v13+s16+$0x0] =	vst.idx.add.f32.msk $0xffff, v11  }
0x12e: {  	v11 =	vld.idx.msk [tilespmem:v14+s3+$0x0], $0xffff  }
0x12f: {  	s25 =	sadd.s32 $0xFFFFFFF7, s22  }
0x130: {  	v13 =	vadd.s32 s25, v1  }
0x131: {  	v12 =	vor.u32 v7, v12;
	v13 =	vand.u32 $0x3F, v13  }
0x132: {  	v14 =	vor.u32 v3, v13;
	_ =	sdelay $0x1  }
0x133: {  	v11 =	vmul.f32 v11, v8;
	_ =	sdelay $0x1  }
0x134: {  	[tilespmem:v12+s16+$0x0] =	vst.idx.add.f32.msk $0xffff, v11  }
0x135: {  	v11 =	vld.idx.msk [tilespmem:v14+s3+$0x0], $0xffff  }
0x136: {  	s25 =	sadd.s32 $0xFFFFFFF8, s22  }
0x137: {  	v12 =	vadd.s32 s25, v1  }
0x138: {  	v13 =	vor.u32 v7, v13;
	v12 =	vand.u32 $0x3F, v12  }
0x139: {  	v14 =	vor.u32 v3, v12;
	_ =	sdelay $0x1  }
0x13a: {  	v11 =	vmul.f32 v11, v8;
	_ =	sdelay $0x1  }
0x13b: {  	[tilespmem:v13+s16+$0x0] =	vst.idx.add.f32.msk $0xffff, v11  }
0x13c: {  	v11 =	vld.idx.msk [tilespmem:v14+s3+$0x0], $0xffff  }
0x13d: {  	s25 =	sadd.s32 $0xFFFFFFF9, s22  }
0x13e: {  	v13 =	vadd.s32 s25, v1  }
0x13f: {  	v12 =	vor.u32 v7, v12;
	v13 =	vand.u32 $0x38, v13  }
0x140: {  	v14 =	vor.u32 v4, v13;
	_ =	sdelay $0x1  }
0x141: {  	v11 =	vmul.f32 v11, v8;
	_ =	sdelay $0x1  }
0x142: {  	[tilespmem:v12+s16+$0x0] =	vst.idx.add.f32.msk $0xffff, v11  }
0x143: {  	v11 =	vld.idx.msk [tilespmem:v14+s3+$0x0], $0xffff  }
0x144: {  	s25 =	sadd.s32 $0xFFFFFFFA, s22  }
0x145: {  	v12 =	vadd.s32 s25, v1  }
0x146: {  	v13 =	vor.u32 v13, v10;
	v12 =	vand.u32 $0x3F, v12  }
0x147: {  	v14 =	vor.u32 v3, v12;
	_ =	sdelay $0x1  }
0x148: {  	v11 =	vmul.f32 v11, v8;
	_ =	sdelay $0x1  }
0x149: {  	[tilespmem:v13+s16+$0x0] =	vst.idx.add.f32.msk $0xffff, v11  }
0x14a: {  	v11 =	vld.idx.msk [tilespmem:v14+s3+$0x0], $0xffff  }
0x14b: {  	s25 =	sadd.s32 $0xFFFFFFFB, s22  }
0x14c: {  	v13 =	vadd.s32 s25, v1  }
0x14d: {  	v12 =	vor.u32 v7, v12;
	v13 =	vand.u32 $0x3F, v13  }
0x14e: {  	v14 =	vor.u32 v3, v13;
	_ =	sdelay $0x1  }
0x14f: {  	v11 =	vmul.f32 v11, v8;
	_ =	sdelay $0x1  }
0x150: {  	[tilespmem:v12+s16+$0x0] =	vst.idx.add.f32.msk $0xffff, v11  }
0x151: {  	v11 =	vld.idx.msk [tilespmem:v14+s3+$0x0], $0xffff  }
0x152: {  	s25 =	sadd.s32 $0xFFFFFFFC, s22  }
0x153: {  	v12 =	vadd.s32 s25, v1  }
0x154: {  	v13 =	vor.u32 v7, v13;
	v12 =	vand.u32 $0x3F, v12  }
0x155: {  	v14 =	vor.u32 v3, v12;
	_ =	sdelay $0x1  }
0x156: {  	v11 =	vmul.f32 v11, v8;
	_ =	sdelay $0x1  }
0x157: {  	[tilespmem:v13+s16+$0x0] =	vst.idx.add.f32.msk $0xffff, v11  }
0x158: {  	v11 =	vld.idx.msk [tilespmem:v14+s3+$0x0], $0xffff  }
0x159: {  	s25 =	sadd.s32 $0xFFFFFFFD, s22  }
0x15a: {  	v13 =	vadd.s32 s25, v1  }
0x15b: {  	v12 =	vor.u32 v7, v12;
	v13 =	vand.u32 $0x3F, v13  }
0x15c: {  	v14 =	vor.u32 v3, v13;
	_ =	sdelay $0x1  }
0x15d: {  	v11 =	vmul.f32 v11, v8;
	_ =	sdelay $0x1  }
0x15e: {  	[tilespmem:v12+s16+$0x0] =	vst.idx.add.f32.msk $0xffff, v11  }
0x15f: {  	v11 =	vld.idx.msk [tilespmem:v14+s3+$0x0], $0xffff  }
0x160: {  	s25 =	sadd.s32 $0xFFFFFFFE, s22  }
0x161: {  	v12 =	vadd.s32 s25, v1  }
0x162: {  	v13 =	vor.u32 v7, v13;
	v12 =	vand.u32 $0x3F, v12  }
0x163: {  	v14 =	vor.u32 v3, v12;
	_ =	sdelay $0x1  }
0x164: {  	v11 =	vmul.f32 v11, v8;
	_ =	sdelay $0x1  }
0x165: {  	[tilespmem:v13+s16+$0x0] =	vst.idx.add.f32.msk $0xffff, v11  }
0x166: {  	v11 =	vld.idx.msk [tilespmem:v14+s3+$0x0], $0xffff  }
0x167: {  	s25 =	sadd.s32 $0xFFFFFFFF, s22  }
0x168: {  	v13 =	vadd.s32 s25, v1  }
0x169: {  	v12 =	vor.u32 v7, v12;
	v13 =	vand.u32 $0x3F, v13  }
0x16a: {  	v14 =	vor.u32 v3, v13;
	_ =	sdelay $0x1  }
0x16b: {  	v11 =	vmul.f32 v11, v8;
	_ =	sdelay $0x1  }
0x16c: {  	[tilespmem:v12+s16+$0x0] =	vst.idx.add.f32.msk $0xffff, v11  }
0x16d: {  	v11 =	vld.idx.msk [tilespmem:v14+s3+$0x0], $0xffff;
	_ =	sdelay $0x1  }
0x16e: {  	v12 =	vadd.s32 s22, v1;
	s22 =	smov.u32 s24  }
0x16f: {  	v13 =	vor.u32 v7, v13;
	v12 =	vand.u32 $0x3F, v12  }
0x170: {  	v14 =	vor.u32 v3, v12;
	_ =	sdelay $0x1  }
0x171: {  	v11 =	vmul.f32 v11, v8;
	_ =	sdelay $0x1  }
0x172: {  	[tilespmem:v13+s16+$0x0] =	vst.idx.add.f32.msk $0xffff, v11  }
0x173: {  	v13 =	vld.idx.msk [tilespmem:v14+s3+$0x0], $0xffff;
	_ =	sdelay $0x1  }
.Ltmp6:
0x174: {  	s25 =	sadd.s32 $0xFFFFFFF1, s22;
	(pc) =	sbr.rel @p0 .LBB2_7-.Ltmp6, $3  }
0x175: {  	v12 =	vor.u32 v7, v12;
	v11 =	vor.u32 s25, v2  }
0x176: {  	v11 =	vand.u32 v6, v11;
	_ =	sdelay $0x1  }
0x177: {  	v13 =	vmul.f32 v13, v8  }
0x178: {  	_ =	sdelay $0x3  }
0x179: {  	[tilespmem:v12+s16+$0x0] =	vst.idx.add.f32.msk $0xffff, v13  }
0x17a: {  	s23 =	sadd.s32 $0xFFFFFFF2, s22;
	v11 =	vld.idx.msk [tilespmem:v11+s3+$0x0], $0xffff  }
0x17b: {  	v34 =	vadd.s32 s23, v1  }
0x17c: {  	v9 =	vor.u32 s25, v9;
	v12 =	vand.u32 $0x3F, v34  }
0x17d: {  	v35 =	vor.u32 v3, v12;
	_ =	sdelay $0x1  }
0x17e: {  	v11 =	vmul.f32 v11, v8;
	_ =	sdelay $0x1  }
0x17f: {  	[tilespmem:v9+s16+$0x0] =	vst.idx.add.f32.msk $0xffff, v11  }
0x180: {  	s25 =	sadd.s32 $0xFFFFFFF3, s22;
	v9 =	vld.idx.msk [tilespmem:v35+s3+$0x0], $0xffff  }
0x181: {  	v36 =	vadd.s32 s25, v1  }
0x182: {  	v12 =	vor.u32 v7, v12;
	v11 =	vand.u32 $0x3F, v36  }
0x183: {  	v37 =	vor.u32 v3, v11;
	_ =	sdelay $0x1  }
0x184: {  	v9 =	vmul.f32 v9, v8;
	_ =	sdelay $0x1  }
0x185: {  	[tilespmem:v12+s16+$0x0] =	vst.idx.add.f32.msk $0xffff, v9  }
0x186: {  	s26 =	sadd.s32 $0xFFFFFFF4, s22;
	v9 =	vld.idx.msk [tilespmem:v37+s3+$0x0], $0xffff  }
0x187: {  	v38 =	vadd.s32 s26, v1  }
0x188: {  	v11 =	vor.u32 v7, v11;
	v12 =	vand.u32 $0x3F, v38  }
0x189: {  	v39 =	vor.u32 v3, v12;
	_ =	sdelay $0x1  }
0x18a: {  	v9 =	vmul.f32 v9, v8;
	_ =	sdelay $0x1  }
0x18b: {  	[tilespmem:v11+s16+$0x0] =	vst.idx.add.f32.msk $0xffff, v9  }
0x18c: {  	s28 =	sadd.s32 $0xFFFFFFF5, s22;
	v9 =	vld.idx.msk [tilespmem:v39+s3+$0x0], $0xffff  }
0x18d: {  	v40 =	vadd.s32 s28, v1  }
0x18e: {  	v12 =	vor.u32 v7, v12;
	v11 =	vand.u32 $0x3F, v40  }
0x18f: {  	v41 =	vor.u32 v3, v11;
	_ =	sdelay $0x1  }
0x190: {  	v9 =	vmul.f32 v9, v8;
	_ =	sdelay $0x1  }
0x191: {  	[tilespmem:v12+s16+$0x0] =	vst.idx.add.f32.msk $0xffff, v9  }
0x192: {  	s29 =	sadd.s32 $0xFFFFFFF6, s22;
	v9 =	vld.idx.msk [tilespmem:v41+s3+$0x0], $0xffff  }
0x193: {  	v42 =	vadd.s32 s29, v1  }
0x194: {  	v11 =	vor.u32 v7, v11;
	v12 =	vand.u32 $0x3F, v42  }
0x195: {  	v43 =	vor.u32 v3, v12;
	_ =	sdelay $0x1  }
0x196: {  	v9 =	vmul.f32 v9, v8;
	_ =	sdelay $0x1  }
0x197: {  	[tilespmem:v11+s16+$0x0] =	vst.idx.add.f32.msk $0xffff, v9  }
0x198: {  	s30 =	sadd.s32 $0xFFFFFFF7, s22;
	v9 =	vld.idx.msk [tilespmem:v43+s3+$0x0], $0xffff  }
0x199: {  	v44 =	vadd.s32 s30, v1  }
0x19a: {  	v12 =	vor.u32 v7, v12;
	v11 =	vand.u32 $0x3F, v44  }
0x19b: {  	v45 =	vor.u32 v3, v11;
	_ =	sdelay $0x1  }
0x19c: {  	v9 =	vmul.f32 v9, v8;
	_ =	sdelay $0x1  }
0x19d: {  	[tilespmem:v12+s16+$0x0] =	vst.idx.add.f32.msk $0xffff, v9  }
0x19e: {  	s31 =	sadd.s32 $0xFFFFFFF8, s22;
	v9 =	vld.idx.msk [tilespmem:v45+s3+$0x0], $0xffff  }
0x19f: {  	v46 =	vadd.s32 s31, v1  }
0x1a0: {  	v11 =	vor.u32 v7, v11;
	v12 =	vand.u32 $0x3F, v46  }
0x1a1: {  	v47 =	vor.u32 v3, v12;
	_ =	sdelay $0x1  }
0x1a2: {  	v9 =	vmul.f32 v9, v8;
	_ =	sdelay $0x1  }
0x1a3: {  	[tilespmem:v11+s16+$0x0] =	vst.idx.add.f32.msk $0xffff, v9  }
0x1a4: {  	s24 =	sadd.s32 $0xFFFFFFF9, s22;
	v9 =	vld.idx.msk [tilespmem:v47+s3+$0x0], $0xffff  }
0x1a5: {  	v48 =	vadd.s32 s24, v1  }
0x1a6: {  	v12 =	vor.u32 v7, v12;
	v11 =	vand.u32 $0x38, v48  }
0x1a7: {  	v49 =	vor.u32 v4, v11;
	_ =	sdelay $0x1  }
0x1a8: {  	v9 =	vmul.f32 v9, v8;
	_ =	sdelay $0x1  }
0x1a9: {  	[tilespmem:v12+s16+$0x0] =	vst.idx.add.f32.msk $0xffff, v9  }
0x1aa: {  	s25 =	sadd.s32 $0xFFFFFFFA, s22;
	v9 =	vld.idx.msk [tilespmem:v49+s3+$0x0], $0xffff  }
0x1ab: {  	v50 =	vadd.s32 s25, v1  }
0x1ac: {  	v51 =	vand.u32 $0x3F, v50;
	v10 =	vor.u32 v11, v10  }
0x1ad: {  	v12 =	vor.u32 v3, v51;
	_ =	sdelay $0x1  }
0x1ae: {  	v9 =	vmul.f32 v9, v8;
	_ =	sdelay $0x1  }
0x1af: {  	[tilespmem:v10+s16+$0x0] =	vst.idx.add.f32.msk $0xffff, v9  }
0x1b0: {  	s26 =	sadd.s32 $0xFFFFFFFB, s22;
	v9 =	vld.idx.msk [tilespmem:v12+s3+$0x0], $0xffff  }
0x1b1: {  	v52 =	vadd.s32 s26, v1  }
0x1b2: {  	v11 =	vor.u32 v7, v51;
	v10 =	vand.u32 $0x3F, v52  }
0x1b3: {  	v53 =	vor.u32 v3, v10;
	_ =	sdelay $0x1  }
0x1b4: {  	v9 =	vmul.f32 v9, v8;
	_ =	sdelay $0x1  }
0x1b5: {  	[tilespmem:v11+s16+$0x0] =	vst.idx.add.f32.msk $0xffff, v9  }
0x1b6: {  	s28 =	sadd.s32 $0xFFFFFFFC, s22;
	v9 =	vld.idx.msk [tilespmem:v53+s3+$0x0], $0xffff  }
0x1b7: {  	v54 =	vadd.s32 s28, v1  }
0x1b8: {  	v10 =	vor.u32 v7, v10;
	v11 =	vand.u32 $0x3F, v54  }
0x1b9: {  	v55 =	vor.u32 v3, v11;
	_ =	sdelay $0x1  }
0x1ba: {  	v9 =	vmul.f32 v9, v8;
	_ =	sdelay $0x1  }
0x1bb: {  	[tilespmem:v10+s16+$0x0] =	vst.idx.add.f32.msk $0xffff, v9  }
0x1bc: {  	s29 =	sadd.s32 $0xFFFFFFFD, s22;
	v9 =	vld.idx.msk [tilespmem:v55+s3+$0x0], $0xffff  }
0x1bd: {  	v56 =	vadd.s32 s29, v1  }
0x1be: {  	v11 =	vor.u32 v7, v11;
	v10 =	vand.u32 $0x3F, v56  }
0x1bf: {  	v57 =	vor.u32 v3, v10;
	_ =	sdelay $0x1  }
0x1c0: {  	v9 =	vmul.f32 v9, v8;
	_ =	sdelay $0x1  }
0x1c1: {  	[tilespmem:v11+s16+$0x0] =	vst.idx.add.f32.msk $0xffff, v9  }
0x1c2: {  	s30 =	sadd.s32 $0xFFFFFFFE, s22;
	v9 =	vld.idx.msk [tilespmem:v57+s3+$0x0], $0xffff  }
0x1c3: {  	v58 =	vadd.s32 s30, v1  }
0x1c4: {  	v10 =	vor.u32 v7, v10;
	v11 =	vand.u32 $0x3F, v58  }
0x1c5: {  	v59 =	vor.u32 v3, v11;
	_ =	sdelay $0x1  }
0x1c6: {  	v9 =	vmul.f32 v9, v8;
	_ =	sdelay $0x1  }
0x1c7: {  	[tilespmem:v10+s16+$0x0] =	vst.idx.add.f32.msk $0xffff, v9  }
0x1c8: {  	s31 =	sadd.s32 $0xFFFFFFFF, s22;
	v9 =	vld.idx.msk [tilespmem:v59+s3+$0x0], $0xffff  }
0x1c9: {  	v60 =	vadd.s32 s31, v1  }
0x1ca: {  	v11 =	vor.u32 v7, v11;
	v10 =	vand.u32 $0x3F, v60  }
0x1cb: {  	v61 =	vor.u32 v3, v10;
	_ =	sdelay $0x1  }
0x1cc: {  	v9 =	vmul.f32 v9, v8;
	_ =	sdelay $0x1  }
0x1cd: {  	[tilespmem:v11+s16+$0x0] =	vst.idx.add.f32.msk $0xffff, v9  }
0x1ce: {  	v9 =	vld.idx.msk [tilespmem:v61+s3+$0x0], $0xffff  }
0x1cf: {  	v62 =	vadd.s32 s22, v1  }
0x1d0: {  	v10 =	vor.u32 v7, v10;
	v11 =	vand.u32 $0x3F, v62  }
0x1d1: {  	v63 =	vor.u32 v3, v11;
	_ =	sdelay $0x1  }
0x1d2: {  	v9 =	vmul.f32 v9, v8;
	_ =	sdelay $0x1  }
0x1d3: {  	[tilespmem:v10+s16+$0x0] =	vst.idx.add.f32.msk $0xffff, v9  }
0x1d4: {  	v9 =	vld.idx.msk [tilespmem:v63+s3+$0x0], $0xffff;
	_ =	sdelay $0x1  }
0x1d5: {  	v7 =	vor.u32 v7, v11;
	_ =	sdelay $0x1  }
0x1d6: {  	p0 =	sgt.u32 s21, $0xF3E3  }
0x1d7: {  	s22 =	sadd.s32 @!p0 $0x40, s21;
	v8 =	vmul.f32 v9, v8  }
0x1d8: {  	s23 =	sshll.u32 @!p0 s22, $0x7  }
0x1d9: {  	s24 =	simm.s32 @!p0 $0x0;
	s22 =	sshll.u32 @!p0 s22, $0x1;
	s23 =	sadd.s32 @!p0 s5, s23;
	[tilespmem:v7+s16+$0x0] =	vst.idx.add.f32.msk $0xffff, v8  }
0x1da: {  	[tilespmem:s24], [sflag:$0x1] =	stream.linear.gather @!p0 [hbm4b:s23+s24], $0x400, $0x38;
	[tilespmem:$0x1FC20] =	vst v63  }
0x1db: {  	s22 =	sadd.s32 @!p0 s2, s22;
	s23 =	simm.s32 @!p0 $0x800  }
0x1dc: {  	[tilespmem:s23], [sflag:$0x1] =	stream.linear.gather @!p0 [hbm4b:s22+s24], $0x10, $0x38;
	[tilespmem:$0x1FC20] =	vst v63  }
0x1dd: {  	s22 =	sor.u32 $0x20, s21  }
0x1de: {  	p0 =	sgt.u32 s22, $0xF423  }
.Ltmp7:
0x1df: {  	_ = 	snop;
	(pc) =	sbr.rel @p0 .LBB2_14-.Ltmp7, $1  }
0x1e0: {  	_ =	sdelay $0x3  }
0x1e1: {  	_ =	swait.ge [sflag:s17], $0x400;
	s23 =	simm.s32 $0x0;
	s24 =	simm.s32 $0x1  }
0x1e2: {  	[sflag:s17] =	ssyncset.done $0x0;
	v7 =	vor.u32 s23, v2;
	v8 =	vadd.s32 s24, v1  }
0x1e3: {  	s24 =	simm.s32 $0x2;
	[sflag:s17] =	ssyncadd.s32 $0xFFFFFC00;
	v8 =	vand.u32 $0x3F, v8  }
0x1e4: {  	v9 =	vadd.s32 s24, v1;
	_ =	swait.ge [sflag:s17], $0x10;
	v8 =	vor.u32 v3, v8  }
0x1e5: {  	s25 =	simm.s32 $0x3;
	v9 =	vand.u32 $0x3F, v9;
	[sflag:s17] =	ssyncset.done $0x0  }
0x1e6: {  	v10 =	vadd.s32 s25, v1;
	v9 =	vor.u32 v3, v9;
	[sflag:s17] =	ssyncadd.s32 $0xFFFFFFF0  }
0x1e7: {  	s26 =	simm.s32 $0x4;
	v10 =	vand.u32 $0x3F, v10;
	v7 =	vld.idx.msk [tilespmem:v7+s13+$0x0], $0xffff  }
0x1e8: {  	v11 =	vadd.s32 s26, v1;
	v10 =	vor.u32 v3, v10  }
0x1e9: {  	s28 =	simm.s32 $0x5;
	v11 =	vand.u32 $0x3F, v11;
	v8 =	vld.idx.msk [tilespmem:v8+s13+$0x0], $0xffff  }
0x1ea: {  	s29 =	simm.s32 $0x6;
	v12 =	vadd.s32 s28, v1;
	v11 =	vor.u32 v3, v11  }
0x1eb: {  	v13 =	vadd.s32 s29, v1;
	v12 =	vand.u32 $0x3F, v12;
	v9 =	vld.idx.msk [tilespmem:v9+s13+$0x0], $0xffff  }
0x1ec: {  	s30 =	simm.s32 $0x7;
	v13 =	vand.u32 $0x3F, v13;
	v12 =	vor.u32 v3, v12;
	v7 =	vmul.f32 v7, v7  }
0x1ed: {  	v14 =	vimm.f32 $0.0e+00;
	v15 =	vadd.s32 s30, v1;
	v13 =	vor.u32 v3, v13;
	v10 =	vld.idx.msk [tilespmem:v10+s13+$0x0], $0xffff  }
0x1ee: {  	s31 =	simm.s32 $0x8;
	v7 =	vadd.f32 v7, v14;
	v8 =	vmul.f32 v8, v8;
	v14 =	vand.u32 $0x3F, v15  }
0x1ef: {  	v11 =	vld.idx.msk [tilespmem:v11+s13+$0x0], $0xffff;
	v15 =	vadd.s32 s31, v1;
	v14 =	vor.u32 v3, v14  }
0x1f0: {  	s24 =	simm.s32 $0x9;
	v7 =	vadd.f32 v8, v7;
	v8 =	vmul.f32 v9, v9;
	v9 =	vand.u32 $0x38, v15  }
0x1f1: {  	v12 =	vld.idx.msk [tilespmem:v12+s13+$0x0], $0xffff;
	v15 =	vadd.s32 s24, v1;
	v9 =	vor.u32 v4, v9  }
0x1f2: {  	s25 =	simm.s32 $0xA;
	v7 =	vadd.f32 v8, v7;
	v8 =	vmul.f32 v10, v10;
	v10 =	vand.u32 $0x3F, v15  }
0x1f3: {  	v13 =	vld.idx.msk [tilespmem:v13+s13+$0x0], $0xffff;
	v15 =	vadd.s32 s25, v1;
	v10 =	vor.u32 v3, v10  }
0x1f4: {  	s26 =	simm.s32 $0xB;
	v7 =	vadd.f32 v8, v7;
	v8 =	vmul.f32 v11, v11;
	v11 =	vand.u32 $0x3F, v15  }
0x1f5: {  	v14 =	vld.idx.msk [tilespmem:v14+s13+$0x0], $0xffff;
	v15 =	vadd.s32 s26, v1;
	v11 =	vor.u32 v3, v11  }
0x1f6: {  	s28 =	simm.s32 $0xC;
	v7 =	vadd.f32 v8, v7;
	v8 =	vmul.f32 v12, v12;
	v12 =	vand.u32 $0x3F, v15  }
0x1f7: {  	v9 =	vld.idx.msk [tilespmem:v9+s13+$0x0], $0xffff;
	v15 =	vadd.s32 s28, v1;
	v12 =	vor.u32 v3, v12  }
0x1f8: {  	s29 =	simm.s32 $0xD;
	v7 =	vadd.f32 v8, v7;
	v8 =	vmul.f32 v13, v13;
	v13 =	vand.u32 $0x3F, v15  }
0x1f9: {  	v10 =	vld.idx.msk [tilespmem:v10+s13+$0x0], $0xffff;
	v15 =	vadd.s32 s29, v1;
	v13 =	vor.u32 v3, v13  }
0x1fa: {  	s30 =	simm.s32 $0xE;
	v7 =	vadd.f32 v8, v7;
	v8 =	vmul.f32 v14, v14;
	v14 =	vand.u32 $0x3F, v15  }
0x1fb: {  	v15 =	vld.idx.msk [tilespmem:v11+s13+$0x0], $0xffff;
	v11 =	vadd.s32 s30, v1;
	v16 =	vor.u32 v3, v14  }
0x1fc: {  	s31 =	simm.s32 $0xF;
	v14 =	vmul.f32 v9, v9;
	v11 =	vand.u32 $0x3F, v11;
	v8 =	vadd.f32 v8, v7  }
0x1fd: {  	v17 =	vadd.s32 s31, v1;
	v9 =	vld.idx.msk [tilespmem:v12+s13+$0x0], $0xffff;
	v12 =	vor.u32 v3, v11  }
0x1fe: {  	v7 =	vld [tilespmem:$0x810];
	v11 =	vand.u32 $0x3F, v17;
	v10 =	vmul.f32 v10, v10;
	v14 =	vadd.f32 v14, v8  }
0x1ff: {  	s23 =	simm.s32 $0x1F;
	v11 =	vor.u32 v3, v11;
	v8 =	vld.idx.msk [tilespmem:v13+s13+$0x0], $0xffff  }
0x200: {  	s24 =	simm.s32 $0x2F;
	s25 =	simm.s32 $0x10;
	s26 =	simm.s32 $0x11;
	v13 =	vadd.f32 v10, v14;
	v14 =	vmul.f32 v15, v15;
	v10 =	vld.idx.msk [tilespmem:v16+s13+$0x0], $0xffff  }
.LBB2_10:
0x201: {  	p0 =	sne.s32 s24, $0x3F;
	v15 =	vor.u32 s25, v2;
	v16 =	vadd.s32 s26, v1  }
0x202: {  	s25 =	sadd.s32 $0xFFFFFFF3, s23;
	v9 =	vmul.f32 v9, v9;
	v16 =	vand.u32 $0x3F, v16;
	v13 =	vadd.f32 v14, v13;
	v12 =	vld.idx.msk [tilespmem:v12+s13+$0x0], $0xffff  }
0x203: {  	v14 =	vor.u32 v3, v16;
	v16 =	vadd.s32 s25, v1  }
0x204: {  	s25 =	sadd.s32 $0xFFFFFFF4, s23;
	v8 =	vmul.f32 v8, v8;
	v16 =	vand.u32 $0x3F, v16;
	v9 =	vadd.f32 v9, v13;
	v11 =	vld.idx.msk [tilespmem:v11+s13+$0x0], $0xffff  }
0x205: {  	v13 =	vor.u32 v3, v16;
	v16 =	vadd.s32 s25, v1  }
0x206: {  	s25 =	sadd.s32 $0xFFFFFFF5, s23;
	v15 =	vld.idx.msk [tilespmem:v15+s13+$0x0], $0xffff;
	v16 =	vand.u32 $0x3F, v16;
	v8 =	vadd.f32 v8, v9;
	v9 =	vmul.f32 v10, v10  }
0x207: {  	v10 =	vor.u32 v3, v16;
	v16 =	vadd.s32 s25, v1  }
0x208: {  	s25 =	sadd.s32 $0xFFFFFFF6, s23;
	v14 =	vld.idx.msk [tilespmem:v14+s13+$0x0], $0xffff;
	v16 =	vand.u32 $0x3F, v16;
	v8 =	vadd.f32 v9, v8;
	v9 =	vmul.f32 v12, v12  }
0x209: {  	v12 =	vor.u32 v3, v16;
	v16 =	vadd.s32 s25, v1  }
0x20a: {  	s25 =	sadd.s32 $0xFFFFFFF7, s23;
	v13 =	vld.idx.msk [tilespmem:v13+s13+$0x0], $0xffff;
	v16 =	vand.u32 $0x3F, v16;
	v8 =	vadd.f32 v9, v8;
	v9 =	vmul.f32 v11, v11  }
0x20b: {  	v11 =	vor.u32 v3, v16;
	v16 =	vadd.s32 s25, v1  }
0x20c: {  	v15 =	vmul.f32 v15, v15;
	s25 =	sadd.s32 $0xFFFFFFF8, s23;
	v10 =	vld.idx.msk [tilespmem:v10+s13+$0x0], $0xffff;
	v16 =	vand.u32 $0x3F, v16;
	v8 =	vadd.f32 v9, v8  }
0x20d: {  	v9 =	vor.u32 v3, v16;
	v16 =	vadd.s32 s25, v1  }
0x20e: {  	v14 =	vmul.f32 v14, v14;
	s25 =	sadd.s32 $0xFFFFFFF9, s23;
	v8 =	vadd.f32 v15, v8;
	v12 =	vld.idx.msk [tilespmem:v12+s13+$0x0], $0xffff;
	v15 =	vand.u32 $0x3F, v16  }
0x20f: {  	v16 =	vadd.s32 s25, v1;
	v15 =	vor.u32 v3, v15  }
0x210: {  	s25 =	sadd.s32 $0xFFFFFFFA, s23;
	v13 =	vmul.f32 v13, v13;
	v8 =	vadd.f32 v14, v8;
	v11 =	vld.idx.msk [tilespmem:v11+s13+$0x0], $0xffff;
	v14 =	vand.u32 $0x38, v16  }
0x211: {  	v16 =	vadd.s32 s25, v1;
	v14 =	vor.u32 v4, v14  }
0x212: {  	s25 =	sadd.s32 $0xFFFFFFFB, s23;
	v10 =	vmul.f32 v10, v10;
	v8 =	vadd.f32 v13, v8;
	v9 =	vld.idx.msk [tilespmem:v9+s13+$0x0], $0xffff;
	v13 =	vand.u32 $0x3F, v16  }
0x213: {  	v16 =	vadd.s32 s25, v1;
	v13 =	vor.u32 v3, v13  }
0x214: {  	s25 =	sadd.s32 $0xFFFFFFFC, s23;
	v8 =	vadd.f32 v10, v8;
	v10 =	vmul.f32 v12, v12;
	v12 =	vld.idx.msk [tilespmem:v15+s13+$0x0], $0xffff;
	v15 =	vand.u32 $0x3F, v16  }
0x215: {  	v16 =	vadd.s32 s25, v1;
	v15 =	vor.u32 v3, v15  }
0x216: {  	s25 =	sadd.s32 $0xFFFFFFFD, s23;
	v8 =	vadd.f32 v10, v8;
	v10 =	vmul.f32 v11, v11;
	v11 =	vld.idx.msk [tilespmem:v14+s13+$0x0], $0xffff;
	v14 =	vand.u32 $0x3F, v16  }
0x217: {  	v16 =	vadd.s32 s25, v1;
	v14 =	vor.u32 v3, v14  }
0x218: {  	s25 =	sadd.s32 $0xFFFFFFFE, s23;
	v9 =	vmul.f32 v9, v9;
	v8 =	vadd.f32 v10, v8;
	v10 =	vld.idx.msk [tilespmem:v13+s13+$0x0], $0xffff;
	v13 =	vand.u32 $0x3F, v16  }
0x219: {  	v16 =	vadd.s32 s25, v1;
	v13 =	vor.u32 v3, v13  }
0x21a: {  	s25 =	sadd.s32 $0xFFFFFFFF, s23;
	v8 =	vadd.f32 v9, v8;
	v9 =	vmul.f32 v12, v12;
	v15 =	vld.idx.msk [tilespmem:v15+s13+$0x0], $0xffff;
	v12 =	vand.u32 $0x3F, v16  }
0x21b: {  	v16 =	vor.u32 v3, v12;
	v12 =	vadd.s32 s25, v1  }
.Ltmp8:
0x21c: {  	v11 =	vmul.f32 v11, v11;
	v8 =	vadd.f32 v9, v8;
	v9 =	vld.idx.msk [tilespmem:v14+s13+$0x0], $0xffff;
	v12 =	vand.u32 $0x3F, v12;
	(pc) =	sbr.rel @p0 .LBB2_10-.Ltmp8, $4  }
0x21d: {  	v14 =	vadd.s32 s23, v1;
	s23 =	smov.u32 s24;
	v12 =	vor.u32 v3, v12  }
0x21e: {  	v10 =	vmul.f32 v10, v10;
	v17 =	vadd.f32 v11, v8;
	v8 =	vld.idx.msk [tilespmem:v13+s13+$0x0], $0xffff;
	v11 =	vand.u32 $0x3F, v14  }
0x21f: {  	v11 =	vor.u32 v3, v11  }
0x220: {  	s24 =	sadd.s32 $0x10, s24;
	s25 =	sadd.s32 $0xFFFFFFF1, s23;
	s26 =	sadd.s32 $0xFFFFFFF2, s23;
	v14 =	vmul.f32 v15, v15;
	v13 =	vadd.f32 v10, v17;
	v10 =	vld.idx.msk [tilespmem:v16+s13+$0x0], $0xffff  }
0x221: {  	_ =	sdelay $0x1  }
0x222: {  	v15 =	vor.u32 s25, v2  }
0x223: {  	v16 =	vadd.s32 s26, v1;
	s24 =	sadd.s32 $0xFFFFFFF3, s23;
	v9 =	vmul.f32 v9, v9;
	v13 =	vadd.f32 v14, v13  }
0x224: {  	v12 =	vld.idx.msk [tilespmem:v12+s13+$0x0], $0xffff;
	v16 =	vand.u32 $0x3F, v16;
	v50 =	vadd.s32 s24, v1  }
0x225: {  	s30 =	sadd.s32 $0xFFFFFFF4, s23;
	v14 =	vor.u32 v3, v16;
	v8 =	vmul.f32 v8, v8;
	v9 =	vadd.f32 v9, v13  }
0x226: {  	v11 =	vld.idx.msk [tilespmem:v11+s13+$0x0], $0xffff;
	v51 =	vadd.s32 s30, v1;
	v16 =	vand.u32 $0x3F, v50  }
0x227: {  	s31 =	sadd.s32 $0xFFFFFFF5, s23;
	v13 =	vor.u32 v3, v16;
	v8 =	vadd.f32 v8, v9;
	v9 =	vmul.f32 v10, v10  }
0x228: {  	v52 =	vadd.s32 s31, v1;
	v16 =	vand.u32 $0x3F, v51;
	v10 =	vld.idx.msk [tilespmem:v15+s13+$0x0], $0xffff  }
0x229: {  	s25 =	sadd.s32 $0xFFFFFFF6, s23;
	v15 =	vor.u32 v3, v16;
	v8 =	vadd.f32 v9, v8;
	v9 =	vmul.f32 v12, v12  }
0x22a: {  	v53 =	vadd.s32 s25, v1;
	v16 =	vand.u32 $0x3F, v52;
	v12 =	vld.idx.msk [tilespmem:v14+s13+$0x0], $0xffff  }
0x22b: {  	s26 =	sadd.s32 $0xFFFFFFF7, s23;
	v14 =	vor.u32 v3, v16;
	v8 =	vadd.f32 v9, v8;
	v9 =	vmul.f32 v11, v11  }
0x22c: {  	v54 =	vadd.s32 s26, v1;
	v16 =	vand.u32 $0x3F, v53;
	v11 =	vld.idx.msk [tilespmem:v13+s13+$0x0], $0xffff  }
0x22d: {  	s28 =	sadd.s32 $0xFFFFFFF8, s23;
	v13 =	vor.u32 v3, v16;
	v10 =	vmul.f32 v10, v10;
	v8 =	vadd.f32 v9, v8  }
0x22e: {  	v55 =	vadd.s32 s28, v1;
	v16 =	vand.u32 $0x3F, v54;
	v9 =	vld.idx.msk [tilespmem:v15+s13+$0x0], $0xffff  }
0x22f: {  	s29 =	sadd.s32 $0xFFFFFFF9, s23;
	v15 =	vor.u32 v3, v16;
	v8 =	vadd.f32 v10, v8;
	v10 =	vmul.f32 v12, v12  }
0x230: {  	v56 =	vadd.s32 s29, v1;
	v14 =	vld.idx.msk [tilespmem:v14+s13+$0x0], $0xffff;
	v12 =	vand.u32 $0x3F, v55  }
0x231: {  	s30 =	sadd.s32 $0xFFFFFFFA, s23;
	v12 =	vor.u32 v3, v12;
	v8 =	vadd.f32 v10, v8;
	v10 =	vmul.f32 v11, v11  }
0x232: {  	v57 =	vadd.s32 s30, v1;
	v13 =	vld.idx.msk [tilespmem:v13+s13+$0x0], $0xffff;
	v11 =	vand.u32 $0x38, v56  }
0x233: {  	s31 =	sadd.s32 $0xFFFFFFFB, s23;
	v11 =	vor.u32 v4, v11;
	v9 =	vmul.f32 v9, v9;
	v8 =	vadd.f32 v10, v8  }
0x234: {  	v58 =	vadd.s32 s31, v1;
	v15 =	vld.idx.msk [tilespmem:v15+s13+$0x0], $0xffff;
	v10 =	vand.u32 $0x3F, v57  }
0x235: {  	s25 =	sadd.s32 $0xFFFFFFFC, s23;
	v10 =	vor.u32 v3, v10;
	v8 =	vadd.f32 v9, v8;
	v9 =	vmul.f32 v14, v14  }
0x236: {  	v59 =	vadd.s32 s25, v1;
	v14 =	vand.u32 $0x3F, v58;
	v12 =	vld.idx.msk [tilespmem:v12+s13+$0x0], $0xffff  }
0x237: {  	s26 =	sadd.s32 $0xFFFFFFFD, s23;
	v14 =	vor.u32 v3, v14;
	v8 =	vadd.f32 v9, v8;
	v9 =	vmul.f32 v13, v13  }
0x238: {  	v60 =	vadd.s32 s26, v1;
	v13 =	vand.u32 $0x3F, v59;
	v11 =	vld.idx.msk [tilespmem:v11+s13+$0x0], $0xffff  }
0x239: {  	s28 =	sadd.s32 $0xFFFFFFFE, s23;
	v13 =	vor.u32 v3, v13;
	v8 =	vadd.f32 v9, v8;
	v9 =	vmul.f32 v15, v15  }
0x23a: {  	v61 =	vadd.s32 s28, v1;
	v15 =	vand.u32 $0x3F, v60;
	v10 =	vld.idx.msk [tilespmem:v10+s13+$0x0], $0xffff  }
0x23b: {  	s29 =	sadd.s32 $0xFFFFFFFF, s23;
	v15 =	vor.u32 v3, v15;
	v8 =	vadd.f32 v9, v8;
	v9 =	vmul.f32 v12, v12  }
0x23c: {  	v62 =	vadd.s32 s29, v1;
	v12 =	vand.u32 $0x3F, v61;
	v14 =	vld.idx.msk [tilespmem:v14+s13+$0x0], $0xffff  }
0x23d: {  	v12 =	vor.u32 v3, v12;
	v8 =	vadd.f32 v9, v8;
	v9 =	vmul.f32 v11, v11  }
0x23e: {  	v63 =	vadd.s32 s23, v1;
	v11 =	vand.u32 $0x3F, v62;
	v13 =	vld.idx.msk [tilespmem:v13+s13+$0x0], $0xffff  }
0x23f: {  	v11 =	vor.u32 v3, v11;
	v8 =	vadd.f32 v9, v8;
	v9 =	vmul.f32 v10, v10  }
0x240: {  	v10 =	vld.idx.msk [tilespmem:v15+s13+$0x0], $0xffff;
	v15 =	vand.u32 $0x3F, v63  }
0x241: {  	v15 =	vor.u32 v3, v15;
	v8 =	vadd.f32 v9, v8;
	v9 =	vmul.f32 v14, v14  }
0x242: {  	v12 =	vld.idx.msk [tilespmem:v12+s13+$0x0], $0xffff  }
0x243: {  	v8 =	vadd.f32 v9, v8;
	v9 =	vmul.f32 v13, v13  }
0x244: {  	v11 =	vld.idx.msk [tilespmem:v11+s13+$0x0], $0xffff  }
0x245: {  	v8 =	vadd.f32 v9, v8;
	v9 =	vmul.f32 v10, v10  }
0x246: {  	v10 =	vld.idx.msk [tilespmem:v15+s13+$0x0], $0xffff  }
0x247: {  	v8 =	vadd.f32 v9, v8;
	v9 =	vmul.f32 v12, v12;
	_ =	sdelay $0x1  }
0x248: {  	v8 =	vadd.f32 v9, v8;
	v9 =	vmul.f32 v11, v11;
	_ =	sdelay $0x1  }
0x249: {  	v8 =	vadd.f32 v9, v8;
	v9 =	vmul.f32 v10, v10;
	_ =	sdelay $0x1  }
0x24a: {  	v8 =	vadd.f32 v9, v8;
	_ =	sdelay $0x1  }
0x24b: {  	v9 =	vshra.s32 v8, $0x1;
	v8 =	vmul.f32 $5.000000000e-01, v8  }
0x24c: {  	v9 =	vsub.s32 $0x5F3759DF, v9  }
0x24d: {  	v10 =	vmul.f32 v9, v8;
	_ =	sdelay $0x1  }
0x24e: {  	v10 =	vmul.f32 v9, v10;
	_ =	sdelay $0x1  }
0x24f: {  	v10 =	vsub.f32 $1.500000000e+00, v10;
	_ =	sdelay $0x1  }
0x250: {  	v9 =	vmul.f32 v9, v10;
	_ =	sdelay $0x1  }
0x251: {  	v10 =	vmul.f32 v9, v8;
	_ =	sdelay $0x1  }
0x252: {  	v10 =	vmul.f32 v10, v9;
	_ =	sdelay $0x1  }
0x253: {  	v10 =	vsub.f32 $1.500000000e+00, v10;
	_ =	sdelay $0x1  }
0x254: {  	v9 =	vmul.f32 v10, v9;
	_ =	sdelay $0x1  }
0x255: {  	v10 =	vmul.f32 v9, v8;
	_ =	sdelay $0x1  }
0x256: {  	v10 =	vmul.f32 v10, v9;
	_ =	sdelay $0x1  }
0x257: {  	v10 =	vsub.f32 $1.500000000e+00, v10  }
0x258: {  	s30 =	simm.s32 $0x0  }
0x259: {  	v10 =	vmul.f32 v10, v9;
	v9 =	vor.u32 s30, v2  }
0x25a: {  	v9 =	vand.u32 v6, v9  }
0x25b: {  	v8 =	vmul.f32 v10, v8;
	_ =	sdelay $0x1  }
0x25c: {  	v8 =	vmul.f32 v8, v10;
	_ =	sdelay $0x1  }
0x25d: {  	v7 =	vshll.u32 v7, $0x6;
	s31 =	simm.s32 $0x1;
	v8 =	vsub.f32 $1.500000000e+00, v8;
	v11 =	vld.idx.msk [tilespmem:v9+s13+$0x0], $0xffff  }
0x25e: {  	v12 =	vadd.s32 s31, v1;
	v9 =	vor.u32 v1, v7  }
0x25f: {  	v12 =	vand.u32 $0x3F, v12;
	v8 =	vmul.f32 v8, v10;
	v10 =	vor.u32 s30, v9  }
0x260: {  	v13 =	vor.u32 v3, v12  }
0x261: {  	v8 =	vmin.f32 v8, $9.999999950e+11  }
0x262: {  	v11 =	vmul.f32 v11, v8;
	_ =	sdelay $0x1  }
0x263: {  	[tilespmem:v10+s16+$0x0] =	vst.idx.add.f32.msk $0xffff, v11  }
0x264: {  	s24 =	simm.s32 $0x2;
	v10 =	vld.idx.msk [tilespmem:v13+s13+$0x0], $0xffff  }
0x265: {  	v11 =	vadd.s32 s24, v1  }
0x266: {  	v12 =	vor.u32 v7, v12;
	v11 =	vand.u32 $0x3F, v11  }
0x267: {  	v13 =	vor.u32 v3, v11;
	_ =	sdelay $0x1  }
0x268: {  	v10 =	vmul.f32 v10, v8;
	_ =	sdelay $0x1  }
0x269: {  	[tilespmem:v12+s16+$0x0] =	vst.idx.add.f32.msk $0xffff, v10  }
0x26a: {  	s25 =	simm.s32 $0x3;
	v10 =	vld.idx.msk [tilespmem:v13+s13+$0x0], $0xffff  }
0x26b: {  	v12 =	vadd.s32 s25, v1  }
0x26c: {  	v11 =	vor.u32 v7, v11;
	v12 =	vand.u32 $0x3F, v12  }
0x26d: {  	v13 =	vor.u32 v3, v12;
	_ =	sdelay $0x1  }
0x26e: {  	v10 =	vmul.f32 v10, v8;
	_ =	sdelay $0x1  }
0x26f: {  	[tilespmem:v11+s16+$0x0] =	vst.idx.add.f32.msk $0xffff, v10  }
0x270: {  	s26 =	simm.s32 $0x4;
	v10 =	vld.idx.msk [tilespmem:v13+s13+$0x0], $0xffff  }
0x271: {  	v11 =	vadd.s32 s26, v1  }
0x272: {  	v12 =	vor.u32 v7, v12;
	v11 =	vand.u32 $0x3F, v11  }
0x273: {  	v13 =	vor.u32 v3, v11;
	_ =	sdelay $0x1  }
0x274: {  	v10 =	vmul.f32 v10, v8;
	_ =	sdelay $0x1  }
0x275: {  	[tilespmem:v12+s16+$0x0] =	vst.idx.add.f32.msk $0xffff, v10  }
0x276: {  	s28 =	simm.s32 $0x5;
	v10 =	vld.idx.msk [tilespmem:v13+s13+$0x0], $0xffff  }
0x277: {  	v12 =	vadd.s32 s28, v1  }
0x278: {  	v11 =	vor.u32 v7, v11;
	v12 =	vand.u32 $0x3F, v12  }
0x279: {  	v13 =	vor.u32 v3, v12;
	_ =	sdelay $0x1  }
0x27a: {  	v10 =	vmul.f32 v10, v8;
	_ =	sdelay $0x1  }
0x27b: {  	[tilespmem:v11+s16+$0x0] =	vst.idx.add.f32.msk $0xffff, v10  }
0x27c: {  	s29 =	simm.s32 $0x6;
	v10 =	vld.idx.msk [tilespmem:v13+s13+$0x0], $0xffff  }
0x27d: {  	v11 =	vadd.s32 s29, v1  }
0x27e: {  	v12 =	vor.u32 v7, v12;
	v11 =	vand.u32 $0x3F, v11  }
0x27f: {  	v13 =	vor.u32 v3, v11;
	_ =	sdelay $0x1  }
0x280: {  	v10 =	vmul.f32 v10, v8;
	_ =	sdelay $0x1  }
0x281: {  	[tilespmem:v12+s16+$0x0] =	vst.idx.add.f32.msk $0xffff, v10  }
0x282: {  	s30 =	simm.s32 $0x7;
	v10 =	vld.idx.msk [tilespmem:v13+s13+$0x0], $0xffff  }
0x283: {  	v12 =	vadd.s32 s30, v1  }
0x284: {  	v11 =	vor.u32 v7, v11;
	v12 =	vand.u32 $0x3F, v12  }
0x285: {  	v13 =	vor.u32 v3, v12;
	_ =	sdelay $0x1  }
0x286: {  	v10 =	vmul.f32 v10, v8;
	_ =	sdelay $0x1  }
0x287: {  	[tilespmem:v11+s16+$0x0] =	vst.idx.add.f32.msk $0xffff, v10  }
0x288: {  	s31 =	simm.s32 $0x8;
	v10 =	vld.idx.msk [tilespmem:v13+s13+$0x0], $0xffff  }
0x289: {  	v11 =	vadd.s32 s31, v1  }
0x28a: {  	v12 =	vor.u32 v7, v12;
	v11 =	vand.u32 $0x38, v11  }
0x28b: {  	v13 =	vor.u32 v4, v11;
	_ =	sdelay $0x1  }
0x28c: {  	v10 =	vmul.f32 v10, v8;
	_ =	sdelay $0x1  }
0x28d: {  	[tilespmem:v12+s16+$0x0] =	vst.idx.add.f32.msk $0xffff, v10  }
0x28e: {  	s24 =	simm.s32 $0x9;
	v12 =	vld.idx.msk [tilespmem:v13+s13+$0x0], $0xffff  }
0x28f: {  	v10 =	vor.u32 v5, v7;
	v13 =	vadd.s32 s24, v1  }
0x290: {  	v11 =	vor.u32 v11, v10;
	v13 =	vand.u32 $0x3F, v13  }
0x291: {  	v14 =	vor.u32 v3, v13;
	_ =	sdelay $0x1  }
0x292: {  	v12 =	vmul.f32 v12, v8;
	_ =	sdelay $0x1  }
0x293: {  	[tilespmem:v11+s16+$0x0] =	vst.idx.add.f32.msk $0xffff, v12  }
0x294: {  	s25 =	simm.s32 $0xA;
	v11 =	vld.idx.msk [tilespmem:v14+s13+$0x0], $0xffff  }
0x295: {  	v12 =	vadd.s32 s25, v1  }
0x296: {  	v13 =	vor.u32 v7, v13;
	v12 =	vand.u32 $0x3F, v12  }
0x297: {  	v14 =	vor.u32 v3, v12;
	_ =	sdelay $0x1  }
0x298: {  	v11 =	vmul.f32 v11, v8;
	_ =	sdelay $0x1  }
0x299: {  	[tilespmem:v13+s16+$0x0] =	vst.idx.add.f32.msk $0xffff, v11  }
0x29a: {  	s26 =	simm.s32 $0xB;
	v11 =	vld.idx.msk [tilespmem:v14+s13+$0x0], $0xffff  }
0x29b: {  	v13 =	vadd.s32 s26, v1  }
0x29c: {  	v12 =	vor.u32 v7, v12;
	v13 =	vand.u32 $0x3F, v13  }
0x29d: {  	v14 =	vor.u32 v3, v13;
	_ =	sdelay $0x1  }
0x29e: {  	v11 =	vmul.f32 v11, v8;
	_ =	sdelay $0x1  }
0x29f: {  	[tilespmem:v12+s16+$0x0] =	vst.idx.add.f32.msk $0xffff, v11  }
0x2a0: {  	s28 =	simm.s32 $0xC;
	v11 =	vld.idx.msk [tilespmem:v14+s13+$0x0], $0xffff  }
0x2a1: {  	v12 =	vadd.s32 s28, v1  }
0x2a2: {  	v13 =	vor.u32 v7, v13;
	v12 =	vand.u32 $0x3F, v12  }
0x2a3: {  	v14 =	vor.u32 v3, v12;
	_ =	sdelay $0x1  }
0x2a4: {  	v11 =	vmul.f32 v11, v8;
	_ =	sdelay $0x1  }
0x2a5: {  	[tilespmem:v13+s16+$0x0] =	vst.idx.add.f32.msk $0xffff, v11  }
0x2a6: {  	s29 =	simm.s32 $0xD;
	v11 =	vld.idx.msk [tilespmem:v14+s13+$0x0], $0xffff  }
0x2a7: {  	v13 =	vadd.s32 s29, v1  }
0x2a8: {  	v12 =	vor.u32 v7, v12;
	v13 =	vand.u32 $0x3F, v13  }
0x2a9: {  	v14 =	vor.u32 v3, v13;
	_ =	sdelay $0x1  }
0x2aa: {  	v11 =	vmul.f32 v11, v8;
	_ =	sdelay $0x1  }
0x2ab: {  	[tilespmem:v12+s16+$0x0] =	vst.idx.add.f32.msk $0xffff, v11  }
0x2ac: {  	s30 =	simm.s32 $0xE;
	v11 =	vld.idx.msk [tilespmem:v14+s13+$0x0], $0xffff  }
0x2ad: {  	v12 =	vadd.s32 s30, v1  }
0x2ae: {  	v13 =	vor.u32 v7, v13;
	v12 =	vand.u32 $0x3F, v12  }
0x2af: {  	v14 =	vor.u32 v3, v12;
	_ =	sdelay $0x1  }
0x2b0: {  	v11 =	vmul.f32 v11, v8;
	_ =	sdelay $0x1  }
0x2b1: {  	[tilespmem:v13+s16+$0x0] =	vst.idx.add.f32.msk $0xffff, v11  }
0x2b2: {  	s31 =	simm.s32 $0xF;
	v11 =	vld.idx.msk [tilespmem:v14+s13+$0x0], $0xffff  }
0x2b3: {  	v13 =	vadd.s32 s31, v1  }
0x2b4: {  	v12 =	vor.u32 v7, v12;
	v13 =	vand.u32 $0x3F, v13  }
0x2b5: {  	v14 =	vor.u32 v3, v13;
	_ =	sdelay $0x1  }
0x2b6: {  	v11 =	vmul.f32 v11, v8;
	_ =	sdelay $0x1  }
0x2b7: {  	[tilespmem:v12+s16+$0x0] =	vst.idx.add.f32.msk $0xffff, v11  }
0x2b8: {  	v14 =	vld.idx.msk [tilespmem:v14+s13+$0x0], $0xffff  }
0x2b9: {  	s26 =	simm.s32 $0x10  }
0x2ba: {  	v11 =	vor.u32 s26, v2;
	v12 =	vor.u32 v7, v13  }
0x2bb: {  	v11 =	vand.u32 v6, v11;
	_ =	sdelay $0x1  }
0x2bc: {  	s23 =	simm.s32 $0x1F;
	s24 =	simm.s32 $0x2F;
	v13 =	vmul.f32 v14, v8  }
.LBB2_12:
0x2bd: {  	_ = 	snop  }
0x2be: {  	p0 =	sne.s32 s24, $0x3F;
	s25 =	smov.u32 s24;
	s24 =	sadd.s32 $0x10, s24;
	[tilespmem:v12+s16+$0x0] =	vst.idx.add.f32.msk $0xffff, v13  }
0x2bf: {  	v11 =	vld.idx.msk [tilespmem:v11+s13+$0x0], $0xffff  }
0x2c0: {  	s28 =	sadd.s32 $0xFFFFFFF2, s23  }
0x2c1: {  	v12 =	vadd.s32 s28, v1  }
0x2c2: {  	v13 =	vor.u32 s26, v9;
	v12 =	vand.u32 $0x3F, v12  }
0x2c3: {  	v14 =	vor.u32 v3, v12;
	_ =	sdelay $0x1  }
0x2c4: {  	v11 =	vmul.f32 v11, v8;
	_ =	sdelay $0x1  }
0x2c5: {  	[tilespmem:v13+s16+$0x0] =	vst.idx.add.f32.msk $0xffff, v11  }
0x2c6: {  	v11 =	vld.idx.msk [tilespmem:v14+s13+$0x0], $0xffff  }
0x2c7: {  	s26 =	sadd.s32 $0xFFFFFFF3, s23  }
0x2c8: {  	v13 =	vadd.s32 s26, v1  }
0x2c9: {  	v12 =	vor.u32 v7, v12;
	v13 =	vand.u32 $0x3F, v13  }
0x2ca: {  	v14 =	vor.u32 v3, v13;
	_ =	sdelay $0x1  }
0x2cb: {  	v11 =	vmul.f32 v11, v8;
	_ =	sdelay $0x1  }
0x2cc: {  	[tilespmem:v12+s16+$0x0] =	vst.idx.add.f32.msk $0xffff, v11  }
0x2cd: {  	v11 =	vld.idx.msk [tilespmem:v14+s13+$0x0], $0xffff  }
0x2ce: {  	s26 =	sadd.s32 $0xFFFFFFF4, s23  }
0x2cf: {  	v12 =	vadd.s32 s26, v1  }
0x2d0: {  	v13 =	vor.u32 v7, v13;
	v12 =	vand.u32 $0x3F, v12  }
0x2d1: {  	v14 =	vor.u32 v3, v12;
	_ =	sdelay $0x1  }
0x2d2: {  	v11 =	vmul.f32 v11, v8;
	_ =	sdelay $0x1  }
0x2d3: {  	[tilespmem:v13+s16+$0x0] =	vst.idx.add.f32.msk $0xffff, v11  }
0x2d4: {  	v11 =	vld.idx.msk [tilespmem:v14+s13+$0x0], $0xffff  }
0x2d5: {  	s26 =	sadd.s32 $0xFFFFFFF5, s23  }
0x2d6: {  	v13 =	vadd.s32 s26, v1  }
0x2d7: {  	v12 =	vor.u32 v7, v12;
	v13 =	vand.u32 $0x3F, v13  }
0x2d8: {  	v14 =	vor.u32 v3, v13;
	_ =	sdelay $0x1  }
0x2d9: {  	v11 =	vmul.f32 v11, v8;
	_ =	sdelay $0x1  }
0x2da: {  	[tilespmem:v12+s16+$0x0] =	vst.idx.add.f32.msk $0xffff, v11  }
0x2db: {  	v11 =	vld.idx.msk [tilespmem:v14+s13+$0x0], $0xffff  }
0x2dc: {  	s26 =	sadd.s32 $0xFFFFFFF6, s23  }
0x2dd: {  	v12 =	vadd.s32 s26, v1  }
0x2de: {  	v13 =	vor.u32 v7, v13;
	v12 =	vand.u32 $0x3F, v12  }
0x2df: {  	v14 =	vor.u32 v3, v12;
	_ =	sdelay $0x1  }
0x2e0: {  	v11 =	vmul.f32 v11, v8;
	_ =	sdelay $0x1  }
0x2e1: {  	[tilespmem:v13+s16+$0x0] =	vst.idx.add.f32.msk $0xffff, v11  }
0x2e2: {  	v11 =	vld.idx.msk [tilespmem:v14+s13+$0x0], $0xffff  }
0x2e3: {  	s26 =	sadd.s32 $0xFFFFFFF7, s23  }
0x2e4: {  	v13 =	vadd.s32 s26, v1  }
0x2e5: {  	v12 =	vor.u32 v7, v12;
	v13 =	vand.u32 $0x3F, v13  }
0x2e6: {  	v14 =	vor.u32 v3, v13;
	_ =	sdelay $0x1  }
0x2e7: {  	v11 =	vmul.f32 v11, v8;
	_ =	sdelay $0x1  }
0x2e8: {  	[tilespmem:v12+s16+$0x0] =	vst.idx.add.f32.msk $0xffff, v11  }
0x2e9: {  	v11 =	vld.idx.msk [tilespmem:v14+s13+$0x0], $0xffff  }
0x2ea: {  	s26 =	sadd.s32 $0xFFFFFFF8, s23  }
0x2eb: {  	v12 =	vadd.s32 s26, v1  }
0x2ec: {  	v13 =	vor.u32 v7, v13;
	v12 =	vand.u32 $0x3F, v12  }
0x2ed: {  	v14 =	vor.u32 v3, v12;
	_ =	sdelay $0x1  }
0x2ee: {  	v11 =	vmul.f32 v11, v8;
	_ =	sdelay $0x1  }
0x2ef: {  	[tilespmem:v13+s16+$0x0] =	vst.idx.add.f32.msk $0xffff, v11  }
0x2f0: {  	v11 =	vld.idx.msk [tilespmem:v14+s13+$0x0], $0xffff  }
0x2f1: {  	s26 =	sadd.s32 $0xFFFFFFF9, s23  }
0x2f2: {  	v13 =	vadd.s32 s26, v1  }
0x2f3: {  	v12 =	vor.u32 v7, v12;
	v13 =	vand.u32 $0x38, v13  }
0x2f4: {  	v14 =	vor.u32 v4, v13;
	_ =	sdelay $0x1  }
0x2f5: {  	v11 =	vmul.f32 v11, v8;
	_ =	sdelay $0x1  }
0x2f6: {  	[tilespmem:v12+s16+$0x0] =	vst.idx.add.f32.msk $0xffff, v11  }
0x2f7: {  	v11 =	vld.idx.msk [tilespmem:v14+s13+$0x0], $0xffff  }
0x2f8: {  	s26 =	sadd.s32 $0xFFFFFFFA, s23  }
0x2f9: {  	v12 =	vadd.s32 s26, v1  }
0x2fa: {  	v13 =	vor.u32 v13, v10;
	v12 =	vand.u32 $0x3F, v12  }
0x2fb: {  	v14 =	vor.u32 v3, v12;
	_ =	sdelay $0x1  }
0x2fc: {  	v11 =	vmul.f32 v11, v8;
	_ =	sdelay $0x1  }
0x2fd: {  	[tilespmem:v13+s16+$0x0] =	vst.idx.add.f32.msk $0xffff, v11  }
0x2fe: {  	v11 =	vld.idx.msk [tilespmem:v14+s13+$0x0], $0xffff  }
0x2ff: {  	s26 =	sadd.s32 $0xFFFFFFFB, s23  }
0x300: {  	v13 =	vadd.s32 s26, v1  }
0x301: {  	v12 =	vor.u32 v7, v12;
	v13 =	vand.u32 $0x3F, v13  }
0x302: {  	v14 =	vor.u32 v3, v13;
	_ =	sdelay $0x1  }
0x303: {  	v11 =	vmul.f32 v11, v8;
	_ =	sdelay $0x1  }
0x304: {  	[tilespmem:v12+s16+$0x0] =	vst.idx.add.f32.msk $0xffff, v11  }
0x305: {  	v11 =	vld.idx.msk [tilespmem:v14+s13+$0x0], $0xffff  }
0x306: {  	s26 =	sadd.s32 $0xFFFFFFFC, s23  }
0x307: {  	v12 =	vadd.s32 s26, v1  }
0x308: {  	v13 =	vor.u32 v7, v13;
	v12 =	vand.u32 $0x3F, v12  }
0x309: {  	v14 =	vor.u32 v3, v12;
	_ =	sdelay $0x1  }
0x30a: {  	v11 =	vmul.f32 v11, v8;
	_ =	sdelay $0x1  }
0x30b: {  	[tilespmem:v13+s16+$0x0] =	vst.idx.add.f32.msk $0xffff, v11  }
0x30c: {  	v11 =	vld.idx.msk [tilespmem:v14+s13+$0x0], $0xffff  }
0x30d: {  	s26 =	sadd.s32 $0xFFFFFFFD, s23  }
0x30e: {  	v13 =	vadd.s32 s26, v1  }
0x30f: {  	v12 =	vor.u32 v7, v12;
	v13 =	vand.u32 $0x3F, v13  }
0x310: {  	v14 =	vor.u32 v3, v13;
	_ =	sdelay $0x1  }
0x311: {  	v11 =	vmul.f32 v11, v8;
	_ =	sdelay $0x1  }
0x312: {  	[tilespmem:v12+s16+$0x0] =	vst.idx.add.f32.msk $0xffff, v11  }
0x313: {  	v11 =	vld.idx.msk [tilespmem:v14+s13+$0x0], $0xffff  }
0x314: {  	s26 =	sadd.s32 $0xFFFFFFFE, s23  }
0x315: {  	v12 =	vadd.s32 s26, v1  }
0x316: {  	v13 =	vor.u32 v7, v13;
	v12 =	vand.u32 $0x3F, v12  }
0x317: {  	v14 =	vor.u32 v3, v12;
	_ =	sdelay $0x1  }
0x318: {  	v11 =	vmul.f32 v11, v8;
	_ =	sdelay $0x1  }
0x319: {  	[tilespmem:v13+s16+$0x0] =	vst.idx.add.f32.msk $0xffff, v11  }
0x31a: {  	v11 =	vld.idx.msk [tilespmem:v14+s13+$0x0], $0xffff  }
0x31b: {  	s26 =	sadd.s32 $0xFFFFFFFF, s23  }
0x31c: {  	v13 =	vadd.s32 s26, v1  }
0x31d: {  	v12 =	vor.u32 v7, v12;
	v13 =	vand.u32 $0x3F, v13  }
0x31e: {  	v14 =	vor.u32 v3, v13;
	_ =	sdelay $0x1  }
0x31f: {  	v11 =	vmul.f32 v11, v8;
	_ =	sdelay $0x1  }
0x320: {  	[tilespmem:v12+s16+$0x0] =	vst.idx.add.f32.msk $0xffff, v11  }
0x321: {  	v11 =	vld.idx.msk [tilespmem:v14+s13+$0x0], $0xffff;
	_ =	sdelay $0x1  }
0x322: {  	v12 =	vadd.s32 s23, v1;
	s23 =	smov.u32 s25  }
0x323: {  	v13 =	vor.u32 v7, v13;
	v12 =	vand.u32 $0x3F, v12  }
0x324: {  	v14 =	vor.u32 v3, v12;
	_ =	sdelay $0x1  }
0x325: {  	v11 =	vmul.f32 v11, v8;
	_ =	sdelay $0x1  }
0x326: {  	[tilespmem:v13+s16+$0x0] =	vst.idx.add.f32.msk $0xffff, v11  }
0x327: {  	v13 =	vld.idx.msk [tilespmem:v14+s13+$0x0], $0xffff;
	_ =	sdelay $0x1  }
.Ltmp9:
0x328: {  	s26 =	sadd.s32 $0xFFFFFFF1, s23;
	(pc) =	sbr.rel @p0 .LBB2_12-.Ltmp9, $3  }
0x329: {  	v12 =	vor.u32 v7, v12;
	v11 =	vor.u32 s26, v2  }
0x32a: {  	v11 =	vand.u32 v6, v11;
	_ =	sdelay $0x1  }
0x32b: {  	v13 =	vmul.f32 v13, v8  }
0x32c: {  	_ =	sdelay $0x3  }
0x32d: {  	[tilespmem:v12+s16+$0x0] =	vst.idx.add.f32.msk $0xffff, v13  }
0x32e: {  	s24 =	sadd.s32 $0xFFFFFFF2, s23;
	v11 =	vld.idx.msk [tilespmem:v11+s13+$0x0], $0xffff  }
0x32f: {  	v34 =	vadd.s32 s24, v1  }
0x330: {  	v9 =	vor.u32 s26, v9;
	v12 =	vand.u32 $0x3F, v34  }
0x331: {  	v35 =	vor.u32 v3, v12;
	_ =	sdelay $0x1  }
0x332: {  	v11 =	vmul.f32 v11, v8;
	_ =	sdelay $0x1  }
0x333: {  	[tilespmem:v9+s16+$0x0] =	vst.idx.add.f32.msk $0xffff, v11  }
0x334: {  	s31 =	sadd.s32 $0xFFFFFFF3, s23;
	v9 =	vld.idx.msk [tilespmem:v35+s13+$0x0], $0xffff  }
0x335: {  	v36 =	vadd.s32 s31, v1  }
0x336: {  	v12 =	vor.u32 v7, v12;
	v11 =	vand.u32 $0x3F, v36  }
0x337: {  	v37 =	vor.u32 v3, v11;
	_ =	sdelay $0x1  }
0x338: {  	v9 =	vmul.f32 v9, v8;
	_ =	sdelay $0x1  }
0x339: {  	[tilespmem:v12+s16+$0x0] =	vst.idx.add.f32.msk $0xffff, v9  }
0x33a: {  	s25 =	sadd.s32 $0xFFFFFFF4, s23;
	v9 =	vld.idx.msk [tilespmem:v37+s13+$0x0], $0xffff  }
0x33b: {  	v38 =	vadd.s32 s25, v1  }
0x33c: {  	v11 =	vor.u32 v7, v11;
	v12 =	vand.u32 $0x3F, v38  }
0x33d: {  	v39 =	vor.u32 v3, v12;
	_ =	sdelay $0x1  }
0x33e: {  	v9 =	vmul.f32 v9, v8;
	_ =	sdelay $0x1  }
0x33f: {  	[tilespmem:v11+s16+$0x0] =	vst.idx.add.f32.msk $0xffff, v9  }
0x340: {  	s26 =	sadd.s32 $0xFFFFFFF5, s23;
	v9 =	vld.idx.msk [tilespmem:v39+s13+$0x0], $0xffff  }
0x341: {  	v40 =	vadd.s32 s26, v1  }
0x342: {  	v12 =	vor.u32 v7, v12;
	v11 =	vand.u32 $0x3F, v40  }
0x343: {  	v41 =	vor.u32 v3, v11;
	_ =	sdelay $0x1  }
0x344: {  	v9 =	vmul.f32 v9, v8;
	_ =	sdelay $0x1  }
0x345: {  	[tilespmem:v12+s16+$0x0] =	vst.idx.add.f32.msk $0xffff, v9  }
0x346: {  	s28 =	sadd.s32 $0xFFFFFFF6, s23;
	v9 =	vld.idx.msk [tilespmem:v41+s13+$0x0], $0xffff  }
0x347: {  	v42 =	vadd.s32 s28, v1  }
0x348: {  	v11 =	vor.u32 v7, v11;
	v12 =	vand.u32 $0x3F, v42  }
0x349: {  	v43 =	vor.u32 v3, v12;
	_ =	sdelay $0x1  }
0x34a: {  	v9 =	vmul.f32 v9, v8;
	_ =	sdelay $0x1  }
0x34b: {  	[tilespmem:v11+s16+$0x0] =	vst.idx.add.f32.msk $0xffff, v9  }
0x34c: {  	s29 =	sadd.s32 $0xFFFFFFF7, s23;
	v9 =	vld.idx.msk [tilespmem:v43+s13+$0x0], $0xffff  }
0x34d: {  	v44 =	vadd.s32 s29, v1  }
0x34e: {  	v12 =	vor.u32 v7, v12;
	v11 =	vand.u32 $0x3F, v44  }
0x34f: {  	v45 =	vor.u32 v3, v11;
	_ =	sdelay $0x1  }
0x350: {  	v9 =	vmul.f32 v9, v8;
	_ =	sdelay $0x1  }
0x351: {  	[tilespmem:v12+s16+$0x0] =	vst.idx.add.f32.msk $0xffff, v9  }
0x352: {  	s30 =	sadd.s32 $0xFFFFFFF8, s23;
	v9 =	vld.idx.msk [tilespmem:v45+s13+$0x0], $0xffff  }
0x353: {  	v46 =	vadd.s32 s30, v1  }
0x354: {  	v11 =	vor.u32 v7, v11;
	v12 =	vand.u32 $0x3F, v46  }
0x355: {  	v47 =	vor.u32 v3, v12;
	_ =	sdelay $0x1  }
0x356: {  	v9 =	vmul.f32 v9, v8;
	_ =	sdelay $0x1  }
0x357: {  	[tilespmem:v11+s16+$0x0] =	vst.idx.add.f32.msk $0xffff, v9  }
0x358: {  	s31 =	sadd.s32 $0xFFFFFFF9, s23;
	v9 =	vld.idx.msk [tilespmem:v47+s13+$0x0], $0xffff  }
0x359: {  	v48 =	vadd.s32 s31, v1  }
0x35a: {  	v12 =	vor.u32 v7, v12;
	v11 =	vand.u32 $0x38, v48  }
0x35b: {  	v49 =	vor.u32 v4, v11;
	_ =	sdelay $0x1  }
0x35c: {  	v9 =	vmul.f32 v9, v8;
	_ =	sdelay $0x1  }
0x35d: {  	[tilespmem:v12+s16+$0x0] =	vst.idx.add.f32.msk $0xffff, v9  }
0x35e: {  	s25 =	sadd.s32 $0xFFFFFFFA, s23;
	v9 =	vld.idx.msk [tilespmem:v49+s13+$0x0], $0xffff  }
0x35f: {  	v50 =	vadd.s32 s25, v1  }
0x360: {  	v51 =	vand.u32 $0x3F, v50;
	v10 =	vor.u32 v11, v10  }
0x361: {  	v12 =	vor.u32 v3, v51;
	_ =	sdelay $0x1  }
0x362: {  	v9 =	vmul.f32 v9, v8;
	_ =	sdelay $0x1  }
0x363: {  	[tilespmem:v10+s16+$0x0] =	vst.idx.add.f32.msk $0xffff, v9  }
0x364: {  	s26 =	sadd.s32 $0xFFFFFFFB, s23;
	v9 =	vld.idx.msk [tilespmem:v12+s13+$0x0], $0xffff  }
0x365: {  	v52 =	vadd.s32 s26, v1  }
0x366: {  	v11 =	vor.u32 v7, v51;
	v10 =	vand.u32 $0x3F, v52  }
0x367: {  	v53 =	vor.u32 v3, v10;
	_ =	sdelay $0x1  }
0x368: {  	v9 =	vmul.f32 v9, v8;
	_ =	sdelay $0x1  }
0x369: {  	[tilespmem:v11+s16+$0x0] =	vst.idx.add.f32.msk $0xffff, v9  }
0x36a: {  	s28 =	sadd.s32 $0xFFFFFFFC, s23;
	v9 =	vld.idx.msk [tilespmem:v53+s13+$0x0], $0xffff  }
0x36b: {  	v54 =	vadd.s32 s28, v1  }
0x36c: {  	v10 =	vor.u32 v7, v10;
	v11 =	vand.u32 $0x3F, v54  }
0x36d: {  	v55 =	vor.u32 v3, v11;
	_ =	sdelay $0x1  }
0x36e: {  	v9 =	vmul.f32 v9, v8;
	_ =	sdelay $0x1  }
0x36f: {  	[tilespmem:v10+s16+$0x0] =	vst.idx.add.f32.msk $0xffff, v9  }
0x370: {  	s29 =	sadd.s32 $0xFFFFFFFD, s23;
	v9 =	vld.idx.msk [tilespmem:v55+s13+$0x0], $0xffff  }
0x371: {  	v56 =	vadd.s32 s29, v1  }
0x372: {  	v11 =	vor.u32 v7, v11;
	v10 =	vand.u32 $0x3F, v56  }
0x373: {  	v57 =	vor.u32 v3, v10;
	_ =	sdelay $0x1  }
0x374: {  	v9 =	vmul.f32 v9, v8;
	_ =	sdelay $0x1  }
0x375: {  	[tilespmem:v11+s16+$0x0] =	vst.idx.add.f32.msk $0xffff, v9  }
0x376: {  	s30 =	sadd.s32 $0xFFFFFFFE, s23;
	v9 =	vld.idx.msk [tilespmem:v57+s13+$0x0], $0xffff  }
0x377: {  	v58 =	vadd.s32 s30, v1  }
0x378: {  	v10 =	vor.u32 v7, v10;
	v11 =	vand.u32 $0x3F, v58  }
0x379: {  	v59 =	vor.u32 v3, v11;
	_ =	sdelay $0x1  }
0x37a: {  	v9 =	vmul.f32 v9, v8;
	_ =	sdelay $0x1  }
0x37b: {  	[tilespmem:v10+s16+$0x0] =	vst.idx.add.f32.msk $0xffff, v9  }
0x37c: {  	s31 =	sadd.s32 $0xFFFFFFFF, s23;
	v9 =	vld.idx.msk [tilespmem:v59+s13+$0x0], $0xffff  }
0x37d: {  	v60 =	vadd.s32 s31, v1  }
0x37e: {  	v11 =	vor.u32 v7, v11;
	v10 =	vand.u32 $0x3F, v60  }
0x37f: {  	v61 =	vor.u32 v3, v10;
	_ =	sdelay $0x1  }
0x380: {  	v9 =	vmul.f32 v9, v8;
	_ =	sdelay $0x1  }
0x381: {  	[tilespmem:v11+s16+$0x0] =	vst.idx.add.f32.msk $0xffff, v9  }
0x382: {  	v9 =	vld.idx.msk [tilespmem:v61+s13+$0x0], $0xffff  }
0x383: {  	v62 =	vadd.s32 s23, v1  }
0x384: {  	v10 =	vor.u32 v7, v10;
	v11 =	vand.u32 $0x3F, v62  }
0x385: {  	v63 =	vor.u32 v3, v11;
	_ =	sdelay $0x1  }
0x386: {  	v9 =	vmul.f32 v9, v8;
	_ =	sdelay $0x1  }
0x387: {  	[tilespmem:v10+s16+$0x0] =	vst.idx.add.f32.msk $0xffff, v9  }
0x388: {  	v9 =	vld.idx.msk [tilespmem:v63+s13+$0x0], $0xffff;
	_ =	sdelay $0x1  }
0x389: {  	v7 =	vor.u32 v7, v11;
	_ =	sdelay $0x1  }
0x38a: {  	p0 =	sgt.u32 s22, $0xF3E3  }
0x38b: {  	s21 =	sadd.s32 @!p0 $0x60, s21;
	v8 =	vmul.f32 v9, v8  }
.Ltmp10:
0x38c: {  	s24 =	simm.s32 @!p0 $0x400;
	s22 =	sshll.u32 @!p0 s21, $0x7;
	(pc) =	sbr.rel .LBB2_14-.Ltmp10, $4  }
0x38d: {  	s23 =	simm.s32 @!p0 $0x0;
	s21 =	sshll.u32 @!p0 s21, $0x1;
	s22 =	sadd.s32 @!p0 s5, s22;
	[tilespmem:v7+s16+$0x0] =	vst.idx.add.f32.msk $0xffff, v8  }
0x38e: {  	[tilespmem:s24], [sflag:$0x2] =	stream.linear.gather @!p0 [hbm4b:s22+s23], $0x400, $0x38;
	[tilespmem:$0x1FC20] =	vst v63  }
0x38f: {  	s21 =	sadd.s32 @!p0 s2, s21;
	s22 =	simm.s32 @!p0 $0x810  }
0x390: {  	[tilespmem:s22], [sflag:$0x2] =	stream.linear.gather @!p0 [hbm4b:s21+s23], $0x10, $0x38;
	[tilespmem:$0x1FC20] =	vst v63  }
.LBB2_16:
0x391: {  	_ =	sfence.sel $0x180000  }
0x392: {  	[bflag:$0x0] =	sbarrier.arrive $0xFFFF  }
0x393: {  	p0 =	sne.s32 s0, $0x0;
	_ =	strace $0x9000004D  }
0x394: {  	s0 =	sadd.s32 @!p0 $0x100000, s1;
	[bflag:$0x2] =	sbarrier.arrive $0xFFFF  }
0x395: {  	[sflag:s0] =	ssyncadd.tile.s32 @!p0 $0x1;
	_ =	shalt  }
.Lfunc_end2:
_tile_overlayer_lowered:
.L_overlay_start_2:
0x396: {  	(tag) =	ssettag $0x2  }
0x397: {  	s0 =	rddreg [dreg:$0x0];
	s2 =	stileid.u32  }
0x398: {  	s1 =	rddreg [dreg:$0x1];
	p0 =	sne.s32 s2, $0x0  }
0x399: {  	s3 =	rddreg [dreg:$0x2];
	[bflag:$0x3] =	sbarrier.arrive $0xFFFF;
	s2 =	simm.s32 @!p0 $0x1C03  }
0x39a: {  	[timem:s3], [sflag:s2] =	dma.local @!p0 [hbm:s0], s1  }
0x39b: {  	s0 =	simm.s32 @!p0 $0x3  }
0x39c: {  	_ =	swait.ge @!p0 [sflag:s0], s1  }
0x39d: {  	s1 =	ssub.s32 @!p0 $0x0, s1;
	[sflag:s0] =	ssyncset.done @!p0 $0x0  }
0x39e: {  	[sflag:s0] =	ssyncadd.s32 @!p0 s1  }
0x39f: {  	[bflag:$0x3] =	sbarrier.arrive $0xFFFF  }
0x3a0: {  	_ =	shalt  }

</sc_bundles>
